<compile_context>
chip_gen: v7x
topology: tpu7x:2x2x1
jax: 0.10.2.dev20260603
libtpu: 0.0.44.dev20260713+nightly
codegen_flags: <defaults>
</compile_context>

<pallas_src>
import functools

import jax
import jax.numpy as jnp
from jax import lax
from jax.experimental import pallas as pl
from jax.experimental.pallas import tpu as pltpu
from jax.experimental.pallas import tpu_sc as plsc

N = 10000
E = 320000
F = 128
NCLASS = 40

NC = 2
NS = 16
NW = NC * NS
EPT = E // NW
CHUNK = 80
NCHUNK = EPT // CHUNK
NPAD = 10240
RPS = NPAD // NS
NB = 2

BN = 1000


def _sc_mesh():
    return plsc.VectorSubcoreMesh(
        core_axis_name="c", subcore_axis_name="s", num_cores=NC, num_subcores=NS
    )



@functools.cache
def _make_spmm_sc():
    @functools.partial(
        pl.kernel,
        out_type=jax.ShapeDtypeStruct((NC * NPAD, F), jnp.float32),
        mesh=_sc_mesh(),
        scratch_types=[
            pltpu.VMEM((EPT,), jnp.int32),
            pltpu.VMEM((NCHUNK, CHUNK), jnp.int32),
            pltpu.VMEM((NB, CHUNK, F), jnp.float32),
            pltpu.VMEM_SHARED((NPAD, F), jnp.float32),
            pltpu.SemaphoreType.DMA,
            pltpu.SemaphoreType.DMA,
            pltpu.SemaphoreType.DMA,
            pltpu.SemaphoreType.DMA,
        ],
    )
    def _spmm_body(p_hbm, src_hbm, dst_hbm, zeros_hbm, out_hbm,
                   idx_s, idx_d, rows, acc, g0, g1, t0, t1):
        gsems = (g0, g1)
        ssems = (t0, t1)
        cid = lax.axis_index("c")
        sid = lax.axis_index("s")
        wid = cid * NS + sid
        pltpu.sync_copy(src_hbm.at[pl.ds(wid * EPT, EPT)], idx_s)
        pltpu.sync_copy(dst_hbm.at[wid], idx_d)
        pltpu.sync_copy(zeros_hbm, acc.at[pl.ds(sid * RPS, RPS)])
        plsc.subcore_barrier()

        def gather(j, b):
            pltpu.async_copy(
                p_hbm.at[idx_s.at[pl.ds(j * CHUNK, CHUNK)]], rows.at[b],
                gsems[b],
            )

        def chunk_step(j, b):
            b1 = 1 - b
            pltpu.make_async_copy(
                p_hbm.at[idx_s.at[pl.ds(j * CHUNK, CHUNK)]], rows.at[b],
                gsems[b],
            ).wait()
            pltpu.async_copy(rows.at[b], acc.at[idx_d.at[j]], ssems[b],
                             add=True)

            @pl.when(j + 1 < NCHUNK)
            def _():
                @pl.when(j >= 1)
                def _():
                    pltpu.make_async_copy(
                        rows.at[b1], acc.at[idx_d.at[j]], ssems[b1]
                    ).wait()

                gather(j + 1, b1)

        gather(0, 0)

        def group(g, carry):
            chunk_step(g * 2, 0)
            chunk_step(g * 2 + 1, 1)
            return carry

        lax.fori_loop(0, NCHUNK // 2, group, 0)
        chunk_step(NCHUNK - 1, 0)
        pltpu.make_async_copy(rows.at[0], acc.at[idx_d.at[0]], ssems[0]).wait()
        pltpu.make_async_copy(rows.at[1], acc.at[idx_d.at[0]], ssems[1]).wait()
        plsc.subcore_barrier()
        pltpu.sync_copy(
            acc.at[pl.ds(sid * RPS, RPS)],
            out_hbm.at[pl.ds(cid * NPAD + sid * RPS, RPS)],
        )

    return _spmm_body


def _spmm_sc(p, src, dst, zeros_stripe):
    return _make_spmm_sc()(p, src, dst, zeros_stripe)


@functools.cache
def _make_deg_sc():
    @functools.partial(
        pl.kernel,
        out_type=jax.ShapeDtypeStruct((NC * NPAD, F), jnp.float32),
        mesh=_sc_mesh(),
        scratch_types=[
            pltpu.VMEM((NCHUNK, CHUNK), jnp.int32),
            pltpu.VMEM((CHUNK, F), jnp.float32),
            pltpu.VMEM_SHARED((NPAD, F), jnp.float32),
            pltpu.SemaphoreType.DMA,
            pltpu.SemaphoreType.DMA,
        ],
    )
    def _deg_body(dst_hbm, zeros_hbm, ones_hbm, out_hbm, idx_d, rows, acc,
                  t0, t1):
        ssems = (t0, t1)
        cid = lax.axis_index("c")
        sid = lax.axis_index("s")
        wid = cid * NS + sid
        pltpu.sync_copy(dst_hbm.at[wid], idx_d)
        pltpu.sync_copy(zeros_hbm, acc.at[pl.ds(sid * RPS, RPS)])
        pltpu.sync_copy(ones_hbm, rows)
        plsc.subcore_barrier()

        def fire(j, b):
            pltpu.async_copy(rows, acc.at[idx_d.at[j]], ssems[b], add=True)

        def drain(b):
            pltpu.make_async_copy(rows, acc.at[idx_d.at[0]], ssems[b]).wait()

        fire(0, 0)
        fire(1, 1)

        def body(g, carry):
            for b in range(2):
                j = g * 2 + b
                drain(b)
                fire(j, b)
            return carry

        lax.fori_loop(1, (NCHUNK - 1) // 2, body, 0)
        drain(0)
        fire(NCHUNK - 1, 0)
        drain(1)
        drain(0)
        plsc.subcore_barrier()
        pltpu.sync_copy(
            acc.at[pl.ds(sid * RPS, RPS)],
            out_hbm.at[pl.ds(cid * NPAD + sid * RPS, RPS)],
        )

    return _deg_body


def _deg_sc(dst, zeros_stripe, ones_rows):
    return _make_deg_sc()(dst, zeros_stripe, ones_rows)



def _first_body(x_ref, w_ref, d0_ref, d1_ref, g_ref, p_ref, dinv_ref):
    dinv = lax.rsqrt(d0_ref[...] + d1_ref[...] + 1.0)
    dinv_ref[...] = dinv
    g = jnp.dot(x_ref[...], w_ref[...], preferred_element_type=jnp.float32)
    g_ref[...] = g
    p_ref[...] = g * dinv


def _mid_body(a0_ref, a1_ref, g_ref, b_ref, dinv_ref, w_ref, go_ref, po_ref):
    dinv = dinv_ref[...]
    h = dinv * (a0_ref[...] + a1_ref[...]) + (dinv * dinv) * g_ref[...] + b_ref[...]
    h = jnp.maximum(h, 0.0)
    g = jnp.dot(h, w_ref[...], preferred_element_type=jnp.float32)
    go_ref[...] = g
    po_ref[...] = g * dinv


def _final_body(a0_ref, a1_ref, g_ref, b_ref, dinv_ref, o_ref):
    dinv = dinv_ref[...]
    z = dinv * (a0_ref[...] + a1_ref[...]) + (dinv * dinv) * g_ref[...] + b_ref[...]
    z = z[:, :NCLASS]
    m = jnp.max(z, axis=1, keepdims=True)
    e = jnp.exp(z - m)
    o_ref[...] = z - m - jnp.log(jnp.sum(e, axis=1, keepdims=True))


def _row_spec(width):
    return pl.BlockSpec((BN, width), lambda i: (i, 0))


def _full_spec(shape):
    return pl.BlockSpec(shape, lambda i: (0, 0))


def _first_tc(x, w, d0, d1):
    return pl.pallas_call(
        _first_body,
        out_shape=[
            jax.ShapeDtypeStruct((N, F), jnp.float32),
            jax.ShapeDtypeStruct((N, F), jnp.float32),
            jax.ShapeDtypeStruct((N, 1), jnp.float32),
        ],
        grid=(N // BN,),
        in_specs=[_row_spec(F), _full_spec((F, F)), _row_spec(1), _row_spec(1)],
        out_specs=[_row_spec(F), _row_spec(F), _row_spec(1)],
    )(x, w, d0, d1)


def _mid_tc(a0, a1, g, b, dinv, w):
    return pl.pallas_call(
        _mid_body,
        out_shape=[
            jax.ShapeDtypeStruct((N, F), jnp.float32),
            jax.ShapeDtypeStruct((N, F), jnp.float32),
        ],
        grid=(N // BN,),
        in_specs=[_row_spec(F), _row_spec(F), _row_spec(F),
                  _full_spec((1, F)), _row_spec(1), _full_spec((F, F))],
        out_specs=[_row_spec(F), _row_spec(F)],
    )(a0, a1, g, b, dinv, w)


def _final_tc(a0, a1, g, b, dinv):
    return pl.pallas_call(
        _final_body,
        out_shape=jax.ShapeDtypeStruct((N, NCLASS), jnp.float32),
        grid=(N // BN,),
        in_specs=[_row_spec(F), _row_spec(F), _row_spec(F),
                  _full_spec((1, F)), _row_spec(1)],
        out_specs=_row_spec(NCLASS),
    )(a0, a1, g, b, dinv)



def kernel(x, edge_index, W1, b1, W2, b2, W3, b3, W4, b4, W5, b5, W6, b6,
           W7, b7, W8, b8):
    ei = edge_index.astype(jnp.int32)
    src = ei[0]
    dst = ei[1].reshape(NW, NCHUNK, CHUNK)

    zeros_stripe = jnp.zeros((RPS, F), jnp.float32)
    ones_rows = jnp.ones((CHUNK, F), jnp.float32)

    W8p = jnp.zeros((F, F), jnp.float32).at[:, :NCLASS].set(W8)
    b8p = jnp.zeros((1, F), jnp.float32).at[:, :NCLASS].set(b8[None, :])

    Ws = [W1, W2, W3, W4, W5, W6, W7, W8p]
    bs = [b1[None, :], b2[None, :], b3[None, :], b4[None, :], b5[None, :],
          b6[None, :], b7[None, :]]

    degacc = _deg_sc(dst, zeros_stripe, ones_rows)
    g, p, dinv = _first_tc(x, Ws[0], degacc[:N, :1], degacc[NPAD:NPAD + N, :1])
    for l in range(1, 8):
        acc = _spmm_sc(p, src, dst, zeros_stripe)
        g, p = _mid_tc(acc[:N], acc[NPAD:NPAD + N], g, bs[l - 1], dinv, Ws[l])
    acc = _spmm_sc(p, src, dst, zeros_stripe)
    return _final_tc(acc[:N], acc[NPAD:NPAD + N], g, b8p, dinv)

# --- scband reference (transcript-rebuilt; emitter-appended) ---
"""Pipeline reference for scband-gcn-81544249082147 (READ-ONLY COPY).

The authoritative reference and input builder live on the scoring server;
editing this copy changes nothing except your own understanding.
"""

import jax, jax.numpy as jnp
import numpy as np

N = 10000
E = 320000
NFEAT = 128
NHID = 128
NCLASS = 40


def _gcn_layer(x, src, dst, norm, W, b):
    h = x @ W
    msg = h[src] * norm[:, None]
    out = jnp.zeros((N, h.shape[1]), dtype=h.dtype).at[dst].add(msg)
    return out + b


def setup_inputs(seed: int = 0):
    key = jax.random.key(seed)
    ks = jax.random.split(key, 20)
    inp = {}
    inp["x"] = jax.random.normal(ks[0], (N, NFEAT), dtype=jnp.float32)
    inp["edge_index"] = jax.random.randint(ks[1], (2, E), 0, N)
    dims = [(NFEAT, NHID)] + [(NHID, NHID)] * 6 + [(NHID, NCLASS)]
    for i, (fi, fo) in enumerate(dims):
        inp[f"W{i+1}"] = jax.random.normal(ks[2 + 2 * i], (fi, fo), dtype=jnp.float32) / np.sqrt(fi)
        inp[f"b{i+1}"] = jnp.zeros((fo,), dtype=jnp.float32)
    return inp


def reference(x, edge_index, W1, b1, W2, b2, W3, b3, W4, b4, W5, b5, W6, b6, W7, b7, W8, b8):
    # GCNConv with self-loops and symmetric normalization; dropout is identity in eval mode.
    loop = jnp.arange(N)
    src = jnp.concatenate([edge_index[0], loop])
    dst = jnp.concatenate([edge_index[1], loop])
    deg = jnp.zeros((N,), jnp.float32).at[dst].add(1.0)
    dinv = jnp.where(deg > 0, jax.lax.rsqrt(deg), 0.0)
    norm = dinv[src] * dinv[dst]
    h = x
    for W, b in [(W1, b1), (W2, b2), (W3, b3), (W4, b4), (W5, b5), (W6, b6), (W7, b7)]:
        h = jax.nn.relu(_gcn_layer(h, src, dst, norm, W, b))
    h = _gcn_layer(h, src, dst, norm, W8, b8)
    return jax.nn.log_softmax(h, axis=1)

if __name__ == "__main__":
    import jax
    _d = setup_inputs()
    print(jax.jit(kernel)(*tuple(_d.values())))

</pallas_src>

<mosaic_0001>
#map = affine_map<(d0, d1) -> (0, 0, 0)>
#map1 = affine_map<(d0, d1) -> (0, 0)>
module attributes {stable_mosaic.version = 14 : i64} {
  func.func @_deg_body(%arg0: i32, %arg1: i32, %arg2: memref<32x125x80xi32, #tpu.memory_space<hbm>>, %arg3: memref<640x128xf32, #tpu.memory_space<hbm>>, %arg4: memref<80x128xf32, #tpu.memory_space<hbm>>, %arg5: memref<20480x128xf32, #tpu.memory_space<hbm>>, %arg6: memref<125x80xi32, #tpu.memory_space<vmem>>, %arg7: memref<80x128xf32, #tpu.memory_space<vmem>>, %arg8: memref<10240x128xf32, #tpu.memory_space<vmem_shared>>, %arg9: memref<!tpu.dma_semaphore, #tpu.memory_space<semaphore_mem>>, %arg10: memref<!tpu.dma_semaphore, #tpu.memory_space<semaphore_mem>>) attributes {dimension_semantics = [#tpu.dimension_semantics<core_parallel>, #tpu.dimension_semantics<subcore_parallel>], iteration_bounds = array<i64: 2, 16>, scalar_prefetch = 0 : i64, scratch_operands = 5 : i64, tpu.core_type = #tpu.core_type<sc_vector_subcore>, window_params = [{transform_indices = #map}, {transform_indices = #map1}, {transform_indices = #map1}, {transform_indices = #map1}]} {
    %mul3A = arith.constant 16 : i32
    %mul3A_0 = arith.muli %arg0, %mul3A : i32
    %add3A = arith.addi %mul3A_0, %arg1 : i32
    "tpu.region"() ({
      %run_scoped3A = tpu.sem_alloc : memref<!tpu.dma_semaphore, #tpu.memory_space<semaphore_mem>>
      %dma_start3A_56 = arith.constant 0 : i32
      %dma_start3A_57 = arith.constant 0 : i32
      %dma_start3A_58 = tpu.memref_slice %arg2[%add3A, %dma_start3A_56, %dma_start3A_57] : memref<32x125x80xi32, #tpu.memory_space<hbm>> -> memref<1x125x80xi32, #tpu.memory_space<hbm>>
      %dma_start3A_59 = tpu.memref_squeeze %dma_start3A_58 : memref<1x125x80xi32, #tpu.memory_space<hbm>> -> memref<125x80xi32, #tpu.memory_space<hbm>>
      %dma_start3A_60 = arith.constant 0 : i32
      %dma_start3A_61 = arith.constant 0 : i32
      %dma_start3A_62 = tpu.memref_slice %arg2[%add3A, %dma_start3A_60, %dma_start3A_61] : memref<32x125x80xi32, #tpu.memory_space<hbm>> -> memref<1x125x80xi32, #tpu.memory_space<hbm>>
      %dma_start3A_63 = tpu.memref_squeeze %dma_start3A_62 : memref<1x125x80xi32, #tpu.memory_space<hbm>> -> memref<125x80xi32, #tpu.memory_space<hbm>>
      tpu.enqueue_dma source(%dma_start3A_63 : memref<125x80xi32, #tpu.memory_space<hbm>>) target(%arg6 : memref<125x80xi32, #tpu.memory_space<vmem>>) target_semaphore(%run_scoped3A : memref<!tpu.dma_semaphore, #tpu.memory_space<semaphore_mem>>)
      %dma_wait3A_64 = arith.constant 0 : i32
      %dma_wait3A_65 = arith.constant 0 : i32
      %dma_wait3A_66 = tpu.memref_slice %arg2[%add3A, %dma_wait3A_64, %dma_wait3A_65] : memref<32x125x80xi32, #tpu.memory_space<hbm>> -> memref<1x125x80xi32, #tpu.memory_space<hbm>>
      %dma_wait3A_67 = tpu.memref_squeeze %dma_wait3A_66 : memref<1x125x80xi32, #tpu.memory_space<hbm>> -> memref<125x80xi32, #tpu.memory_space<hbm>>
      %dma_wait3A_68 = arith.constant 0 : i32
      %dma_wait3A_69 = arith.constant 0 : i32
      %dma_wait3A_70 = tpu.memref_slice %arg2[%add3A, %dma_wait3A_68, %dma_wait3A_69] : memref<32x125x80xi32, #tpu.memory_space<hbm>> -> memref<1x125x80xi32, #tpu.memory_space<hbm>>
      %dma_wait3A_71 = tpu.memref_squeeze %dma_wait3A_70 : memref<1x125x80xi32, #tpu.memory_space<hbm>> -> memref<125x80xi32, #tpu.memory_space<hbm>>
      tpu.wait_dma2 semaphore(%run_scoped3A : memref<!tpu.dma_semaphore, #tpu.memory_space<semaphore_mem>>) src(%dma_wait3A_71 : memref<125x80xi32, #tpu.memory_space<hbm>>) dst(%arg6 : memref<125x80xi32, #tpu.memory_space<vmem>>)
      tpu.yield
    }) : () -> ()
    %mul3A_1 = arith.constant 640 : i32
    %mul3A_2 = arith.muli %arg1, %mul3A_1 : i32
    "tpu.region"() ({
      %run_scoped3A = tpu.sem_alloc : memref<!tpu.dma_semaphore, #tpu.memory_space<semaphore_mem>>
      %dma_start3A_56 = arith.constant 0 : i32
      %dma_start3A_57 = tpu.memref_slice %arg8[%mul3A_2, %dma_start3A_56] : memref<10240x128xf32, #tpu.memory_space<vmem_shared>> -> memref<640x128xf32, #tpu.memory_space<vmem_shared>>
      tpu.enqueue_dma source(%arg3 : memref<640x128xf32, #tpu.memory_space<hbm>>) target(%dma_start3A_57 : memref<640x128xf32, #tpu.memory_space<vmem_shared>>) target_semaphore(%run_scoped3A : memref<!tpu.dma_semaphore, #tpu.memory_space<semaphore_mem>>)
      %dma_wait3A_58 = arith.constant 0 : i32
      %dma_wait3A_59 = tpu.memref_slice %arg8[%mul3A_2, %dma_wait3A_58] : memref<10240x128xf32, #tpu.memory_space<vmem_shared>> -> memref<640x128xf32, #tpu.memory_space<vmem_shared>>
      tpu.wait_dma2 semaphore(%run_scoped3A : memref<!tpu.dma_semaphore, #tpu.memory_space<semaphore_mem>>) src(%arg3 : memref<640x128xf32, #tpu.memory_space<hbm>>) dst(%dma_wait3A_59 : memref<640x128xf32, #tpu.memory_space<vmem_shared>>)
      tpu.yield
    }) : () -> ()
    "tpu.region"() ({
      %run_scoped3A = tpu.sem_alloc : memref<!tpu.dma_semaphore, #tpu.memory_space<semaphore_mem>>
      tpu.enqueue_dma source(%arg4 : memref<80x128xf32, #tpu.memory_space<hbm>>) target(%arg7 : memref<80x128xf32, #tpu.memory_space<vmem>>) target_semaphore(%run_scoped3A : memref<!tpu.dma_semaphore, #tpu.memory_space<semaphore_mem>>)
      tpu.wait_dma2 semaphore(%run_scoped3A : memref<!tpu.dma_semaphore, #tpu.memory_space<semaphore_mem>>) src(%arg4 : memref<80x128xf32, #tpu.memory_space<hbm>>) dst(%arg7 : memref<80x128xf32, #tpu.memory_space<vmem>>)
      tpu.yield
    }) : () -> ()
    %barrier3A = arith.constant 0 : index
    tpu.barrier barrier_id(%barrier3A)
    %dma_start3A = arith.constant 0 : i32
    %dma_start3A_3 = arith.constant 0 : i32
    %dma_start3A_4 = tpu.memref_slice %arg6[%dma_start3A, %dma_start3A_3] : memref<125x80xi32, #tpu.memory_space<vmem>> -> memref<1x80xi32, #tpu.memory_space<vmem>>
    %dma_start3A_5 = tpu.memref_squeeze %dma_start3A_4 : memref<1x80xi32, #tpu.memory_space<vmem>> -> memref<80xi32, #tpu.memory_space<vmem>>
    %dma_start3A_6 = arith.constant 0 : i32
    %dma_start3A_7 = arith.constant 0 : i32
    %dma_start3A_8 = tpu.memref_slice %arg8[%dma_start3A_6, %dma_start3A_7] : memref<10240x128xf32, #tpu.memory_space<vmem_shared>> -> memref<10240x128xf32, #tpu.memory_space<vmem_shared>>
    tpu.enqueue_indirect_dma source(%arg7 : memref<80x128xf32, #tpu.memory_space<vmem>>) target(%dma_start3A_8 : memref<10240x128xf32, #tpu.memory_space<vmem_shared>>) offsets(%dma_start3A_5 : memref<80xi32, #tpu.memory_space<vmem>>) semaphore(%arg9 : memref<!tpu.dma_semaphore, #tpu.memory_space<semaphore_mem>>) {add = true}
    %dma_start3A_9 = arith.constant 1 : i32
    %dma_start3A_10 = arith.constant 0 : i32
    %dma_start3A_11 = tpu.memref_slice %arg6[%dma_start3A_9, %dma_start3A_10] : memref<125x80xi32, #tpu.memory_space<vmem>> -> memref<1x80xi32, #tpu.memory_space<vmem>>
    %dma_start3A_12 = tpu.memref_squeeze %dma_start3A_11 : memref<1x80xi32, #tpu.memory_space<vmem>> -> memref<80xi32, #tpu.memory_space<vmem>>
    %dma_start3A_13 = arith.constant 0 : i32
    %dma_start3A_14 = arith.constant 0 : i32
    %dma_start3A_15 = tpu.memref_slice %arg8[%dma_start3A_13, %dma_start3A_14] : memref<10240x128xf32, #tpu.memory_space<vmem_shared>> -> memref<10240x128xf32, #tpu.memory_space<vmem_shared>>
    tpu.enqueue_indirect_dma source(%arg7 : memref<80x128xf32, #tpu.memory_space<vmem>>) target(%dma_start3A_15 : memref<10240x128xf32, #tpu.memory_space<vmem_shared>>) offsets(%dma_start3A_12 : memref<80xi32, #tpu.memory_space<vmem>>) semaphore(%arg10 : memref<!tpu.dma_semaphore, #tpu.memory_space<semaphore_mem>>) {add = true}
    %scan3A = arith.constant 0 : i32
    %scan3A_16 = arith.constant 1 : i32
    %scan3A_17 = arith.constant 61 : i32
    %scan3A_18 = arith.addi %scan3A_16, %scan3A_17 : i32
    %scan3A_19 = arith.constant 1 : i32
    scf.for %scan3A_56 = %scan3A_16 to %scan3A_18 step %scan3A_19  : i32 {
      %mul3A_57 = arith.constant 2 : i32
      %mul3A_58 = arith.muli %scan3A_56, %mul3A_57 : i32
      %add3A_59 = arith.constant 0 : i32
      %add3A_60 = arith.addi %mul3A_58, %add3A_59 : i32
      %dma_wait3A_61 = arith.constant 0 : i32
      %dma_wait3A_62 = arith.constant 0 : i32
      %dma_wait3A_63 = tpu.memref_slice %arg6[%dma_wait3A_61, %dma_wait3A_62] : memref<125x80xi32, #tpu.memory_space<vmem>> -> memref<1x80xi32, #tpu.memory_space<vmem>>
      %dma_wait3A_64 = tpu.memref_squeeze %dma_wait3A_63 : memref<1x80xi32, #tpu.memory_space<vmem>> -> memref<80xi32, #tpu.memory_space<vmem>>
      %dma_wait3A_65 = arith.constant 0 : i32
      %dma_wait3A_66 = arith.constant 0 : i32
      %dma_wait3A_67 = tpu.memref_slice %arg8[%dma_wait3A_65, %dma_wait3A_66] : memref<10240x128xf32, #tpu.memory_space<vmem_shared>> -> memref<10240x128xf32, #tpu.memory_space<vmem_shared>>
      tpu.wait_indirect_dma semaphore(%arg9 : memref<!tpu.dma_semaphore, #tpu.memory_space<semaphore_mem>>) src(%arg7 : memref<80x128xf32, #tpu.memory_space<vmem>>) dst(%dma_wait3A_67 : memref<10240x128xf32, #tpu.memory_space<vmem_shared>>)
      %dma_start3A_68 = arith.constant 0 : i32
      %dma_start3A_69 = tpu.memref_slice %arg6[%add3A_60, %dma_start3A_68] : memref<125x80xi32, #tpu.memory_space<vmem>> -> memref<1x80xi32, #tpu.memory_space<vmem>>
      %dma_start3A_70 = tpu.memref_squeeze %dma_start3A_69 : memref<1x80xi32, #tpu.memory_space<vmem>> -> memref<80xi32, #tpu.memory_space<vmem>>
      %dma_start3A_71 = arith.constant 0 : i32
      %dma_start3A_72 = arith.constant 0 : i32
      %dma_start3A_73 = tpu.memref_slice %arg8[%dma_start3A_71, %dma_start3A_72] : memref<10240x128xf32, #tpu.memory_space<vmem_shared>> -> memref<10240x128xf32, #tpu.memory_space<vmem_shared>>
      tpu.enqueue_indirect_dma source(%arg7 : memref<80x128xf32, #tpu.memory_space<vmem>>) target(%dma_start3A_73 : memref<10240x128xf32, #tpu.memory_space<vmem_shared>>) offsets(%dma_start3A_70 : memref<80xi32, #tpu.memory_space<vmem>>) semaphore(%arg9 : memref<!tpu.dma_semaphore, #tpu.memory_space<semaphore_mem>>) {add = true}
      %mul3A_74 = arith.constant 2 : i32
      %mul3A_75 = arith.muli %scan3A_56, %mul3A_74 : i32
      %add3A_76 = arith.constant 1 : i32
      %add3A_77 = arith.addi %mul3A_75, %add3A_76 : i32
      %dma_wait3A_78 = arith.constant 0 : i32
      %dma_wait3A_79 = arith.constant 0 : i32
      %dma_wait3A_80 = tpu.memref_slice %arg6[%dma_wait3A_78, %dma_wait3A_79] : memref<125x80xi32, #tpu.memory_space<vmem>> -> memref<1x80xi32, #tpu.memory_space<vmem>>
      %dma_wait3A_81 = tpu.memref_squeeze %dma_wait3A_80 : memref<1x80xi32, #tpu.memory_space<vmem>> -> memref<80xi32, #tpu.memory_space<vmem>>
      %dma_wait3A_82 = arith.constant 0 : i32
      %dma_wait3A_83 = arith.constant 0 : i32
      %dma_wait3A_84 = tpu.memref_slice %arg8[%dma_wait3A_82, %dma_wait3A_83] : memref<10240x128xf32, #tpu.memory_space<vmem_shared>> -> memref<10240x128xf32, #tpu.memory_space<vmem_shared>>
      tpu.wait_indirect_dma semaphore(%arg10 : memref<!tpu.dma_semaphore, #tpu.memory_space<semaphore_mem>>) src(%arg7 : memref<80x128xf32, #tpu.memory_space<vmem>>) dst(%dma_wait3A_84 : memref<10240x128xf32, #tpu.memory_space<vmem_shared>>)
      %dma_start3A_85 = arith.constant 0 : i32
      %dma_start3A_86 = tpu.memref_slice %arg6[%add3A_77, %dma_start3A_85] : memref<125x80xi32, #tpu.memory_space<vmem>> -> memref<1x80xi32, #tpu.memory_space<vmem>>
      %dma_start3A_87 = tpu.memref_squeeze %dma_start3A_86 : memref<1x80xi32, #tpu.memory_space<vmem>> -> memref<80xi32, #tpu.memory_space<vmem>>
      %dma_start3A_88 = arith.constant 0 : i32
      %dma_start3A_89 = arith.constant 0 : i32
      %dma_start3A_90 = tpu.memref_slice %arg8[%dma_start3A_88, %dma_start3A_89] : memref<10240x128xf32, #tpu.memory_space<vmem_shared>> -> memref<10240x128xf32, #tpu.memory_space<vmem_shared>>
      tpu.enqueue_indirect_dma source(%arg7 : memref<80x128xf32, #tpu.memory_space<vmem>>) target(%dma_start3A_90 : memref<10240x128xf32, #tpu.memory_space<vmem_shared>>) offsets(%dma_start3A_87 : memref<80xi32, #tpu.memory_space<vmem>>) semaphore(%arg10 : memref<!tpu.dma_semaphore, #tpu.memory_space<semaphore_mem>>) {add = true}
    }
    %scan3A_20 = arith.constant 61 : i32
    %dma_wait3A = arith.constant 0 : i32
    %dma_wait3A_21 = arith.constant 0 : i32
    %dma_wait3A_22 = tpu.memref_slice %arg6[%dma_wait3A, %dma_wait3A_21] : memref<125x80xi32, #tpu.memory_space<vmem>> -> memref<1x80xi32, #tpu.memory_space<vmem>>
    %dma_wait3A_23 = tpu.memref_squeeze %dma_wait3A_22 : memref<1x80xi32, #tpu.memory_space<vmem>> -> memref<80xi32, #tpu.memory_space<vmem>>
    %dma_wait3A_24 = arith.constant 0 : i32
    %dma_wait3A_25 = arith.constant 0 : i32
    %dma_wait3A_26 = tpu.memref_slice %arg8[%dma_wait3A_24, %dma_wait3A_25] : memref<10240x128xf32, #tpu.memory_space<vmem_shared>> -> memref<10240x128xf32, #tpu.memory_space<vmem_shared>>
    tpu.wait_indirect_dma semaphore(%arg9 : memref<!tpu.dma_semaphore, #tpu.memory_space<semaphore_mem>>) src(%arg7 : memref<80x128xf32, #tpu.memory_space<vmem>>) dst(%dma_wait3A_26 : memref<10240x128xf32, #tpu.memory_space<vmem_shared>>)
    %dma_start3A_27 = arith.constant 124 : i32
    %dma_start3A_28 = arith.constant 0 : i32
    %dma_start3A_29 = tpu.memref_slice %arg6[%dma_start3A_27, %dma_start3A_28] : memref<125x80xi32, #tpu.memory_space<vmem>> -> memref<1x80xi32, #tpu.memory_space<vmem>>
    %dma_start3A_30 = tpu.memref_squeeze %dma_start3A_29 : memref<1x80xi32, #tpu.memory_space<vmem>> -> memref<80xi32, #tpu.memory_space<vmem>>
    %dma_start3A_31 = arith.constant 0 : i32
    %dma_start3A_32 = arith.constant 0 : i32
    %dma_start3A_33 = tpu.memref_slice %arg8[%dma_start3A_31, %dma_start3A_32] : memref<10240x128xf32, #tpu.memory_space<vmem_shared>> -> memref<10240x128xf32, #tpu.memory_space<vmem_shared>>
    tpu.enqueue_indirect_dma source(%arg7 : memref<80x128xf32, #tpu.memory_space<vmem>>) target(%dma_start3A_33 : memref<10240x128xf32, #tpu.memory_space<vmem_shared>>) offsets(%dma_start3A_30 : memref<80xi32, #tpu.memory_space<vmem>>) semaphore(%arg9 : memref<!tpu.dma_semaphore, #tpu.memory_space<semaphore_mem>>) {add = true}
    %dma_wait3A_34 = arith.constant 0 : i32
    %dma_wait3A_35 = arith.constant 0 : i32
    %dma_wait3A_36 = tpu.memref_slice %arg6[%dma_wait3A_34, %dma_wait3A_35] : memref<125x80xi32, #tpu.memory_space<vmem>> -> memref<1x80xi32, #tpu.memory_space<vmem>>
    %dma_wait3A_37 = tpu.memref_squeeze %dma_wait3A_36 : memref<1x80xi32, #tpu.memory_space<vmem>> -> memref<80xi32, #tpu.memory_space<vmem>>
    %dma_wait3A_38 = arith.constant 0 : i32
    %dma_wait3A_39 = arith.constant 0 : i32
    %dma_wait3A_40 = tpu.memref_slice %arg8[%dma_wait3A_38, %dma_wait3A_39] : memref<10240x128xf32, #tpu.memory_space<vmem_shared>> -> memref<10240x128xf32, #tpu.memory_space<vmem_shared>>
    tpu.wait_indirect_dma semaphore(%arg10 : memref<!tpu.dma_semaphore, #tpu.memory_space<semaphore_mem>>) src(%arg7 : memref<80x128xf32, #tpu.memory_space<vmem>>) dst(%dma_wait3A_40 : memref<10240x128xf32, #tpu.memory_space<vmem_shared>>)
    %dma_wait3A_41 = arith.constant 0 : i32
    %dma_wait3A_42 = arith.constant 0 : i32
    %dma_wait3A_43 = tpu.memref_slice %arg6[%dma_wait3A_41, %dma_wait3A_42] : memref<125x80xi32, #tpu.memory_space<vmem>> -> memref<1x80xi32, #tpu.memory_space<vmem>>
    %dma_wait3A_44 = tpu.memref_squeeze %dma_wait3A_43 : memref<1x80xi32, #tpu.memory_space<vmem>> -> memref<80xi32, #tpu.memory_space<vmem>>
    %dma_wait3A_45 = arith.constant 0 : i32
    %dma_wait3A_46 = arith.constant 0 : i32
    %dma_wait3A_47 = tpu.memref_slice %arg8[%dma_wait3A_45, %dma_wait3A_46] : memref<10240x128xf32, #tpu.memory_space<vmem_shared>> -> memref<10240x128xf32, #tpu.memory_space<vmem_shared>>
    tpu.wait_indirect_dma semaphore(%arg9 : memref<!tpu.dma_semaphore, #tpu.memory_space<semaphore_mem>>) src(%arg7 : memref<80x128xf32, #tpu.memory_space<vmem>>) dst(%dma_wait3A_47 : memref<10240x128xf32, #tpu.memory_space<vmem_shared>>)
    %barrier3A_48 = arith.constant 0 : index
    tpu.barrier barrier_id(%barrier3A_48)
    %mul3A_49 = arith.constant 640 : i32
    %mul3A_50 = arith.muli %arg1, %mul3A_49 : i32
    %mul3A_51 = arith.constant 10240 : i32
    %mul3A_52 = arith.muli %arg0, %mul3A_51 : i32
    %mul3A_53 = arith.constant 640 : i32
    %mul3A_54 = arith.muli %arg1, %mul3A_53 : i32
    %add3A_55 = arith.addi %mul3A_52, %mul3A_54 : i32
    "tpu.region"() ({
      %run_scoped3A = tpu.sem_alloc : memref<!tpu.dma_semaphore, #tpu.memory_space<semaphore_mem>>
      %dma_start3A_56 = arith.constant 0 : i32
      %dma_start3A_57 = tpu.memref_slice %arg5[%add3A_55, %dma_start3A_56] : memref<20480x128xf32, #tpu.memory_space<hbm>> -> memref<640x128xf32, #tpu.memory_space<hbm>>
      %dma_start3A_58 = arith.constant 0 : i32
      %dma_start3A_59 = tpu.memref_slice %arg8[%mul3A_50, %dma_start3A_58] : memref<10240x128xf32, #tpu.memory_space<vmem_shared>> -> memref<640x128xf32, #tpu.memory_space<vmem_shared>>
      tpu.enqueue_dma source(%dma_start3A_59 : memref<640x128xf32, #tpu.memory_space<vmem_shared>>) target(%dma_start3A_57 : memref<640x128xf32, #tpu.memory_space<hbm>>) target_semaphore(%run_scoped3A : memref<!tpu.dma_semaphore, #tpu.memory_space<semaphore_mem>>)
      %dma_wait3A_60 = arith.constant 0 : i32
      %dma_wait3A_61 = tpu.memref_slice %arg5[%add3A_55, %dma_wait3A_60] : memref<20480x128xf32, #tpu.memory_space<hbm>> -> memref<640x128xf32, #tpu.memory_space<hbm>>
      %dma_wait3A_62 = arith.constant 0 : i32
      %dma_wait3A_63 = tpu.memref_slice %arg8[%mul3A_50, %dma_wait3A_62] : memref<10240x128xf32, #tpu.memory_space<vmem_shared>> -> memref<640x128xf32, #tpu.memory_space<vmem_shared>>
      tpu.wait_dma2 semaphore(%run_scoped3A : memref<!tpu.dma_semaphore, #tpu.memory_space<semaphore_mem>>) src(%dma_wait3A_63 : memref<640x128xf32, #tpu.memory_space<vmem_shared>>) dst(%dma_wait3A_61 : memref<640x128xf32, #tpu.memory_space<hbm>>)
      tpu.yield
    }) : () -> ()
    return
  }
}

#map = affine_map<(d0, d1) -> (0, 0)>
#map1 = affine_map<(d0, d1) -> (0)>
#map2 = affine_map<(d0, d1) -> (0, 0, 0)>
module attributes {stable_mosaic.version = 14 : i64} {
  func.func @_spmm_body(%arg0: i32, %arg1: i32, %arg2: memref<10000x128xf32, #tpu.memory_space<hbm>>, %arg3: memref<320000xi32, #tpu.memory_space<hbm>>, %arg4: memref<32x125x80xi32, #tpu.memory_space<hbm>>, %arg5: memref<640x128xf32, #tpu.memory_space<hbm>>, %arg6: memref<20480x128xf32, #tpu.memory_space<hbm>>, %arg7: memref<10000xi32, #tpu.memory_space<vmem>>, %arg8: memref<125x80xi32, #tpu.memory_space<vmem>>, %arg9: memref<2x80x128xf32, #tpu.memory_space<vmem>>, %arg10: memref<10240x128xf32, #tpu.memory_space<vmem_shared>>, %arg11: memref<!tpu.dma_semaphore, #tpu.memory_space<semaphore_mem>>, %arg12: memref<!tpu.dma_semaphore, #tpu.memory_space<semaphore_mem>>, %arg13: memref<!tpu.dma_semaphore, #tpu.memory_space<semaphore_mem>>, %arg14: memref<!tpu.dma_semaphore, #tpu.memory_space<semaphore_mem>>) attributes {dimension_semantics = [#tpu.dimension_semantics<core_parallel>, #tpu.dimension_semantics<subcore_parallel>], iteration_bounds = array<i64: 2, 16>, scalar_prefetch = 0 : i64, scratch_operands = 8 : i64, tpu.core_type = #tpu.core_type<sc_vector_subcore>, window_params = [{transform_indices = #map}, {transform_indices = #map1}, {transform_indices = #map2}, {transform_indices = #map}, {transform_indices = #map}]} {
    %mul3A = arith.constant 16 : i32
    %mul3A_0 = arith.muli %arg0, %mul3A : i32
    %add3A = arith.addi %mul3A_0, %arg1 : i32
    %mul3A_1 = arith.constant 10000 : i32
    %mul3A_2 = arith.muli %add3A, %mul3A_1 : i32
    "tpu.region"() ({
      %run_scoped3A = tpu.sem_alloc : memref<!tpu.dma_semaphore, #tpu.memory_space<semaphore_mem>>
      %dma_start3A_72 = tpu.memref_slice %arg3[%mul3A_2] : memref<320000xi32, #tpu.memory_space<hbm>> -> memref<10000xi32, #tpu.memory_space<hbm>>
      %dma_start3A_73 = tpu.memref_slice %arg3[%mul3A_2] : memref<320000xi32, #tpu.memory_space<hbm>> -> memref<10000xi32, #tpu.memory_space<hbm>>
      tpu.enqueue_dma source(%dma_start3A_73 : memref<10000xi32, #tpu.memory_space<hbm>>) target(%arg7 : memref<10000xi32, #tpu.memory_space<vmem>>) target_semaphore(%run_scoped3A : memref<!tpu.dma_semaphore, #tpu.memory_space<semaphore_mem>>)
      %dma_wait3A_74 = tpu.memref_slice %arg3[%mul3A_2] : memref<320000xi32, #tpu.memory_space<hbm>> -> memref<10000xi32, #tpu.memory_space<hbm>>
      %dma_wait3A_75 = tpu.memref_slice %arg3[%mul3A_2] : memref<320000xi32, #tpu.memory_space<hbm>> -> memref<10000xi32, #tpu.memory_space<hbm>>
      tpu.wait_dma2 semaphore(%run_scoped3A : memref<!tpu.dma_semaphore, #tpu.memory_space<semaphore_mem>>) src(%dma_wait3A_75 : memref<10000xi32, #tpu.memory_space<hbm>>) dst(%arg7 : memref<10000xi32, #tpu.memory_space<vmem>>)
      tpu.yield
    }) : () -> ()
    "tpu.region"() ({
      %run_scoped3A = tpu.sem_alloc : memref<!tpu.dma_semaphore, #tpu.memory_space<semaphore_mem>>
      %dma_start3A_72 = arith.constant 0 : i32
      %dma_start3A_73 = arith.constant 0 : i32
      %dma_start3A_74 = tpu.memref_slice %arg4[%add3A, %dma_start3A_72, %dma_start3A_73] : memref<32x125x80xi32, #tpu.memory_space<hbm>> -> memref<1x125x80xi32, #tpu.memory_space<hbm>>
      %dma_start3A_75 = tpu.memref_squeeze %dma_start3A_74 : memref<1x125x80xi32, #tpu.memory_space<hbm>> -> memref<125x80xi32, #tpu.memory_space<hbm>>
      %dma_start3A_76 = arith.constant 0 : i32
      %dma_start3A_77 = arith.constant 0 : i32
      %dma_start3A_78 = tpu.memref_slice %arg4[%add3A, %dma_start3A_76, %dma_start3A_77] : memref<32x125x80xi32, #tpu.memory_space<hbm>> -> memref<1x125x80xi32, #tpu.memory_space<hbm>>
      %dma_start3A_79 = tpu.memref_squeeze %dma_start3A_78 : memref<1x125x80xi32, #tpu.memory_space<hbm>> -> memref<125x80xi32, #tpu.memory_space<hbm>>
      tpu.enqueue_dma source(%dma_start3A_79 : memref<125x80xi32, #tpu.memory_space<hbm>>) target(%arg8 : memref<125x80xi32, #tpu.memory_space<vmem>>) target_semaphore(%run_scoped3A : memref<!tpu.dma_semaphore, #tpu.memory_space<semaphore_mem>>)
      %dma_wait3A_80 = arith.constant 0 : i32
      %dma_wait3A_81 = arith.constant 0 : i32
      %dma_wait3A_82 = tpu.memref_slice %arg4[%add3A, %dma_wait3A_80, %dma_wait3A_81] : memref<32x125x80xi32, #tpu.memory_space<hbm>> -> memref<1x125x80xi32, #tpu.memory_space<hbm>>
      %dma_wait3A_83 = tpu.memref_squeeze %dma_wait3A_82 : memref<1x125x80xi32, #tpu.memory_space<hbm>> -> memref<125x80xi32, #tpu.memory_space<hbm>>
      %dma_wait3A_84 = arith.constant 0 : i32
      %dma_wait3A_85 = arith.constant 0 : i32
      %dma_wait3A_86 = tpu.memref_slice %arg4[%add3A, %dma_wait3A_84, %dma_wait3A_85] : memref<32x125x80xi32, #tpu.memory_space<hbm>> -> memref<1x125x80xi32, #tpu.memory_space<hbm>>
      %dma_wait3A_87 = tpu.memref_squeeze %dma_wait3A_86 : memref<1x125x80xi32, #tpu.memory_space<hbm>> -> memref<125x80xi32, #tpu.memory_space<hbm>>
      tpu.wait_dma2 semaphore(%run_scoped3A : memref<!tpu.dma_semaphore, #tpu.memory_space<semaphore_mem>>) src(%dma_wait3A_87 : memref<125x80xi32, #tpu.memory_space<hbm>>) dst(%arg8 : memref<125x80xi32, #tpu.memory_space<vmem>>)
      tpu.yield
    }) : () -> ()
    %mul3A_3 = arith.constant 640 : i32
    %mul3A_4 = arith.muli %arg1, %mul3A_3 : i32
    "tpu.region"() ({
      %run_scoped3A = tpu.sem_alloc : memref<!tpu.dma_semaphore, #tpu.memory_space<semaphore_mem>>
      %dma_start3A_72 = arith.constant 0 : i32
      %dma_start3A_73 = tpu.memref_slice %arg10[%mul3A_4, %dma_start3A_72] : memref<10240x128xf32, #tpu.memory_space<vmem_shared>> -> memref<640x128xf32, #tpu.memory_space<vmem_shared>>
      tpu.enqueue_dma source(%arg5 : memref<640x128xf32, #tpu.memory_space<hbm>>) target(%dma_start3A_73 : memref<640x128xf32, #tpu.memory_space<vmem_shared>>) target_semaphore(%run_scoped3A : memref<!tpu.dma_semaphore, #tpu.memory_space<semaphore_mem>>)
      %dma_wait3A_74 = arith.constant 0 : i32
      %dma_wait3A_75 = tpu.memref_slice %arg10[%mul3A_4, %dma_wait3A_74] : memref<10240x128xf32, #tpu.memory_space<vmem_shared>> -> memref<640x128xf32, #tpu.memory_space<vmem_shared>>
      tpu.wait_dma2 semaphore(%run_scoped3A : memref<!tpu.dma_semaphore, #tpu.memory_space<semaphore_mem>>) src(%arg5 : memref<640x128xf32, #tpu.memory_space<hbm>>) dst(%dma_wait3A_75 : memref<640x128xf32, #tpu.memory_space<vmem_shared>>)
      tpu.yield
    }) : () -> ()
    %barrier3A = arith.constant 0 : index
    tpu.barrier barrier_id(%barrier3A)
    %dma_start3A = arith.constant 0 : i32
    %dma_start3A_5 = arith.constant 0 : i32
    %dma_start3A_6 = arith.constant 0 : i32
    %dma_start3A_7 = tpu.memref_slice %arg9[%dma_start3A, %dma_start3A_5, %dma_start3A_6] : memref<2x80x128xf32, #tpu.memory_space<vmem>> -> memref<1x80x128xf32, #tpu.memory_space<vmem>>
    %dma_start3A_8 = tpu.memref_squeeze %dma_start3A_7 : memref<1x80x128xf32, #tpu.memory_space<vmem>> -> memref<80x128xf32, #tpu.memory_space<vmem>>
    %dma_start3A_9 = arith.constant 0 : i32
    %dma_start3A_10 = tpu.memref_slice %arg7[%dma_start3A_9] : memref<10000xi32, #tpu.memory_space<vmem>> -> memref<80xi32, #tpu.memory_space<vmem>>
    %dma_start3A_11 = arith.constant 0 : i32
    %dma_start3A_12 = arith.constant 0 : i32
    %dma_start3A_13 = tpu.memref_slice %arg2[%dma_start3A_11, %dma_start3A_12] : memref<10000x128xf32, #tpu.memory_space<hbm>> -> memref<10000x128xf32, #tpu.memory_space<hbm>>
    tpu.enqueue_indirect_dma source(%dma_start3A_13 : memref<10000x128xf32, #tpu.memory_space<hbm>>) target(%dma_start3A_8 : memref<80x128xf32, #tpu.memory_space<vmem>>) offsets(%dma_start3A_10 : memref<80xi32, #tpu.memory_space<vmem>>) semaphore(%arg11 : memref<!tpu.dma_semaphore, #tpu.memory_space<semaphore_mem>>)
    %scan3A = arith.constant 0 : i32
    %scan3A_14 = arith.constant 0 : i32
    %scan3A_15 = arith.constant 62 : i32
    %scan3A_16 = arith.addi %scan3A_14, %scan3A_15 : i32
    %scan3A_17 = arith.constant 1 : i32
    scf.for %scan3A_72 = %scan3A_14 to %scan3A_16 step %scan3A_17  : i32 {
      %mul3A_73 = arith.constant 2 : i32
      %mul3A_74 = arith.muli %scan3A_72, %mul3A_73 : i32
      %mul3A_75 = arith.constant 80 : i32
      %mul3A_76 = arith.muli %mul3A_74, %mul3A_75 : i32
      %dma_wait3A_77 = arith.constant 0 : i32
      %dma_wait3A_78 = arith.constant 0 : i32
      %dma_wait3A_79 = arith.constant 0 : i32
      %dma_wait3A_80 = tpu.memref_slice %arg9[%dma_wait3A_77, %dma_wait3A_78, %dma_wait3A_79] : memref<2x80x128xf32, #tpu.memory_space<vmem>> -> memref<1x80x128xf32, #tpu.memory_space<vmem>>
      %dma_wait3A_81 = tpu.memref_squeeze %dma_wait3A_80 : memref<1x80x128xf32, #tpu.memory_space<vmem>> -> memref<80x128xf32, #tpu.memory_space<vmem>>
      %dma_wait3A_82 = tpu.memref_slice %arg7[%mul3A_76] : memref<10000xi32, #tpu.memory_space<vmem>> -> memref<80xi32, #tpu.memory_space<vmem>>
      %dma_wait3A_83 = arith.constant 0 : i32
      %dma_wait3A_84 = arith.constant 0 : i32
      %dma_wait3A_85 = tpu.memref_slice %arg2[%dma_wait3A_83, %dma_wait3A_84] : memref<10000x128xf32, #tpu.memory_space<hbm>> -> memref<10000x128xf32, #tpu.memory_space<hbm>>
      tpu.wait_indirect_dma semaphore(%arg11 : memref<!tpu.dma_semaphore, #tpu.memory_space<semaphore_mem>>) src(%dma_wait3A_85 : memref<10000x128xf32, #tpu.memory_space<hbm>>) dst(%dma_wait3A_81 : memref<80x128xf32, #tpu.memory_space<vmem>>)
      %dma_start3A_86 = arith.constant 0 : i32
      %dma_start3A_87 = arith.constant 0 : i32
      %dma_start3A_88 = arith.constant 0 : i32
      %dma_start3A_89 = tpu.memref_slice %arg9[%dma_start3A_86, %dma_start3A_87, %dma_start3A_88] : memref<2x80x128xf32, #tpu.memory_space<vmem>> -> memref<1x80x128xf32, #tpu.memory_space<vmem>>
      %dma_start3A_90 = tpu.memref_squeeze %dma_start3A_89 : memref<1x80x128xf32, #tpu.memory_space<vmem>> -> memref<80x128xf32, #tpu.memory_space<vmem>>
      %dma_start3A_91 = arith.constant 0 : i32
      %dma_start3A_92 = tpu.memref_slice %arg8[%mul3A_74, %dma_start3A_91] : memref<125x80xi32, #tpu.memory_space<vmem>> -> memref<1x80xi32, #tpu.memory_space<vmem>>
      %dma_start3A_93 = tpu.memref_squeeze %dma_start3A_92 : memref<1x80xi32, #tpu.memory_space<vmem>> -> memref<80xi32, #tpu.memory_space<vmem>>
      %dma_start3A_94 = arith.constant 0 : i32
      %dma_start3A_95 = arith.constant 0 : i32
      %dma_start3A_96 = tpu.memref_slice %arg10[%dma_start3A_94, %dma_start3A_95] : memref<10240x128xf32, #tpu.memory_space<vmem_shared>> -> memref<10240x128xf32, #tpu.memory_space<vmem_shared>>
      tpu.enqueue_indirect_dma source(%dma_start3A_90 : memref<80x128xf32, #tpu.memory_space<vmem>>) target(%dma_start3A_96 : memref<10240x128xf32, #tpu.memory_space<vmem_shared>>) offsets(%dma_start3A_93 : memref<80xi32, #tpu.memory_space<vmem>>) semaphore(%arg13 : memref<!tpu.dma_semaphore, #tpu.memory_space<semaphore_mem>>) {add = true}
      %add3A_97 = arith.constant 1 : i32
      %add3A_98 = arith.addi %mul3A_74, %add3A_97 : i32
      %lt3A = arith.constant 125 : i32
      %lt3A_99 = arith.cmpi slt, %add3A_98, %lt3A : i32
      %convert_element_type3A = arith.extui %lt3A_99 : i1 to i32
      %cond3A = arith.constant 0 : i32
      %cond3A_100 = arith.cmpi ne, %convert_element_type3A, %cond3A : i32
      scf.if %cond3A_100 {
        %ge3A = arith.constant 1 : i32
        %ge3A_134 = arith.cmpi sge, %mul3A_74, %ge3A : i32
        %convert_element_type3A_135 = arith.extui %ge3A_134 : i1 to i32
        %cond3A_136 = arith.constant 0 : i32
        %cond3A_137 = arith.cmpi ne, %convert_element_type3A_135, %cond3A_136 : i32
        scf.if %cond3A_137 {
          %dma_wait3A_151 = arith.constant 1 : i32
          %dma_wait3A_152 = arith.constant 0 : i32
          %dma_wait3A_153 = arith.constant 0 : i32
          %dma_wait3A_154 = tpu.memref_slice %arg9[%dma_wait3A_151, %dma_wait3A_152, %dma_wait3A_153] : memref<2x80x128xf32, #tpu.memory_space<vmem>> -> memref<1x80x128xf32, #tpu.memory_space<vmem>>
          %dma_wait3A_155 = tpu.memref_squeeze %dma_wait3A_154 : memref<1x80x128xf32, #tpu.memory_space<vmem>> -> memref<80x128xf32, #tpu.memory_space<vmem>>
          %dma_wait3A_156 = arith.constant 0 : i32
          %dma_wait3A_157 = tpu.memref_slice %arg8[%mul3A_74, %dma_wait3A_156] : memref<125x80xi32, #tpu.memory_space<vmem>> -> memref<1x80xi32, #tpu.memory_space<vmem>>
          %dma_wait3A_158 = tpu.memref_squeeze %dma_wait3A_157 : memref<1x80xi32, #tpu.memory_space<vmem>> -> memref<80xi32, #tpu.memory_space<vmem>>
          %dma_wait3A_159 = arith.constant 0 : i32
          %dma_wait3A_160 = arith.constant 0 : i32
          %dma_wait3A_161 = tpu.memref_slice %arg10[%dma_wait3A_159, %dma_wait3A_160] : memref<10240x128xf32, #tpu.memory_space<vmem_shared>> -> memref<10240x128xf32, #tpu.memory_space<vmem_shared>>
          tpu.wait_indirect_dma semaphore(%arg14 : memref<!tpu.dma_semaphore, #tpu.memory_space<semaphore_mem>>) src(%dma_wait3A_155 : memref<80x128xf32, #tpu.memory_space<vmem>>) dst(%dma_wait3A_161 : memref<10240x128xf32, #tpu.memory_space<vmem_shared>>)
        } else {
        }
        %add3A_138 = arith.constant 1 : i32
        %add3A_139 = arith.addi %mul3A_74, %add3A_138 : i32
        %mul3A_140 = arith.constant 80 : i32
        %mul3A_141 = arith.muli %add3A_139, %mul3A_140 : i32
        %dma_start3A_142 = arith.constant 1 : i32
        %dma_start3A_143 = arith.constant 0 : i32
        %dma_start3A_144 = arith.constant 0 : i32
        %dma_start3A_145 = tpu.memref_slice %arg9[%dma_start3A_142, %dma_start3A_143, %dma_start3A_144] : memref<2x80x128xf32, #tpu.memory_space<vmem>> -> memref<1x80x128xf32, #tpu.memory_space<vmem>>
        %dma_start3A_146 = tpu.memref_squeeze %dma_start3A_145 : memref<1x80x128xf32, #tpu.memory_space<vmem>> -> memref<80x128xf32, #tpu.memory_space<vmem>>
        %dma_start3A_147 = tpu.memref_slice %arg7[%mul3A_141] : memref<10000xi32, #tpu.memory_space<vmem>> -> memref<80xi32, #tpu.memory_space<vmem>>
        %dma_start3A_148 = arith.constant 0 : i32
        %dma_start3A_149 = arith.constant 0 : i32
        %dma_start3A_150 = tpu.memref_slice %arg2[%dma_start3A_148, %dma_start3A_149] : memref<10000x128xf32, #tpu.memory_space<hbm>> -> memref<10000x128xf32, #tpu.memory_space<hbm>>
        tpu.enqueue_indirect_dma source(%dma_start3A_150 : memref<10000x128xf32, #tpu.memory_space<hbm>>) target(%dma_start3A_146 : memref<80x128xf32, #tpu.memory_space<vmem>>) offsets(%dma_start3A_147 : memref<80xi32, #tpu.memory_space<vmem>>) semaphore(%arg12 : memref<!tpu.dma_semaphore, #tpu.memory_space<semaphore_mem>>)
      } else {
      }
      %mul3A_101 = arith.constant 2 : i32
      %mul3A_102 = arith.muli %scan3A_72, %mul3A_101 : i32
      %add3A_103 = arith.constant 1 : i32
      %add3A_104 = arith.addi %mul3A_102, %add3A_103 : i32
      %mul3A_105 = arith.constant 80 : i32
      %mul3A_106 = arith.muli %add3A_104, %mul3A_105 : i32
      %dma_wait3A_107 = arith.constant 1 : i32
      %dma_wait3A_108 = arith.constant 0 : i32
      %dma_wait3A_109 = arith.constant 0 : i32
      %dma_wait3A_110 = tpu.memref_slice %arg9[%dma_wait3A_107, %dma_wait3A_108, %dma_wait3A_109] : memref<2x80x128xf32, #tpu.memory_space<vmem>> -> memref<1x80x128xf32, #tpu.memory_space<vmem>>
      %dma_wait3A_111 = tpu.memref_squeeze %dma_wait3A_110 : memref<1x80x128xf32, #tpu.memory_space<vmem>> -> memref<80x128xf32, #tpu.memory_space<vmem>>
      %dma_wait3A_112 = tpu.memref_slice %arg7[%mul3A_106] : memref<10000xi32, #tpu.memory_space<vmem>> -> memref<80xi32, #tpu.memory_space<vmem>>
      %dma_wait3A_113 = arith.constant 0 : i32
      %dma_wait3A_114 = arith.constant 0 : i32
      %dma_wait3A_115 = tpu.memref_slice %arg2[%dma_wait3A_113, %dma_wait3A_114] : memref<10000x128xf32, #tpu.memory_space<hbm>> -> memref<10000x128xf32, #tpu.memory_space<hbm>>
      tpu.wait_indirect_dma semaphore(%arg12 : memref<!tpu.dma_semaphore, #tpu.memory_space<semaphore_mem>>) src(%dma_wait3A_115 : memref<10000x128xf32, #tpu.memory_space<hbm>>) dst(%dma_wait3A_111 : memref<80x128xf32, #tpu.memory_space<vmem>>)
      %dma_start3A_116 = arith.constant 1 : i32
      %dma_start3A_117 = arith.constant 0 : i32
      %dma_start3A_118 = arith.constant 0 : i32
      %dma_start3A_119 = tpu.memref_slice %arg9[%dma_start3A_116, %dma_start3A_117, %dma_start3A_118] : memref<2x80x128xf32, #tpu.memory_space<vmem>> -> memref<1x80x128xf32, #tpu.memory_space<vmem>>
      %dma_start3A_120 = tpu.memref_squeeze %dma_start3A_119 : memref<1x80x128xf32, #tpu.memory_space<vmem>> -> memref<80x128xf32, #tpu.memory_space<vmem>>
      %dma_start3A_121 = arith.constant 0 : i32
      %dma_start3A_122 = tpu.memref_slice %arg8[%add3A_104, %dma_start3A_121] : memref<125x80xi32, #tpu.memory_space<vmem>> -> memref<1x80xi32, #tpu.memory_space<vmem>>
      %dma_start3A_123 = tpu.memref_squeeze %dma_start3A_122 : memref<1x80xi32, #tpu.memory_space<vmem>> -> memref<80xi32, #tpu.memory_space<vmem>>
      %dma_start3A_124 = arith.constant 0 : i32
      %dma_start3A_125 = arith.constant 0 : i32
      %dma_start3A_126 = tpu.memref_slice %arg10[%dma_start3A_124, %dma_start3A_125] : memref<10240x128xf32, #tpu.memory_space<vmem_shared>> -> memref<10240x128xf32, #tpu.memory_space<vmem_shared>>
      tpu.enqueue_indirect_dma source(%dma_start3A_120 : memref<80x128xf32, #tpu.memory_space<vmem>>) target(%dma_start3A_126 : memref<10240x128xf32, #tpu.memory_space<vmem_shared>>) offsets(%dma_start3A_123 : memref<80xi32, #tpu.memory_space<vmem>>) semaphore(%arg14 : memref<!tpu.dma_semaphore, #tpu.memory_space<semaphore_mem>>) {add = true}
      %add3A_127 = arith.constant 1 : i32
      %add3A_128 = arith.addi %add3A_104, %add3A_127 : i32
      %lt3A_129 = arith.constant 125 : i32
      %lt3A_130 = arith.cmpi slt, %add3A_128, %lt3A_129 : i32
      %convert_element_type3A_131 = arith.extui %lt3A_130 : i1 to i32
      %cond3A_132 = arith.constant 0 : i32
      %cond3A_133 = arith.cmpi ne, %convert_element_type3A_131, %cond3A_132 : i32
      scf.if %cond3A_133 {
        %ge3A = arith.constant 1 : i32
        %ge3A_134 = arith.cmpi sge, %add3A_104, %ge3A : i32
        %convert_element_type3A_135 = arith.extui %ge3A_134 : i1 to i32
        %cond3A_136 = arith.constant 0 : i32
        %cond3A_137 = arith.cmpi ne, %convert_element_type3A_135, %cond3A_136 : i32
        scf.if %cond3A_137 {
          %dma_wait3A_151 = arith.constant 0 : i32
          %dma_wait3A_152 = arith.constant 0 : i32
          %dma_wait3A_153 = arith.constant 0 : i32
          %dma_wait3A_154 = tpu.memref_slice %arg9[%dma_wait3A_151, %dma_wait3A_152, %dma_wait3A_153] : memref<2x80x128xf32, #tpu.memory_space<vmem>> -> memref<1x80x128xf32, #tpu.memory_space<vmem>>
          %dma_wait3A_155 = tpu.memref_squeeze %dma_wait3A_154 : memref<1x80x128xf32, #tpu.memory_space<vmem>> -> memref<80x128xf32, #tpu.memory_space<vmem>>
          %dma_wait3A_156 = arith.constant 0 : i32
          %dma_wait3A_157 = tpu.memref_slice %arg8[%add3A_104, %dma_wait3A_156] : memref<125x80xi32, #tpu.memory_space<vmem>> -> memref<1x80xi32, #tpu.memory_space<vmem>>
          %dma_wait3A_158 = tpu.memref_squeeze %dma_wait3A_157 : memref<1x80xi32, #tpu.memory_space<vmem>> -> memref<80xi32, #tpu.memory_space<vmem>>
          %dma_wait3A_159 = arith.constant 0 : i32
          %dma_wait3A_160 = arith.constant 0 : i32
          %dma_wait3A_161 = tpu.memref_slice %arg10[%dma_wait3A_159, %dma_wait3A_160] : memref<10240x128xf32, #tpu.memory_space<vmem_shared>> -> memref<10240x128xf32, #tpu.memory_space<vmem_shared>>
          tpu.wait_indirect_dma semaphore(%arg13 : memref<!tpu.dma_semaphore, #tpu.memory_space<semaphore_mem>>) src(%dma_wait3A_155 : memref<80x128xf32, #tpu.memory_space<vmem>>) dst(%dma_wait3A_161 : memref<10240x128xf32, #tpu.memory_space<vmem_shared>>)
        } else {
        }
        %add3A_138 = arith.constant 1 : i32
        %add3A_139 = arith.addi %add3A_104, %add3A_138 : i32
        %mul3A_140 = arith.constant 80 : i32
        %mul3A_141 = arith.muli %add3A_139, %mul3A_140 : i32
        %dma_start3A_142 = arith.constant 0 : i32
        %dma_start3A_143 = arith.constant 0 : i32
        %dma_start3A_144 = arith.constant 0 : i32
        %dma_start3A_145 = tpu.memref_slice %arg9[%dma_start3A_142, %dma_start3A_143, %dma_start3A_144] : memref<2x80x128xf32, #tpu.memory_space<vmem>> -> memref<1x80x128xf32, #tpu.memory_space<vmem>>
        %dma_start3A_146 = tpu.memref_squeeze %dma_start3A_145 : memref<1x80x128xf32, #tpu.memory_space<vmem>> -> memref<80x128xf32, #tpu.memory_space<vmem>>
        %dma_start3A_147 = tpu.memref_slice %arg7[%mul3A_141] : memref<10000xi32, #tpu.memory_space<vmem>> -> memref<80xi32, #tpu.memory_space<vmem>>
        %dma_start3A_148 = arith.constant 0 : i32
        %dma_start3A_149 = arith.constant 0 : i32
        %dma_start3A_150 = tpu.memref_slice %arg2[%dma_start3A_148, %dma_start3A_149] : memref<10000x128xf32, #tpu.memory_space<hbm>> -> memref<10000x128xf32, #tpu.memory_space<hbm>>
        tpu.enqueue_indirect_dma source(%dma_start3A_150 : memref<10000x128xf32, #tpu.memory_space<hbm>>) target(%dma_start3A_146 : memref<80x128xf32, #tpu.memory_space<vmem>>) offsets(%dma_start3A_147 : memref<80xi32, #tpu.memory_space<vmem>>) semaphore(%arg11 : memref<!tpu.dma_semaphore, #tpu.memory_space<semaphore_mem>>)
      } else {
      }
    }
    %scan3A_18 = arith.constant 62 : i32
    %dma_wait3A = arith.constant 0 : i32
    %dma_wait3A_19 = arith.constant 0 : i32
    %dma_wait3A_20 = arith.constant 0 : i32
    %dma_wait3A_21 = tpu.memref_slice %arg9[%dma_wait3A, %dma_wait3A_19, %dma_wait3A_20] : memref<2x80x128xf32, #tpu.memory_space<vmem>> -> memref<1x80x128xf32, #tpu.memory_space<vmem>>
    %dma_wait3A_22 = tpu.memref_squeeze %dma_wait3A_21 : memref<1x80x128xf32, #tpu.memory_space<vmem>> -> memref<80x128xf32, #tpu.memory_space<vmem>>
    %dma_wait3A_23 = arith.constant 9920 : i32
    %dma_wait3A_24 = tpu.memref_slice %arg7[%dma_wait3A_23] : memref<10000xi32, #tpu.memory_space<vmem>> -> memref<80xi32, #tpu.memory_space<vmem>>
    %dma_wait3A_25 = arith.constant 0 : i32
    %dma_wait3A_26 = arith.constant 0 : i32
    %dma_wait3A_27 = tpu.memref_slice %arg2[%dma_wait3A_25, %dma_wait3A_26] : memref<10000x128xf32, #tpu.memory_space<hbm>> -> memref<10000x128xf32, #tpu.memory_space<hbm>>
    tpu.wait_indirect_dma semaphore(%arg11 : memref<!tpu.dma_semaphore, #tpu.memory_space<semaphore_mem>>) src(%dma_wait3A_27 : memref<10000x128xf32, #tpu.memory_space<hbm>>) dst(%dma_wait3A_22 : memref<80x128xf32, #tpu.memory_space<vmem>>)
    %dma_start3A_28 = arith.constant 0 : i32
    %dma_start3A_29 = arith.constant 124 : i32
    %dma_start3A_30 = arith.constant 0 : i32
    %dma_start3A_31 = arith.constant 0 : i32
    %dma_start3A_32 = tpu.memref_slice %arg9[%dma_start3A_28, %dma_start3A_30, %dma_start3A_31] : memref<2x80x128xf32, #tpu.memory_space<vmem>> -> memref<1x80x128xf32, #tpu.memory_space<vmem>>
    %dma_start3A_33 = tpu.memref_squeeze %dma_start3A_32 : memref<1x80x128xf32, #tpu.memory_space<vmem>> -> memref<80x128xf32, #tpu.memory_space<vmem>>
    %dma_start3A_34 = arith.constant 0 : i32
    %dma_start3A_35 = tpu.memref_slice %arg8[%dma_start3A_29, %dma_start3A_34] : memref<125x80xi32, #tpu.memory_space<vmem>> -> memref<1x80xi32, #tpu.memory_space<vmem>>
    %dma_start3A_36 = tpu.memref_squeeze %dma_start3A_35 : memref<1x80xi32, #tpu.memory_space<vmem>> -> memref<80xi32, #tpu.memory_space<vmem>>
    %dma_start3A_37 = arith.constant 0 : i32
    %dma_start3A_38 = arith.constant 0 : i32
    %dma_start3A_39 = tpu.memref_slice %arg10[%dma_start3A_37, %dma_start3A_38] : memref<10240x128xf32, #tpu.memory_space<vmem_shared>> -> memref<10240x128xf32, #tpu.memory_space<vmem_shared>>
    tpu.enqueue_indirect_dma source(%dma_start3A_33 : memref<80x128xf32, #tpu.memory_space<vmem>>) target(%dma_start3A_39 : memref<10240x128xf32, #tpu.memory_space<vmem_shared>>) offsets(%dma_start3A_36 : memref<80xi32, #tpu.memory_space<vmem>>) semaphore(%arg13 : memref<!tpu.dma_semaphore, #tpu.memory_space<semaphore_mem>>) {add = true}
    %dma_wait3A_40 = arith.constant 0 : i32
    %dma_wait3A_41 = arith.constant 0 : i32
    %dma_wait3A_42 = arith.constant 0 : i32
    %dma_wait3A_43 = arith.constant 0 : i32
    %dma_wait3A_44 = tpu.memref_slice %arg9[%dma_wait3A_40, %dma_wait3A_42, %dma_wait3A_43] : memref<2x80x128xf32, #tpu.memory_space<vmem>> -> memref<1x80x128xf32, #tpu.memory_space<vmem>>
    %dma_wait3A_45 = tpu.memref_squeeze %dma_wait3A_44 : memref<1x80x128xf32, #tpu.memory_space<vmem>> -> memref<80x128xf32, #tpu.memory_space<vmem>>
    %dma_wait3A_46 = arith.constant 0 : i32
    %dma_wait3A_47 = tpu.memref_slice %arg8[%dma_wait3A_41, %dma_wait3A_46] : memref<125x80xi32, #tpu.memory_space<vmem>> -> memref<1x80xi32, #tpu.memory_space<vmem>>
    %dma_wait3A_48 = tpu.memref_squeeze %dma_wait3A_47 : memref<1x80xi32, #tpu.memory_space<vmem>> -> memref<80xi32, #tpu.memory_space<vmem>>
    %dma_wait3A_49 = arith.constant 0 : i32
    %dma_wait3A_50 = arith.constant 0 : i32
    %dma_wait3A_51 = tpu.memref_slice %arg10[%dma_wait3A_49, %dma_wait3A_50] : memref<10240x128xf32, #tpu.memory_space<vmem_shared>> -> memref<10240x128xf32, #tpu.memory_space<vmem_shared>>
    tpu.wait_indirect_dma semaphore(%arg13 : memref<!tpu.dma_semaphore, #tpu.memory_space<semaphore_mem>>) src(%dma_wait3A_45 : memref<80x128xf32, #tpu.memory_space<vmem>>) dst(%dma_wait3A_51 : memref<10240x128xf32, #tpu.memory_space<vmem_shared>>)
    %dma_wait3A_52 = arith.constant 1 : i32
    %dma_wait3A_53 = arith.constant 0 : i32
    %dma_wait3A_54 = arith.constant 0 : i32
    %dma_wait3A_55 = arith.constant 0 : i32
    %dma_wait3A_56 = tpu.memref_slice %arg9[%dma_wait3A_52, %dma_wait3A_54, %dma_wait3A_55] : memref<2x80x128xf32, #tpu.memory_space<vmem>> -> memref<1x80x128xf32, #tpu.memory_space<vmem>>
    %dma_wait3A_57 = tpu.memref_squeeze %dma_wait3A_56 : memref<1x80x128xf32, #tpu.memory_space<vmem>> -> memref<80x128xf32, #tpu.memory_space<vmem>>
    %dma_wait3A_58 = arith.constant 0 : i32
    %dma_wait3A_59 = tpu.memref_slice %arg8[%dma_wait3A_53, %dma_wait3A_58] : memref<125x80xi32, #tpu.memory_space<vmem>> -> memref<1x80xi32, #tpu.memory_space<vmem>>
    %dma_wait3A_60 = tpu.memref_squeeze %dma_wait3A_59 : memref<1x80xi32, #tpu.memory_space<vmem>> -> memref<80xi32, #tpu.memory_space<vmem>>
    %dma_wait3A_61 = arith.constant 0 : i32
    %dma_wait3A_62 = arith.constant 0 : i32
    %dma_wait3A_63 = tpu.memref_slice %arg10[%dma_wait3A_61, %dma_wait3A_62] : memref<10240x128xf32, #tpu.memory_space<vmem_shared>> -> memref<10240x128xf32, #tpu.memory_space<vmem_shared>>
    tpu.wait_indirect_dma semaphore(%arg14 : memref<!tpu.dma_semaphore, #tpu.memory_space<semaphore_mem>>) src(%dma_wait3A_57 : memref<80x128xf32, #tpu.memory_space<vmem>>) dst(%dma_wait3A_63 : memref<10240x128xf32, #tpu.memory_space<vmem_shared>>)
    %barrier3A_64 = arith.constant 0 : index
    tpu.barrier barrier_id(%barrier3A_64)
    %mul3A_65 = arith.constant 640 : i32
    %mul3A_66 = arith.muli %arg1, %mul3A_65 : i32
    %mul3A_67 = arith.constant 10240 : i32
    %mul3A_68 = arith.muli %arg0, %mul3A_67 : i32
    %mul3A_69 = arith.constant 640 : i32
    %mul3A_70 = arith.muli %arg1, %mul3A_69 : i32
    %add3A_71 = arith.addi %mul3A_68, %mul3A_70 : i32
    "tpu.region"() ({
      %run_scoped3A = tpu.sem_alloc : memref<!tpu.dma_semaphore, #tpu.memory_space<semaphore_mem>>
      %dma_start3A_72 = arith.constant 0 : i32
      %dma_start3A_73 = tpu.memref_slice %arg6[%add3A_71, %dma_start3A_72] : memref<20480x128xf32, #tpu.memory_space<hbm>> -> memref<640x128xf32, #tpu.memory_space<hbm>>
      %dma_start3A_74 = arith.constant 0 : i32
      %dma_start3A_75 = tpu.memref_slice %arg10[%mul3A_66, %dma_start3A_74] : memref<10240x128xf32, #tpu.memory_space<vmem_shared>> -> memref<640x128xf32, #tpu.memory_space<vmem_shared>>
      tpu.enqueue_dma source(%dma_start3A_75 : memref<640x128xf32, #tpu.memory_space<vmem_shared>>) target(%dma_start3A_73 : memref<640x128xf32, #tpu.memory_space<hbm>>) target_semaphore(%run_scoped3A : memref<!tpu.dma_semaphore, #tpu.memory_space<semaphore_mem>>)
      %dma_wait3A_76 = arith.constant 0 : i32
      %dma_wait3A_77 = tpu.memref_slice %arg6[%add3A_71, %dma_wait3A_76] : memref<20480x128xf32, #tpu.memory_space<hbm>> -> memref<640x128xf32, #tpu.memory_space<hbm>>
      %dma_wait3A_78 = arith.constant 0 : i32
      %dma_wait3A_79 = tpu.memref_slice %arg10[%mul3A_66, %dma_wait3A_78] : memref<10240x128xf32, #tpu.memory_space<vmem_shared>> -> memref<640x128xf32, #tpu.memory_space<vmem_shared>>
      tpu.wait_dma2 semaphore(%run_scoped3A : memref<!tpu.dma_semaphore, #tpu.memory_space<semaphore_mem>>) src(%dma_wait3A_79 : memref<640x128xf32, #tpu.memory_space<vmem_shared>>) dst(%dma_wait3A_77 : memref<640x128xf32, #tpu.memory_space<hbm>>)
      tpu.yield
    }) : () -> ()
    return
  }
}

#map = affine_map<(d0, d1) -> (0, 0)>
#map1 = affine_map<(d0, d1) -> (0)>
#map2 = affine_map<(d0, d1) -> (0, 0, 0)>
module attributes {stable_mosaic.version = 14 : i64} {
  func.func @_spmm_body(%arg0: i32, %arg1: i32, %arg2: memref<10000x128xf32, #tpu.memory_space<hbm>>, %arg3: memref<320000xi32, #tpu.memory_space<hbm>>, %arg4: memref<32x125x80xi32, #tpu.memory_space<hbm>>, %arg5: memref<640x128xf32, #tpu.memory_space<hbm>>, %arg6: memref<20480x128xf32, #tpu.memory_space<hbm>>, %arg7: memref<10000xi32, #tpu.memory_space<vmem>>, %arg8: memref<125x80xi32, #tpu.memory_space<vmem>>, %arg9: memref<2x80x128xf32, #tpu.memory_space<vmem>>, %arg10: memref<10240x128xf32, #tpu.memory_space<vmem_shared>>, %arg11: memref<!tpu.dma_semaphore, #tpu.memory_space<semaphore_mem>>, %arg12: memref<!tpu.dma_semaphore, #tpu.memory_space<semaphore_mem>>, %arg13: memref<!tpu.dma_semaphore, #tpu.memory_space<semaphore_mem>>, %arg14: memref<!tpu.dma_semaphore, #tpu.memory_space<semaphore_mem>>) attributes {dimension_semantics = [#tpu.dimension_semantics<core_parallel>, #tpu.dimension_semantics<subcore_parallel>], iteration_bounds = array<i64: 2, 16>, scalar_prefetch = 0 : i64, scratch_operands = 8 : i64, tpu.core_type = #tpu.core_type<sc_vector_subcore>, window_params = [{transform_indices = #map}, {transform_indices = #map1}, {transform_indices = #map2}, {transform_indices = #map}, {transform_indices = #map}]} {
    %mul3A = arith.constant 16 : i32
    %mul3A_0 = arith.muli %arg0, %mul3A : i32
    %add3A = arith.addi %mul3A_0, %arg1 : i32
    %mul3A_1 = arith.constant 10000 : i32
    %mul3A_2 = arith.muli %add3A, %mul3A_1 : i32
    "tpu.region"() ({
      %run_scoped3A = tpu.sem_alloc : memref<!tpu.dma_semaphore, #tpu.memory_space<semaphore_mem>>
      %dma_start3A_72 = tpu.memref_slice %arg3[%mul3A_2] : memref<320000xi32, #tpu.memory_space<hbm>> -> memref<10000xi32, #tpu.memory_space<hbm>>
      %dma_start3A_73 = tpu.memref_slice %arg3[%mul3A_2] : memref<320000xi32, #tpu.memory_space<hbm>> -> memref<10000xi32, #tpu.memory_space<hbm>>
      tpu.enqueue_dma source(%dma_start3A_73 : memref<10000xi32, #tpu.memory_space<hbm>>) target(%arg7 : memref<10000xi32, #tpu.memory_space<vmem>>) target_semaphore(%run_scoped3A : memref<!tpu.dma_semaphore, #tpu.memory_space<semaphore_mem>>)
      %dma_wait3A_74 = tpu.memref_slice %arg3[%mul3A_2] : memref<320000xi32, #tpu.memory_space<hbm>> -> memref<10000xi32, #tpu.memory_space<hbm>>
      %dma_wait3A_75 = tpu.memref_slice %arg3[%mul3A_2] : memref<320000xi32, #tpu.memory_space<hbm>> -> memref<10000xi32, #tpu.memory_space<hbm>>
      tpu.wait_dma2 semaphore(%run_scoped3A : memref<!tpu.dma_semaphore, #tpu.memory_space<semaphore_mem>>) src(%dma_wait3A_75 : memref<10000xi32, #tpu.memory_space<hbm>>) dst(%arg7 : memref<10000xi32, #tpu.memory_space<vmem>>)
      tpu.yield
    }) : () -> ()
    "tpu.region"() ({
      %run_scoped3A = tpu.sem_alloc : memref<!tpu.dma_semaphore, #tpu.memory_space<semaphore_mem>>
      %dma_start3A_72 = arith.constant 0 : i32
      %dma_start3A_73 = arith.constant 0 : i32
      %dma_start3A_74 = tpu.memref_slice %arg4[%add3A, %dma_start3A_72, %dma_start3A_73] : memref<32x125x80xi32, #tpu.memory_space<hbm>> -> memref<1x125x80xi32, #tpu.memory_space<hbm>>
      %dma_start3A_75 = tpu.memref_squeeze %dma_start3A_74 : memref<1x125x80xi32, #tpu.memory_space<hbm>> -> memref<125x80xi32, #tpu.memory_space<hbm>>
      %dma_start3A_76 = arith.constant 0 : i32
      %dma_start3A_77 = arith.constant 0 : i32
      %dma_start3A_78 = tpu.memref_slice %arg4[%add3A, %dma_start3A_76, %dma_start3A_77] : memref<32x125x80xi32, #tpu.memory_space<hbm>> -> memref<1x125x80xi32, #tpu.memory_space<hbm>>
      %dma_start3A_79 = tpu.memref_squeeze %dma_start3A_78 : memref<1x125x80xi32, #tpu.memory_space<hbm>> -> memref<125x80xi32, #tpu.memory_space<hbm>>
      tpu.enqueue_dma source(%dma_start3A_79 : memref<125x80xi32, #tpu.memory_space<hbm>>) target(%arg8 : memref<125x80xi32, #tpu.memory_space<vmem>>) target_semaphore(%run_scoped3A : memref<!tpu.dma_semaphore, #tpu.memory_space<semaphore_mem>>)
      %dma_wait3A_80 = arith.constant 0 : i32
      %dma_wait3A_81 = arith.constant 0 : i32
      %dma_wait3A_82 = tpu.memref_slice %arg4[%add3A, %dma_wait3A_80, %dma_wait3A_81] : memref<32x125x80xi32, #tpu.memory_space<hbm>> -> memref<1x125x80xi32, #tpu.memory_space<hbm>>
      %dma_wait3A_83 = tpu.memref_squeeze %dma_wait3A_82 : memref<1x125x80xi32, #tpu.memory_space<hbm>> -> memref<125x80xi32, #tpu.memory_space<hbm>>
      %dma_wait3A_84 = arith.constant 0 : i32
      %dma_wait3A_85 = arith.constant 0 : i32
      %dma_wait3A_86 = tpu.memref_slice %arg4[%add3A, %dma_wait3A_84, %dma_wait3A_85] : memref<32x125x80xi32, #tpu.memory_space<hbm>> -> memref<1x125x80xi32, #tpu.memory_space<hbm>>
      %dma_wait3A_87 = tpu.memref_squeeze %dma_wait3A_86 : memref<1x125x80xi32, #tpu.memory_space<hbm>> -> memref<125x80xi32, #tpu.memory_space<hbm>>
      tpu.wait_dma2 semaphore(%run_scoped3A : memref<!tpu.dma_semaphore, #tpu.memory_space<semaphore_mem>>) src(%dma_wait3A_87 : memref<125x80xi32, #tpu.memory_space<hbm>>) dst(%arg8 : memref<125x80xi32, #tpu.memory_space<vmem>>)
      tpu.yield
    }) : () -> ()
    %mul3A_3 = arith.constant 640 : i32
    %mul3A_4 = arith.muli %arg1, %mul3A_3 : i32
    "tpu.region"() ({
      %run_scoped3A = tpu.sem_alloc : memref<!tpu.dma_semaphore, #tpu.memory_space<semaphore_mem>>
      %dma_start3A_72 = arith.constant 0 : i32
      %dma_start3A_73 = tpu.memref_slice %arg10[%mul3A_4, %dma_start3A_72] : memref<10240x128xf32, #tpu.memory_space<vmem_shared>> -> memref<640x128xf32, #tpu.memory_space<vmem_shared>>
      tpu.enqueue_dma source(%arg5 : memref<640x128xf32, #tpu.memory_space<hbm>>) target(%dma_start3A_73 : memref<640x128xf32, #tpu.memory_space<vmem_shared>>) target_semaphore(%run_scoped3A : memref<!tpu.dma_semaphore, #tpu.memory_space<semaphore_mem>>)
      %dma_wait3A_74 = arith.constant 0 : i32
      %dma_wait3A_75 = tpu.memref_slice %arg10[%mul3A_4, %dma_wait3A_74] : memref<10240x128xf32, #tpu.memory_space<vmem_shared>> -> memref<640x128xf32, #tpu.memory_space<vmem_shared>>
      tpu.wait_dma2 semaphore(%run_scoped3A : memref<!tpu.dma_semaphore, #tpu.memory_space<semaphore_mem>>) src(%arg5 : memref<640x128xf32, #tpu.memory_space<hbm>>) dst(%dma_wait3A_75 : memref<640x128xf32, #tpu.memory_space<vmem_shared>>)
      tpu.yield
    }) : () -> ()
    %barrier3A = arith.constant 0 : index
    tpu.barrier barrier_id(%barrier3A)
    %dma_start3A = arith.constant 0 : i32
    %dma_start3A_5 = arith.constant 0 : i32
    %dma_start3A_6 = arith.constant 0 : i32
    %dma_start3A_7 = tpu.memref_slice %arg9[%dma_start3A, %dma_start3A_5, %dma_start3A_6] : memref<2x80x128xf32, #tpu.memory_space<vmem>> -> memref<1x80x128xf32, #tpu.memory_space<vmem>>
    %dma_start3A_8 = tpu.memref_squeeze %dma_start3A_7 : memref<1x80x128xf32, #tpu.memory_space<vmem>> -> memref<80x128xf32, #tpu.memory_space<vmem>>
    %dma_start3A_9 = arith.constant 0 : i32
    %dma_start3A_10 = tpu.memref_slice %arg7[%dma_start3A_9] : memref<10000xi32, #tpu.memory_space<vmem>> -> memref<80xi32, #tpu.memory_space<vmem>>
    %dma_start3A_11 = arith.constant 0 : i32
    %dma_start3A_12 = arith.constant 0 : i32
    %dma_start3A_13 = tpu.memref_slice %arg2[%dma_start3A_11, %dma_start3A_12] : memref<10000x128xf32, #tpu.memory_space<hbm>> -> memref<10000x128xf32, #tpu.memory_space<hbm>>
    tpu.enqueue_indirect_dma source(%dma_start3A_13 : memref<10000x128xf32, #tpu.memory_space<hbm>>) target(%dma_start3A_8 : memref<80x128xf32, #tpu.memory_space<vmem>>) offsets(%dma_start3A_10 : memref<80xi32, #tpu.memory_space<vmem>>) semaphore(%arg11 : memref<!tpu.dma_semaphore, #tpu.memory_space<semaphore_mem>>)
    %scan3A = arith.constant 0 : i32
    %scan3A_14 = arith.constant 0 : i32
    %scan3A_15 = arith.constant 62 : i32
    %scan3A_16 = arith.addi %scan3A_14, %scan3A_15 : i32
    %scan3A_17 = arith.constant 1 : i32
    scf.for %scan3A_72 = %scan3A_14 to %scan3A_16 step %scan3A_17  : i32 {
      %mul3A_73 = arith.constant 2 : i32
      %mul3A_74 = arith.muli %scan3A_72, %mul3A_73 : i32
      %mul3A_75 = arith.constant 80 : i32
      %mul3A_76 = arith.muli %mul3A_74, %mul3A_75 : i32
      %dma_wait3A_77 = arith.constant 0 : i32
      %dma_wait3A_78 = arith.constant 0 : i32
      %dma_wait3A_79 = arith.constant 0 : i32
      %dma_wait3A_80 = tpu.memref_slice %arg9[%dma_wait3A_77, %dma_wait3A_78, %dma_wait3A_79] : memref<2x80x128xf32, #tpu.memory_space<vmem>> -> memref<1x80x128xf32, #tpu.memory_space<vmem>>
      %dma_wait3A_81 = tpu.memref_squeeze %dma_wait3A_80 : memref<1x80x128xf32, #tpu.memory_space<vmem>> -> memref<80x128xf32, #tpu.memory_space<vmem>>
      %dma_wait3A_82 = tpu.memref_slice %arg7[%mul3A_76] : memref<10000xi32, #tpu.memory_space<vmem>> -> memref<80xi32, #tpu.memory_space<vmem>>
      %dma_wait3A_83 = arith.constant 0 : i32
      %dma_wait3A_84 = arith.constant 0 : i32
      %dma_wait3A_85 = tpu.memref_slice %arg2[%dma_wait3A_83, %dma_wait3A_84] : memref<10000x128xf32, #tpu.memory_space<hbm>> -> memref<10000x128xf32, #tpu.memory_space<hbm>>
      tpu.wait_indirect_dma semaphore(%arg11 : memref<!tpu.dma_semaphore, #tpu.memory_space<semaphore_mem>>) src(%dma_wait3A_85 : memref<10000x128xf32, #tpu.memory_space<hbm>>) dst(%dma_wait3A_81 : memref<80x128xf32, #tpu.memory_space<vmem>>)
      %dma_start3A_86 = arith.constant 0 : i32
      %dma_start3A_87 = arith.constant 0 : i32
      %dma_start3A_88 = arith.constant 0 : i32
      %dma_start3A_89 = tpu.memref_slice %arg9[%dma_start3A_86, %dma_start3A_87, %dma_start3A_88] : memref<2x80x128xf32, #tpu.memory_space<vmem>> -> memref<1x80x128xf32, #tpu.memory_space<vmem>>
      %dma_start3A_90 = tpu.memref_squeeze %dma_start3A_89 : memref<1x80x128xf32, #tpu.memory_space<vmem>> -> memref<80x128xf32, #tpu.memory_space<vmem>>
      %dma_start3A_91 = arith.constant 0 : i32
      %dma_start3A_92 = tpu.memref_slice %arg8[%mul3A_74, %dma_start3A_91] : memref<125x80xi32, #tpu.memory_space<vmem>> -> memref<1x80xi32, #tpu.memory_space<vmem>>
      %dma_start3A_93 = tpu.memref_squeeze %dma_start3A_92 : memref<1x80xi32, #tpu.memory_space<vmem>> -> memref<80xi32, #tpu.memory_space<vmem>>
      %dma_start3A_94 = arith.constant 0 : i32
      %dma_start3A_95 = arith.constant 0 : i32
      %dma_start3A_96 = tpu.memref_slice %arg10[%dma_start3A_94, %dma_start3A_95] : memref<10240x128xf32, #tpu.memory_space<vmem_shared>> -> memref<10240x128xf32, #tpu.memory_space<vmem_shared>>
      tpu.enqueue_indirect_dma source(%dma_start3A_90 : memref<80x128xf32, #tpu.memory_space<vmem>>) target(%dma_start3A_96 : memref<10240x128xf32, #tpu.memory_space<vmem_shared>>) offsets(%dma_start3A_93 : memref<80xi32, #tpu.memory_space<vmem>>) semaphore(%arg13 : memref<!tpu.dma_semaphore, #tpu.memory_space<semaphore_mem>>) {add = true}
      %add3A_97 = arith.constant 1 : i32
      %add3A_98 = arith.addi %mul3A_74, %add3A_97 : i32
      %lt3A = arith.constant 125 : i32
      %lt3A_99 = arith.cmpi slt, %add3A_98, %lt3A : i32
      %convert_element_type3A = arith.extui %lt3A_99 : i1 to i32
      %cond3A = arith.constant 0 : i32
      %cond3A_100 = arith.cmpi ne, %convert_element_type3A, %cond3A : i32
      scf.if %cond3A_100 {
        %ge3A = arith.constant 1 : i32
        %ge3A_134 = arith.cmpi sge, %mul3A_74, %ge3A : i32
        %convert_element_type3A_135 = arith.extui %ge3A_134 : i1 to i32
        %cond3A_136 = arith.constant 0 : i32
        %cond3A_137 = arith.cmpi ne, %convert_element_type3A_135, %cond3A_136 : i32
        scf.if %cond3A_137 {
          %dma_wait3A_151 = arith.constant 1 : i32
          %dma_wait3A_152 = arith.constant 0 : i32
          %dma_wait3A_153 = arith.constant 0 : i32
          %dma_wait3A_154 = tpu.memref_slice %arg9[%dma_wait3A_151, %dma_wait3A_152, %dma_wait3A_153] : memref<2x80x128xf32, #tpu.memory_space<vmem>> -> memref<1x80x128xf32, #tpu.memory_space<vmem>>
          %dma_wait3A_155 = tpu.memref_squeeze %dma_wait3A_154 : memref<1x80x128xf32, #tpu.memory_space<vmem>> -> memref<80x128xf32, #tpu.memory_space<vmem>>
          %dma_wait3A_156 = arith.constant 0 : i32
          %dma_wait3A_157 = tpu.memref_slice %arg8[%mul3A_74, %dma_wait3A_156] : memref<125x80xi32, #tpu.memory_space<vmem>> -> memref<1x80xi32, #tpu.memory_space<vmem>>
          %dma_wait3A_158 = tpu.memref_squeeze %dma_wait3A_157 : memref<1x80xi32, #tpu.memory_space<vmem>> -> memref<80xi32, #tpu.memory_space<vmem>>
          %dma_wait3A_159 = arith.constant 0 : i32
          %dma_wait3A_160 = arith.constant 0 : i32
          %dma_wait3A_161 = tpu.memref_slice %arg10[%dma_wait3A_159, %dma_wait3A_160] : memref<10240x128xf32, #tpu.memory_space<vmem_shared>> -> memref<10240x128xf32, #tpu.memory_space<vmem_shared>>
          tpu.wait_indirect_dma semaphore(%arg14 : memref<!tpu.dma_semaphore, #tpu.memory_space<semaphore_mem>>) src(%dma_wait3A_155 : memref<80x128xf32, #tpu.memory_space<vmem>>) dst(%dma_wait3A_161 : memref<10240x128xf32, #tpu.memory_space<vmem_shared>>)
        } else {
        }
        %add3A_138 = arith.constant 1 : i32
        %add3A_139 = arith.addi %mul3A_74, %add3A_138 : i32
        %mul3A_140 = arith.constant 80 : i32
        %mul3A_141 = arith.muli %add3A_139, %mul3A_140 : i32
        %dma_start3A_142 = arith.constant 1 : i32
        %dma_start3A_143 = arith.constant 0 : i32
        %dma_start3A_144 = arith.constant 0 : i32
        %dma_start3A_145 = tpu.memref_slice %arg9[%dma_start3A_142, %dma_start3A_143, %dma_start3A_144] : memref<2x80x128xf32, #tpu.memory_space<vmem>> -> memref<1x80x128xf32, #tpu.memory_space<vmem>>
        %dma_start3A_146 = tpu.memref_squeeze %dma_start3A_145 : memref<1x80x128xf32, #tpu.memory_space<vmem>> -> memref<80x128xf32, #tpu.memory_space<vmem>>
        %dma_start3A_147 = tpu.memref_slice %arg7[%mul3A_141] : memref<10000xi32, #tpu.memory_space<vmem>> -> memref<80xi32, #tpu.memory_space<vmem>>
        %dma_start3A_148 = arith.constant 0 : i32
        %dma_start3A_149 = arith.constant 0 : i32
        %dma_start3A_150 = tpu.memref_slice %arg2[%dma_start3A_148, %dma_start3A_149] : memref<10000x128xf32, #tpu.memory_space<hbm>> -> memref<10000x128xf32, #tpu.memory_space<hbm>>
        tpu.enqueue_indirect_dma source(%dma_start3A_150 : memref<10000x128xf32, #tpu.memory_space<hbm>>) target(%dma_start3A_146 : memref<80x128xf32, #tpu.memory_space<vmem>>) offsets(%dma_start3A_147 : memref<80xi32, #tpu.memory_space<vmem>>) semaphore(%arg12 : memref<!tpu.dma_semaphore, #tpu.memory_space<semaphore_mem>>)
      } else {
      }
      %mul3A_101 = arith.constant 2 : i32
      %mul3A_102 = arith.muli %scan3A_72, %mul3A_101 : i32
      %add3A_103 = arith.constant 1 : i32
      %add3A_104 = arith.addi %mul3A_102, %add3A_103 : i32
      %mul3A_105 = arith.constant 80 : i32
      %mul3A_106 = arith.muli %add3A_104, %mul3A_105 : i32
      %dma_wait3A_107 = arith.constant 1 : i32
      %dma_wait3A_108 = arith.constant 0 : i32
      %dma_wait3A_109 = arith.constant 0 : i32
      %dma_wait3A_110 = tpu.memref_slice %arg9[%dma_wait3A_107, %dma_wait3A_108, %dma_wait3A_109] : memref<2x80x128xf32, #tpu.memory_space<vmem>> -> memref<1x80x128xf32, #tpu.memory_space<vmem>>
      %dma_wait3A_111 = tpu.memref_squeeze %dma_wait3A_110 : memref<1x80x128xf32, #tpu.memory_space<vmem>> -> memref<80x128xf32, #tpu.memory_space<vmem>>
      %dma_wait3A_112 = tpu.memref_slice %arg7[%mul3A_106] : memref<10000xi32, #tpu.memory_space<vmem>> -> memref<80xi32, #tpu.memory_space<vmem>>
      %dma_wait3A_113 = arith.constant 0 : i32
      %dma_wait3A_114 = arith.constant 0 : i32
      %dma_wait3A_115 = tpu.memref_slice %arg2[%dma_wait3A_113, %dma_wait3A_114] : memref<10000x128xf32, #tpu.memory_space<hbm>> -> memref<10000x128xf32, #tpu.memory_space<hbm>>
      tpu.wait_indirect_dma semaphore(%arg12 : memref<!tpu.dma_semaphore, #tpu.memory_space<semaphore_mem>>) src(%dma_wait3A_115 : memref<10000x128xf32, #tpu.memory_space<hbm>>) dst(%dma_wait3A_111 : memref<80x128xf32, #tpu.memory_space<vmem>>)
      %dma_start3A_116 = arith.constant 1 : i32
      %dma_start3A_117 = arith.constant 0 : i32
      %dma_start3A_118 = arith.constant 0 : i32
      %dma_start3A_119 = tpu.memref_slice %arg9[%dma_start3A_116, %dma_start3A_117, %dma_start3A_118] : memref<2x80x128xf32, #tpu.memory_space<vmem>> -> memref<1x80x128xf32, #tpu.memory_space<vmem>>
      %dma_start3A_120 = tpu.memref_squeeze %dma_start3A_119 : memref<1x80x128xf32, #tpu.memory_space<vmem>> -> memref<80x128xf32, #tpu.memory_space<vmem>>
      %dma_start3A_121 = arith.constant 0 : i32
      %dma_start3A_122 = tpu.memref_slice %arg8[%add3A_104, %dma_start3A_121] : memref<125x80xi32, #tpu.memory_space<vmem>> -> memref<1x80xi32, #tpu.memory_space<vmem>>
      %dma_start3A_123 = tpu.memref_squeeze %dma_start3A_122 : memref<1x80xi32, #tpu.memory_space<vmem>> -> memref<80xi32, #tpu.memory_space<vmem>>
      %dma_start3A_124 = arith.constant 0 : i32
      %dma_start3A_125 = arith.constant 0 : i32
      %dma_start3A_126 = tpu.memref_slice %arg10[%dma_start3A_124, %dma_start3A_125] : memref<10240x128xf32, #tpu.memory_space<vmem_shared>> -> memref<10240x128xf32, #tpu.memory_space<vmem_shared>>
      tpu.enqueue_indirect_dma source(%dma_start3A_120 : memref<80x128xf32, #tpu.memory_space<vmem>>) target(%dma_start3A_126 : memref<10240x128xf32, #tpu.memory_space<vmem_shared>>) offsets(%dma_start3A_123 : memref<80xi32, #tpu.memory_space<vmem>>) semaphore(%arg14 : memref<!tpu.dma_semaphore, #tpu.memory_space<semaphore_mem>>) {add = true}
      %add3A_127 = arith.constant 1 : i32
      %add3A_128 = arith.addi %add3A_104, %add3A_127 : i32
      %lt3A_129 = arith.constant 125 : i32
      %lt3A_130 = arith.cmpi slt, %add3A_128, %lt3A_129 : i32
      %convert_element_type3A_131 = arith.extui %lt3A_130 : i1 to i32
      %cond3A_132 = arith.constant 0 : i32
      %cond3A_133 = arith.cmpi ne, %convert_element_type3A_131, %cond3A_132 : i32
      scf.if %cond3A_133 {
        %ge3A = arith.constant 1 : i32
        %ge3A_134 = arith.cmpi sge, %add3A_104, %ge3A : i32
        %convert_element_type3A_135 = arith.extui %ge3A_134 : i1 to i32
        %cond3A_136 = arith.constant 0 : i32
        %cond3A_137 = arith.cmpi ne, %convert_element_type3A_135, %cond3A_136 : i32
        scf.if %cond3A_137 {
          %dma_wait3A_151 = arith.constant 0 : i32
          %dma_wait3A_152 = arith.constant 0 : i32
          %dma_wait3A_153 = arith.constant 0 : i32
          %dma_wait3A_154 = tpu.memref_slice %arg9[%dma_wait3A_151, %dma_wait3A_152, %dma_wait3A_153] : memref<2x80x128xf32, #tpu.memory_space<vmem>> -> memref<1x80x128xf32, #tpu.memory_space<vmem>>
          %dma_wait3A_155 = tpu.memref_squeeze %dma_wait3A_154 : memref<1x80x128xf32, #tpu.memory_space<vmem>> -> memref<80x128xf32, #tpu.memory_space<vmem>>
          %dma_wait3A_156 = arith.constant 0 : i32
          %dma_wait3A_157 = tpu.memref_slice %arg8[%add3A_104, %dma_wait3A_156] : memref<125x80xi32, #tpu.memory_space<vmem>> -> memref<1x80xi32, #tpu.memory_space<vmem>>
          %dma_wait3A_158 = tpu.memref_squeeze %dma_wait3A_157 : memref<1x80xi32, #tpu.memory_space<vmem>> -> memref<80xi32, #tpu.memory_space<vmem>>
          %dma_wait3A_159 = arith.constant 0 : i32
          %dma_wait3A_160 = arith.constant 0 : i32
          %dma_wait3A_161 = tpu.memref_slice %arg10[%dma_wait3A_159, %dma_wait3A_160] : memref<10240x128xf32, #tpu.memory_space<vmem_shared>> -> memref<10240x128xf32, #tpu.memory_space<vmem_shared>>
          tpu.wait_indirect_dma semaphore(%arg13 : memref<!tpu.dma_semaphore, #tpu.memory_space<semaphore_mem>>) src(%dma_wait3A_155 : memref<80x128xf32, #tpu.memory_space<vmem>>) dst(%dma_wait3A_161 : memref<10240x128xf32, #tpu.memory_space<vmem_shared>>)
        } else {
        }
        %add3A_138 = arith.constant 1 : i32
        %add3A_139 = arith.addi %add3A_104, %add3A_138 : i32
        %mul3A_140 = arith.constant 80 : i32
        %mul3A_141 = arith.muli %add3A_139, %mul3A_140 : i32
        %dma_start3A_142 = arith.constant 0 : i32
        %dma_start3A_143 = arith.constant 0 : i32
        %dma_start3A_144 = arith.constant 0 : i32
        %dma_start3A_145 = tpu.memref_slice %arg9[%dma_start3A_142, %dma_start3A_143, %dma_start3A_144] : memref<2x80x128xf32, #tpu.memory_space<vmem>> -> memref<1x80x128xf32, #tpu.memory_space<vmem>>
        %dma_start3A_146 = tpu.memref_squeeze %dma_start3A_145 : memref<1x80x128xf32, #tpu.memory_space<vmem>> -> memref<80x128xf32, #tpu.memory_space<vmem>>
        %dma_start3A_147 = tpu.memref_slice %arg7[%mul3A_141] : memref<10000xi32, #tpu.memory_space<vmem>> -> memref<80xi32, #tpu.memory_space<vmem>>
        %dma_start3A_148 = arith.constant 0 : i32
        %dma_start3A_149 = arith.constant 0 : i32
        %dma_start3A_150 = tpu.memref_slice %arg2[%dma_start3A_148, %dma_start3A_149] : memref<10000x128xf32, #tpu.memory_space<hbm>> -> memref<10000x128xf32, #tpu.memory_space<hbm>>
        tpu.enqueue_indirect_dma source(%dma_start3A_150 : memref<10000x128xf32, #tpu.memory_space<hbm>>) target(%dma_start3A_146 : memref<80x128xf32, #tpu.memory_space<vmem>>) offsets(%dma_start3A_147 : memref<80xi32, #tpu.memory_space<vmem>>) semaphore(%arg11 : memref<!tpu.dma_semaphore, #tpu.memory_space<semaphore_mem>>)
      } else {
      }
    }
    %scan3A_18 = arith.constant 62 : i32
    %dma_wait3A = arith.constant 0 : i32
    %dma_wait3A_19 = arith.constant 0 : i32
    %dma_wait3A_20 = arith.constant 0 : i32
    %dma_wait3A_21 = tpu.memref_slice %arg9[%dma_wait3A, %dma_wait3A_19, %dma_wait3A_20] : memref<2x80x128xf32, #tpu.memory_space<vmem>> -> memref<1x80x128xf32, #tpu.memory_space<vmem>>
    %dma_wait3A_22 = tpu.memref_squeeze %dma_wait3A_21 : memref<1x80x128xf32, #tpu.memory_space<vmem>> -> memref<80x128xf32, #tpu.memory_space<vmem>>
    %dma_wait3A_23 = arith.constant 9920 : i32
    %dma_wait3A_24 = tpu.memref_slice %arg7[%dma_wait3A_23] : memref<10000xi32, #tpu.memory_space<vmem>> -> memref<80xi32, #tpu.memory_space<vmem>>
    %dma_wait3A_25 = arith.constant 0 : i32
    %dma_wait3A_26 = arith.constant 0 : i32
    %dma_wait3A_27 = tpu.memref_slice %arg2[%dma_wait3A_25, %dma_wait3A_26] : memref<10000x128xf32, #tpu.memory_space<hbm>> -> memref<10000x128xf32, #tpu.memory_space<hbm>>
    tpu.wait_indirect_dma semaphore(%arg11 : memref<!tpu.dma_semaphore, #tpu.memory_space<semaphore_mem>>) src(%dma_wait3A_27 : memref<10000x128xf32, #tpu.memory_space<hbm>>) dst(%dma_wait3A_22 : memref<80x128xf32, #tpu.memory_space<vmem>>)
    %dma_start3A_28 = arith.constant 0 : i32
    %dma_start3A_29 = arith.constant 124 : i32
    %dma_start3A_30 = arith.constant 0 : i32
    %dma_start3A_31 = arith.constant 0 : i32
    %dma_start3A_32 = tpu.memref_slice %arg9[%dma_start3A_28, %dma_start3A_30, %dma_start3A_31] : memref<2x80x128xf32, #tpu.memory_space<vmem>> -> memref<1x80x128xf32, #tpu.memory_space<vmem>>
    %dma_start3A_33 = tpu.memref_squeeze %dma_start3A_32 : memref<1x80x128xf32, #tpu.memory_space<vmem>> -> memref<80x128xf32, #tpu.memory_space<vmem>>
    %dma_start3A_34 = arith.constant 0 : i32
    %dma_start3A_35 = tpu.memref_slice %arg8[%dma_start3A_29, %dma_start3A_34] : memref<125x80xi32, #tpu.memory_space<vmem>> -> memref<1x80xi32, #tpu.memory_space<vmem>>
    %dma_start3A_36 = tpu.memref_squeeze %dma_start3A_35 : memref<1x80xi32, #tpu.memory_space<vmem>> -> memref<80xi32, #tpu.memory_space<vmem>>
    %dma_start3A_37 = arith.constant 0 : i32
    %dma_start3A_38 = arith.constant 0 : i32
    %dma_start3A_39 = tpu.memref_slice %arg10[%dma_start3A_37, %dma_start3A_38] : memref<10240x128xf32, #tpu.memory_space<vmem_shared>> -> memref<10240x128xf32, #tpu.memory_space<vmem_shared>>
    tpu.enqueue_indirect_dma source(%dma_start3A_33 : memref<80x128xf32, #tpu.memory_space<vmem>>) target(%dma_start3A_39 : memref<10240x128xf32, #tpu.memory_space<vmem_shared>>) offsets(%dma_start3A_36 : memref<80xi32, #tpu.memory_space<vmem>>) semaphore(%arg13 : memref<!tpu.dma_semaphore, #tpu.memory_space<semaphore_mem>>) {add = true}
    %dma_wait3A_40 = arith.constant 0 : i32
    %dma_wait3A_41 = arith.constant 0 : i32
    %dma_wait3A_42 = arith.constant 0 : i32
    %dma_wait3A_43 = arith.constant 0 : i32
    %dma_wait3A_44 = tpu.memref_slice %arg9[%dma_wait3A_40, %dma_wait3A_42, %dma_wait3A_43] : memref<2x80x128xf32, #tpu.memory_space<vmem>> -> memref<1x80x128xf32, #tpu.memory_space<vmem>>
    %dma_wait3A_45 = tpu.memref_squeeze %dma_wait3A_44 : memref<1x80x128xf32, #tpu.memory_space<vmem>> -> memref<80x128xf32, #tpu.memory_space<vmem>>
    %dma_wait3A_46 = arith.constant 0 : i32
    %dma_wait3A_47 = tpu.memref_slice %arg8[%dma_wait3A_41, %dma_wait3A_46] : memref<125x80xi32, #tpu.memory_space<vmem>> -> memref<1x80xi32, #tpu.memory_space<vmem>>
    %dma_wait3A_48 = tpu.memref_squeeze %dma_wait3A_47 : memref<1x80xi32, #tpu.memory_space<vmem>> -> memref<80xi32, #tpu.memory_space<vmem>>
    %dma_wait3A_49 = arith.constant 0 : i32
    %dma_wait3A_50 = arith.constant 0 : i32
    %dma_wait3A_51 = tpu.memref_slice %arg10[%dma_wait3A_49, %dma_wait3A_50] : memref<10240x128xf32, #tpu.memory_space<vmem_shared>> -> memref<10240x128xf32, #tpu.memory_space<vmem_shared>>
    tpu.wait_indirect_dma semaphore(%arg13 : memref<!tpu.dma_semaphore, #tpu.memory_space<semaphore_mem>>) src(%dma_wait3A_45 : memref<80x128xf32, #tpu.memory_space<vmem>>) dst(%dma_wait3A_51 : memref<10240x128xf32, #tpu.memory_space<vmem_shared>>)
    %dma_wait3A_52 = arith.constant 1 : i32
    %dma_wait3A_53 = arith.constant 0 : i32
    %dma_wait3A_54 = arith.constant 0 : i32
    %dma_wait3A_55 = arith.constant 0 : i32
    %dma_wait3A_56 = tpu.memref_slice %arg9[%dma_wait3A_52, %dma_wait3A_54, %dma_wait3A_55] : memref<2x80x128xf32, #tpu.memory_space<vmem>> -> memref<1x80x128xf32, #tpu.memory_space<vmem>>
    %dma_wait3A_57 = tpu.memref_squeeze %dma_wait3A_56 : memref<1x80x128xf32, #tpu.memory_space<vmem>> -> memref<80x128xf32, #tpu.memory_space<vmem>>
    %dma_wait3A_58 = arith.constant 0 : i32
    %dma_wait3A_59 = tpu.memref_slice %arg8[%dma_wait3A_53, %dma_wait3A_58] : memref<125x80xi32, #tpu.memory_space<vmem>> -> memref<1x80xi32, #tpu.memory_space<vmem>>
    %dma_wait3A_60 = tpu.memref_squeeze %dma_wait3A_59 : memref<1x80xi32, #tpu.memory_space<vmem>> -> memref<80xi32, #tpu.memory_space<vmem>>
    %dma_wait3A_61 = arith.constant 0 : i32
    %dma_wait3A_62 = arith.constant 0 : i32
    %dma_wait3A_63 = tpu.memref_slice %arg10[%dma_wait3A_61, %dma_wait3A_62] : memref<10240x128xf32, #tpu.memory_space<vmem_shared>> -> memref<10240x128xf32, #tpu.memory_space<vmem_shared>>
    tpu.wait_indirect_dma semaphore(%arg14 : memref<!tpu.dma_semaphore, #tpu.memory_space<semaphore_mem>>) src(%dma_wait3A_57 : memref<80x128xf32, #tpu.memory_space<vmem>>) dst(%dma_wait3A_63 : memref<10240x128xf32, #tpu.memory_space<vmem_shared>>)
    %barrier3A_64 = arith.constant 0 : index
    tpu.barrier barrier_id(%barrier3A_64)
    %mul3A_65 = arith.constant 640 : i32
    %mul3A_66 = arith.muli %arg1, %mul3A_65 : i32
    %mul3A_67 = arith.constant 10240 : i32
    %mul3A_68 = arith.muli %arg0, %mul3A_67 : i32
    %mul3A_69 = arith.constant 640 : i32
    %mul3A_70 = arith.muli %arg1, %mul3A_69 : i32
    %add3A_71 = arith.addi %mul3A_68, %mul3A_70 : i32
    "tpu.region"() ({
      %run_scoped3A = tpu.sem_alloc : memref<!tpu.dma_semaphore, #tpu.memory_space<semaphore_mem>>
      %dma_start3A_72 = arith.constant 0 : i32
      %dma_start3A_73 = tpu.memref_slice %arg6[%add3A_71, %dma_start3A_72] : memref<20480x128xf32, #tpu.memory_space<hbm>> -> memref<640x128xf32, #tpu.memory_space<hbm>>
      %dma_start3A_74 = arith.constant 0 : i32
      %dma_start3A_75 = tpu.memref_slice %arg10[%mul3A_66, %dma_start3A_74] : memref<10240x128xf32, #tpu.memory_space<vmem_shared>> -> memref<640x128xf32, #tpu.memory_space<vmem_shared>>
      tpu.enqueue_dma source(%dma_start3A_75 : memref<640x128xf32, #tpu.memory_space<vmem_shared>>) target(%dma_start3A_73 : memref<640x128xf32, #tpu.memory_space<hbm>>) target_semaphore(%run_scoped3A : memref<!tpu.dma_semaphore, #tpu.memory_space<semaphore_mem>>)
      %dma_wait3A_76 = arith.constant 0 : i32
      %dma_wait3A_77 = tpu.memref_slice %arg6[%add3A_71, %dma_wait3A_76] : memref<20480x128xf32, #tpu.memory_space<hbm>> -> memref<640x128xf32, #tpu.memory_space<hbm>>
      %dma_wait3A_78 = arith.constant 0 : i32
      %dma_wait3A_79 = tpu.memref_slice %arg10[%mul3A_66, %dma_wait3A_78] : memref<10240x128xf32, #tpu.memory_space<vmem_shared>> -> memref<640x128xf32, #tpu.memory_space<vmem_shared>>
      tpu.wait_dma2 semaphore(%run_scoped3A : memref<!tpu.dma_semaphore, #tpu.memory_space<semaphore_mem>>) src(%dma_wait3A_79 : memref<640x128xf32, #tpu.memory_space<vmem_shared>>) dst(%dma_wait3A_77 : memref<640x128xf32, #tpu.memory_space<hbm>>)
      tpu.yield
    }) : () -> ()
    return
  }
}

#map = affine_map<(d0, d1) -> (0, 0)>
#map1 = affine_map<(d0, d1) -> (0)>
#map2 = affine_map<(d0, d1) -> (0, 0, 0)>
module attributes {stable_mosaic.version = 14 : i64} {
  func.func @_spmm_body(%arg0: i32, %arg1: i32, %arg2: memref<10000x128xf32, #tpu.memory_space<hbm>>, %arg3: memref<320000xi32, #tpu.memory_space<hbm>>, %arg4: memref<32x125x80xi32, #tpu.memory_space<hbm>>, %arg5: memref<640x128xf32, #tpu.memory_space<hbm>>, %arg6: memref<20480x128xf32, #tpu.memory_space<hbm>>, %arg7: memref<10000xi32, #tpu.memory_space<vmem>>, %arg8: memref<125x80xi32, #tpu.memory_space<vmem>>, %arg9: memref<2x80x128xf32, #tpu.memory_space<vmem>>, %arg10: memref<10240x128xf32, #tpu.memory_space<vmem_shared>>, %arg11: memref<!tpu.dma_semaphore, #tpu.memory_space<semaphore_mem>>, %arg12: memref<!tpu.dma_semaphore, #tpu.memory_space<semaphore_mem>>, %arg13: memref<!tpu.dma_semaphore, #tpu.memory_space<semaphore_mem>>, %arg14: memref<!tpu.dma_semaphore, #tpu.memory_space<semaphore_mem>>) attributes {dimension_semantics = [#tpu.dimension_semantics<core_parallel>, #tpu.dimension_semantics<subcore_parallel>], iteration_bounds = array<i64: 2, 16>, scalar_prefetch = 0 : i64, scratch_operands = 8 : i64, tpu.core_type = #tpu.core_type<sc_vector_subcore>, window_params = [{transform_indices = #map}, {transform_indices = #map1}, {transform_indices = #map2}, {transform_indices = #map}, {transform_indices = #map}]} {
    %mul3A = arith.constant 16 : i32
    %mul3A_0 = arith.muli %arg0, %mul3A : i32
    %add3A = arith.addi %mul3A_0, %arg1 : i32
    %mul3A_1 = arith.constant 10000 : i32
    %mul3A_2 = arith.muli %add3A, %mul3A_1 : i32
    "tpu.region"() ({
      %run_scoped3A = tpu.sem_alloc : memref<!tpu.dma_semaphore, #tpu.memory_space<semaphore_mem>>
      %dma_start3A_72 = tpu.memref_slice %arg3[%mul3A_2] : memref<320000xi32, #tpu.memory_space<hbm>> -> memref<10000xi32, #tpu.memory_space<hbm>>
      %dma_start3A_73 = tpu.memref_slice %arg3[%mul3A_2] : memref<320000xi32, #tpu.memory_space<hbm>> -> memref<10000xi32, #tpu.memory_space<hbm>>
      tpu.enqueue_dma source(%dma_start3A_73 : memref<10000xi32, #tpu.memory_space<hbm>>) target(%arg7 : memref<10000xi32, #tpu.memory_space<vmem>>) target_semaphore(%run_scoped3A : memref<!tpu.dma_semaphore, #tpu.memory_space<semaphore_mem>>)
      %dma_wait3A_74 = tpu.memref_slice %arg3[%mul3A_2] : memref<320000xi32, #tpu.memory_space<hbm>> -> memref<10000xi32, #tpu.memory_space<hbm>>
      %dma_wait3A_75 = tpu.memref_slice %arg3[%mul3A_2] : memref<320000xi32, #tpu.memory_space<hbm>> -> memref<10000xi32, #tpu.memory_space<hbm>>
      tpu.wait_dma2 semaphore(%run_scoped3A : memref<!tpu.dma_semaphore, #tpu.memory_space<semaphore_mem>>) src(%dma_wait3A_75 : memref<10000xi32, #tpu.memory_space<hbm>>) dst(%arg7 : memref<10000xi32, #tpu.memory_space<vmem>>)
      tpu.yield
    }) : () -> ()
    "tpu.region"() ({
      %run_scoped3A = tpu.sem_alloc : memref<!tpu.dma_semaphore, #tpu.memory_space<semaphore_mem>>
      %dma_start3A_72 = arith.constant 0 : i32
      %dma_start3A_73 = arith.constant 0 : i32
      %dma_start3A_74 = tpu.memref_slice %arg4[%add3A, %dma_start3A_72, %dma_start3A_73] : memref<32x125x80xi32, #tpu.memory_space<hbm>> -> memref<1x125x80xi32, #tpu.memory_space<hbm>>
      %dma_start3A_75 = tpu.memref_squeeze %dma_start3A_74 : memref<1x125x80xi32, #tpu.memory_space<hbm>> -> memref<125x80xi32, #tpu.memory_space<hbm>>
      %dma_start3A_76 = arith.constant 0 : i32
      %dma_start3A_77 = arith.constant 0 : i32
      %dma_start3A_78 = tpu.memref_slice %arg4[%add3A, %dma_start3A_76, %dma_start3A_77] : memref<32x125x80xi32, #tpu.memory_space<hbm>> -> memref<1x125x80xi32, #tpu.memory_space<hbm>>
      %dma_start3A_79 = tpu.memref_squeeze %dma_start3A_78 : memref<1x125x80xi32, #tpu.memory_space<hbm>> -> memref<125x80xi32, #tpu.memory_space<hbm>>
      tpu.enqueue_dma source(%dma_start3A_79 : memref<125x80xi32, #tpu.memory_space<hbm>>) target(%arg8 : memref<125x80xi32, #tpu.memory_space<vmem>>) target_semaphore(%run_scoped3A : memref<!tpu.dma_semaphore, #tpu.memory_space<semaphore_mem>>)
      %dma_wait3A_80 = arith.constant 0 : i32
      %dma_wait3A_81 = arith.constant 0 : i32
      %dma_wait3A_82 = tpu.memref_slice %arg4[%add3A, %dma_wait3A_80, %dma_wait3A_81] : memref<32x125x80xi32, #tpu.memory_space<hbm>> -> memref<1x125x80xi32, #tpu.memory_space<hbm>>
      %dma_wait3A_83 = tpu.memref_squeeze %dma_wait3A_82 : memref<1x125x80xi32, #tpu.memory_space<hbm>> -> memref<125x80xi32, #tpu.memory_space<hbm>>
      %dma_wait3A_84 = arith.constant 0 : i32
      %dma_wait3A_85 = arith.constant 0 : i32
      %dma_wait3A_86 = tpu.memref_slice %arg4[%add3A, %dma_wait3A_84, %dma_wait3A_85] : memref<32x125x80xi32, #tpu.memory_space<hbm>> -> memref<1x125x80xi32, #tpu.memory_space<hbm>>
      %dma_wait3A_87 = tpu.memref_squeeze %dma_wait3A_86 : memref<1x125x80xi32, #tpu.memory_space<hbm>> -> memref<125x80xi32, #tpu.memory_space<hbm>>
      tpu.wait_dma2 semaphore(%run_scoped3A : memref<!tpu.dma_semaphore, #tpu.memory_space<semaphore_mem>>) src(%dma_wait3A_87 : memref<125x80xi32, #tpu.memory_space<hbm>>) dst(%arg8 : memref<125x80xi32, #tpu.memory_space<vmem>>)
      tpu.yield
    }) : () -> ()
    %mul3A_3 = arith.constant 640 : i32
    %mul3A_4 = arith.muli %arg1, %mul3A_3 : i32
    "tpu.region"() ({
      %run_scoped3A = tpu.sem_alloc : memref<!tpu.dma_semaphore, #tpu.memory_space<semaphore_mem>>
      %dma_start3A_72 = arith.constant 0 : i32
      %dma_start3A_73 = tpu.memref_slice %arg10[%mul3A_4, %dma_start3A_72] : memref<10240x128xf32, #tpu.memory_space<vmem_shared>> -> memref<640x128xf32, #tpu.memory_space<vmem_shared>>
      tpu.enqueue_dma source(%arg5 : memref<640x128xf32, #tpu.memory_space<hbm>>) target(%dma_start3A_73 : memref<640x128xf32, #tpu.memory_space<vmem_shared>>) target_semaphore(%run_scoped3A : memref<!tpu.dma_semaphore, #tpu.memory_space<semaphore_mem>>)
      %dma_wait3A_74 = arith.constant 0 : i32
      %dma_wait3A_75 = tpu.memref_slice %arg10[%mul3A_4, %dma_wait3A_74] : memref<10240x128xf32, #tpu.memory_space<vmem_shared>> -> memref<640x128xf32, #tpu.memory_space<vmem_shared>>
      tpu.wait_dma2 semaphore(%run_scoped3A : memref<!tpu.dma_semaphore, #tpu.memory_space<semaphore_mem>>) src(%arg5 : memref<640x128xf32, #tpu.memory_space<hbm>>) dst(%dma_wait3A_75 : memref<640x128xf32, #tpu.memory_space<vmem_shared>>)
      tpu.yield
    }) : () -> ()
    %barrier3A = arith.constant 0 : index
    tpu.barrier barrier_id(%barrier3A)
    %dma_start3A = arith.constant 0 : i32
    %dma_start3A_5 = arith.constant 0 : i32
    %dma_start3A_6 = arith.constant 0 : i32
    %dma_start3A_7 = tpu.memref_slice %arg9[%dma_start3A, %dma_start3A_5, %dma_start3A_6] : memref<2x80x128xf32, #tpu.memory_space<vmem>> -> memref<1x80x128xf32, #tpu.memory_space<vmem>>
    %dma_start3A_8 = tpu.memref_squeeze %dma_start3A_7 : memref<1x80x128xf32, #tpu.memory_space<vmem>> -> memref<80x128xf32, #tpu.memory_space<vmem>>
    %dma_start3A_9 = arith.constant 0 : i32
    %dma_start3A_10 = tpu.memref_slice %arg7[%dma_start3A_9] : memref<10000xi32, #tpu.memory_space<vmem>> -> memref<80xi32, #tpu.memory_space<vmem>>
    %dma_start3A_11 = arith.constant 0 : i32
    %dma_start3A_12 = arith.constant 0 : i32
    %dma_start3A_13 = tpu.memref_slice %arg2[%dma_start3A_11, %dma_start3A_12] : memref<10000x128xf32, #tpu.memory_space<hbm>> -> memref<10000x128xf32, #tpu.memory_space<hbm>>
    tpu.enqueue_indirect_dma source(%dma_start3A_13 : memref<10000x128xf32, #tpu.memory_space<hbm>>) target(%dma_start3A_8 : memref<80x128xf32, #tpu.memory_space<vmem>>) offsets(%dma_start3A_10 : memref<80xi32, #tpu.memory_space<vmem>>) semaphore(%arg11 : memref<!tpu.dma_semaphore, #tpu.memory_space<semaphore_mem>>)
    %scan3A = arith.constant 0 : i32
    %scan3A_14 = arith.constant 0 : i32
    %scan3A_15 = arith.constant 62 : i32
    %scan3A_16 = arith.addi %scan3A_14, %scan3A_15 : i32
    %scan3A_17 = arith.constant 1 : i32
    scf.for %scan3A_72 = %scan3A_14 to %scan3A_16 step %scan3A_17  : i32 {
      %mul3A_73 = arith.constant 2 : i32
      %mul3A_74 = arith.muli %scan3A_72, %mul3A_73 : i32
      %mul3A_75 = arith.constant 80 : i32
      %mul3A_76 = arith.muli %mul3A_74, %mul3A_75 : i32
      %dma_wait3A_77 = arith.constant 0 : i32
      %dma_wait3A_78 = arith.constant 0 : i32
      %dma_wait3A_79 = arith.constant 0 : i32
      %dma_wait3A_80 = tpu.memref_slice %arg9[%dma_wait3A_77, %dma_wait3A_78, %dma_wait3A_79] : memref<2x80x128xf32, #tpu.memory_space<vmem>> -> memref<1x80x128xf32, #tpu.memory_space<vmem>>
      %dma_wait3A_81 = tpu.memref_squeeze %dma_wait3A_80 : memref<1x80x128xf32, #tpu.memory_space<vmem>> -> memref<80x128xf32, #tpu.memory_space<vmem>>
      %dma_wait3A_82 = tpu.memref_slice %arg7[%mul3A_76] : memref<10000xi32, #tpu.memory_space<vmem>> -> memref<80xi32, #tpu.memory_space<vmem>>
      %dma_wait3A_83 = arith.constant 0 : i32
      %dma_wait3A_84 = arith.constant 0 : i32
      %dma_wait3A_85 = tpu.memref_slice %arg2[%dma_wait3A_83, %dma_wait3A_84] : memref<10000x128xf32, #tpu.memory_space<hbm>> -> memref<10000x128xf32, #tpu.memory_space<hbm>>
      tpu.wait_indirect_dma semaphore(%arg11 : memref<!tpu.dma_semaphore, #tpu.memory_space<semaphore_mem>>) src(%dma_wait3A_85 : memref<10000x128xf32, #tpu.memory_space<hbm>>) dst(%dma_wait3A_81 : memref<80x128xf32, #tpu.memory_space<vmem>>)
      %dma_start3A_86 = arith.constant 0 : i32
      %dma_start3A_87 = arith.constant 0 : i32
      %dma_start3A_88 = arith.constant 0 : i32
      %dma_start3A_89 = tpu.memref_slice %arg9[%dma_start3A_86, %dma_start3A_87, %dma_start3A_88] : memref<2x80x128xf32, #tpu.memory_space<vmem>> -> memref<1x80x128xf32, #tpu.memory_space<vmem>>
      %dma_start3A_90 = tpu.memref_squeeze %dma_start3A_89 : memref<1x80x128xf32, #tpu.memory_space<vmem>> -> memref<80x128xf32, #tpu.memory_space<vmem>>
      %dma_start3A_91 = arith.constant 0 : i32
      %dma_start3A_92 = tpu.memref_slice %arg8[%mul3A_74, %dma_start3A_91] : memref<125x80xi32, #tpu.memory_space<vmem>> -> memref<1x80xi32, #tpu.memory_space<vmem>>
      %dma_start3A_93 = tpu.memref_squeeze %dma_start3A_92 : memref<1x80xi32, #tpu.memory_space<vmem>> -> memref<80xi32, #tpu.memory_space<vmem>>
      %dma_start3A_94 = arith.constant 0 : i32
      %dma_start3A_95 = arith.constant 0 : i32
      %dma_start3A_96 = tpu.memref_slice %arg10[%dma_start3A_94, %dma_start3A_95] : memref<10240x128xf32, #tpu.memory_space<vmem_shared>> -> memref<10240x128xf32, #tpu.memory_space<vmem_shared>>
      tpu.enqueue_indirect_dma source(%dma_start3A_90 : memref<80x128xf32, #tpu.memory_space<vmem>>) target(%dma_start3A_96 : memref<10240x128xf32, #tpu.memory_space<vmem_shared>>) offsets(%dma_start3A_93 : memref<80xi32, #tpu.memory_space<vmem>>) semaphore(%arg13 : memref<!tpu.dma_semaphore, #tpu.memory_space<semaphore_mem>>) {add = true}
      %add3A_97 = arith.constant 1 : i32
      %add3A_98 = arith.addi %mul3A_74, %add3A_97 : i32
      %lt3A = arith.constant 125 : i32
      %lt3A_99 = arith.cmpi slt, %add3A_98, %lt3A : i32
      %convert_element_type3A = arith.extui %lt3A_99 : i1 to i32
      %cond3A = arith.constant 0 : i32
      %cond3A_100 = arith.cmpi ne, %convert_element_type3A, %cond3A : i32
      scf.if %cond3A_100 {
        %ge3A = arith.constant 1 : i32
        %ge3A_134 = arith.cmpi sge, %mul3A_74, %ge3A : i32
        %convert_element_type3A_135 = arith.extui %ge3A_134 : i1 to i32
        %cond3A_136 = arith.constant 0 : i32
        %cond3A_137 = arith.cmpi ne, %convert_element_type3A_135, %cond3A_136 : i32
        scf.if %cond3A_137 {
          %dma_wait3A_151 = arith.constant 1 : i32
          %dma_wait3A_152 = arith.constant 0 : i32
          %dma_wait3A_153 = arith.constant 0 : i32
          %dma_wait3A_154 = tpu.memref_slice %arg9[%dma_wait3A_151, %dma_wait3A_152, %dma_wait3A_153] : memref<2x80x128xf32, #tpu.memory_space<vmem>> -> memref<1x80x128xf32, #tpu.memory_space<vmem>>
          %dma_wait3A_155 = tpu.memref_squeeze %dma_wait3A_154 : memref<1x80x128xf32, #tpu.memory_space<vmem>> -> memref<80x128xf32, #tpu.memory_space<vmem>>
          %dma_wait3A_156 = arith.constant 0 : i32
          %dma_wait3A_157 = tpu.memref_slice %arg8[%mul3A_74, %dma_wait3A_156] : memref<125x80xi32, #tpu.memory_space<vmem>> -> memref<1x80xi32, #tpu.memory_space<vmem>>
          %dma_wait3A_158 = tpu.memref_squeeze %dma_wait3A_157 : memref<1x80xi32, #tpu.memory_space<vmem>> -> memref<80xi32, #tpu.memory_space<vmem>>
          %dma_wait3A_159 = arith.constant 0 : i32
          %dma_wait3A_160 = arith.constant 0 : i32
          %dma_wait3A_161 = tpu.memref_slice %arg10[%dma_wait3A_159, %dma_wait3A_160] : memref<10240x128xf32, #tpu.memory_space<vmem_shared>> -> memref<10240x128xf32, #tpu.memory_space<vmem_shared>>
          tpu.wait_indirect_dma semaphore(%arg14 : memref<!tpu.dma_semaphore, #tpu.memory_space<semaphore_mem>>) src(%dma_wait3A_155 : memref<80x128xf32, #tpu.memory_space<vmem>>) dst(%dma_wait3A_161 : memref<10240x128xf32, #tpu.memory_space<vmem_shared>>)
        } else {
        }
        %add3A_138 = arith.constant 1 : i32
        %add3A_139 = arith.addi %mul3A_74, %add3A_138 : i32
        %mul3A_140 = arith.constant 80 : i32
        %mul3A_141 = arith.muli %add3A_139, %mul3A_140 : i32
        %dma_start3A_142 = arith.constant 1 : i32
        %dma_start3A_143 = arith.constant 0 : i32
        %dma_start3A_144 = arith.constant 0 : i32
        %dma_start3A_145 = tpu.memref_slice %arg9[%dma_start3A_142, %dma_start3A_143, %dma_start3A_144] : memref<2x80x128xf32, #tpu.memory_space<vmem>> -> memref<1x80x128xf32, #tpu.memory_space<vmem>>
        %dma_start3A_146 = tpu.memref_squeeze %dma_start3A_145 : memref<1x80x128xf32, #tpu.memory_space<vmem>> -> memref<80x128xf32, #tpu.memory_space<vmem>>
        %dma_start3A_147 = tpu.memref_slice %arg7[%mul3A_141] : memref<10000xi32, #tpu.memory_space<vmem>> -> memref<80xi32, #tpu.memory_space<vmem>>
        %dma_start3A_148 = arith.constant 0 : i32
        %dma_start3A_149 = arith.constant 0 : i32
        %dma_start3A_150 = tpu.memref_slice %arg2[%dma_start3A_148, %dma_start3A_149] : memref<10000x128xf32, #tpu.memory_space<hbm>> -> memref<10000x128xf32, #tpu.memory_space<hbm>>
        tpu.enqueue_indirect_dma source(%dma_start3A_150 : memref<10000x128xf32, #tpu.memory_space<hbm>>) target(%dma_start3A_146 : memref<80x128xf32, #tpu.memory_space<vmem>>) offsets(%dma_start3A_147 : memref<80xi32, #tpu.memory_space<vmem>>) semaphore(%arg12 : memref<!tpu.dma_semaphore, #tpu.memory_space<semaphore_mem>>)
      } else {
      }
      %mul3A_101 = arith.constant 2 : i32
      %mul3A_102 = arith.muli %scan3A_72, %mul3A_101 : i32
      %add3A_103 = arith.constant 1 : i32
      %add3A_104 = arith.addi %mul3A_102, %add3A_103 : i32
      %mul3A_105 = arith.constant 80 : i32
      %mul3A_106 = arith.muli %add3A_104, %mul3A_105 : i32
      %dma_wait3A_107 = arith.constant 1 : i32
      %dma_wait3A_108 = arith.constant 0 : i32
      %dma_wait3A_109 = arith.constant 0 : i32
      %dma_wait3A_110 = tpu.memref_slice %arg9[%dma_wait3A_107, %dma_wait3A_108, %dma_wait3A_109] : memref<2x80x128xf32, #tpu.memory_space<vmem>> -> memref<1x80x128xf32, #tpu.memory_space<vmem>>
      %dma_wait3A_111 = tpu.memref_squeeze %dma_wait3A_110 : memref<1x80x128xf32, #tpu.memory_space<vmem>> -> memref<80x128xf32, #tpu.memory_space<vmem>>
      %dma_wait3A_112 = tpu.memref_slice %arg7[%mul3A_106] : memref<10000xi32, #tpu.memory_space<vmem>> -> memref<80xi32, #tpu.memory_space<vmem>>
      %dma_wait3A_113 = arith.constant 0 : i32
      %dma_wait3A_114 = arith.constant 0 : i32
      %dma_wait3A_115 = tpu.memref_slice %arg2[%dma_wait3A_113, %dma_wait3A_114] : memref<10000x128xf32, #tpu.memory_space<hbm>> -> memref<10000x128xf32, #tpu.memory_space<hbm>>
      tpu.wait_indirect_dma semaphore(%arg12 : memref<!tpu.dma_semaphore, #tpu.memory_space<semaphore_mem>>) src(%dma_wait3A_115 : memref<10000x128xf32, #tpu.memory_space<hbm>>) dst(%dma_wait3A_111 : memref<80x128xf32, #tpu.memory_space<vmem>>)
      %dma_start3A_116 = arith.constant 1 : i32
      %dma_start3A_117 = arith.constant 0 : i32
      %dma_start3A_118 = arith.constant 0 : i32
      %dma_start3A_119 = tpu.memref_slice %arg9[%dma_start3A_116, %dma_start3A_117, %dma_start3A_118] : memref<2x80x128xf32, #tpu.memory_space<vmem>> -> memref<1x80x128xf32, #tpu.memory_space<vmem>>
      %dma_start3A_120 = tpu.memref_squeeze %dma_start3A_119 : memref<1x80x128xf32, #tpu.memory_space<vmem>> -> memref<80x128xf32, #tpu.memory_space<vmem>>
      %dma_start3A_121 = arith.constant 0 : i32
      %dma_start3A_122 = tpu.memref_slice %arg8[%add3A_104, %dma_start3A_121] : memref<125x80xi32, #tpu.memory_space<vmem>> -> memref<1x80xi32, #tpu.memory_space<vmem>>
      %dma_start3A_123 = tpu.memref_squeeze %dma_start3A_122 : memref<1x80xi32, #tpu.memory_space<vmem>> -> memref<80xi32, #tpu.memory_space<vmem>>
      %dma_start3A_124 = arith.constant 0 : i32
      %dma_start3A_125 = arith.constant 0 : i32
      %dma_start3A_126 = tpu.memref_slice %arg10[%dma_start3A_124, %dma_start3A_125] : memref<10240x128xf32, #tpu.memory_space<vmem_shared>> -> memref<10240x128xf32, #tpu.memory_space<vmem_shared>>
      tpu.enqueue_indirect_dma source(%dma_start3A_120 : memref<80x128xf32, #tpu.memory_space<vmem>>) target(%dma_start3A_126 : memref<10240x128xf32, #tpu.memory_space<vmem_shared>>) offsets(%dma_start3A_123 : memref<80xi32, #tpu.memory_space<vmem>>) semaphore(%arg14 : memref<!tpu.dma_semaphore, #tpu.memory_space<semaphore_mem>>) {add = true}
      %add3A_127 = arith.constant 1 : i32
      %add3A_128 = arith.addi %add3A_104, %add3A_127 : i32
      %lt3A_129 = arith.constant 125 : i32
      %lt3A_130 = arith.cmpi slt, %add3A_128, %lt3A_129 : i32
      %convert_element_type3A_131 = arith.extui %lt3A_130 : i1 to i32
      %cond3A_132 = arith.constant 0 : i32
      %cond3A_133 = arith.cmpi ne, %convert_element_type3A_131, %cond3A_132 : i32
      scf.if %cond3A_133 {
        %ge3A = arith.constant 1 : i32
        %ge3A_134 = arith.cmpi sge, %add3A_104, %ge3A : i32
        %convert_element_type3A_135 = arith.extui %ge3A_134 : i1 to i32
        %cond3A_136 = arith.constant 0 : i32
        %cond3A_137 = arith.cmpi ne, %convert_element_type3A_135, %cond3A_136 : i32
        scf.if %cond3A_137 {
          %dma_wait3A_151 = arith.constant 0 : i32
          %dma_wait3A_152 = arith.constant 0 : i32
          %dma_wait3A_153 = arith.constant 0 : i32
          %dma_wait3A_154 = tpu.memref_slice %arg9[%dma_wait3A_151, %dma_wait3A_152, %dma_wait3A_153] : memref<2x80x128xf32, #tpu.memory_space<vmem>> -> memref<1x80x128xf32, #tpu.memory_space<vmem>>
          %dma_wait3A_155 = tpu.memref_squeeze %dma_wait3A_154 : memref<1x80x128xf32, #tpu.memory_space<vmem>> -> memref<80x128xf32, #tpu.memory_space<vmem>>
          %dma_wait3A_156 = arith.constant 0 : i32
          %dma_wait3A_157 = tpu.memref_slice %arg8[%add3A_104, %dma_wait3A_156] : memref<125x80xi32, #tpu.memory_space<vmem>> -> memref<1x80xi32, #tpu.memory_space<vmem>>
          %dma_wait3A_158 = tpu.memref_squeeze %dma_wait3A_157 : memref<1x80xi32, #tpu.memory_space<vmem>> -> memref<80xi32, #tpu.memory_space<vmem>>
          %dma_wait3A_159 = arith.constant 0 : i32
          %dma_wait3A_160 = arith.constant 0 : i32
          %dma_wait3A_161 = tpu.memref_slice %arg10[%dma_wait3A_159, %dma_wait3A_160] : memref<10240x128xf32, #tpu.memory_space<vmem_shared>> -> memref<10240x128xf32, #tpu.memory_space<vmem_shared>>
          tpu.wait_indirect_dma semaphore(%arg13 : memref<!tpu.dma_semaphore, #tpu.memory_space<semaphore_mem>>) src(%dma_wait3A_155 : memref<80x128xf32, #tpu.memory_space<vmem>>) dst(%dma_wait3A_161 : memref<10240x128xf32, #tpu.memory_space<vmem_shared>>)
        } else {
        }
        %add3A_138 = arith.constant 1 : i32
        %add3A_139 = arith.addi %add3A_104, %add3A_138 : i32
        %mul3A_140 = arith.constant 80 : i32
        %mul3A_141 = arith.muli %add3A_139, %mul3A_140 : i32
        %dma_start3A_142 = arith.constant 0 : i32
        %dma_start3A_143 = arith.constant 0 : i32
        %dma_start3A_144 = arith.constant 0 : i32
        %dma_start3A_145 = tpu.memref_slice %arg9[%dma_start3A_142, %dma_start3A_143, %dma_start3A_144] : memref<2x80x128xf32, #tpu.memory_space<vmem>> -> memref<1x80x128xf32, #tpu.memory_space<vmem>>
        %dma_start3A_146 = tpu.memref_squeeze %dma_start3A_145 : memref<1x80x128xf32, #tpu.memory_space<vmem>> -> memref<80x128xf32, #tpu.memory_space<vmem>>
        %dma_start3A_147 = tpu.memref_slice %arg7[%mul3A_141] : memref<10000xi32, #tpu.memory_space<vmem>> -> memref<80xi32, #tpu.memory_space<vmem>>
        %dma_start3A_148 = arith.constant 0 : i32
        %dma_start3A_149 = arith.constant 0 : i32
        %dma_start3A_150 = tpu.memref_slice %arg2[%dma_start3A_148, %dma_start3A_149] : memref<10000x128xf32, #tpu.memory_space<hbm>> -> memref<10000x128xf32, #tpu.memory_space<hbm>>
        tpu.enqueue_indirect_dma source(%dma_start3A_150 : memref<10000x128xf32, #tpu.memory_space<hbm>>) target(%dma_start3A_146 : memref<80x128xf32, #tpu.memory_space<vmem>>) offsets(%dma_start3A_147 : memref<80xi32, #tpu.memory_space<vmem>>) semaphore(%arg11 : memref<!tpu.dma_semaphore, #tpu.memory_space<semaphore_mem>>)
      } else {
      }
    }
    %scan3A_18 = arith.constant 62 : i32
    %dma_wait3A = arith.constant 0 : i32
    %dma_wait3A_19 = arith.constant 0 : i32
    %dma_wait3A_20 = arith.constant 0 : i32
    %dma_wait3A_21 = tpu.memref_slice %arg9[%dma_wait3A, %dma_wait3A_19, %dma_wait3A_20] : memref<2x80x128xf32, #tpu.memory_space<vmem>> -> memref<1x80x128xf32, #tpu.memory_space<vmem>>
    %dma_wait3A_22 = tpu.memref_squeeze %dma_wait3A_21 : memref<1x80x128xf32, #tpu.memory_space<vmem>> -> memref<80x128xf32, #tpu.memory_space<vmem>>
    %dma_wait3A_23 = arith.constant 9920 : i32
    %dma_wait3A_24 = tpu.memref_slice %arg7[%dma_wait3A_23] : memref<10000xi32, #tpu.memory_space<vmem>> -> memref<80xi32, #tpu.memory_space<vmem>>
    %dma_wait3A_25 = arith.constant 0 : i32
    %dma_wait3A_26 = arith.constant 0 : i32
    %dma_wait3A_27 = tpu.memref_slice %arg2[%dma_wait3A_25, %dma_wait3A_26] : memref<10000x128xf32, #tpu.memory_space<hbm>> -> memref<10000x128xf32, #tpu.memory_space<hbm>>
    tpu.wait_indirect_dma semaphore(%arg11 : memref<!tpu.dma_semaphore, #tpu.memory_space<semaphore_mem>>) src(%dma_wait3A_27 : memref<10000x128xf32, #tpu.memory_space<hbm>>) dst(%dma_wait3A_22 : memref<80x128xf32, #tpu.memory_space<vmem>>)
    %dma_start3A_28 = arith.constant 0 : i32
    %dma_start3A_29 = arith.constant 124 : i32
    %dma_start3A_30 = arith.constant 0 : i32
    %dma_start3A_31 = arith.constant 0 : i32
    %dma_start3A_32 = tpu.memref_slice %arg9[%dma_start3A_28, %dma_start3A_30, %dma_start3A_31] : memref<2x80x128xf32, #tpu.memory_space<vmem>> -> memref<1x80x128xf32, #tpu.memory_space<vmem>>
    %dma_start3A_33 = tpu.memref_squeeze %dma_start3A_32 : memref<1x80x128xf32, #tpu.memory_space<vmem>> -> memref<80x128xf32, #tpu.memory_space<vmem>>
    %dma_start3A_34 = arith.constant 0 : i32
    %dma_start3A_35 = tpu.memref_slice %arg8[%dma_start3A_29, %dma_start3A_34] : memref<125x80xi32, #tpu.memory_space<vmem>> -> memref<1x80xi32, #tpu.memory_space<vmem>>
    %dma_start3A_36 = tpu.memref_squeeze %dma_start3A_35 : memref<1x80xi32, #tpu.memory_space<vmem>> -> memref<80xi32, #tpu.memory_space<vmem>>
    %dma_start3A_37 = arith.constant 0 : i32
    %dma_start3A_38 = arith.constant 0 : i32
    %dma_start3A_39 = tpu.memref_slice %arg10[%dma_start3A_37, %dma_start3A_38] : memref<10240x128xf32, #tpu.memory_space<vmem_shared>> -> memref<10240x128xf32, #tpu.memory_space<vmem_shared>>
    tpu.enqueue_indirect_dma source(%dma_start3A_33 : memref<80x128xf32, #tpu.memory_space<vmem>>) target(%dma_start3A_39 : memref<10240x128xf32, #tpu.memory_space<vmem_shared>>) offsets(%dma_start3A_36 : memref<80xi32, #tpu.memory_space<vmem>>) semaphore(%arg13 : memref<!tpu.dma_semaphore, #tpu.memory_space<semaphore_mem>>) {add = true}
    %dma_wait3A_40 = arith.constant 0 : i32
    %dma_wait3A_41 = arith.constant 0 : i32
    %dma_wait3A_42 = arith.constant 0 : i32
    %dma_wait3A_43 = arith.constant 0 : i32
    %dma_wait3A_44 = tpu.memref_slice %arg9[%dma_wait3A_40, %dma_wait3A_42, %dma_wait3A_43] : memref<2x80x128xf32, #tpu.memory_space<vmem>> -> memref<1x80x128xf32, #tpu.memory_space<vmem>>
    %dma_wait3A_45 = tpu.memref_squeeze %dma_wait3A_44 : memref<1x80x128xf32, #tpu.memory_space<vmem>> -> memref<80x128xf32, #tpu.memory_space<vmem>>
    %dma_wait3A_46 = arith.constant 0 : i32
    %dma_wait3A_47 = tpu.memref_slice %arg8[%dma_wait3A_41, %dma_wait3A_46] : memref<125x80xi32, #tpu.memory_space<vmem>> -> memref<1x80xi32, #tpu.memory_space<vmem>>
    %dma_wait3A_48 = tpu.memref_squeeze %dma_wait3A_47 : memref<1x80xi32, #tpu.memory_space<vmem>> -> memref<80xi32, #tpu.memory_space<vmem>>
    %dma_wait3A_49 = arith.constant 0 : i32
    %dma_wait3A_50 = arith.constant 0 : i32
    %dma_wait3A_51 = tpu.memref_slice %arg10[%dma_wait3A_49, %dma_wait3A_50] : memref<10240x128xf32, #tpu.memory_space<vmem_shared>> -> memref<10240x128xf32, #tpu.memory_space<vmem_shared>>
    tpu.wait_indirect_dma semaphore(%arg13 : memref<!tpu.dma_semaphore, #tpu.memory_space<semaphore_mem>>) src(%dma_wait3A_45 : memref<80x128xf32, #tpu.memory_space<vmem>>) dst(%dma_wait3A_51 : memref<10240x128xf32, #tpu.memory_space<vmem_shared>>)
    %dma_wait3A_52 = arith.constant 1 : i32
    %dma_wait3A_53 = arith.constant 0 : i32
    %dma_wait3A_54 = arith.constant 0 : i32
    %dma_wait3A_55 = arith.constant 0 : i32
    %dma_wait3A_56 = tpu.memref_slice %arg9[%dma_wait3A_52, %dma_wait3A_54, %dma_wait3A_55] : memref<2x80x128xf32, #tpu.memory_space<vmem>> -> memref<1x80x128xf32, #tpu.memory_space<vmem>>
    %dma_wait3A_57 = tpu.memref_squeeze %dma_wait3A_56 : memref<1x80x128xf32, #tpu.memory_space<vmem>> -> memref<80x128xf32, #tpu.memory_space<vmem>>
    %dma_wait3A_58 = arith.constant 0 : i32
    %dma_wait3A_59 = tpu.memref_slice %arg8[%dma_wait3A_53, %dma_wait3A_58] : memref<125x80xi32, #tpu.memory_space<vmem>> -> memref<1x80xi32, #tpu.memory_space<vmem>>
    %dma_wait3A_60 = tpu.memref_squeeze %dma_wait3A_59 : memref<1x80xi32, #tpu.memory_space<vmem>> -> memref<80xi32, #tpu.memory_space<vmem>>
    %dma_wait3A_61 = arith.constant 0 : i32
    %dma_wait3A_62 = arith.constant 0 : i32
    %dma_wait3A_63 = tpu.memref_slice %arg10[%dma_wait3A_61, %dma_wait3A_62] : memref<10240x128xf32, #tpu.memory_space<vmem_shared>> -> memref<10240x128xf32, #tpu.memory_space<vmem_shared>>
    tpu.wait_indirect_dma semaphore(%arg14 : memref<!tpu.dma_semaphore, #tpu.memory_space<semaphore_mem>>) src(%dma_wait3A_57 : memref<80x128xf32, #tpu.memory_space<vmem>>) dst(%dma_wait3A_63 : memref<10240x128xf32, #tpu.memory_space<vmem_shared>>)
    %barrier3A_64 = arith.constant 0 : index
    tpu.barrier barrier_id(%barrier3A_64)
    %mul3A_65 = arith.constant 640 : i32
    %mul3A_66 = arith.muli %arg1, %mul3A_65 : i32
    %mul3A_67 = arith.constant 10240 : i32
    %mul3A_68 = arith.muli %arg0, %mul3A_67 : i32
    %mul3A_69 = arith.constant 640 : i32
    %mul3A_70 = arith.muli %arg1, %mul3A_69 : i32
    %add3A_71 = arith.addi %mul3A_68, %mul3A_70 : i32
    "tpu.region"() ({
      %run_scoped3A = tpu.sem_alloc : memref<!tpu.dma_semaphore, #tpu.memory_space<semaphore_mem>>
      %dma_start3A_72 = arith.constant 0 : i32
      %dma_start3A_73 = tpu.memref_slice %arg6[%add3A_71, %dma_start3A_72] : memref<20480x128xf32, #tpu.memory_space<hbm>> -> memref<640x128xf32, #tpu.memory_space<hbm>>
      %dma_start3A_74 = arith.constant 0 : i32
      %dma_start3A_75 = tpu.memref_slice %arg10[%mul3A_66, %dma_start3A_74] : memref<10240x128xf32, #tpu.memory_space<vmem_shared>> -> memref<640x128xf32, #tpu.memory_space<vmem_shared>>
      tpu.enqueue_dma source(%dma_start3A_75 : memref<640x128xf32, #tpu.memory_space<vmem_shared>>) target(%dma_start3A_73 : memref<640x128xf32, #tpu.memory_space<hbm>>) target_semaphore(%run_scoped3A : memref<!tpu.dma_semaphore, #tpu.memory_space<semaphore_mem>>)
      %dma_wait3A_76 = arith.constant 0 : i32
      %dma_wait3A_77 = tpu.memref_slice %arg6[%add3A_71, %dma_wait3A_76] : memref<20480x128xf32, #tpu.memory_space<hbm>> -> memref<640x128xf32, #tpu.memory_space<hbm>>
      %dma_wait3A_78 = arith.constant 0 : i32
      %dma_wait3A_79 = tpu.memref_slice %arg10[%mul3A_66, %dma_wait3A_78] : memref<10240x128xf32, #tpu.memory_space<vmem_shared>> -> memref<640x128xf32, #tpu.memory_space<vmem_shared>>
      tpu.wait_dma2 semaphore(%run_scoped3A : memref<!tpu.dma_semaphore, #tpu.memory_space<semaphore_mem>>) src(%dma_wait3A_79 : memref<640x128xf32, #tpu.memory_space<vmem_shared>>) dst(%dma_wait3A_77 : memref<640x128xf32, #tpu.memory_space<hbm>>)
      tpu.yield
    }) : () -> ()
    return
  }
}

#map = affine_map<(d0, d1) -> (0, 0)>
#map1 = affine_map<(d0, d1) -> (0)>
#map2 = affine_map<(d0, d1) -> (0, 0, 0)>
module attributes {stable_mosaic.version = 14 : i64} {
  func.func @_spmm_body(%arg0: i32, %arg1: i32, %arg2: memref<10000x128xf32, #tpu.memory_space<hbm>>, %arg3: memref<320000xi32, #tpu.memory_space<hbm>>, %arg4: memref<32x125x80xi32, #tpu.memory_space<hbm>>, %arg5: memref<640x128xf32, #tpu.memory_space<hbm>>, %arg6: memref<20480x128xf32, #tpu.memory_space<hbm>>, %arg7: memref<10000xi32, #tpu.memory_space<vmem>>, %arg8: memref<125x80xi32, #tpu.memory_space<vmem>>, %arg9: memref<2x80x128xf32, #tpu.memory_space<vmem>>, %arg10: memref<10240x128xf32, #tpu.memory_space<vmem_shared>>, %arg11: memref<!tpu.dma_semaphore, #tpu.memory_space<semaphore_mem>>, %arg12: memref<!tpu.dma_semaphore, #tpu.memory_space<semaphore_mem>>, %arg13: memref<!tpu.dma_semaphore, #tpu.memory_space<semaphore_mem>>, %arg14: memref<!tpu.dma_semaphore, #tpu.memory_space<semaphore_mem>>) attributes {dimension_semantics = [#tpu.dimension_semantics<core_parallel>, #tpu.dimension_semantics<subcore_parallel>], iteration_bounds = array<i64: 2, 16>, scalar_prefetch = 0 : i64, scratch_operands = 8 : i64, tpu.core_type = #tpu.core_type<sc_vector_subcore>, window_params = [{transform_indices = #map}, {transform_indices = #map1}, {transform_indices = #map2}, {transform_indices = #map}, {transform_indices = #map}]} {
    %mul3A = arith.constant 16 : i32
    %mul3A_0 = arith.muli %arg0, %mul3A : i32
    %add3A = arith.addi %mul3A_0, %arg1 : i32
    %mul3A_1 = arith.constant 10000 : i32
    %mul3A_2 = arith.muli %add3A, %mul3A_1 : i32
    "tpu.region"() ({
      %run_scoped3A = tpu.sem_alloc : memref<!tpu.dma_semaphore, #tpu.memory_space<semaphore_mem>>
      %dma_start3A_72 = tpu.memref_slice %arg3[%mul3A_2] : memref<320000xi32, #tpu.memory_space<hbm>> -> memref<10000xi32, #tpu.memory_space<hbm>>
      %dma_start3A_73 = tpu.memref_slice %arg3[%mul3A_2] : memref<320000xi32, #tpu.memory_space<hbm>> -> memref<10000xi32, #tpu.memory_space<hbm>>
      tpu.enqueue_dma source(%dma_start3A_73 : memref<10000xi32, #tpu.memory_space<hbm>>) target(%arg7 : memref<10000xi32, #tpu.memory_space<vmem>>) target_semaphore(%run_scoped3A : memref<!tpu.dma_semaphore, #tpu.memory_space<semaphore_mem>>)
      %dma_wait3A_74 = tpu.memref_slice %arg3[%mul3A_2] : memref<320000xi32, #tpu.memory_space<hbm>> -> memref<10000xi32, #tpu.memory_space<hbm>>
      %dma_wait3A_75 = tpu.memref_slice %arg3[%mul3A_2] : memref<320000xi32, #tpu.memory_space<hbm>> -> memref<10000xi32, #tpu.memory_space<hbm>>
      tpu.wait_dma2 semaphore(%run_scoped3A : memref<!tpu.dma_semaphore, #tpu.memory_space<semaphore_mem>>) src(%dma_wait3A_75 : memref<10000xi32, #tpu.memory_space<hbm>>) dst(%arg7 : memref<10000xi32, #tpu.memory_space<vmem>>)
      tpu.yield
    }) : () -> ()
    "tpu.region"() ({
      %run_scoped3A = tpu.sem_alloc : memref<!tpu.dma_semaphore, #tpu.memory_space<semaphore_mem>>
      %dma_start3A_72 = arith.constant 0 : i32
      %dma_start3A_73 = arith.constant 0 : i32
      %dma_start3A_74 = tpu.memref_slice %arg4[%add3A, %dma_start3A_72, %dma_start3A_73] : memref<32x125x80xi32, #tpu.memory_space<hbm>> -> memref<1x125x80xi32, #tpu.memory_space<hbm>>
      %dma_start3A_75 = tpu.memref_squeeze %dma_start3A_74 : memref<1x125x80xi32, #tpu.memory_space<hbm>> -> memref<125x80xi32, #tpu.memory_space<hbm>>
      %dma_start3A_76 = arith.constant 0 : i32
      %dma_start3A_77 = arith.constant 0 : i32
      %dma_start3A_78 = tpu.memref_slice %arg4[%add3A, %dma_start3A_76, %dma_start3A_77] : memref<32x125x80xi32, #tpu.memory_space<hbm>> -> memref<1x125x80xi32, #tpu.memory_space<hbm>>
      %dma_start3A_79 = tpu.memref_squeeze %dma_start3A_78 : memref<1x125x80xi32, #tpu.memory_space<hbm>> -> memref<125x80xi32, #tpu.memory_space<hbm>>
      tpu.enqueue_dma source(%dma_start3A_79 : memref<125x80xi32, #tpu.memory_space<hbm>>) target(%arg8 : memref<125x80xi32, #tpu.memory_space<vmem>>) target_semaphore(%run_scoped3A : memref<!tpu.dma_semaphore, #tpu.memory_space<semaphore_mem>>)
      %dma_wait3A_80 = arith.constant 0 : i32
      %dma_wait3A_81 = arith.constant 0 : i32
      %dma_wait3A_82 = tpu.memref_slice %arg4[%add3A, %dma_wait3A_80, %dma_wait3A_81] : memref<32x125x80xi32, #tpu.memory_space<hbm>> -> memref<1x125x80xi32, #tpu.memory_space<hbm>>
      %dma_wait3A_83 = tpu.memref_squeeze %dma_wait3A_82 : memref<1x125x80xi32, #tpu.memory_space<hbm>> -> memref<125x80xi32, #tpu.memory_space<hbm>>
      %dma_wait3A_84 = arith.constant 0 : i32
      %dma_wait3A_85 = arith.constant 0 : i32
      %dma_wait3A_86 = tpu.memref_slice %arg4[%add3A, %dma_wait3A_84, %dma_wait3A_85] : memref<32x125x80xi32, #tpu.memory_space<hbm>> -> memref<1x125x80xi32, #tpu.memory_space<hbm>>
      %dma_wait3A_87 = tpu.memref_squeeze %dma_wait3A_86 : memref<1x125x80xi32, #tpu.memory_space<hbm>> -> memref<125x80xi32, #tpu.memory_space<hbm>>
      tpu.wait_dma2 semaphore(%run_scoped3A : memref<!tpu.dma_semaphore, #tpu.memory_space<semaphore_mem>>) src(%dma_wait3A_87 : memref<125x80xi32, #tpu.memory_space<hbm>>) dst(%arg8 : memref<125x80xi32, #tpu.memory_space<vmem>>)
      tpu.yield
    }) : () -> ()
    %mul3A_3 = arith.constant 640 : i32
    %mul3A_4 = arith.muli %arg1, %mul3A_3 : i32
    "tpu.region"() ({
      %run_scoped3A = tpu.sem_alloc : memref<!tpu.dma_semaphore, #tpu.memory_space<semaphore_mem>>
      %dma_start3A_72 = arith.constant 0 : i32
      %dma_start3A_73 = tpu.memref_slice %arg10[%mul3A_4, %dma_start3A_72] : memref<10240x128xf32, #tpu.memory_space<vmem_shared>> -> memref<640x128xf32, #tpu.memory_space<vmem_shared>>
      tpu.enqueue_dma source(%arg5 : memref<640x128xf32, #tpu.memory_space<hbm>>) target(%dma_start3A_73 : memref<640x128xf32, #tpu.memory_space<vmem_shared>>) target_semaphore(%run_scoped3A : memref<!tpu.dma_semaphore, #tpu.memory_space<semaphore_mem>>)
      %dma_wait3A_74 = arith.constant 0 : i32
      %dma_wait3A_75 = tpu.memref_slice %arg10[%mul3A_4, %dma_wait3A_74] : memref<10240x128xf32, #tpu.memory_space<vmem_shared>> -> memref<640x128xf32, #tpu.memory_space<vmem_shared>>
      tpu.wait_dma2 semaphore(%run_scoped3A : memref<!tpu.dma_semaphore, #tpu.memory_space<semaphore_mem>>) src(%arg5 : memref<640x128xf32, #tpu.memory_space<hbm>>) dst(%dma_wait3A_75 : memref<640x128xf32, #tpu.memory_space<vmem_shared>>)
      tpu.yield
    }) : () -> ()
    %barrier3A = arith.constant 0 : index
    tpu.barrier barrier_id(%barrier3A)
    %dma_start3A = arith.constant 0 : i32
    %dma_start3A_5 = arith.constant 0 : i32
    %dma_start3A_6 = arith.constant 0 : i32
    %dma_start3A_7 = tpu.memref_slice %arg9[%dma_start3A, %dma_start3A_5, %dma_start3A_6] : memref<2x80x128xf32, #tpu.memory_space<vmem>> -> memref<1x80x128xf32, #tpu.memory_space<vmem>>
    %dma_start3A_8 = tpu.memref_squeeze %dma_start3A_7 : memref<1x80x128xf32, #tpu.memory_space<vmem>> -> memref<80x128xf32, #tpu.memory_space<vmem>>
    %dma_start3A_9 = arith.constant 0 : i32
    %dma_start3A_10 = tpu.memref_slice %arg7[%dma_start3A_9] : memref<10000xi32, #tpu.memory_space<vmem>> -> memref<80xi32, #tpu.memory_space<vmem>>
    %dma_start3A_11 = arith.constant 0 : i32
    %dma_start3A_12 = arith.constant 0 : i32
    %dma_start3A_13 = tpu.memref_slice %arg2[%dma_start3A_11, %dma_start3A_12] : memref<10000x128xf32, #tpu.memory_space<hbm>> -> memref<10000x128xf32, #tpu.memory_space<hbm>>
    tpu.enqueue_indirect_dma source(%dma_start3A_13 : memref<10000x128xf32, #tpu.memory_space<hbm>>) target(%dma_start3A_8 : memref<80x128xf32, #tpu.memory_space<vmem>>) offsets(%dma_start3A_10 : memref<80xi32, #tpu.memory_space<vmem>>) semaphore(%arg11 : memref<!tpu.dma_semaphore, #tpu.memory_space<semaphore_mem>>)
    %scan3A = arith.constant 0 : i32
    %scan3A_14 = arith.constant 0 : i32
    %scan3A_15 = arith.constant 62 : i32
    %scan3A_16 = arith.addi %scan3A_14, %scan3A_15 : i32
    %scan3A_17 = arith.constant 1 : i32
    scf.for %scan3A_72 = %scan3A_14 to %scan3A_16 step %scan3A_17  : i32 {
      %mul3A_73 = arith.constant 2 : i32
      %mul3A_74 = arith.muli %scan3A_72, %mul3A_73 : i32
      %mul3A_75 = arith.constant 80 : i32
      %mul3A_76 = arith.muli %mul3A_74, %mul3A_75 : i32
      %dma_wait3A_77 = arith.constant 0 : i32
      %dma_wait3A_78 = arith.constant 0 : i32
      %dma_wait3A_79 = arith.constant 0 : i32
      %dma_wait3A_80 = tpu.memref_slice %arg9[%dma_wait3A_77, %dma_wait3A_78, %dma_wait3A_79] : memref<2x80x128xf32, #tpu.memory_space<vmem>> -> memref<1x80x128xf32, #tpu.memory_space<vmem>>
      %dma_wait3A_81 = tpu.memref_squeeze %dma_wait3A_80 : memref<1x80x128xf32, #tpu.memory_space<vmem>> -> memref<80x128xf32, #tpu.memory_space<vmem>>
      %dma_wait3A_82 = tpu.memref_slice %arg7[%mul3A_76] : memref<10000xi32, #tpu.memory_space<vmem>> -> memref<80xi32, #tpu.memory_space<vmem>>
      %dma_wait3A_83 = arith.constant 0 : i32
      %dma_wait3A_84 = arith.constant 0 : i32
      %dma_wait3A_85 = tpu.memref_slice %arg2[%dma_wait3A_83, %dma_wait3A_84] : memref<10000x128xf32, #tpu.memory_space<hbm>> -> memref<10000x128xf32, #tpu.memory_space<hbm>>
      tpu.wait_indirect_dma semaphore(%arg11 : memref<!tpu.dma_semaphore, #tpu.memory_space<semaphore_mem>>) src(%dma_wait3A_85 : memref<10000x128xf32, #tpu.memory_space<hbm>>) dst(%dma_wait3A_81 : memref<80x128xf32, #tpu.memory_space<vmem>>)
      %dma_start3A_86 = arith.constant 0 : i32
      %dma_start3A_87 = arith.constant 0 : i32
      %dma_start3A_88 = arith.constant 0 : i32
      %dma_start3A_89 = tpu.memref_slice %arg9[%dma_start3A_86, %dma_start3A_87, %dma_start3A_88] : memref<2x80x128xf32, #tpu.memory_space<vmem>> -> memref<1x80x128xf32, #tpu.memory_space<vmem>>
      %dma_start3A_90 = tpu.memref_squeeze %dma_start3A_89 : memref<1x80x128xf32, #tpu.memory_space<vmem>> -> memref<80x128xf32, #tpu.memory_space<vmem>>
      %dma_start3A_91 = arith.constant 0 : i32
      %dma_start3A_92 = tpu.memref_slice %arg8[%mul3A_74, %dma_start3A_91] : memref<125x80xi32, #tpu.memory_space<vmem>> -> memref<1x80xi32, #tpu.memory_space<vmem>>
      %dma_start3A_93 = tpu.memref_squeeze %dma_start3A_92 : memref<1x80xi32, #tpu.memory_space<vmem>> -> memref<80xi32, #tpu.memory_space<vmem>>
      %dma_start3A_94 = arith.constant 0 : i32
      %dma_start3A_95 = arith.constant 0 : i32
      %dma_start3A_96 = tpu.memref_slice %arg10[%dma_start3A_94, %dma_start3A_95] : memref<10240x128xf32, #tpu.memory_space<vmem_shared>> -> memref<10240x128xf32, #tpu.memory_space<vmem_shared>>
      tpu.enqueue_indirect_dma source(%dma_start3A_90 : memref<80x128xf32, #tpu.memory_space<vmem>>) target(%dma_start3A_96 : memref<10240x128xf32, #tpu.memory_space<vmem_shared>>) offsets(%dma_start3A_93 : memref<80xi32, #tpu.memory_space<vmem>>) semaphore(%arg13 : memref<!tpu.dma_semaphore, #tpu.memory_space<semaphore_mem>>) {add = true}
      %add3A_97 = arith.constant 1 : i32
      %add3A_98 = arith.addi %mul3A_74, %add3A_97 : i32
      %lt3A = arith.constant 125 : i32
      %lt3A_99 = arith.cmpi slt, %add3A_98, %lt3A : i32
      %convert_element_type3A = arith.extui %lt3A_99 : i1 to i32
      %cond3A = arith.constant 0 : i32
      %cond3A_100 = arith.cmpi ne, %convert_element_type3A, %cond3A : i32
      scf.if %cond3A_100 {
        %ge3A = arith.constant 1 : i32
        %ge3A_134 = arith.cmpi sge, %mul3A_74, %ge3A : i32
        %convert_element_type3A_135 = arith.extui %ge3A_134 : i1 to i32
        %cond3A_136 = arith.constant 0 : i32
        %cond3A_137 = arith.cmpi ne, %convert_element_type3A_135, %cond3A_136 : i32
        scf.if %cond3A_137 {
          %dma_wait3A_151 = arith.constant 1 : i32
          %dma_wait3A_152 = arith.constant 0 : i32
          %dma_wait3A_153 = arith.constant 0 : i32
          %dma_wait3A_154 = tpu.memref_slice %arg9[%dma_wait3A_151, %dma_wait3A_152, %dma_wait3A_153] : memref<2x80x128xf32, #tpu.memory_space<vmem>> -> memref<1x80x128xf32, #tpu.memory_space<vmem>>
          %dma_wait3A_155 = tpu.memref_squeeze %dma_wait3A_154 : memref<1x80x128xf32, #tpu.memory_space<vmem>> -> memref<80x128xf32, #tpu.memory_space<vmem>>
          %dma_wait3A_156 = arith.constant 0 : i32
          %dma_wait3A_157 = tpu.memref_slice %arg8[%mul3A_74, %dma_wait3A_156] : memref<125x80xi32, #tpu.memory_space<vmem>> -> memref<1x80xi32, #tpu.memory_space<vmem>>
          %dma_wait3A_158 = tpu.memref_squeeze %dma_wait3A_157 : memref<1x80xi32, #tpu.memory_space<vmem>> -> memref<80xi32, #tpu.memory_space<vmem>>
          %dma_wait3A_159 = arith.constant 0 : i32
          %dma_wait3A_160 = arith.constant 0 : i32
          %dma_wait3A_161 = tpu.memref_slice %arg10[%dma_wait3A_159, %dma_wait3A_160] : memref<10240x128xf32, #tpu.memory_space<vmem_shared>> -> memref<10240x128xf32, #tpu.memory_space<vmem_shared>>
          tpu.wait_indirect_dma semaphore(%arg14 : memref<!tpu.dma_semaphore, #tpu.memory_space<semaphore_mem>>) src(%dma_wait3A_155 : memref<80x128xf32, #tpu.memory_space<vmem>>) dst(%dma_wait3A_161 : memref<10240x128xf32, #tpu.memory_space<vmem_shared>>)
        } else {
        }
        %add3A_138 = arith.constant 1 : i32
        %add3A_139 = arith.addi %mul3A_74, %add3A_138 : i32
        %mul3A_140 = arith.constant 80 : i32
        %mul3A_141 = arith.muli %add3A_139, %mul3A_140 : i32
        %dma_start3A_142 = arith.constant 1 : i32
        %dma_start3A_143 = arith.constant 0 : i32
        %dma_start3A_144 = arith.constant 0 : i32
        %dma_start3A_145 = tpu.memref_slice %arg9[%dma_start3A_142, %dma_start3A_143, %dma_start3A_144] : memref<2x80x128xf32, #tpu.memory_space<vmem>> -> memref<1x80x128xf32, #tpu.memory_space<vmem>>
        %dma_start3A_146 = tpu.memref_squeeze %dma_start3A_145 : memref<1x80x128xf32, #tpu.memory_space<vmem>> -> memref<80x128xf32, #tpu.memory_space<vmem>>
        %dma_start3A_147 = tpu.memref_slice %arg7[%mul3A_141] : memref<10000xi32, #tpu.memory_space<vmem>> -> memref<80xi32, #tpu.memory_space<vmem>>
        %dma_start3A_148 = arith.constant 0 : i32
        %dma_start3A_149 = arith.constant 0 : i32
        %dma_start3A_150 = tpu.memref_slice %arg2[%dma_start3A_148, %dma_start3A_149] : memref<10000x128xf32, #tpu.memory_space<hbm>> -> memref<10000x128xf32, #tpu.memory_space<hbm>>
        tpu.enqueue_indirect_dma source(%dma_start3A_150 : memref<10000x128xf32, #tpu.memory_space<hbm>>) target(%dma_start3A_146 : memref<80x128xf32, #tpu.memory_space<vmem>>) offsets(%dma_start3A_147 : memref<80xi32, #tpu.memory_space<vmem>>) semaphore(%arg12 : memref<!tpu.dma_semaphore, #tpu.memory_space<semaphore_mem>>)
      } else {
      }
      %mul3A_101 = arith.constant 2 : i32
      %mul3A_102 = arith.muli %scan3A_72, %mul3A_101 : i32
      %add3A_103 = arith.constant 1 : i32
      %add3A_104 = arith.addi %mul3A_102, %add3A_103 : i32
      %mul3A_105 = arith.constant 80 : i32
      %mul3A_106 = arith.muli %add3A_104, %mul3A_105 : i32
      %dma_wait3A_107 = arith.constant 1 : i32
      %dma_wait3A_108 = arith.constant 0 : i32
      %dma_wait3A_109 = arith.constant 0 : i32
      %dma_wait3A_110 = tpu.memref_slice %arg9[%dma_wait3A_107, %dma_wait3A_108, %dma_wait3A_109] : memref<2x80x128xf32, #tpu.memory_space<vmem>> -> memref<1x80x128xf32, #tpu.memory_space<vmem>>
      %dma_wait3A_111 = tpu.memref_squeeze %dma_wait3A_110 : memref<1x80x128xf32, #tpu.memory_space<vmem>> -> memref<80x128xf32, #tpu.memory_space<vmem>>
      %dma_wait3A_112 = tpu.memref_slice %arg7[%mul3A_106] : memref<10000xi32, #tpu.memory_space<vmem>> -> memref<80xi32, #tpu.memory_space<vmem>>
      %dma_wait3A_113 = arith.constant 0 : i32
      %dma_wait3A_114 = arith.constant 0 : i32
      %dma_wait3A_115 = tpu.memref_slice %arg2[%dma_wait3A_113, %dma_wait3A_114] : memref<10000x128xf32, #tpu.memory_space<hbm>> -> memref<10000x128xf32, #tpu.memory_space<hbm>>
      tpu.wait_indirect_dma semaphore(%arg12 : memref<!tpu.dma_semaphore, #tpu.memory_space<semaphore_mem>>) src(%dma_wait3A_115 : memref<10000x128xf32, #tpu.memory_space<hbm>>) dst(%dma_wait3A_111 : memref<80x128xf32, #tpu.memory_space<vmem>>)
      %dma_start3A_116 = arith.constant 1 : i32
      %dma_start3A_117 = arith.constant 0 : i32
      %dma_start3A_118 = arith.constant 0 : i32
      %dma_start3A_119 = tpu.memref_slice %arg9[%dma_start3A_116, %dma_start3A_117, %dma_start3A_118] : memref<2x80x128xf32, #tpu.memory_space<vmem>> -> memref<1x80x128xf32, #tpu.memory_space<vmem>>
      %dma_start3A_120 = tpu.memref_squeeze %dma_start3A_119 : memref<1x80x128xf32, #tpu.memory_space<vmem>> -> memref<80x128xf32, #tpu.memory_space<vmem>>
      %dma_start3A_121 = arith.constant 0 : i32
      %dma_start3A_122 = tpu.memref_slice %arg8[%add3A_104, %dma_start3A_121] : memref<125x80xi32, #tpu.memory_space<vmem>> -> memref<1x80xi32, #tpu.memory_space<vmem>>
      %dma_start3A_123 = tpu.memref_squeeze %dma_start3A_122 : memref<1x80xi32, #tpu.memory_space<vmem>> -> memref<80xi32, #tpu.memory_space<vmem>>
      %dma_start3A_124 = arith.constant 0 : i32
      %dma_start3A_125 = arith.constant 0 : i32
      %dma_start3A_126 = tpu.memref_slice %arg10[%dma_start3A_124, %dma_start3A_125] : memref<10240x128xf32, #tpu.memory_space<vmem_shared>> -> memref<10240x128xf32, #tpu.memory_space<vmem_shared>>
      tpu.enqueue_indirect_dma source(%dma_start3A_120 : memref<80x128xf32, #tpu.memory_space<vmem>>) target(%dma_start3A_126 : memref<10240x128xf32, #tpu.memory_space<vmem_shared>>) offsets(%dma_start3A_123 : memref<80xi32, #tpu.memory_space<vmem>>) semaphore(%arg14 : memref<!tpu.dma_semaphore, #tpu.memory_space<semaphore_mem>>) {add = true}
      %add3A_127 = arith.constant 1 : i32
      %add3A_128 = arith.addi %add3A_104, %add3A_127 : i32
      %lt3A_129 = arith.constant 125 : i32
      %lt3A_130 = arith.cmpi slt, %add3A_128, %lt3A_129 : i32
      %convert_element_type3A_131 = arith.extui %lt3A_130 : i1 to i32
      %cond3A_132 = arith.constant 0 : i32
      %cond3A_133 = arith.cmpi ne, %convert_element_type3A_131, %cond3A_132 : i32
      scf.if %cond3A_133 {
        %ge3A = arith.constant 1 : i32
        %ge3A_134 = arith.cmpi sge, %add3A_104, %ge3A : i32
        %convert_element_type3A_135 = arith.extui %ge3A_134 : i1 to i32
        %cond3A_136 = arith.constant 0 : i32
        %cond3A_137 = arith.cmpi ne, %convert_element_type3A_135, %cond3A_136 : i32
        scf.if %cond3A_137 {
          %dma_wait3A_151 = arith.constant 0 : i32
          %dma_wait3A_152 = arith.constant 0 : i32
          %dma_wait3A_153 = arith.constant 0 : i32
          %dma_wait3A_154 = tpu.memref_slice %arg9[%dma_wait3A_151, %dma_wait3A_152, %dma_wait3A_153] : memref<2x80x128xf32, #tpu.memory_space<vmem>> -> memref<1x80x128xf32, #tpu.memory_space<vmem>>
          %dma_wait3A_155 = tpu.memref_squeeze %dma_wait3A_154 : memref<1x80x128xf32, #tpu.memory_space<vmem>> -> memref<80x128xf32, #tpu.memory_space<vmem>>
          %dma_wait3A_156 = arith.constant 0 : i32
          %dma_wait3A_157 = tpu.memref_slice %arg8[%add3A_104, %dma_wait3A_156] : memref<125x80xi32, #tpu.memory_space<vmem>> -> memref<1x80xi32, #tpu.memory_space<vmem>>
          %dma_wait3A_158 = tpu.memref_squeeze %dma_wait3A_157 : memref<1x80xi32, #tpu.memory_space<vmem>> -> memref<80xi32, #tpu.memory_space<vmem>>
          %dma_wait3A_159 = arith.constant 0 : i32
          %dma_wait3A_160 = arith.constant 0 : i32
          %dma_wait3A_161 = tpu.memref_slice %arg10[%dma_wait3A_159, %dma_wait3A_160] : memref<10240x128xf32, #tpu.memory_space<vmem_shared>> -> memref<10240x128xf32, #tpu.memory_space<vmem_shared>>
          tpu.wait_indirect_dma semaphore(%arg13 : memref<!tpu.dma_semaphore, #tpu.memory_space<semaphore_mem>>) src(%dma_wait3A_155 : memref<80x128xf32, #tpu.memory_space<vmem>>) dst(%dma_wait3A_161 : memref<10240x128xf32, #tpu.memory_space<vmem_shared>>)
        } else {
        }
        %add3A_138 = arith.constant 1 : i32
        %add3A_139 = arith.addi %add3A_104, %add3A_138 : i32
        %mul3A_140 = arith.constant 80 : i32
        %mul3A_141 = arith.muli %add3A_139, %mul3A_140 : i32
        %dma_start3A_142 = arith.constant 0 : i32
        %dma_start3A_143 = arith.constant 0 : i32
        %dma_start3A_144 = arith.constant 0 : i32
        %dma_start3A_145 = tpu.memref_slice %arg9[%dma_start3A_142, %dma_start3A_143, %dma_start3A_144] : memref<2x80x128xf32, #tpu.memory_space<vmem>> -> memref<1x80x128xf32, #tpu.memory_space<vmem>>
        %dma_start3A_146 = tpu.memref_squeeze %dma_start3A_145 : memref<1x80x128xf32, #tpu.memory_space<vmem>> -> memref<80x128xf32, #tpu.memory_space<vmem>>
        %dma_start3A_147 = tpu.memref_slice %arg7[%mul3A_141] : memref<10000xi32, #tpu.memory_space<vmem>> -> memref<80xi32, #tpu.memory_space<vmem>>
        %dma_start3A_148 = arith.constant 0 : i32
        %dma_start3A_149 = arith.constant 0 : i32
        %dma_start3A_150 = tpu.memref_slice %arg2[%dma_start3A_148, %dma_start3A_149] : memref<10000x128xf32, #tpu.memory_space<hbm>> -> memref<10000x128xf32, #tpu.memory_space<hbm>>
        tpu.enqueue_indirect_dma source(%dma_start3A_150 : memref<10000x128xf32, #tpu.memory_space<hbm>>) target(%dma_start3A_146 : memref<80x128xf32, #tpu.memory_space<vmem>>) offsets(%dma_start3A_147 : memref<80xi32, #tpu.memory_space<vmem>>) semaphore(%arg11 : memref<!tpu.dma_semaphore, #tpu.memory_space<semaphore_mem>>)
      } else {
      }
    }
    %scan3A_18 = arith.constant 62 : i32
    %dma_wait3A = arith.constant 0 : i32
    %dma_wait3A_19 = arith.constant 0 : i32
    %dma_wait3A_20 = arith.constant 0 : i32
    %dma_wait3A_21 = tpu.memref_slice %arg9[%dma_wait3A, %dma_wait3A_19, %dma_wait3A_20] : memref<2x80x128xf32, #tpu.memory_space<vmem>> -> memref<1x80x128xf32, #tpu.memory_space<vmem>>
    %dma_wait3A_22 = tpu.memref_squeeze %dma_wait3A_21 : memref<1x80x128xf32, #tpu.memory_space<vmem>> -> memref<80x128xf32, #tpu.memory_space<vmem>>
    %dma_wait3A_23 = arith.constant 9920 : i32
    %dma_wait3A_24 = tpu.memref_slice %arg7[%dma_wait3A_23] : memref<10000xi32, #tpu.memory_space<vmem>> -> memref<80xi32, #tpu.memory_space<vmem>>
    %dma_wait3A_25 = arith.constant 0 : i32
    %dma_wait3A_26 = arith.constant 0 : i32
    %dma_wait3A_27 = tpu.memref_slice %arg2[%dma_wait3A_25, %dma_wait3A_26] : memref<10000x128xf32, #tpu.memory_space<hbm>> -> memref<10000x128xf32, #tpu.memory_space<hbm>>
    tpu.wait_indirect_dma semaphore(%arg11 : memref<!tpu.dma_semaphore, #tpu.memory_space<semaphore_mem>>) src(%dma_wait3A_27 : memref<10000x128xf32, #tpu.memory_space<hbm>>) dst(%dma_wait3A_22 : memref<80x128xf32, #tpu.memory_space<vmem>>)
    %dma_start3A_28 = arith.constant 0 : i32
    %dma_start3A_29 = arith.constant 124 : i32
    %dma_start3A_30 = arith.constant 0 : i32
    %dma_start3A_31 = arith.constant 0 : i32
    %dma_start3A_32 = tpu.memref_slice %arg9[%dma_start3A_28, %dma_start3A_30, %dma_start3A_31] : memref<2x80x128xf32, #tpu.memory_space<vmem>> -> memref<1x80x128xf32, #tpu.memory_space<vmem>>
    %dma_start3A_33 = tpu.memref_squeeze %dma_start3A_32 : memref<1x80x128xf32, #tpu.memory_space<vmem>> -> memref<80x128xf32, #tpu.memory_space<vmem>>
    %dma_start3A_34 = arith.constant 0 : i32
    %dma_start3A_35 = tpu.memref_slice %arg8[%dma_start3A_29, %dma_start3A_34] : memref<125x80xi32, #tpu.memory_space<vmem>> -> memref<1x80xi32, #tpu.memory_space<vmem>>
    %dma_start3A_36 = tpu.memref_squeeze %dma_start3A_35 : memref<1x80xi32, #tpu.memory_space<vmem>> -> memref<80xi32, #tpu.memory_space<vmem>>
    %dma_start3A_37 = arith.constant 0 : i32
    %dma_start3A_38 = arith.constant 0 : i32
    %dma_start3A_39 = tpu.memref_slice %arg10[%dma_start3A_37, %dma_start3A_38] : memref<10240x128xf32, #tpu.memory_space<vmem_shared>> -> memref<10240x128xf32, #tpu.memory_space<vmem_shared>>
    tpu.enqueue_indirect_dma source(%dma_start3A_33 : memref<80x128xf32, #tpu.memory_space<vmem>>) target(%dma_start3A_39 : memref<10240x128xf32, #tpu.memory_space<vmem_shared>>) offsets(%dma_start3A_36 : memref<80xi32, #tpu.memory_space<vmem>>) semaphore(%arg13 : memref<!tpu.dma_semaphore, #tpu.memory_space<semaphore_mem>>) {add = true}
    %dma_wait3A_40 = arith.constant 0 : i32
    %dma_wait3A_41 = arith.constant 0 : i32
    %dma_wait3A_42 = arith.constant 0 : i32
    %dma_wait3A_43 = arith.constant 0 : i32
    %dma_wait3A_44 = tpu.memref_slice %arg9[%dma_wait3A_40, %dma_wait3A_42, %dma_wait3A_43] : memref<2x80x128xf32, #tpu.memory_space<vmem>> -> memref<1x80x128xf32, #tpu.memory_space<vmem>>
    %dma_wait3A_45 = tpu.memref_squeeze %dma_wait3A_44 : memref<1x80x128xf32, #tpu.memory_space<vmem>> -> memref<80x128xf32, #tpu.memory_space<vmem>>
    %dma_wait3A_46 = arith.constant 0 : i32
    %dma_wait3A_47 = tpu.memref_slice %arg8[%dma_wait3A_41, %dma_wait3A_46] : memref<125x80xi32, #tpu.memory_space<vmem>> -> memref<1x80xi32, #tpu.memory_space<vmem>>
    %dma_wait3A_48 = tpu.memref_squeeze %dma_wait3A_47 : memref<1x80xi32, #tpu.memory_space<vmem>> -> memref<80xi32, #tpu.memory_space<vmem>>
    %dma_wait3A_49 = arith.constant 0 : i32
    %dma_wait3A_50 = arith.constant 0 : i32
    %dma_wait3A_51 = tpu.memref_slice %arg10[%dma_wait3A_49, %dma_wait3A_50] : memref<10240x128xf32, #tpu.memory_space<vmem_shared>> -> memref<10240x128xf32, #tpu.memory_space<vmem_shared>>
    tpu.wait_indirect_dma semaphore(%arg13 : memref<!tpu.dma_semaphore, #tpu.memory_space<semaphore_mem>>) src(%dma_wait3A_45 : memref<80x128xf32, #tpu.memory_space<vmem>>) dst(%dma_wait3A_51 : memref<10240x128xf32, #tpu.memory_space<vmem_shared>>)
    %dma_wait3A_52 = arith.constant 1 : i32
    %dma_wait3A_53 = arith.constant 0 : i32
    %dma_wait3A_54 = arith.constant 0 : i32
    %dma_wait3A_55 = arith.constant 0 : i32
    %dma_wait3A_56 = tpu.memref_slice %arg9[%dma_wait3A_52, %dma_wait3A_54, %dma_wait3A_55] : memref<2x80x128xf32, #tpu.memory_space<vmem>> -> memref<1x80x128xf32, #tpu.memory_space<vmem>>
    %dma_wait3A_57 = tpu.memref_squeeze %dma_wait3A_56 : memref<1x80x128xf32, #tpu.memory_space<vmem>> -> memref<80x128xf32, #tpu.memory_space<vmem>>
    %dma_wait3A_58 = arith.constant 0 : i32
    %dma_wait3A_59 = tpu.memref_slice %arg8[%dma_wait3A_53, %dma_wait3A_58] : memref<125x80xi32, #tpu.memory_space<vmem>> -> memref<1x80xi32, #tpu.memory_space<vmem>>
    %dma_wait3A_60 = tpu.memref_squeeze %dma_wait3A_59 : memref<1x80xi32, #tpu.memory_space<vmem>> -> memref<80xi32, #tpu.memory_space<vmem>>
    %dma_wait3A_61 = arith.constant 0 : i32
    %dma_wait3A_62 = arith.constant 0 : i32
    %dma_wait3A_63 = tpu.memref_slice %arg10[%dma_wait3A_61, %dma_wait3A_62] : memref<10240x128xf32, #tpu.memory_space<vmem_shared>> -> memref<10240x128xf32, #tpu.memory_space<vmem_shared>>
    tpu.wait_indirect_dma semaphore(%arg14 : memref<!tpu.dma_semaphore, #tpu.memory_space<semaphore_mem>>) src(%dma_wait3A_57 : memref<80x128xf32, #tpu.memory_space<vmem>>) dst(%dma_wait3A_63 : memref<10240x128xf32, #tpu.memory_space<vmem_shared>>)
    %barrier3A_64 = arith.constant 0 : index
    tpu.barrier barrier_id(%barrier3A_64)
    %mul3A_65 = arith.constant 640 : i32
    %mul3A_66 = arith.muli %arg1, %mul3A_65 : i32
    %mul3A_67 = arith.constant 10240 : i32
    %mul3A_68 = arith.muli %arg0, %mul3A_67 : i32
    %mul3A_69 = arith.constant 640 : i32
    %mul3A_70 = arith.muli %arg1, %mul3A_69 : i32
    %add3A_71 = arith.addi %mul3A_68, %mul3A_70 : i32
    "tpu.region"() ({
      %run_scoped3A = tpu.sem_alloc : memref<!tpu.dma_semaphore, #tpu.memory_space<semaphore_mem>>
      %dma_start3A_72 = arith.constant 0 : i32
      %dma_start3A_73 = tpu.memref_slice %arg6[%add3A_71, %dma_start3A_72] : memref<20480x128xf32, #tpu.memory_space<hbm>> -> memref<640x128xf32, #tpu.memory_space<hbm>>
      %dma_start3A_74 = arith.constant 0 : i32
      %dma_start3A_75 = tpu.memref_slice %arg10[%mul3A_66, %dma_start3A_74] : memref<10240x128xf32, #tpu.memory_space<vmem_shared>> -> memref<640x128xf32, #tpu.memory_space<vmem_shared>>
      tpu.enqueue_dma source(%dma_start3A_75 : memref<640x128xf32, #tpu.memory_space<vmem_shared>>) target(%dma_start3A_73 : memref<640x128xf32, #tpu.memory_space<hbm>>) target_semaphore(%run_scoped3A : memref<!tpu.dma_semaphore, #tpu.memory_space<semaphore_mem>>)
      %dma_wait3A_76 = arith.constant 0 : i32
      %dma_wait3A_77 = tpu.memref_slice %arg6[%add3A_71, %dma_wait3A_76] : memref<20480x128xf32, #tpu.memory_space<hbm>> -> memref<640x128xf32, #tpu.memory_space<hbm>>
      %dma_wait3A_78 = arith.constant 0 : i32
      %dma_wait3A_79 = tpu.memref_slice %arg10[%mul3A_66, %dma_wait3A_78] : memref<10240x128xf32, #tpu.memory_space<vmem_shared>> -> memref<640x128xf32, #tpu.memory_space<vmem_shared>>
      tpu.wait_dma2 semaphore(%run_scoped3A : memref<!tpu.dma_semaphore, #tpu.memory_space<semaphore_mem>>) src(%dma_wait3A_79 : memref<640x128xf32, #tpu.memory_space<vmem_shared>>) dst(%dma_wait3A_77 : memref<640x128xf32, #tpu.memory_space<hbm>>)
      tpu.yield
    }) : () -> ()
    return
  }
}

#map = affine_map<(d0, d1) -> (0, 0)>
#map1 = affine_map<(d0, d1) -> (0)>
#map2 = affine_map<(d0, d1) -> (0, 0, 0)>
module attributes {stable_mosaic.version = 14 : i64} {
  func.func @_spmm_body(%arg0: i32, %arg1: i32, %arg2: memref<10000x128xf32, #tpu.memory_space<hbm>>, %arg3: memref<320000xi32, #tpu.memory_space<hbm>>, %arg4: memref<32x125x80xi32, #tpu.memory_space<hbm>>, %arg5: memref<640x128xf32, #tpu.memory_space<hbm>>, %arg6: memref<20480x128xf32, #tpu.memory_space<hbm>>, %arg7: memref<10000xi32, #tpu.memory_space<vmem>>, %arg8: memref<125x80xi32, #tpu.memory_space<vmem>>, %arg9: memref<2x80x128xf32, #tpu.memory_space<vmem>>, %arg10: memref<10240x128xf32, #tpu.memory_space<vmem_shared>>, %arg11: memref<!tpu.dma_semaphore, #tpu.memory_space<semaphore_mem>>, %arg12: memref<!tpu.dma_semaphore, #tpu.memory_space<semaphore_mem>>, %arg13: memref<!tpu.dma_semaphore, #tpu.memory_space<semaphore_mem>>, %arg14: memref<!tpu.dma_semaphore, #tpu.memory_space<semaphore_mem>>) attributes {dimension_semantics = [#tpu.dimension_semantics<core_parallel>, #tpu.dimension_semantics<subcore_parallel>], iteration_bounds = array<i64: 2, 16>, scalar_prefetch = 0 : i64, scratch_operands = 8 : i64, tpu.core_type = #tpu.core_type<sc_vector_subcore>, window_params = [{transform_indices = #map}, {transform_indices = #map1}, {transform_indices = #map2}, {transform_indices = #map}, {transform_indices = #map}]} {
    %mul3A = arith.constant 16 : i32
    %mul3A_0 = arith.muli %arg0, %mul3A : i32
    %add3A = arith.addi %mul3A_0, %arg1 : i32
    %mul3A_1 = arith.constant 10000 : i32
    %mul3A_2 = arith.muli %add3A, %mul3A_1 : i32
    "tpu.region"() ({
      %run_scoped3A = tpu.sem_alloc : memref<!tpu.dma_semaphore, #tpu.memory_space<semaphore_mem>>
      %dma_start3A_72 = tpu.memref_slice %arg3[%mul3A_2] : memref<320000xi32, #tpu.memory_space<hbm>> -> memref<10000xi32, #tpu.memory_space<hbm>>
      %dma_start3A_73 = tpu.memref_slice %arg3[%mul3A_2] : memref<320000xi32, #tpu.memory_space<hbm>> -> memref<10000xi32, #tpu.memory_space<hbm>>
      tpu.enqueue_dma source(%dma_start3A_73 : memref<10000xi32, #tpu.memory_space<hbm>>) target(%arg7 : memref<10000xi32, #tpu.memory_space<vmem>>) target_semaphore(%run_scoped3A : memref<!tpu.dma_semaphore, #tpu.memory_space<semaphore_mem>>)
      %dma_wait3A_74 = tpu.memref_slice %arg3[%mul3A_2] : memref<320000xi32, #tpu.memory_space<hbm>> -> memref<10000xi32, #tpu.memory_space<hbm>>
      %dma_wait3A_75 = tpu.memref_slice %arg3[%mul3A_2] : memref<320000xi32, #tpu.memory_space<hbm>> -> memref<10000xi32, #tpu.memory_space<hbm>>
      tpu.wait_dma2 semaphore(%run_scoped3A : memref<!tpu.dma_semaphore, #tpu.memory_space<semaphore_mem>>) src(%dma_wait3A_75 : memref<10000xi32, #tpu.memory_space<hbm>>) dst(%arg7 : memref<10000xi32, #tpu.memory_space<vmem>>)
      tpu.yield
    }) : () -> ()
    "tpu.region"() ({
      %run_scoped3A = tpu.sem_alloc : memref<!tpu.dma_semaphore, #tpu.memory_space<semaphore_mem>>
      %dma_start3A_72 = arith.constant 0 : i32
      %dma_start3A_73 = arith.constant 0 : i32
      %dma_start3A_74 = tpu.memref_slice %arg4[%add3A, %dma_start3A_72, %dma_start3A_73] : memref<32x125x80xi32, #tpu.memory_space<hbm>> -> memref<1x125x80xi32, #tpu.memory_space<hbm>>
      %dma_start3A_75 = tpu.memref_squeeze %dma_start3A_74 : memref<1x125x80xi32, #tpu.memory_space<hbm>> -> memref<125x80xi32, #tpu.memory_space<hbm>>
      %dma_start3A_76 = arith.constant 0 : i32
      %dma_start3A_77 = arith.constant 0 : i32
      %dma_start3A_78 = tpu.memref_slice %arg4[%add3A, %dma_start3A_76, %dma_start3A_77] : memref<32x125x80xi32, #tpu.memory_space<hbm>> -> memref<1x125x80xi32, #tpu.memory_space<hbm>>
      %dma_start3A_79 = tpu.memref_squeeze %dma_start3A_78 : memref<1x125x80xi32, #tpu.memory_space<hbm>> -> memref<125x80xi32, #tpu.memory_space<hbm>>
      tpu.enqueue_dma source(%dma_start3A_79 : memref<125x80xi32, #tpu.memory_space<hbm>>) target(%arg8 : memref<125x80xi32, #tpu.memory_space<vmem>>) target_semaphore(%run_scoped3A : memref<!tpu.dma_semaphore, #tpu.memory_space<semaphore_mem>>)
      %dma_wait3A_80 = arith.constant 0 : i32
      %dma_wait3A_81 = arith.constant 0 : i32
      %dma_wait3A_82 = tpu.memref_slice %arg4[%add3A, %dma_wait3A_80, %dma_wait3A_81] : memref<32x125x80xi32, #tpu.memory_space<hbm>> -> memref<1x125x80xi32, #tpu.memory_space<hbm>>
      %dma_wait3A_83 = tpu.memref_squeeze %dma_wait3A_82 : memref<1x125x80xi32, #tpu.memory_space<hbm>> -> memref<125x80xi32, #tpu.memory_space<hbm>>
      %dma_wait3A_84 = arith.constant 0 : i32
      %dma_wait3A_85 = arith.constant 0 : i32
      %dma_wait3A_86 = tpu.memref_slice %arg4[%add3A, %dma_wait3A_84, %dma_wait3A_85] : memref<32x125x80xi32, #tpu.memory_space<hbm>> -> memref<1x125x80xi32, #tpu.memory_space<hbm>>
      %dma_wait3A_87 = tpu.memref_squeeze %dma_wait3A_86 : memref<1x125x80xi32, #tpu.memory_space<hbm>> -> memref<125x80xi32, #tpu.memory_space<hbm>>
      tpu.wait_dma2 semaphore(%run_scoped3A : memref<!tpu.dma_semaphore, #tpu.memory_space<semaphore_mem>>) src(%dma_wait3A_87 : memref<125x80xi32, #tpu.memory_space<hbm>>) dst(%arg8 : memref<125x80xi32, #tpu.memory_space<vmem>>)
      tpu.yield
    }) : () -> ()
    %mul3A_3 = arith.constant 640 : i32
    %mul3A_4 = arith.muli %arg1, %mul3A_3 : i32
    "tpu.region"() ({
      %run_scoped3A = tpu.sem_alloc : memref<!tpu.dma_semaphore, #tpu.memory_space<semaphore_mem>>
      %dma_start3A_72 = arith.constant 0 : i32
      %dma_start3A_73 = tpu.memref_slice %arg10[%mul3A_4, %dma_start3A_72] : memref<10240x128xf32, #tpu.memory_space<vmem_shared>> -> memref<640x128xf32, #tpu.memory_space<vmem_shared>>
      tpu.enqueue_dma source(%arg5 : memref<640x128xf32, #tpu.memory_space<hbm>>) target(%dma_start3A_73 : memref<640x128xf32, #tpu.memory_space<vmem_shared>>) target_semaphore(%run_scoped3A : memref<!tpu.dma_semaphore, #tpu.memory_space<semaphore_mem>>)
      %dma_wait3A_74 = arith.constant 0 : i32
      %dma_wait3A_75 = tpu.memref_slice %arg10[%mul3A_4, %dma_wait3A_74] : memref<10240x128xf32, #tpu.memory_space<vmem_shared>> -> memref<640x128xf32, #tpu.memory_space<vmem_shared>>
      tpu.wait_dma2 semaphore(%run_scoped3A : memref<!tpu.dma_semaphore, #tpu.memory_space<semaphore_mem>>) src(%arg5 : memref<640x128xf32, #tpu.memory_space<hbm>>) dst(%dma_wait3A_75 : memref<640x128xf32, #tpu.memory_space<vmem_shared>>)
      tpu.yield
    }) : () -> ()
    %barrier3A = arith.constant 0 : index
    tpu.barrier barrier_id(%barrier3A)
    %dma_start3A = arith.constant 0 : i32
    %dma_start3A_5 = arith.constant 0 : i32
    %dma_start3A_6 = arith.constant 0 : i32
    %dma_start3A_7 = tpu.memref_slice %arg9[%dma_start3A, %dma_start3A_5, %dma_start3A_6] : memref<2x80x128xf32, #tpu.memory_space<vmem>> -> memref<1x80x128xf32, #tpu.memory_space<vmem>>
    %dma_start3A_8 = tpu.memref_squeeze %dma_start3A_7 : memref<1x80x128xf32, #tpu.memory_space<vmem>> -> memref<80x128xf32, #tpu.memory_space<vmem>>
    %dma_start3A_9 = arith.constant 0 : i32
    %dma_start3A_10 = tpu.memref_slice %arg7[%dma_start3A_9] : memref<10000xi32, #tpu.memory_space<vmem>> -> memref<80xi32, #tpu.memory_space<vmem>>
    %dma_start3A_11 = arith.constant 0 : i32
    %dma_start3A_12 = arith.constant 0 : i32
    %dma_start3A_13 = tpu.memref_slice %arg2[%dma_start3A_11, %dma_start3A_12] : memref<10000x128xf32, #tpu.memory_space<hbm>> -> memref<10000x128xf32, #tpu.memory_space<hbm>>
    tpu.enqueue_indirect_dma source(%dma_start3A_13 : memref<10000x128xf32, #tpu.memory_space<hbm>>) target(%dma_start3A_8 : memref<80x128xf32, #tpu.memory_space<vmem>>) offsets(%dma_start3A_10 : memref<80xi32, #tpu.memory_space<vmem>>) semaphore(%arg11 : memref<!tpu.dma_semaphore, #tpu.memory_space<semaphore_mem>>)
    %scan3A = arith.constant 0 : i32
    %scan3A_14 = arith.constant 0 : i32
    %scan3A_15 = arith.constant 62 : i32
    %scan3A_16 = arith.addi %scan3A_14, %scan3A_15 : i32
    %scan3A_17 = arith.constant 1 : i32
    scf.for %scan3A_72 = %scan3A_14 to %scan3A_16 step %scan3A_17  : i32 {
      %mul3A_73 = arith.constant 2 : i32
      %mul3A_74 = arith.muli %scan3A_72, %mul3A_73 : i32
      %mul3A_75 = arith.constant 80 : i32
      %mul3A_76 = arith.muli %mul3A_74, %mul3A_75 : i32
      %dma_wait3A_77 = arith.constant 0 : i32
      %dma_wait3A_78 = arith.constant 0 : i32
      %dma_wait3A_79 = arith.constant 0 : i32
      %dma_wait3A_80 = tpu.memref_slice %arg9[%dma_wait3A_77, %dma_wait3A_78, %dma_wait3A_79] : memref<2x80x128xf32, #tpu.memory_space<vmem>> -> memref<1x80x128xf32, #tpu.memory_space<vmem>>
      %dma_wait3A_81 = tpu.memref_squeeze %dma_wait3A_80 : memref<1x80x128xf32, #tpu.memory_space<vmem>> -> memref<80x128xf32, #tpu.memory_space<vmem>>
      %dma_wait3A_82 = tpu.memref_slice %arg7[%mul3A_76] : memref<10000xi32, #tpu.memory_space<vmem>> -> memref<80xi32, #tpu.memory_space<vmem>>
      %dma_wait3A_83 = arith.constant 0 : i32
      %dma_wait3A_84 = arith.constant 0 : i32
      %dma_wait3A_85 = tpu.memref_slice %arg2[%dma_wait3A_83, %dma_wait3A_84] : memref<10000x128xf32, #tpu.memory_space<hbm>> -> memref<10000x128xf32, #tpu.memory_space<hbm>>
      tpu.wait_indirect_dma semaphore(%arg11 : memref<!tpu.dma_semaphore, #tpu.memory_space<semaphore_mem>>) src(%dma_wait3A_85 : memref<10000x128xf32, #tpu.memory_space<hbm>>) dst(%dma_wait3A_81 : memref<80x128xf32, #tpu.memory_space<vmem>>)
      %dma_start3A_86 = arith.constant 0 : i32
      %dma_start3A_87 = arith.constant 0 : i32
      %dma_start3A_88 = arith.constant 0 : i32
      %dma_start3A_89 = tpu.memref_slice %arg9[%dma_start3A_86, %dma_start3A_87, %dma_start3A_88] : memref<2x80x128xf32, #tpu.memory_space<vmem>> -> memref<1x80x128xf32, #tpu.memory_space<vmem>>
      %dma_start3A_90 = tpu.memref_squeeze %dma_start3A_89 : memref<1x80x128xf32, #tpu.memory_space<vmem>> -> memref<80x128xf32, #tpu.memory_space<vmem>>
      %dma_start3A_91 = arith.constant 0 : i32
      %dma_start3A_92 = tpu.memref_slice %arg8[%mul3A_74, %dma_start3A_91] : memref<125x80xi32, #tpu.memory_space<vmem>> -> memref<1x80xi32, #tpu.memory_space<vmem>>
      %dma_start3A_93 = tpu.memref_squeeze %dma_start3A_92 : memref<1x80xi32, #tpu.memory_space<vmem>> -> memref<80xi32, #tpu.memory_space<vmem>>
      %dma_start3A_94 = arith.constant 0 : i32
      %dma_start3A_95 = arith.constant 0 : i32
      %dma_start3A_96 = tpu.memref_slice %arg10[%dma_start3A_94, %dma_start3A_95] : memref<10240x128xf32, #tpu.memory_space<vmem_shared>> -> memref<10240x128xf32, #tpu.memory_space<vmem_shared>>
      tpu.enqueue_indirect_dma source(%dma_start3A_90 : memref<80x128xf32, #tpu.memory_space<vmem>>) target(%dma_start3A_96 : memref<10240x128xf32, #tpu.memory_space<vmem_shared>>) offsets(%dma_start3A_93 : memref<80xi32, #tpu.memory_space<vmem>>) semaphore(%arg13 : memref<!tpu.dma_semaphore, #tpu.memory_space<semaphore_mem>>) {add = true}
      %add3A_97 = arith.constant 1 : i32
      %add3A_98 = arith.addi %mul3A_74, %add3A_97 : i32
      %lt3A = arith.constant 125 : i32
      %lt3A_99 = arith.cmpi slt, %add3A_98, %lt3A : i32
      %convert_element_type3A = arith.extui %lt3A_99 : i1 to i32
      %cond3A = arith.constant 0 : i32
      %cond3A_100 = arith.cmpi ne, %convert_element_type3A, %cond3A : i32
      scf.if %cond3A_100 {
        %ge3A = arith.constant 1 : i32
        %ge3A_134 = arith.cmpi sge, %mul3A_74, %ge3A : i32
        %convert_element_type3A_135 = arith.extui %ge3A_134 : i1 to i32
        %cond3A_136 = arith.constant 0 : i32
        %cond3A_137 = arith.cmpi ne, %convert_element_type3A_135, %cond3A_136 : i32
        scf.if %cond3A_137 {
          %dma_wait3A_151 = arith.constant 1 : i32
          %dma_wait3A_152 = arith.constant 0 : i32
          %dma_wait3A_153 = arith.constant 0 : i32
          %dma_wait3A_154 = tpu.memref_slice %arg9[%dma_wait3A_151, %dma_wait3A_152, %dma_wait3A_153] : memref<2x80x128xf32, #tpu.memory_space<vmem>> -> memref<1x80x128xf32, #tpu.memory_space<vmem>>
          %dma_wait3A_155 = tpu.memref_squeeze %dma_wait3A_154 : memref<1x80x128xf32, #tpu.memory_space<vmem>> -> memref<80x128xf32, #tpu.memory_space<vmem>>
          %dma_wait3A_156 = arith.constant 0 : i32
          %dma_wait3A_157 = tpu.memref_slice %arg8[%mul3A_74, %dma_wait3A_156] : memref<125x80xi32, #tpu.memory_space<vmem>> -> memref<1x80xi32, #tpu.memory_space<vmem>>
          %dma_wait3A_158 = tpu.memref_squeeze %dma_wait3A_157 : memref<1x80xi32, #tpu.memory_space<vmem>> -> memref<80xi32, #tpu.memory_space<vmem>>
          %dma_wait3A_159 = arith.constant 0 : i32
          %dma_wait3A_160 = arith.constant 0 : i32
          %dma_wait3A_161 = tpu.memref_slice %arg10[%dma_wait3A_159, %dma_wait3A_160] : memref<10240x128xf32, #tpu.memory_space<vmem_shared>> -> memref<10240x128xf32, #tpu.memory_space<vmem_shared>>
          tpu.wait_indirect_dma semaphore(%arg14 : memref<!tpu.dma_semaphore, #tpu.memory_space<semaphore_mem>>) src(%dma_wait3A_155 : memref<80x128xf32, #tpu.memory_space<vmem>>) dst(%dma_wait3A_161 : memref<10240x128xf32, #tpu.memory_space<vmem_shared>>)
        } else {
        }
        %add3A_138 = arith.constant 1 : i32
        %add3A_139 = arith.addi %mul3A_74, %add3A_138 : i32
        %mul3A_140 = arith.constant 80 : i32
        %mul3A_141 = arith.muli %add3A_139, %mul3A_140 : i32
        %dma_start3A_142 = arith.constant 1 : i32
        %dma_start3A_143 = arith.constant 0 : i32
        %dma_start3A_144 = arith.constant 0 : i32
        %dma_start3A_145 = tpu.memref_slice %arg9[%dma_start3A_142, %dma_start3A_143, %dma_start3A_144] : memref<2x80x128xf32, #tpu.memory_space<vmem>> -> memref<1x80x128xf32, #tpu.memory_space<vmem>>
        %dma_start3A_146 = tpu.memref_squeeze %dma_start3A_145 : memref<1x80x128xf32, #tpu.memory_space<vmem>> -> memref<80x128xf32, #tpu.memory_space<vmem>>
        %dma_start3A_147 = tpu.memref_slice %arg7[%mul3A_141] : memref<10000xi32, #tpu.memory_space<vmem>> -> memref<80xi32, #tpu.memory_space<vmem>>
        %dma_start3A_148 = arith.constant 0 : i32
        %dma_start3A_149 = arith.constant 0 : i32
        %dma_start3A_150 = tpu.memref_slice %arg2[%dma_start3A_148, %dma_start3A_149] : memref<10000x128xf32, #tpu.memory_space<hbm>> -> memref<10000x128xf32, #tpu.memory_space<hbm>>
        tpu.enqueue_indirect_dma source(%dma_start3A_150 : memref<10000x128xf32, #tpu.memory_space<hbm>>) target(%dma_start3A_146 : memref<80x128xf32, #tpu.memory_space<vmem>>) offsets(%dma_start3A_147 : memref<80xi32, #tpu.memory_space<vmem>>) semaphore(%arg12 : memref<!tpu.dma_semaphore, #tpu.memory_space<semaphore_mem>>)
      } else {
      }
      %mul3A_101 = arith.constant 2 : i32
      %mul3A_102 = arith.muli %scan3A_72, %mul3A_101 : i32
      %add3A_103 = arith.constant 1 : i32
      %add3A_104 = arith.addi %mul3A_102, %add3A_103 : i32
      %mul3A_105 = arith.constant 80 : i32
      %mul3A_106 = arith.muli %add3A_104, %mul3A_105 : i32
      %dma_wait3A_107 = arith.constant 1 : i32
      %dma_wait3A_108 = arith.constant 0 : i32
      %dma_wait3A_109 = arith.constant 0 : i32
      %dma_wait3A_110 = tpu.memref_slice %arg9[%dma_wait3A_107, %dma_wait3A_108, %dma_wait3A_109] : memref<2x80x128xf32, #tpu.memory_space<vmem>> -> memref<1x80x128xf32, #tpu.memory_space<vmem>>
      %dma_wait3A_111 = tpu.memref_squeeze %dma_wait3A_110 : memref<1x80x128xf32, #tpu.memory_space<vmem>> -> memref<80x128xf32, #tpu.memory_space<vmem>>
      %dma_wait3A_112 = tpu.memref_slice %arg7[%mul3A_106] : memref<10000xi32, #tpu.memory_space<vmem>> -> memref<80xi32, #tpu.memory_space<vmem>>
      %dma_wait3A_113 = arith.constant 0 : i32
      %dma_wait3A_114 = arith.constant 0 : i32
      %dma_wait3A_115 = tpu.memref_slice %arg2[%dma_wait3A_113, %dma_wait3A_114] : memref<10000x128xf32, #tpu.memory_space<hbm>> -> memref<10000x128xf32, #tpu.memory_space<hbm>>
      tpu.wait_indirect_dma semaphore(%arg12 : memref<!tpu.dma_semaphore, #tpu.memory_space<semaphore_mem>>) src(%dma_wait3A_115 : memref<10000x128xf32, #tpu.memory_space<hbm>>) dst(%dma_wait3A_111 : memref<80x128xf32, #tpu.memory_space<vmem>>)
      %dma_start3A_116 = arith.constant 1 : i32
      %dma_start3A_117 = arith.constant 0 : i32
      %dma_start3A_118 = arith.constant 0 : i32
      %dma_start3A_119 = tpu.memref_slice %arg9[%dma_start3A_116, %dma_start3A_117, %dma_start3A_118] : memref<2x80x128xf32, #tpu.memory_space<vmem>> -> memref<1x80x128xf32, #tpu.memory_space<vmem>>
      %dma_start3A_120 = tpu.memref_squeeze %dma_start3A_119 : memref<1x80x128xf32, #tpu.memory_space<vmem>> -> memref<80x128xf32, #tpu.memory_space<vmem>>
      %dma_start3A_121 = arith.constant 0 : i32
      %dma_start3A_122 = tpu.memref_slice %arg8[%add3A_104, %dma_start3A_121] : memref<125x80xi32, #tpu.memory_space<vmem>> -> memref<1x80xi32, #tpu.memory_space<vmem>>
      %dma_start3A_123 = tpu.memref_squeeze %dma_start3A_122 : memref<1x80xi32, #tpu.memory_space<vmem>> -> memref<80xi32, #tpu.memory_space<vmem>>
      %dma_start3A_124 = arith.constant 0 : i32
      %dma_start3A_125 = arith.constant 0 : i32
      %dma_start3A_126 = tpu.memref_slice %arg10[%dma_start3A_124, %dma_start3A_125] : memref<10240x128xf32, #tpu.memory_space<vmem_shared>> -> memref<10240x128xf32, #tpu.memory_space<vmem_shared>>
      tpu.enqueue_indirect_dma source(%dma_start3A_120 : memref<80x128xf32, #tpu.memory_space<vmem>>) target(%dma_start3A_126 : memref<10240x128xf32, #tpu.memory_space<vmem_shared>>) offsets(%dma_start3A_123 : memref<80xi32, #tpu.memory_space<vmem>>) semaphore(%arg14 : memref<!tpu.dma_semaphore, #tpu.memory_space<semaphore_mem>>) {add = true}
      %add3A_127 = arith.constant 1 : i32
      %add3A_128 = arith.addi %add3A_104, %add3A_127 : i32
      %lt3A_129 = arith.constant 125 : i32
      %lt3A_130 = arith.cmpi slt, %add3A_128, %lt3A_129 : i32
      %convert_element_type3A_131 = arith.extui %lt3A_130 : i1 to i32
      %cond3A_132 = arith.constant 0 : i32
      %cond3A_133 = arith.cmpi ne, %convert_element_type3A_131, %cond3A_132 : i32
      scf.if %cond3A_133 {
        %ge3A = arith.constant 1 : i32
        %ge3A_134 = arith.cmpi sge, %add3A_104, %ge3A : i32
        %convert_element_type3A_135 = arith.extui %ge3A_134 : i1 to i32
        %cond3A_136 = arith.constant 0 : i32
        %cond3A_137 = arith.cmpi ne, %convert_element_type3A_135, %cond3A_136 : i32
        scf.if %cond3A_137 {
          %dma_wait3A_151 = arith.constant 0 : i32
          %dma_wait3A_152 = arith.constant 0 : i32
          %dma_wait3A_153 = arith.constant 0 : i32
          %dma_wait3A_154 = tpu.memref_slice %arg9[%dma_wait3A_151, %dma_wait3A_152, %dma_wait3A_153] : memref<2x80x128xf32, #tpu.memory_space<vmem>> -> memref<1x80x128xf32, #tpu.memory_space<vmem>>
          %dma_wait3A_155 = tpu.memref_squeeze %dma_wait3A_154 : memref<1x80x128xf32, #tpu.memory_space<vmem>> -> memref<80x128xf32, #tpu.memory_space<vmem>>
          %dma_wait3A_156 = arith.constant 0 : i32
          %dma_wait3A_157 = tpu.memref_slice %arg8[%add3A_104, %dma_wait3A_156] : memref<125x80xi32, #tpu.memory_space<vmem>> -> memref<1x80xi32, #tpu.memory_space<vmem>>
          %dma_wait3A_158 = tpu.memref_squeeze %dma_wait3A_157 : memref<1x80xi32, #tpu.memory_space<vmem>> -> memref<80xi32, #tpu.memory_space<vmem>>
          %dma_wait3A_159 = arith.constant 0 : i32
          %dma_wait3A_160 = arith.constant 0 : i32
          %dma_wait3A_161 = tpu.memref_slice %arg10[%dma_wait3A_159, %dma_wait3A_160] : memref<10240x128xf32, #tpu.memory_space<vmem_shared>> -> memref<10240x128xf32, #tpu.memory_space<vmem_shared>>
          tpu.wait_indirect_dma semaphore(%arg13 : memref<!tpu.dma_semaphore, #tpu.memory_space<semaphore_mem>>) src(%dma_wait3A_155 : memref<80x128xf32, #tpu.memory_space<vmem>>) dst(%dma_wait3A_161 : memref<10240x128xf32, #tpu.memory_space<vmem_shared>>)
        } else {
        }
        %add3A_138 = arith.constant 1 : i32
        %add3A_139 = arith.addi %add3A_104, %add3A_138 : i32
        %mul3A_140 = arith.constant 80 : i32
        %mul3A_141 = arith.muli %add3A_139, %mul3A_140 : i32
        %dma_start3A_142 = arith.constant 0 : i32
        %dma_start3A_143 = arith.constant 0 : i32
        %dma_start3A_144 = arith.constant 0 : i32
        %dma_start3A_145 = tpu.memref_slice %arg9[%dma_start3A_142, %dma_start3A_143, %dma_start3A_144] : memref<2x80x128xf32, #tpu.memory_space<vmem>> -> memref<1x80x128xf32, #tpu.memory_space<vmem>>
        %dma_start3A_146 = tpu.memref_squeeze %dma_start3A_145 : memref<1x80x128xf32, #tpu.memory_space<vmem>> -> memref<80x128xf32, #tpu.memory_space<vmem>>
        %dma_start3A_147 = tpu.memref_slice %arg7[%mul3A_141] : memref<10000xi32, #tpu.memory_space<vmem>> -> memref<80xi32, #tpu.memory_space<vmem>>
        %dma_start3A_148 = arith.constant 0 : i32
        %dma_start3A_149 = arith.constant 0 : i32
        %dma_start3A_150 = tpu.memref_slice %arg2[%dma_start3A_148, %dma_start3A_149] : memref<10000x128xf32, #tpu.memory_space<hbm>> -> memref<10000x128xf32, #tpu.memory_space<hbm>>
        tpu.enqueue_indirect_dma source(%dma_start3A_150 : memref<10000x128xf32, #tpu.memory_space<hbm>>) target(%dma_start3A_146 : memref<80x128xf32, #tpu.memory_space<vmem>>) offsets(%dma_start3A_147 : memref<80xi32, #tpu.memory_space<vmem>>) semaphore(%arg11 : memref<!tpu.dma_semaphore, #tpu.memory_space<semaphore_mem>>)
      } else {
      }
    }
    %scan3A_18 = arith.constant 62 : i32
    %dma_wait3A = arith.constant 0 : i32
    %dma_wait3A_19 = arith.constant 0 : i32
    %dma_wait3A_20 = arith.constant 0 : i32
    %dma_wait3A_21 = tpu.memref_slice %arg9[%dma_wait3A, %dma_wait3A_19, %dma_wait3A_20] : memref<2x80x128xf32, #tpu.memory_space<vmem>> -> memref<1x80x128xf32, #tpu.memory_space<vmem>>
    %dma_wait3A_22 = tpu.memref_squeeze %dma_wait3A_21 : memref<1x80x128xf32, #tpu.memory_space<vmem>> -> memref<80x128xf32, #tpu.memory_space<vmem>>
    %dma_wait3A_23 = arith.constant 9920 : i32
    %dma_wait3A_24 = tpu.memref_slice %arg7[%dma_wait3A_23] : memref<10000xi32, #tpu.memory_space<vmem>> -> memref<80xi32, #tpu.memory_space<vmem>>
    %dma_wait3A_25 = arith.constant 0 : i32
    %dma_wait3A_26 = arith.constant 0 : i32
    %dma_wait3A_27 = tpu.memref_slice %arg2[%dma_wait3A_25, %dma_wait3A_26] : memref<10000x128xf32, #tpu.memory_space<hbm>> -> memref<10000x128xf32, #tpu.memory_space<hbm>>
    tpu.wait_indirect_dma semaphore(%arg11 : memref<!tpu.dma_semaphore, #tpu.memory_space<semaphore_mem>>) src(%dma_wait3A_27 : memref<10000x128xf32, #tpu.memory_space<hbm>>) dst(%dma_wait3A_22 : memref<80x128xf32, #tpu.memory_space<vmem>>)
    %dma_start3A_28 = arith.constant 0 : i32
    %dma_start3A_29 = arith.constant 124 : i32
    %dma_start3A_30 = arith.constant 0 : i32
    %dma_start3A_31 = arith.constant 0 : i32
    %dma_start3A_32 = tpu.memref_slice %arg9[%dma_start3A_28, %dma_start3A_30, %dma_start3A_31] : memref<2x80x128xf32, #tpu.memory_space<vmem>> -> memref<1x80x128xf32, #tpu.memory_space<vmem>>
    %dma_start3A_33 = tpu.memref_squeeze %dma_start3A_32 : memref<1x80x128xf32, #tpu.memory_space<vmem>> -> memref<80x128xf32, #tpu.memory_space<vmem>>
    %dma_start3A_34 = arith.constant 0 : i32
    %dma_start3A_35 = tpu.memref_slice %arg8[%dma_start3A_29, %dma_start3A_34] : memref<125x80xi32, #tpu.memory_space<vmem>> -> memref<1x80xi32, #tpu.memory_space<vmem>>
    %dma_start3A_36 = tpu.memref_squeeze %dma_start3A_35 : memref<1x80xi32, #tpu.memory_space<vmem>> -> memref<80xi32, #tpu.memory_space<vmem>>
    %dma_start3A_37 = arith.constant 0 : i32
    %dma_start3A_38 = arith.constant 0 : i32
    %dma_start3A_39 = tpu.memref_slice %arg10[%dma_start3A_37, %dma_start3A_38] : memref<10240x128xf32, #tpu.memory_space<vmem_shared>> -> memref<10240x128xf32, #tpu.memory_space<vmem_shared>>
    tpu.enqueue_indirect_dma source(%dma_start3A_33 : memref<80x128xf32, #tpu.memory_space<vmem>>) target(%dma_start3A_39 : memref<10240x128xf32, #tpu.memory_space<vmem_shared>>) offsets(%dma_start3A_36 : memref<80xi32, #tpu.memory_space<vmem>>) semaphore(%arg13 : memref<!tpu.dma_semaphore, #tpu.memory_space<semaphore_mem>>) {add = true}
    %dma_wait3A_40 = arith.constant 0 : i32
    %dma_wait3A_41 = arith.constant 0 : i32
    %dma_wait3A_42 = arith.constant 0 : i32
    %dma_wait3A_43 = arith.constant 0 : i32
    %dma_wait3A_44 = tpu.memref_slice %arg9[%dma_wait3A_40, %dma_wait3A_42, %dma_wait3A_43] : memref<2x80x128xf32, #tpu.memory_space<vmem>> -> memref<1x80x128xf32, #tpu.memory_space<vmem>>
    %dma_wait3A_45 = tpu.memref_squeeze %dma_wait3A_44 : memref<1x80x128xf32, #tpu.memory_space<vmem>> -> memref<80x128xf32, #tpu.memory_space<vmem>>
    %dma_wait3A_46 = arith.constant 0 : i32
    %dma_wait3A_47 = tpu.memref_slice %arg8[%dma_wait3A_41, %dma_wait3A_46] : memref<125x80xi32, #tpu.memory_space<vmem>> -> memref<1x80xi32, #tpu.memory_space<vmem>>
    %dma_wait3A_48 = tpu.memref_squeeze %dma_wait3A_47 : memref<1x80xi32, #tpu.memory_space<vmem>> -> memref<80xi32, #tpu.memory_space<vmem>>
    %dma_wait3A_49 = arith.constant 0 : i32
    %dma_wait3A_50 = arith.constant 0 : i32
    %dma_wait3A_51 = tpu.memref_slice %arg10[%dma_wait3A_49, %dma_wait3A_50] : memref<10240x128xf32, #tpu.memory_space<vmem_shared>> -> memref<10240x128xf32, #tpu.memory_space<vmem_shared>>
    tpu.wait_indirect_dma semaphore(%arg13 : memref<!tpu.dma_semaphore, #tpu.memory_space<semaphore_mem>>) src(%dma_wait3A_45 : memref<80x128xf32, #tpu.memory_space<vmem>>) dst(%dma_wait3A_51 : memref<10240x128xf32, #tpu.memory_space<vmem_shared>>)
    %dma_wait3A_52 = arith.constant 1 : i32
    %dma_wait3A_53 = arith.constant 0 : i32
    %dma_wait3A_54 = arith.constant 0 : i32
    %dma_wait3A_55 = arith.constant 0 : i32
    %dma_wait3A_56 = tpu.memref_slice %arg9[%dma_wait3A_52, %dma_wait3A_54, %dma_wait3A_55] : memref<2x80x128xf32, #tpu.memory_space<vmem>> -> memref<1x80x128xf32, #tpu.memory_space<vmem>>
    %dma_wait3A_57 = tpu.memref_squeeze %dma_wait3A_56 : memref<1x80x128xf32, #tpu.memory_space<vmem>> -> memref<80x128xf32, #tpu.memory_space<vmem>>
    %dma_wait3A_58 = arith.constant 0 : i32
    %dma_wait3A_59 = tpu.memref_slice %arg8[%dma_wait3A_53, %dma_wait3A_58] : memref<125x80xi32, #tpu.memory_space<vmem>> -> memref<1x80xi32, #tpu.memory_space<vmem>>
    %dma_wait3A_60 = tpu.memref_squeeze %dma_wait3A_59 : memref<1x80xi32, #tpu.memory_space<vmem>> -> memref<80xi32, #tpu.memory_space<vmem>>
    %dma_wait3A_61 = arith.constant 0 : i32
    %dma_wait3A_62 = arith.constant 0 : i32
    %dma_wait3A_63 = tpu.memref_slice %arg10[%dma_wait3A_61, %dma_wait3A_62] : memref<10240x128xf32, #tpu.memory_space<vmem_shared>> -> memref<10240x128xf32, #tpu.memory_space<vmem_shared>>
    tpu.wait_indirect_dma semaphore(%arg14 : memref<!tpu.dma_semaphore, #tpu.memory_space<semaphore_mem>>) src(%dma_wait3A_57 : memref<80x128xf32, #tpu.memory_space<vmem>>) dst(%dma_wait3A_63 : memref<10240x128xf32, #tpu.memory_space<vmem_shared>>)
    %barrier3A_64 = arith.constant 0 : index
    tpu.barrier barrier_id(%barrier3A_64)
    %mul3A_65 = arith.constant 640 : i32
    %mul3A_66 = arith.muli %arg1, %mul3A_65 : i32
    %mul3A_67 = arith.constant 10240 : i32
    %mul3A_68 = arith.muli %arg0, %mul3A_67 : i32
    %mul3A_69 = arith.constant 640 : i32
    %mul3A_70 = arith.muli %arg1, %mul3A_69 : i32
    %add3A_71 = arith.addi %mul3A_68, %mul3A_70 : i32
    "tpu.region"() ({
      %run_scoped3A = tpu.sem_alloc : memref<!tpu.dma_semaphore, #tpu.memory_space<semaphore_mem>>
      %dma_start3A_72 = arith.constant 0 : i32
      %dma_start3A_73 = tpu.memref_slice %arg6[%add3A_71, %dma_start3A_72] : memref<20480x128xf32, #tpu.memory_space<hbm>> -> memref<640x128xf32, #tpu.memory_space<hbm>>
      %dma_start3A_74 = arith.constant 0 : i32
      %dma_start3A_75 = tpu.memref_slice %arg10[%mul3A_66, %dma_start3A_74] : memref<10240x128xf32, #tpu.memory_space<vmem_shared>> -> memref<640x128xf32, #tpu.memory_space<vmem_shared>>
      tpu.enqueue_dma source(%dma_start3A_75 : memref<640x128xf32, #tpu.memory_space<vmem_shared>>) target(%dma_start3A_73 : memref<640x128xf32, #tpu.memory_space<hbm>>) target_semaphore(%run_scoped3A : memref<!tpu.dma_semaphore, #tpu.memory_space<semaphore_mem>>)
      %dma_wait3A_76 = arith.constant 0 : i32
      %dma_wait3A_77 = tpu.memref_slice %arg6[%add3A_71, %dma_wait3A_76] : memref<20480x128xf32, #tpu.memory_space<hbm>> -> memref<640x128xf32, #tpu.memory_space<hbm>>
      %dma_wait3A_78 = arith.constant 0 : i32
      %dma_wait3A_79 = tpu.memref_slice %arg10[%mul3A_66, %dma_wait3A_78] : memref<10240x128xf32, #tpu.memory_space<vmem_shared>> -> memref<640x128xf32, #tpu.memory_space<vmem_shared>>
      tpu.wait_dma2 semaphore(%run_scoped3A : memref<!tpu.dma_semaphore, #tpu.memory_space<semaphore_mem>>) src(%dma_wait3A_79 : memref<640x128xf32, #tpu.memory_space<vmem_shared>>) dst(%dma_wait3A_77 : memref<640x128xf32, #tpu.memory_space<hbm>>)
      tpu.yield
    }) : () -> ()
    return
  }
}

#map = affine_map<(d0, d1) -> (0, 0)>
#map1 = affine_map<(d0, d1) -> (0)>
#map2 = affine_map<(d0, d1) -> (0, 0, 0)>
module attributes {stable_mosaic.version = 14 : i64} {
  func.func @_spmm_body(%arg0: i32, %arg1: i32, %arg2: memref<10000x128xf32, #tpu.memory_space<hbm>>, %arg3: memref<320000xi32, #tpu.memory_space<hbm>>, %arg4: memref<32x125x80xi32, #tpu.memory_space<hbm>>, %arg5: memref<640x128xf32, #tpu.memory_space<hbm>>, %arg6: memref<20480x128xf32, #tpu.memory_space<hbm>>, %arg7: memref<10000xi32, #tpu.memory_space<vmem>>, %arg8: memref<125x80xi32, #tpu.memory_space<vmem>>, %arg9: memref<2x80x128xf32, #tpu.memory_space<vmem>>, %arg10: memref<10240x128xf32, #tpu.memory_space<vmem_shared>>, %arg11: memref<!tpu.dma_semaphore, #tpu.memory_space<semaphore_mem>>, %arg12: memref<!tpu.dma_semaphore, #tpu.memory_space<semaphore_mem>>, %arg13: memref<!tpu.dma_semaphore, #tpu.memory_space<semaphore_mem>>, %arg14: memref<!tpu.dma_semaphore, #tpu.memory_space<semaphore_mem>>) attributes {dimension_semantics = [#tpu.dimension_semantics<core_parallel>, #tpu.dimension_semantics<subcore_parallel>], iteration_bounds = array<i64: 2, 16>, scalar_prefetch = 0 : i64, scratch_operands = 8 : i64, tpu.core_type = #tpu.core_type<sc_vector_subcore>, window_params = [{transform_indices = #map}, {transform_indices = #map1}, {transform_indices = #map2}, {transform_indices = #map}, {transform_indices = #map}]} {
    %mul3A = arith.constant 16 : i32
    %mul3A_0 = arith.muli %arg0, %mul3A : i32
    %add3A = arith.addi %mul3A_0, %arg1 : i32
    %mul3A_1 = arith.constant 10000 : i32
    %mul3A_2 = arith.muli %add3A, %mul3A_1 : i32
    "tpu.region"() ({
      %run_scoped3A = tpu.sem_alloc : memref<!tpu.dma_semaphore, #tpu.memory_space<semaphore_mem>>
      %dma_start3A_72 = tpu.memref_slice %arg3[%mul3A_2] : memref<320000xi32, #tpu.memory_space<hbm>> -> memref<10000xi32, #tpu.memory_space<hbm>>
      %dma_start3A_73 = tpu.memref_slice %arg3[%mul3A_2] : memref<320000xi32, #tpu.memory_space<hbm>> -> memref<10000xi32, #tpu.memory_space<hbm>>
      tpu.enqueue_dma source(%dma_start3A_73 : memref<10000xi32, #tpu.memory_space<hbm>>) target(%arg7 : memref<10000xi32, #tpu.memory_space<vmem>>) target_semaphore(%run_scoped3A : memref<!tpu.dma_semaphore, #tpu.memory_space<semaphore_mem>>)
      %dma_wait3A_74 = tpu.memref_slice %arg3[%mul3A_2] : memref<320000xi32, #tpu.memory_space<hbm>> -> memref<10000xi32, #tpu.memory_space<hbm>>
      %dma_wait3A_75 = tpu.memref_slice %arg3[%mul3A_2] : memref<320000xi32, #tpu.memory_space<hbm>> -> memref<10000xi32, #tpu.memory_space<hbm>>
      tpu.wait_dma2 semaphore(%run_scoped3A : memref<!tpu.dma_semaphore, #tpu.memory_space<semaphore_mem>>) src(%dma_wait3A_75 : memref<10000xi32, #tpu.memory_space<hbm>>) dst(%arg7 : memref<10000xi32, #tpu.memory_space<vmem>>)
      tpu.yield
    }) : () -> ()
    "tpu.region"() ({
      %run_scoped3A = tpu.sem_alloc : memref<!tpu.dma_semaphore, #tpu.memory_space<semaphore_mem>>
      %dma_start3A_72 = arith.constant 0 : i32
      %dma_start3A_73 = arith.constant 0 : i32
      %dma_start3A_74 = tpu.memref_slice %arg4[%add3A, %dma_start3A_72, %dma_start3A_73] : memref<32x125x80xi32, #tpu.memory_space<hbm>> -> memref<1x125x80xi32, #tpu.memory_space<hbm>>
      %dma_start3A_75 = tpu.memref_squeeze %dma_start3A_74 : memref<1x125x80xi32, #tpu.memory_space<hbm>> -> memref<125x80xi32, #tpu.memory_space<hbm>>
      %dma_start3A_76 = arith.constant 0 : i32
      %dma_start3A_77 = arith.constant 0 : i32
      %dma_start3A_78 = tpu.memref_slice %arg4[%add3A, %dma_start3A_76, %dma_start3A_77] : memref<32x125x80xi32, #tpu.memory_space<hbm>> -> memref<1x125x80xi32, #tpu.memory_space<hbm>>
      %dma_start3A_79 = tpu.memref_squeeze %dma_start3A_78 : memref<1x125x80xi32, #tpu.memory_space<hbm>> -> memref<125x80xi32, #tpu.memory_space<hbm>>
      tpu.enqueue_dma source(%dma_start3A_79 : memref<125x80xi32, #tpu.memory_space<hbm>>) target(%arg8 : memref<125x80xi32, #tpu.memory_space<vmem>>) target_semaphore(%run_scoped3A : memref<!tpu.dma_semaphore, #tpu.memory_space<semaphore_mem>>)
      %dma_wait3A_80 = arith.constant 0 : i32
      %dma_wait3A_81 = arith.constant 0 : i32
      %dma_wait3A_82 = tpu.memref_slice %arg4[%add3A, %dma_wait3A_80, %dma_wait3A_81] : memref<32x125x80xi32, #tpu.memory_space<hbm>> -> memref<1x125x80xi32, #tpu.memory_space<hbm>>
      %dma_wait3A_83 = tpu.memref_squeeze %dma_wait3A_82 : memref<1x125x80xi32, #tpu.memory_space<hbm>> -> memref<125x80xi32, #tpu.memory_space<hbm>>
      %dma_wait3A_84 = arith.constant 0 : i32
      %dma_wait3A_85 = arith.constant 0 : i32
      %dma_wait3A_86 = tpu.memref_slice %arg4[%add3A, %dma_wait3A_84, %dma_wait3A_85] : memref<32x125x80xi32, #tpu.memory_space<hbm>> -> memref<1x125x80xi32, #tpu.memory_space<hbm>>
      %dma_wait3A_87 = tpu.memref_squeeze %dma_wait3A_86 : memref<1x125x80xi32, #tpu.memory_space<hbm>> -> memref<125x80xi32, #tpu.memory_space<hbm>>
      tpu.wait_dma2 semaphore(%run_scoped3A : memref<!tpu.dma_semaphore, #tpu.memory_space<semaphore_mem>>) src(%dma_wait3A_87 : memref<125x80xi32, #tpu.memory_space<hbm>>) dst(%arg8 : memref<125x80xi32, #tpu.memory_space<vmem>>)
      tpu.yield
    }) : () -> ()
    %mul3A_3 = arith.constant 640 : i32
    %mul3A_4 = arith.muli %arg1, %mul3A_3 : i32
    "tpu.region"() ({
      %run_scoped3A = tpu.sem_alloc : memref<!tpu.dma_semaphore, #tpu.memory_space<semaphore_mem>>
      %dma_start3A_72 = arith.constant 0 : i32
      %dma_start3A_73 = tpu.memref_slice %arg10[%mul3A_4, %dma_start3A_72] : memref<10240x128xf32, #tpu.memory_space<vmem_shared>> -> memref<640x128xf32, #tpu.memory_space<vmem_shared>>
      tpu.enqueue_dma source(%arg5 : memref<640x128xf32, #tpu.memory_space<hbm>>) target(%dma_start3A_73 : memref<640x128xf32, #tpu.memory_space<vmem_shared>>) target_semaphore(%run_scoped3A : memref<!tpu.dma_semaphore, #tpu.memory_space<semaphore_mem>>)
      %dma_wait3A_74 = arith.constant 0 : i32
      %dma_wait3A_75 = tpu.memref_slice %arg10[%mul3A_4, %dma_wait3A_74] : memref<10240x128xf32, #tpu.memory_space<vmem_shared>> -> memref<640x128xf32, #tpu.memory_space<vmem_shared>>
      tpu.wait_dma2 semaphore(%run_scoped3A : memref<!tpu.dma_semaphore, #tpu.memory_space<semaphore_mem>>) src(%arg5 : memref<640x128xf32, #tpu.memory_space<hbm>>) dst(%dma_wait3A_75 : memref<640x128xf32, #tpu.memory_space<vmem_shared>>)
      tpu.yield
    }) : () -> ()
    %barrier3A = arith.constant 0 : index
    tpu.barrier barrier_id(%barrier3A)
    %dma_start3A = arith.constant 0 : i32
    %dma_start3A_5 = arith.constant 0 : i32
    %dma_start3A_6 = arith.constant 0 : i32
    %dma_start3A_7 = tpu.memref_slice %arg9[%dma_start3A, %dma_start3A_5, %dma_start3A_6] : memref<2x80x128xf32, #tpu.memory_space<vmem>> -> memref<1x80x128xf32, #tpu.memory_space<vmem>>
    %dma_start3A_8 = tpu.memref_squeeze %dma_start3A_7 : memref<1x80x128xf32, #tpu.memory_space<vmem>> -> memref<80x128xf32, #tpu.memory_space<vmem>>
    %dma_start3A_9 = arith.constant 0 : i32
    %dma_start3A_10 = tpu.memref_slice %arg7[%dma_start3A_9] : memref<10000xi32, #tpu.memory_space<vmem>> -> memref<80xi32, #tpu.memory_space<vmem>>
    %dma_start3A_11 = arith.constant 0 : i32
    %dma_start3A_12 = arith.constant 0 : i32
    %dma_start3A_13 = tpu.memref_slice %arg2[%dma_start3A_11, %dma_start3A_12] : memref<10000x128xf32, #tpu.memory_space<hbm>> -> memref<10000x128xf32, #tpu.memory_space<hbm>>
    tpu.enqueue_indirect_dma source(%dma_start3A_13 : memref<10000x128xf32, #tpu.memory_space<hbm>>) target(%dma_start3A_8 : memref<80x128xf32, #tpu.memory_space<vmem>>) offsets(%dma_start3A_10 : memref<80xi32, #tpu.memory_space<vmem>>) semaphore(%arg11 : memref<!tpu.dma_semaphore, #tpu.memory_space<semaphore_mem>>)
    %scan3A = arith.constant 0 : i32
    %scan3A_14 = arith.constant 0 : i32
    %scan3A_15 = arith.constant 62 : i32
    %scan3A_16 = arith.addi %scan3A_14, %scan3A_15 : i32
    %scan3A_17 = arith.constant 1 : i32
    scf.for %scan3A_72 = %scan3A_14 to %scan3A_16 step %scan3A_17  : i32 {
      %mul3A_73 = arith.constant 2 : i32
      %mul3A_74 = arith.muli %scan3A_72, %mul3A_73 : i32
      %mul3A_75 = arith.constant 80 : i32
      %mul3A_76 = arith.muli %mul3A_74, %mul3A_75 : i32
      %dma_wait3A_77 = arith.constant 0 : i32
      %dma_wait3A_78 = arith.constant 0 : i32
      %dma_wait3A_79 = arith.constant 0 : i32
      %dma_wait3A_80 = tpu.memref_slice %arg9[%dma_wait3A_77, %dma_wait3A_78, %dma_wait3A_79] : memref<2x80x128xf32, #tpu.memory_space<vmem>> -> memref<1x80x128xf32, #tpu.memory_space<vmem>>
      %dma_wait3A_81 = tpu.memref_squeeze %dma_wait3A_80 : memref<1x80x128xf32, #tpu.memory_space<vmem>> -> memref<80x128xf32, #tpu.memory_space<vmem>>
      %dma_wait3A_82 = tpu.memref_slice %arg7[%mul3A_76] : memref<10000xi32, #tpu.memory_space<vmem>> -> memref<80xi32, #tpu.memory_space<vmem>>
      %dma_wait3A_83 = arith.constant 0 : i32
      %dma_wait3A_84 = arith.constant 0 : i32
      %dma_wait3A_85 = tpu.memref_slice %arg2[%dma_wait3A_83, %dma_wait3A_84] : memref<10000x128xf32, #tpu.memory_space<hbm>> -> memref<10000x128xf32, #tpu.memory_space<hbm>>
      tpu.wait_indirect_dma semaphore(%arg11 : memref<!tpu.dma_semaphore, #tpu.memory_space<semaphore_mem>>) src(%dma_wait3A_85 : memref<10000x128xf32, #tpu.memory_space<hbm>>) dst(%dma_wait3A_81 : memref<80x128xf32, #tpu.memory_space<vmem>>)
      %dma_start3A_86 = arith.constant 0 : i32
      %dma_start3A_87 = arith.constant 0 : i32
      %dma_start3A_88 = arith.constant 0 : i32
      %dma_start3A_89 = tpu.memref_slice %arg9[%dma_start3A_86, %dma_start3A_87, %dma_start3A_88] : memref<2x80x128xf32, #tpu.memory_space<vmem>> -> memref<1x80x128xf32, #tpu.memory_space<vmem>>
      %dma_start3A_90 = tpu.memref_squeeze %dma_start3A_89 : memref<1x80x128xf32, #tpu.memory_space<vmem>> -> memref<80x128xf32, #tpu.memory_space<vmem>>
      %dma_start3A_91 = arith.constant 0 : i32
      %dma_start3A_92 = tpu.memref_slice %arg8[%mul3A_74, %dma_start3A_91] : memref<125x80xi32, #tpu.memory_space<vmem>> -> memref<1x80xi32, #tpu.memory_space<vmem>>
      %dma_start3A_93 = tpu.memref_squeeze %dma_start3A_92 : memref<1x80xi32, #tpu.memory_space<vmem>> -> memref<80xi32, #tpu.memory_space<vmem>>
      %dma_start3A_94 = arith.constant 0 : i32
      %dma_start3A_95 = arith.constant 0 : i32
      %dma_start3A_96 = tpu.memref_slice %arg10[%dma_start3A_94, %dma_start3A_95] : memref<10240x128xf32, #tpu.memory_space<vmem_shared>> -> memref<10240x128xf32, #tpu.memory_space<vmem_shared>>
      tpu.enqueue_indirect_dma source(%dma_start3A_90 : memref<80x128xf32, #tpu.memory_space<vmem>>) target(%dma_start3A_96 : memref<10240x128xf32, #tpu.memory_space<vmem_shared>>) offsets(%dma_start3A_93 : memref<80xi32, #tpu.memory_space<vmem>>) semaphore(%arg13 : memref<!tpu.dma_semaphore, #tpu.memory_space<semaphore_mem>>) {add = true}
      %add3A_97 = arith.constant 1 : i32
      %add3A_98 = arith.addi %mul3A_74, %add3A_97 : i32
      %lt3A = arith.constant 125 : i32
      %lt3A_99 = arith.cmpi slt, %add3A_98, %lt3A : i32
      %convert_element_type3A = arith.extui %lt3A_99 : i1 to i32
      %cond3A = arith.constant 0 : i32
      %cond3A_100 = arith.cmpi ne, %convert_element_type3A, %cond3A : i32
      scf.if %cond3A_100 {
        %ge3A = arith.constant 1 : i32
        %ge3A_134 = arith.cmpi sge, %mul3A_74, %ge3A : i32
        %convert_element_type3A_135 = arith.extui %ge3A_134 : i1 to i32
        %cond3A_136 = arith.constant 0 : i32
        %cond3A_137 = arith.cmpi ne, %convert_element_type3A_135, %cond3A_136 : i32
        scf.if %cond3A_137 {
          %dma_wait3A_151 = arith.constant 1 : i32
          %dma_wait3A_152 = arith.constant 0 : i32
          %dma_wait3A_153 = arith.constant 0 : i32
          %dma_wait3A_154 = tpu.memref_slice %arg9[%dma_wait3A_151, %dma_wait3A_152, %dma_wait3A_153] : memref<2x80x128xf32, #tpu.memory_space<vmem>> -> memref<1x80x128xf32, #tpu.memory_space<vmem>>
          %dma_wait3A_155 = tpu.memref_squeeze %dma_wait3A_154 : memref<1x80x128xf32, #tpu.memory_space<vmem>> -> memref<80x128xf32, #tpu.memory_space<vmem>>
          %dma_wait3A_156 = arith.constant 0 : i32
          %dma_wait3A_157 = tpu.memref_slice %arg8[%mul3A_74, %dma_wait3A_156] : memref<125x80xi32, #tpu.memory_space<vmem>> -> memref<1x80xi32, #tpu.memory_space<vmem>>
          %dma_wait3A_158 = tpu.memref_squeeze %dma_wait3A_157 : memref<1x80xi32, #tpu.memory_space<vmem>> -> memref<80xi32, #tpu.memory_space<vmem>>
          %dma_wait3A_159 = arith.constant 0 : i32
          %dma_wait3A_160 = arith.constant 0 : i32
          %dma_wait3A_161 = tpu.memref_slice %arg10[%dma_wait3A_159, %dma_wait3A_160] : memref<10240x128xf32, #tpu.memory_space<vmem_shared>> -> memref<10240x128xf32, #tpu.memory_space<vmem_shared>>
          tpu.wait_indirect_dma semaphore(%arg14 : memref<!tpu.dma_semaphore, #tpu.memory_space<semaphore_mem>>) src(%dma_wait3A_155 : memref<80x128xf32, #tpu.memory_space<vmem>>) dst(%dma_wait3A_161 : memref<10240x128xf32, #tpu.memory_space<vmem_shared>>)
        } else {
        }
        %add3A_138 = arith.constant 1 : i32
        %add3A_139 = arith.addi %mul3A_74, %add3A_138 : i32
        %mul3A_140 = arith.constant 80 : i32
        %mul3A_141 = arith.muli %add3A_139, %mul3A_140 : i32
        %dma_start3A_142 = arith.constant 1 : i32
        %dma_start3A_143 = arith.constant 0 : i32
        %dma_start3A_144 = arith.constant 0 : i32
        %dma_start3A_145 = tpu.memref_slice %arg9[%dma_start3A_142, %dma_start3A_143, %dma_start3A_144] : memref<2x80x128xf32, #tpu.memory_space<vmem>> -> memref<1x80x128xf32, #tpu.memory_space<vmem>>
        %dma_start3A_146 = tpu.memref_squeeze %dma_start3A_145 : memref<1x80x128xf32, #tpu.memory_space<vmem>> -> memref<80x128xf32, #tpu.memory_space<vmem>>
        %dma_start3A_147 = tpu.memref_slice %arg7[%mul3A_141] : memref<10000xi32, #tpu.memory_space<vmem>> -> memref<80xi32, #tpu.memory_space<vmem>>
        %dma_start3A_148 = arith.constant 0 : i32
        %dma_start3A_149 = arith.constant 0 : i32
        %dma_start3A_150 = tpu.memref_slice %arg2[%dma_start3A_148, %dma_start3A_149] : memref<10000x128xf32, #tpu.memory_space<hbm>> -> memref<10000x128xf32, #tpu.memory_space<hbm>>
        tpu.enqueue_indirect_dma source(%dma_start3A_150 : memref<10000x128xf32, #tpu.memory_space<hbm>>) target(%dma_start3A_146 : memref<80x128xf32, #tpu.memory_space<vmem>>) offsets(%dma_start3A_147 : memref<80xi32, #tpu.memory_space<vmem>>) semaphore(%arg12 : memref<!tpu.dma_semaphore, #tpu.memory_space<semaphore_mem>>)
      } else {
      }
      %mul3A_101 = arith.constant 2 : i32
      %mul3A_102 = arith.muli %scan3A_72, %mul3A_101 : i32
      %add3A_103 = arith.constant 1 : i32
      %add3A_104 = arith.addi %mul3A_102, %add3A_103 : i32
      %mul3A_105 = arith.constant 80 : i32
      %mul3A_106 = arith.muli %add3A_104, %mul3A_105 : i32
      %dma_wait3A_107 = arith.constant 1 : i32
      %dma_wait3A_108 = arith.constant 0 : i32
      %dma_wait3A_109 = arith.constant 0 : i32
      %dma_wait3A_110 = tpu.memref_slice %arg9[%dma_wait3A_107, %dma_wait3A_108, %dma_wait3A_109] : memref<2x80x128xf32, #tpu.memory_space<vmem>> -> memref<1x80x128xf32, #tpu.memory_space<vmem>>
      %dma_wait3A_111 = tpu.memref_squeeze %dma_wait3A_110 : memref<1x80x128xf32, #tpu.memory_space<vmem>> -> memref<80x128xf32, #tpu.memory_space<vmem>>
      %dma_wait3A_112 = tpu.memref_slice %arg7[%mul3A_106] : memref<10000xi32, #tpu.memory_space<vmem>> -> memref<80xi32, #tpu.memory_space<vmem>>
      %dma_wait3A_113 = arith.constant 0 : i32
      %dma_wait3A_114 = arith.constant 0 : i32
      %dma_wait3A_115 = tpu.memref_slice %arg2[%dma_wait3A_113, %dma_wait3A_114] : memref<10000x128xf32, #tpu.memory_space<hbm>> -> memref<10000x128xf32, #tpu.memory_space<hbm>>
      tpu.wait_indirect_dma semaphore(%arg12 : memref<!tpu.dma_semaphore, #tpu.memory_space<semaphore_mem>>) src(%dma_wait3A_115 : memref<10000x128xf32, #tpu.memory_space<hbm>>) dst(%dma_wait3A_111 : memref<80x128xf32, #tpu.memory_space<vmem>>)
      %dma_start3A_116 = arith.constant 1 : i32
      %dma_start3A_117 = arith.constant 0 : i32
      %dma_start3A_118 = arith.constant 0 : i32
      %dma_start3A_119 = tpu.memref_slice %arg9[%dma_start3A_116, %dma_start3A_117, %dma_start3A_118] : memref<2x80x128xf32, #tpu.memory_space<vmem>> -> memref<1x80x128xf32, #tpu.memory_space<vmem>>
      %dma_start3A_120 = tpu.memref_squeeze %dma_start3A_119 : memref<1x80x128xf32, #tpu.memory_space<vmem>> -> memref<80x128xf32, #tpu.memory_space<vmem>>
      %dma_start3A_121 = arith.constant 0 : i32
      %dma_start3A_122 = tpu.memref_slice %arg8[%add3A_104, %dma_start3A_121] : memref<125x80xi32, #tpu.memory_space<vmem>> -> memref<1x80xi32, #tpu.memory_space<vmem>>
      %dma_start3A_123 = tpu.memref_squeeze %dma_start3A_122 : memref<1x80xi32, #tpu.memory_space<vmem>> -> memref<80xi32, #tpu.memory_space<vmem>>
      %dma_start3A_124 = arith.constant 0 : i32
      %dma_start3A_125 = arith.constant 0 : i32
      %dma_start3A_126 = tpu.memref_slice %arg10[%dma_start3A_124, %dma_start3A_125] : memref<10240x128xf32, #tpu.memory_space<vmem_shared>> -> memref<10240x128xf32, #tpu.memory_space<vmem_shared>>
      tpu.enqueue_indirect_dma source(%dma_start3A_120 : memref<80x128xf32, #tpu.memory_space<vmem>>) target(%dma_start3A_126 : memref<10240x128xf32, #tpu.memory_space<vmem_shared>>) offsets(%dma_start3A_123 : memref<80xi32, #tpu.memory_space<vmem>>) semaphore(%arg14 : memref<!tpu.dma_semaphore, #tpu.memory_space<semaphore_mem>>) {add = true}
      %add3A_127 = arith.constant 1 : i32
      %add3A_128 = arith.addi %add3A_104, %add3A_127 : i32
      %lt3A_129 = arith.constant 125 : i32
      %lt3A_130 = arith.cmpi slt, %add3A_128, %lt3A_129 : i32
      %convert_element_type3A_131 = arith.extui %lt3A_130 : i1 to i32
      %cond3A_132 = arith.constant 0 : i32
      %cond3A_133 = arith.cmpi ne, %convert_element_type3A_131, %cond3A_132 : i32
      scf.if %cond3A_133 {
        %ge3A = arith.constant 1 : i32
        %ge3A_134 = arith.cmpi sge, %add3A_104, %ge3A : i32
        %convert_element_type3A_135 = arith.extui %ge3A_134 : i1 to i32
        %cond3A_136 = arith.constant 0 : i32
        %cond3A_137 = arith.cmpi ne, %convert_element_type3A_135, %cond3A_136 : i32
        scf.if %cond3A_137 {
          %dma_wait3A_151 = arith.constant 0 : i32
          %dma_wait3A_152 = arith.constant 0 : i32
          %dma_wait3A_153 = arith.constant 0 : i32
          %dma_wait3A_154 = tpu.memref_slice %arg9[%dma_wait3A_151, %dma_wait3A_152, %dma_wait3A_153] : memref<2x80x128xf32, #tpu.memory_space<vmem>> -> memref<1x80x128xf32, #tpu.memory_space<vmem>>
          %dma_wait3A_155 = tpu.memref_squeeze %dma_wait3A_154 : memref<1x80x128xf32, #tpu.memory_space<vmem>> -> memref<80x128xf32, #tpu.memory_space<vmem>>
          %dma_wait3A_156 = arith.constant 0 : i32
          %dma_wait3A_157 = tpu.memref_slice %arg8[%add3A_104, %dma_wait3A_156] : memref<125x80xi32, #tpu.memory_space<vmem>> -> memref<1x80xi32, #tpu.memory_space<vmem>>
          %dma_wait3A_158 = tpu.memref_squeeze %dma_wait3A_157 : memref<1x80xi32, #tpu.memory_space<vmem>> -> memref<80xi32, #tpu.memory_space<vmem>>
          %dma_wait3A_159 = arith.constant 0 : i32
          %dma_wait3A_160 = arith.constant 0 : i32
          %dma_wait3A_161 = tpu.memref_slice %arg10[%dma_wait3A_159, %dma_wait3A_160] : memref<10240x128xf32, #tpu.memory_space<vmem_shared>> -> memref<10240x128xf32, #tpu.memory_space<vmem_shared>>
          tpu.wait_indirect_dma semaphore(%arg13 : memref<!tpu.dma_semaphore, #tpu.memory_space<semaphore_mem>>) src(%dma_wait3A_155 : memref<80x128xf32, #tpu.memory_space<vmem>>) dst(%dma_wait3A_161 : memref<10240x128xf32, #tpu.memory_space<vmem_shared>>)
        } else {
        }
        %add3A_138 = arith.constant 1 : i32
        %add3A_139 = arith.addi %add3A_104, %add3A_138 : i32
        %mul3A_140 = arith.constant 80 : i32
        %mul3A_141 = arith.muli %add3A_139, %mul3A_140 : i32
        %dma_start3A_142 = arith.constant 0 : i32
        %dma_start3A_143 = arith.constant 0 : i32
        %dma_start3A_144 = arith.constant 0 : i32
        %dma_start3A_145 = tpu.memref_slice %arg9[%dma_start3A_142, %dma_start3A_143, %dma_start3A_144] : memref<2x80x128xf32, #tpu.memory_space<vmem>> -> memref<1x80x128xf32, #tpu.memory_space<vmem>>
        %dma_start3A_146 = tpu.memref_squeeze %dma_start3A_145 : memref<1x80x128xf32, #tpu.memory_space<vmem>> -> memref<80x128xf32, #tpu.memory_space<vmem>>
        %dma_start3A_147 = tpu.memref_slice %arg7[%mul3A_141] : memref<10000xi32, #tpu.memory_space<vmem>> -> memref<80xi32, #tpu.memory_space<vmem>>
        %dma_start3A_148 = arith.constant 0 : i32
        %dma_start3A_149 = arith.constant 0 : i32
        %dma_start3A_150 = tpu.memref_slice %arg2[%dma_start3A_148, %dma_start3A_149] : memref<10000x128xf32, #tpu.memory_space<hbm>> -> memref<10000x128xf32, #tpu.memory_space<hbm>>
        tpu.enqueue_indirect_dma source(%dma_start3A_150 : memref<10000x128xf32, #tpu.memory_space<hbm>>) target(%dma_start3A_146 : memref<80x128xf32, #tpu.memory_space<vmem>>) offsets(%dma_start3A_147 : memref<80xi32, #tpu.memory_space<vmem>>) semaphore(%arg11 : memref<!tpu.dma_semaphore, #tpu.memory_space<semaphore_mem>>)
      } else {
      }
    }
    %scan3A_18 = arith.constant 62 : i32
    %dma_wait3A = arith.constant 0 : i32
    %dma_wait3A_19 = arith.constant 0 : i32
    %dma_wait3A_20 = arith.constant 0 : i32
    %dma_wait3A_21 = tpu.memref_slice %arg9[%dma_wait3A, %dma_wait3A_19, %dma_wait3A_20] : memref<2x80x128xf32, #tpu.memory_space<vmem>> -> memref<1x80x128xf32, #tpu.memory_space<vmem>>
    %dma_wait3A_22 = tpu.memref_squeeze %dma_wait3A_21 : memref<1x80x128xf32, #tpu.memory_space<vmem>> -> memref<80x128xf32, #tpu.memory_space<vmem>>
    %dma_wait3A_23 = arith.constant 9920 : i32
    %dma_wait3A_24 = tpu.memref_slice %arg7[%dma_wait3A_23] : memref<10000xi32, #tpu.memory_space<vmem>> -> memref<80xi32, #tpu.memory_space<vmem>>
    %dma_wait3A_25 = arith.constant 0 : i32
    %dma_wait3A_26 = arith.constant 0 : i32
    %dma_wait3A_27 = tpu.memref_slice %arg2[%dma_wait3A_25, %dma_wait3A_26] : memref<10000x128xf32, #tpu.memory_space<hbm>> -> memref<10000x128xf32, #tpu.memory_space<hbm>>
    tpu.wait_indirect_dma semaphore(%arg11 : memref<!tpu.dma_semaphore, #tpu.memory_space<semaphore_mem>>) src(%dma_wait3A_27 : memref<10000x128xf32, #tpu.memory_space<hbm>>) dst(%dma_wait3A_22 : memref<80x128xf32, #tpu.memory_space<vmem>>)
    %dma_start3A_28 = arith.constant 0 : i32
    %dma_start3A_29 = arith.constant 124 : i32
    %dma_start3A_30 = arith.constant 0 : i32
    %dma_start3A_31 = arith.constant 0 : i32
    %dma_start3A_32 = tpu.memref_slice %arg9[%dma_start3A_28, %dma_start3A_30, %dma_start3A_31] : memref<2x80x128xf32, #tpu.memory_space<vmem>> -> memref<1x80x128xf32, #tpu.memory_space<vmem>>
    %dma_start3A_33 = tpu.memref_squeeze %dma_start3A_32 : memref<1x80x128xf32, #tpu.memory_space<vmem>> -> memref<80x128xf32, #tpu.memory_space<vmem>>
    %dma_start3A_34 = arith.constant 0 : i32
    %dma_start3A_35 = tpu.memref_slice %arg8[%dma_start3A_29, %dma_start3A_34] : memref<125x80xi32, #tpu.memory_space<vmem>> -> memref<1x80xi32, #tpu.memory_space<vmem>>
    %dma_start3A_36 = tpu.memref_squeeze %dma_start3A_35 : memref<1x80xi32, #tpu.memory_space<vmem>> -> memref<80xi32, #tpu.memory_space<vmem>>
    %dma_start3A_37 = arith.constant 0 : i32
    %dma_start3A_38 = arith.constant 0 : i32
    %dma_start3A_39 = tpu.memref_slice %arg10[%dma_start3A_37, %dma_start3A_38] : memref<10240x128xf32, #tpu.memory_space<vmem_shared>> -> memref<10240x128xf32, #tpu.memory_space<vmem_shared>>
    tpu.enqueue_indirect_dma source(%dma_start3A_33 : memref<80x128xf32, #tpu.memory_space<vmem>>) target(%dma_start3A_39 : memref<10240x128xf32, #tpu.memory_space<vmem_shared>>) offsets(%dma_start3A_36 : memref<80xi32, #tpu.memory_space<vmem>>) semaphore(%arg13 : memref<!tpu.dma_semaphore, #tpu.memory_space<semaphore_mem>>) {add = true}
    %dma_wait3A_40 = arith.constant 0 : i32
    %dma_wait3A_41 = arith.constant 0 : i32
    %dma_wait3A_42 = arith.constant 0 : i32
    %dma_wait3A_43 = arith.constant 0 : i32
    %dma_wait3A_44 = tpu.memref_slice %arg9[%dma_wait3A_40, %dma_wait3A_42, %dma_wait3A_43] : memref<2x80x128xf32, #tpu.memory_space<vmem>> -> memref<1x80x128xf32, #tpu.memory_space<vmem>>
    %dma_wait3A_45 = tpu.memref_squeeze %dma_wait3A_44 : memref<1x80x128xf32, #tpu.memory_space<vmem>> -> memref<80x128xf32, #tpu.memory_space<vmem>>
    %dma_wait3A_46 = arith.constant 0 : i32
    %dma_wait3A_47 = tpu.memref_slice %arg8[%dma_wait3A_41, %dma_wait3A_46] : memref<125x80xi32, #tpu.memory_space<vmem>> -> memref<1x80xi32, #tpu.memory_space<vmem>>
    %dma_wait3A_48 = tpu.memref_squeeze %dma_wait3A_47 : memref<1x80xi32, #tpu.memory_space<vmem>> -> memref<80xi32, #tpu.memory_space<vmem>>
    %dma_wait3A_49 = arith.constant 0 : i32
    %dma_wait3A_50 = arith.constant 0 : i32
    %dma_wait3A_51 = tpu.memref_slice %arg10[%dma_wait3A_49, %dma_wait3A_50] : memref<10240x128xf32, #tpu.memory_space<vmem_shared>> -> memref<10240x128xf32, #tpu.memory_space<vmem_shared>>
    tpu.wait_indirect_dma semaphore(%arg13 : memref<!tpu.dma_semaphore, #tpu.memory_space<semaphore_mem>>) src(%dma_wait3A_45 : memref<80x128xf32, #tpu.memory_space<vmem>>) dst(%dma_wait3A_51 : memref<10240x128xf32, #tpu.memory_space<vmem_shared>>)
    %dma_wait3A_52 = arith.constant 1 : i32
    %dma_wait3A_53 = arith.constant 0 : i32
    %dma_wait3A_54 = arith.constant 0 : i32
    %dma_wait3A_55 = arith.constant 0 : i32
    %dma_wait3A_56 = tpu.memref_slice %arg9[%dma_wait3A_52, %dma_wait3A_54, %dma_wait3A_55] : memref<2x80x128xf32, #tpu.memory_space<vmem>> -> memref<1x80x128xf32, #tpu.memory_space<vmem>>
    %dma_wait3A_57 = tpu.memref_squeeze %dma_wait3A_56 : memref<1x80x128xf32, #tpu.memory_space<vmem>> -> memref<80x128xf32, #tpu.memory_space<vmem>>
    %dma_wait3A_58 = arith.constant 0 : i32
    %dma_wait3A_59 = tpu.memref_slice %arg8[%dma_wait3A_53, %dma_wait3A_58] : memref<125x80xi32, #tpu.memory_space<vmem>> -> memref<1x80xi32, #tpu.memory_space<vmem>>
    %dma_wait3A_60 = tpu.memref_squeeze %dma_wait3A_59 : memref<1x80xi32, #tpu.memory_space<vmem>> -> memref<80xi32, #tpu.memory_space<vmem>>
    %dma_wait3A_61 = arith.constant 0 : i32
    %dma_wait3A_62 = arith.constant 0 : i32
    %dma_wait3A_63 = tpu.memref_slice %arg10[%dma_wait3A_61, %dma_wait3A_62] : memref<10240x128xf32, #tpu.memory_space<vmem_shared>> -> memref<10240x128xf32, #tpu.memory_space<vmem_shared>>
    tpu.wait_indirect_dma semaphore(%arg14 : memref<!tpu.dma_semaphore, #tpu.memory_space<semaphore_mem>>) src(%dma_wait3A_57 : memref<80x128xf32, #tpu.memory_space<vmem>>) dst(%dma_wait3A_63 : memref<10240x128xf32, #tpu.memory_space<vmem_shared>>)
    %barrier3A_64 = arith.constant 0 : index
    tpu.barrier barrier_id(%barrier3A_64)
    %mul3A_65 = arith.constant 640 : i32
    %mul3A_66 = arith.muli %arg1, %mul3A_65 : i32
    %mul3A_67 = arith.constant 10240 : i32
    %mul3A_68 = arith.muli %arg0, %mul3A_67 : i32
    %mul3A_69 = arith.constant 640 : i32
    %mul3A_70 = arith.muli %arg1, %mul3A_69 : i32
    %add3A_71 = arith.addi %mul3A_68, %mul3A_70 : i32
    "tpu.region"() ({
      %run_scoped3A = tpu.sem_alloc : memref<!tpu.dma_semaphore, #tpu.memory_space<semaphore_mem>>
      %dma_start3A_72 = arith.constant 0 : i32
      %dma_start3A_73 = tpu.memref_slice %arg6[%add3A_71, %dma_start3A_72] : memref<20480x128xf32, #tpu.memory_space<hbm>> -> memref<640x128xf32, #tpu.memory_space<hbm>>
      %dma_start3A_74 = arith.constant 0 : i32
      %dma_start3A_75 = tpu.memref_slice %arg10[%mul3A_66, %dma_start3A_74] : memref<10240x128xf32, #tpu.memory_space<vmem_shared>> -> memref<640x128xf32, #tpu.memory_space<vmem_shared>>
      tpu.enqueue_dma source(%dma_start3A_75 : memref<640x128xf32, #tpu.memory_space<vmem_shared>>) target(%dma_start3A_73 : memref<640x128xf32, #tpu.memory_space<hbm>>) target_semaphore(%run_scoped3A : memref<!tpu.dma_semaphore, #tpu.memory_space<semaphore_mem>>)
      %dma_wait3A_76 = arith.constant 0 : i32
      %dma_wait3A_77 = tpu.memref_slice %arg6[%add3A_71, %dma_wait3A_76] : memref<20480x128xf32, #tpu.memory_space<hbm>> -> memref<640x128xf32, #tpu.memory_space<hbm>>
      %dma_wait3A_78 = arith.constant 0 : i32
      %dma_wait3A_79 = tpu.memref_slice %arg10[%mul3A_66, %dma_wait3A_78] : memref<10240x128xf32, #tpu.memory_space<vmem_shared>> -> memref<640x128xf32, #tpu.memory_space<vmem_shared>>
      tpu.wait_dma2 semaphore(%run_scoped3A : memref<!tpu.dma_semaphore, #tpu.memory_space<semaphore_mem>>) src(%dma_wait3A_79 : memref<640x128xf32, #tpu.memory_space<vmem_shared>>) dst(%dma_wait3A_77 : memref<640x128xf32, #tpu.memory_space<hbm>>)
      tpu.yield
    }) : () -> ()
    return
  }
}

#map = affine_map<(d0, d1) -> (0, 0)>
#map1 = affine_map<(d0, d1) -> (0)>
#map2 = affine_map<(d0, d1) -> (0, 0, 0)>
module attributes {stable_mosaic.version = 14 : i64} {
  func.func @_spmm_body(%arg0: i32, %arg1: i32, %arg2: memref<10000x128xf32, #tpu.memory_space<hbm>>, %arg3: memref<320000xi32, #tpu.memory_space<hbm>>, %arg4: memref<32x125x80xi32, #tpu.memory_space<hbm>>, %arg5: memref<640x128xf32, #tpu.memory_space<hbm>>, %arg6: memref<20480x128xf32, #tpu.memory_space<hbm>>, %arg7: memref<10000xi32, #tpu.memory_space<vmem>>, %arg8: memref<125x80xi32, #tpu.memory_space<vmem>>, %arg9: memref<2x80x128xf32, #tpu.memory_space<vmem>>, %arg10: memref<10240x128xf32, #tpu.memory_space<vmem_shared>>, %arg11: memref<!tpu.dma_semaphore, #tpu.memory_space<semaphore_mem>>, %arg12: memref<!tpu.dma_semaphore, #tpu.memory_space<semaphore_mem>>, %arg13: memref<!tpu.dma_semaphore, #tpu.memory_space<semaphore_mem>>, %arg14: memref<!tpu.dma_semaphore, #tpu.memory_space<semaphore_mem>>) attributes {dimension_semantics = [#tpu.dimension_semantics<core_parallel>, #tpu.dimension_semantics<subcore_parallel>], iteration_bounds = array<i64: 2, 16>, scalar_prefetch = 0 : i64, scratch_operands = 8 : i64, tpu.core_type = #tpu.core_type<sc_vector_subcore>, window_params = [{transform_indices = #map}, {transform_indices = #map1}, {transform_indices = #map2}, {transform_indices = #map}, {transform_indices = #map}]} {
    %mul3A = arith.constant 16 : i32
    %mul3A_0 = arith.muli %arg0, %mul3A : i32
    %add3A = arith.addi %mul3A_0, %arg1 : i32
    %mul3A_1 = arith.constant 10000 : i32
    %mul3A_2 = arith.muli %add3A, %mul3A_1 : i32
    "tpu.region"() ({
      %run_scoped3A = tpu.sem_alloc : memref<!tpu.dma_semaphore, #tpu.memory_space<semaphore_mem>>
      %dma_start3A_72 = tpu.memref_slice %arg3[%mul3A_2] : memref<320000xi32, #tpu.memory_space<hbm>> -> memref<10000xi32, #tpu.memory_space<hbm>>
      %dma_start3A_73 = tpu.memref_slice %arg3[%mul3A_2] : memref<320000xi32, #tpu.memory_space<hbm>> -> memref<10000xi32, #tpu.memory_space<hbm>>
      tpu.enqueue_dma source(%dma_start3A_73 : memref<10000xi32, #tpu.memory_space<hbm>>) target(%arg7 : memref<10000xi32, #tpu.memory_space<vmem>>) target_semaphore(%run_scoped3A : memref<!tpu.dma_semaphore, #tpu.memory_space<semaphore_mem>>)
      %dma_wait3A_74 = tpu.memref_slice %arg3[%mul3A_2] : memref<320000xi32, #tpu.memory_space<hbm>> -> memref<10000xi32, #tpu.memory_space<hbm>>
      %dma_wait3A_75 = tpu.memref_slice %arg3[%mul3A_2] : memref<320000xi32, #tpu.memory_space<hbm>> -> memref<10000xi32, #tpu.memory_space<hbm>>
      tpu.wait_dma2 semaphore(%run_scoped3A : memref<!tpu.dma_semaphore, #tpu.memory_space<semaphore_mem>>) src(%dma_wait3A_75 : memref<10000xi32, #tpu.memory_space<hbm>>) dst(%arg7 : memref<10000xi32, #tpu.memory_space<vmem>>)
      tpu.yield
    }) : () -> ()
    "tpu.region"() ({
      %run_scoped3A = tpu.sem_alloc : memref<!tpu.dma_semaphore, #tpu.memory_space<semaphore_mem>>
      %dma_start3A_72 = arith.constant 0 : i32
      %dma_start3A_73 = arith.constant 0 : i32
      %dma_start3A_74 = tpu.memref_slice %arg4[%add3A, %dma_start3A_72, %dma_start3A_73] : memref<32x125x80xi32, #tpu.memory_space<hbm>> -> memref<1x125x80xi32, #tpu.memory_space<hbm>>
      %dma_start3A_75 = tpu.memref_squeeze %dma_start3A_74 : memref<1x125x80xi32, #tpu.memory_space<hbm>> -> memref<125x80xi32, #tpu.memory_space<hbm>>
      %dma_start3A_76 = arith.constant 0 : i32
      %dma_start3A_77 = arith.constant 0 : i32
      %dma_start3A_78 = tpu.memref_slice %arg4[%add3A, %dma_start3A_76, %dma_start3A_77] : memref<32x125x80xi32, #tpu.memory_space<hbm>> -> memref<1x125x80xi32, #tpu.memory_space<hbm>>
      %dma_start3A_79 = tpu.memref_squeeze %dma_start3A_78 : memref<1x125x80xi32, #tpu.memory_space<hbm>> -> memref<125x80xi32, #tpu.memory_space<hbm>>
      tpu.enqueue_dma source(%dma_start3A_79 : memref<125x80xi32, #tpu.memory_space<hbm>>) target(%arg8 : memref<125x80xi32, #tpu.memory_space<vmem>>) target_semaphore(%run_scoped3A : memref<!tpu.dma_semaphore, #tpu.memory_space<semaphore_mem>>)
      %dma_wait3A_80 = arith.constant 0 : i32
      %dma_wait3A_81 = arith.constant 0 : i32
      %dma_wait3A_82 = tpu.memref_slice %arg4[%add3A, %dma_wait3A_80, %dma_wait3A_81] : memref<32x125x80xi32, #tpu.memory_space<hbm>> -> memref<1x125x80xi32, #tpu.memory_space<hbm>>
      %dma_wait3A_83 = tpu.memref_squeeze %dma_wait3A_82 : memref<1x125x80xi32, #tpu.memory_space<hbm>> -> memref<125x80xi32, #tpu.memory_space<hbm>>
      %dma_wait3A_84 = arith.constant 0 : i32
      %dma_wait3A_85 = arith.constant 0 : i32
      %dma_wait3A_86 = tpu.memref_slice %arg4[%add3A, %dma_wait3A_84, %dma_wait3A_85] : memref<32x125x80xi32, #tpu.memory_space<hbm>> -> memref<1x125x80xi32, #tpu.memory_space<hbm>>
      %dma_wait3A_87 = tpu.memref_squeeze %dma_wait3A_86 : memref<1x125x80xi32, #tpu.memory_space<hbm>> -> memref<125x80xi32, #tpu.memory_space<hbm>>
      tpu.wait_dma2 semaphore(%run_scoped3A : memref<!tpu.dma_semaphore, #tpu.memory_space<semaphore_mem>>) src(%dma_wait3A_87 : memref<125x80xi32, #tpu.memory_space<hbm>>) dst(%arg8 : memref<125x80xi32, #tpu.memory_space<vmem>>)
      tpu.yield
    }) : () -> ()
    %mul3A_3 = arith.constant 640 : i32
    %mul3A_4 = arith.muli %arg1, %mul3A_3 : i32
    "tpu.region"() ({
      %run_scoped3A = tpu.sem_alloc : memref<!tpu.dma_semaphore, #tpu.memory_space<semaphore_mem>>
      %dma_start3A_72 = arith.constant 0 : i32
      %dma_start3A_73 = tpu.memref_slice %arg10[%mul3A_4, %dma_start3A_72] : memref<10240x128xf32, #tpu.memory_space<vmem_shared>> -> memref<640x128xf32, #tpu.memory_space<vmem_shared>>
      tpu.enqueue_dma source(%arg5 : memref<640x128xf32, #tpu.memory_space<hbm>>) target(%dma_start3A_73 : memref<640x128xf32, #tpu.memory_space<vmem_shared>>) target_semaphore(%run_scoped3A : memref<!tpu.dma_semaphore, #tpu.memory_space<semaphore_mem>>)
      %dma_wait3A_74 = arith.constant 0 : i32
      %dma_wait3A_75 = tpu.memref_slice %arg10[%mul3A_4, %dma_wait3A_74] : memref<10240x128xf32, #tpu.memory_space<vmem_shared>> -> memref<640x128xf32, #tpu.memory_space<vmem_shared>>
      tpu.wait_dma2 semaphore(%run_scoped3A : memref<!tpu.dma_semaphore, #tpu.memory_space<semaphore_mem>>) src(%arg5 : memref<640x128xf32, #tpu.memory_space<hbm>>) dst(%dma_wait3A_75 : memref<640x128xf32, #tpu.memory_space<vmem_shared>>)
      tpu.yield
    }) : () -> ()
    %barrier3A = arith.constant 0 : index
    tpu.barrier barrier_id(%barrier3A)
    %dma_start3A = arith.constant 0 : i32
    %dma_start3A_5 = arith.constant 0 : i32
    %dma_start3A_6 = arith.constant 0 : i32
    %dma_start3A_7 = tpu.memref_slice %arg9[%dma_start3A, %dma_start3A_5, %dma_start3A_6] : memref<2x80x128xf32, #tpu.memory_space<vmem>> -> memref<1x80x128xf32, #tpu.memory_space<vmem>>
    %dma_start3A_8 = tpu.memref_squeeze %dma_start3A_7 : memref<1x80x128xf32, #tpu.memory_space<vmem>> -> memref<80x128xf32, #tpu.memory_space<vmem>>
    %dma_start3A_9 = arith.constant 0 : i32
    %dma_start3A_10 = tpu.memref_slice %arg7[%dma_start3A_9] : memref<10000xi32, #tpu.memory_space<vmem>> -> memref<80xi32, #tpu.memory_space<vmem>>
    %dma_start3A_11 = arith.constant 0 : i32
    %dma_start3A_12 = arith.constant 0 : i32
    %dma_start3A_13 = tpu.memref_slice %arg2[%dma_start3A_11, %dma_start3A_12] : memref<10000x128xf32, #tpu.memory_space<hbm>> -> memref<10000x128xf32, #tpu.memory_space<hbm>>
    tpu.enqueue_indirect_dma source(%dma_start3A_13 : memref<10000x128xf32, #tpu.memory_space<hbm>>) target(%dma_start3A_8 : memref<80x128xf32, #tpu.memory_space<vmem>>) offsets(%dma_start3A_10 : memref<80xi32, #tpu.memory_space<vmem>>) semaphore(%arg11 : memref<!tpu.dma_semaphore, #tpu.memory_space<semaphore_mem>>)
    %scan3A = arith.constant 0 : i32
    %scan3A_14 = arith.constant 0 : i32
    %scan3A_15 = arith.constant 62 : i32
    %scan3A_16 = arith.addi %scan3A_14, %scan3A_15 : i32
    %scan3A_17 = arith.constant 1 : i32
    scf.for %scan3A_72 = %scan3A_14 to %scan3A_16 step %scan3A_17  : i32 {
      %mul3A_73 = arith.constant 2 : i32
      %mul3A_74 = arith.muli %scan3A_72, %mul3A_73 : i32
      %mul3A_75 = arith.constant 80 : i32
      %mul3A_76 = arith.muli %mul3A_74, %mul3A_75 : i32
      %dma_wait3A_77 = arith.constant 0 : i32
      %dma_wait3A_78 = arith.constant 0 : i32
      %dma_wait3A_79 = arith.constant 0 : i32
      %dma_wait3A_80 = tpu.memref_slice %arg9[%dma_wait3A_77, %dma_wait3A_78, %dma_wait3A_79] : memref<2x80x128xf32, #tpu.memory_space<vmem>> -> memref<1x80x128xf32, #tpu.memory_space<vmem>>
      %dma_wait3A_81 = tpu.memref_squeeze %dma_wait3A_80 : memref<1x80x128xf32, #tpu.memory_space<vmem>> -> memref<80x128xf32, #tpu.memory_space<vmem>>
      %dma_wait3A_82 = tpu.memref_slice %arg7[%mul3A_76] : memref<10000xi32, #tpu.memory_space<vmem>> -> memref<80xi32, #tpu.memory_space<vmem>>
      %dma_wait3A_83 = arith.constant 0 : i32
      %dma_wait3A_84 = arith.constant 0 : i32
      %dma_wait3A_85 = tpu.memref_slice %arg2[%dma_wait3A_83, %dma_wait3A_84] : memref<10000x128xf32, #tpu.memory_space<hbm>> -> memref<10000x128xf32, #tpu.memory_space<hbm>>
      tpu.wait_indirect_dma semaphore(%arg11 : memref<!tpu.dma_semaphore, #tpu.memory_space<semaphore_mem>>) src(%dma_wait3A_85 : memref<10000x128xf32, #tpu.memory_space<hbm>>) dst(%dma_wait3A_81 : memref<80x128xf32, #tpu.memory_space<vmem>>)
      %dma_start3A_86 = arith.constant 0 : i32
      %dma_start3A_87 = arith.constant 0 : i32
      %dma_start3A_88 = arith.constant 0 : i32
      %dma_start3A_89 = tpu.memref_slice %arg9[%dma_start3A_86, %dma_start3A_87, %dma_start3A_88] : memref<2x80x128xf32, #tpu.memory_space<vmem>> -> memref<1x80x128xf32, #tpu.memory_space<vmem>>
      %dma_start3A_90 = tpu.memref_squeeze %dma_start3A_89 : memref<1x80x128xf32, #tpu.memory_space<vmem>> -> memref<80x128xf32, #tpu.memory_space<vmem>>
      %dma_start3A_91 = arith.constant 0 : i32
      %dma_start3A_92 = tpu.memref_slice %arg8[%mul3A_74, %dma_start3A_91] : memref<125x80xi32, #tpu.memory_space<vmem>> -> memref<1x80xi32, #tpu.memory_space<vmem>>
      %dma_start3A_93 = tpu.memref_squeeze %dma_start3A_92 : memref<1x80xi32, #tpu.memory_space<vmem>> -> memref<80xi32, #tpu.memory_space<vmem>>
      %dma_start3A_94 = arith.constant 0 : i32
      %dma_start3A_95 = arith.constant 0 : i32
      %dma_start3A_96 = tpu.memref_slice %arg10[%dma_start3A_94, %dma_start3A_95] : memref<10240x128xf32, #tpu.memory_space<vmem_shared>> -> memref<10240x128xf32, #tpu.memory_space<vmem_shared>>
      tpu.enqueue_indirect_dma source(%dma_start3A_90 : memref<80x128xf32, #tpu.memory_space<vmem>>) target(%dma_start3A_96 : memref<10240x128xf32, #tpu.memory_space<vmem_shared>>) offsets(%dma_start3A_93 : memref<80xi32, #tpu.memory_space<vmem>>) semaphore(%arg13 : memref<!tpu.dma_semaphore, #tpu.memory_space<semaphore_mem>>) {add = true}
      %add3A_97 = arith.constant 1 : i32
      %add3A_98 = arith.addi %mul3A_74, %add3A_97 : i32
      %lt3A = arith.constant 125 : i32
      %lt3A_99 = arith.cmpi slt, %add3A_98, %lt3A : i32
      %convert_element_type3A = arith.extui %lt3A_99 : i1 to i32
      %cond3A = arith.constant 0 : i32
      %cond3A_100 = arith.cmpi ne, %convert_element_type3A, %cond3A : i32
      scf.if %cond3A_100 {
        %ge3A = arith.constant 1 : i32
        %ge3A_134 = arith.cmpi sge, %mul3A_74, %ge3A : i32
        %convert_element_type3A_135 = arith.extui %ge3A_134 : i1 to i32
        %cond3A_136 = arith.constant 0 : i32
        %cond3A_137 = arith.cmpi ne, %convert_element_type3A_135, %cond3A_136 : i32
        scf.if %cond3A_137 {
          %dma_wait3A_151 = arith.constant 1 : i32
          %dma_wait3A_152 = arith.constant 0 : i32
          %dma_wait3A_153 = arith.constant 0 : i32
          %dma_wait3A_154 = tpu.memref_slice %arg9[%dma_wait3A_151, %dma_wait3A_152, %dma_wait3A_153] : memref<2x80x128xf32, #tpu.memory_space<vmem>> -> memref<1x80x128xf32, #tpu.memory_space<vmem>>
          %dma_wait3A_155 = tpu.memref_squeeze %dma_wait3A_154 : memref<1x80x128xf32, #tpu.memory_space<vmem>> -> memref<80x128xf32, #tpu.memory_space<vmem>>
          %dma_wait3A_156 = arith.constant 0 : i32
          %dma_wait3A_157 = tpu.memref_slice %arg8[%mul3A_74, %dma_wait3A_156] : memref<125x80xi32, #tpu.memory_space<vmem>> -> memref<1x80xi32, #tpu.memory_space<vmem>>
          %dma_wait3A_158 = tpu.memref_squeeze %dma_wait3A_157 : memref<1x80xi32, #tpu.memory_space<vmem>> -> memref<80xi32, #tpu.memory_space<vmem>>
          %dma_wait3A_159 = arith.constant 0 : i32
          %dma_wait3A_160 = arith.constant 0 : i32
          %dma_wait3A_161 = tpu.memref_slice %arg10[%dma_wait3A_159, %dma_wait3A_160] : memref<10240x128xf32, #tpu.memory_space<vmem_shared>> -> memref<10240x128xf32, #tpu.memory_space<vmem_shared>>
          tpu.wait_indirect_dma semaphore(%arg14 : memref<!tpu.dma_semaphore, #tpu.memory_space<semaphore_mem>>) src(%dma_wait3A_155 : memref<80x128xf32, #tpu.memory_space<vmem>>) dst(%dma_wait3A_161 : memref<10240x128xf32, #tpu.memory_space<vmem_shared>>)
        } else {
        }
        %add3A_138 = arith.constant 1 : i32
        %add3A_139 = arith.addi %mul3A_74, %add3A_138 : i32
        %mul3A_140 = arith.constant 80 : i32
        %mul3A_141 = arith.muli %add3A_139, %mul3A_140 : i32
        %dma_start3A_142 = arith.constant 1 : i32
        %dma_start3A_143 = arith.constant 0 : i32
        %dma_start3A_144 = arith.constant 0 : i32
        %dma_start3A_145 = tpu.memref_slice %arg9[%dma_start3A_142, %dma_start3A_143, %dma_start3A_144] : memref<2x80x128xf32, #tpu.memory_space<vmem>> -> memref<1x80x128xf32, #tpu.memory_space<vmem>>
        %dma_start3A_146 = tpu.memref_squeeze %dma_start3A_145 : memref<1x80x128xf32, #tpu.memory_space<vmem>> -> memref<80x128xf32, #tpu.memory_space<vmem>>
        %dma_start3A_147 = tpu.memref_slice %arg7[%mul3A_141] : memref<10000xi32, #tpu.memory_space<vmem>> -> memref<80xi32, #tpu.memory_space<vmem>>
        %dma_start3A_148 = arith.constant 0 : i32
        %dma_start3A_149 = arith.constant 0 : i32
        %dma_start3A_150 = tpu.memref_slice %arg2[%dma_start3A_148, %dma_start3A_149] : memref<10000x128xf32, #tpu.memory_space<hbm>> -> memref<10000x128xf32, #tpu.memory_space<hbm>>
        tpu.enqueue_indirect_dma source(%dma_start3A_150 : memref<10000x128xf32, #tpu.memory_space<hbm>>) target(%dma_start3A_146 : memref<80x128xf32, #tpu.memory_space<vmem>>) offsets(%dma_start3A_147 : memref<80xi32, #tpu.memory_space<vmem>>) semaphore(%arg12 : memref<!tpu.dma_semaphore, #tpu.memory_space<semaphore_mem>>)
      } else {
      }
      %mul3A_101 = arith.constant 2 : i32
      %mul3A_102 = arith.muli %scan3A_72, %mul3A_101 : i32
      %add3A_103 = arith.constant 1 : i32
      %add3A_104 = arith.addi %mul3A_102, %add3A_103 : i32
      %mul3A_105 = arith.constant 80 : i32
      %mul3A_106 = arith.muli %add3A_104, %mul3A_105 : i32
      %dma_wait3A_107 = arith.constant 1 : i32
      %dma_wait3A_108 = arith.constant 0 : i32
      %dma_wait3A_109 = arith.constant 0 : i32
      %dma_wait3A_110 = tpu.memref_slice %arg9[%dma_wait3A_107, %dma_wait3A_108, %dma_wait3A_109] : memref<2x80x128xf32, #tpu.memory_space<vmem>> -> memref<1x80x128xf32, #tpu.memory_space<vmem>>
      %dma_wait3A_111 = tpu.memref_squeeze %dma_wait3A_110 : memref<1x80x128xf32, #tpu.memory_space<vmem>> -> memref<80x128xf32, #tpu.memory_space<vmem>>
      %dma_wait3A_112 = tpu.memref_slice %arg7[%mul3A_106] : memref<10000xi32, #tpu.memory_space<vmem>> -> memref<80xi32, #tpu.memory_space<vmem>>
      %dma_wait3A_113 = arith.constant 0 : i32
      %dma_wait3A_114 = arith.constant 0 : i32
      %dma_wait3A_115 = tpu.memref_slice %arg2[%dma_wait3A_113, %dma_wait3A_114] : memref<10000x128xf32, #tpu.memory_space<hbm>> -> memref<10000x128xf32, #tpu.memory_space<hbm>>
      tpu.wait_indirect_dma semaphore(%arg12 : memref<!tpu.dma_semaphore, #tpu.memory_space<semaphore_mem>>) src(%dma_wait3A_115 : memref<10000x128xf32, #tpu.memory_space<hbm>>) dst(%dma_wait3A_111 : memref<80x128xf32, #tpu.memory_space<vmem>>)
      %dma_start3A_116 = arith.constant 1 : i32
      %dma_start3A_117 = arith.constant 0 : i32
      %dma_start3A_118 = arith.constant 0 : i32
      %dma_start3A_119 = tpu.memref_slice %arg9[%dma_start3A_116, %dma_start3A_117, %dma_start3A_118] : memref<2x80x128xf32, #tpu.memory_space<vmem>> -> memref<1x80x128xf32, #tpu.memory_space<vmem>>
      %dma_start3A_120 = tpu.memref_squeeze %dma_start3A_119 : memref<1x80x128xf32, #tpu.memory_space<vmem>> -> memref<80x128xf32, #tpu.memory_space<vmem>>
      %dma_start3A_121 = arith.constant 0 : i32
      %dma_start3A_122 = tpu.memref_slice %arg8[%add3A_104, %dma_start3A_121] : memref<125x80xi32, #tpu.memory_space<vmem>> -> memref<1x80xi32, #tpu.memory_space<vmem>>
      %dma_start3A_123 = tpu.memref_squeeze %dma_start3A_122 : memref<1x80xi32, #tpu.memory_space<vmem>> -> memref<80xi32, #tpu.memory_space<vmem>>
      %dma_start3A_124 = arith.constant 0 : i32
      %dma_start3A_125 = arith.constant 0 : i32
      %dma_start3A_126 = tpu.memref_slice %arg10[%dma_start3A_124, %dma_start3A_125] : memref<10240x128xf32, #tpu.memory_space<vmem_shared>> -> memref<10240x128xf32, #tpu.memory_space<vmem_shared>>
      tpu.enqueue_indirect_dma source(%dma_start3A_120 : memref<80x128xf32, #tpu.memory_space<vmem>>) target(%dma_start3A_126 : memref<10240x128xf32, #tpu.memory_space<vmem_shared>>) offsets(%dma_start3A_123 : memref<80xi32, #tpu.memory_space<vmem>>) semaphore(%arg14 : memref<!tpu.dma_semaphore, #tpu.memory_space<semaphore_mem>>) {add = true}
      %add3A_127 = arith.constant 1 : i32
      %add3A_128 = arith.addi %add3A_104, %add3A_127 : i32
      %lt3A_129 = arith.constant 125 : i32
      %lt3A_130 = arith.cmpi slt, %add3A_128, %lt3A_129 : i32
      %convert_element_type3A_131 = arith.extui %lt3A_130 : i1 to i32
      %cond3A_132 = arith.constant 0 : i32
      %cond3A_133 = arith.cmpi ne, %convert_element_type3A_131, %cond3A_132 : i32
      scf.if %cond3A_133 {
        %ge3A = arith.constant 1 : i32
        %ge3A_134 = arith.cmpi sge, %add3A_104, %ge3A : i32
        %convert_element_type3A_135 = arith.extui %ge3A_134 : i1 to i32
        %cond3A_136 = arith.constant 0 : i32
        %cond3A_137 = arith.cmpi ne, %convert_element_type3A_135, %cond3A_136 : i32
        scf.if %cond3A_137 {
          %dma_wait3A_151 = arith.constant 0 : i32
          %dma_wait3A_152 = arith.constant 0 : i32
          %dma_wait3A_153 = arith.constant 0 : i32
          %dma_wait3A_154 = tpu.memref_slice %arg9[%dma_wait3A_151, %dma_wait3A_152, %dma_wait3A_153] : memref<2x80x128xf32, #tpu.memory_space<vmem>> -> memref<1x80x128xf32, #tpu.memory_space<vmem>>
          %dma_wait3A_155 = tpu.memref_squeeze %dma_wait3A_154 : memref<1x80x128xf32, #tpu.memory_space<vmem>> -> memref<80x128xf32, #tpu.memory_space<vmem>>
          %dma_wait3A_156 = arith.constant 0 : i32
          %dma_wait3A_157 = tpu.memref_slice %arg8[%add3A_104, %dma_wait3A_156] : memref<125x80xi32, #tpu.memory_space<vmem>> -> memref<1x80xi32, #tpu.memory_space<vmem>>
          %dma_wait3A_158 = tpu.memref_squeeze %dma_wait3A_157 : memref<1x80xi32, #tpu.memory_space<vmem>> -> memref<80xi32, #tpu.memory_space<vmem>>
          %dma_wait3A_159 = arith.constant 0 : i32
          %dma_wait3A_160 = arith.constant 0 : i32
          %dma_wait3A_161 = tpu.memref_slice %arg10[%dma_wait3A_159, %dma_wait3A_160] : memref<10240x128xf32, #tpu.memory_space<vmem_shared>> -> memref<10240x128xf32, #tpu.memory_space<vmem_shared>>
          tpu.wait_indirect_dma semaphore(%arg13 : memref<!tpu.dma_semaphore, #tpu.memory_space<semaphore_mem>>) src(%dma_wait3A_155 : memref<80x128xf32, #tpu.memory_space<vmem>>) dst(%dma_wait3A_161 : memref<10240x128xf32, #tpu.memory_space<vmem_shared>>)
        } else {
        }
        %add3A_138 = arith.constant 1 : i32
        %add3A_139 = arith.addi %add3A_104, %add3A_138 : i32
        %mul3A_140 = arith.constant 80 : i32
        %mul3A_141 = arith.muli %add3A_139, %mul3A_140 : i32
        %dma_start3A_142 = arith.constant 0 : i32
        %dma_start3A_143 = arith.constant 0 : i32
        %dma_start3A_144 = arith.constant 0 : i32
        %dma_start3A_145 = tpu.memref_slice %arg9[%dma_start3A_142, %dma_start3A_143, %dma_start3A_144] : memref<2x80x128xf32, #tpu.memory_space<vmem>> -> memref<1x80x128xf32, #tpu.memory_space<vmem>>
        %dma_start3A_146 = tpu.memref_squeeze %dma_start3A_145 : memref<1x80x128xf32, #tpu.memory_space<vmem>> -> memref<80x128xf32, #tpu.memory_space<vmem>>
        %dma_start3A_147 = tpu.memref_slice %arg7[%mul3A_141] : memref<10000xi32, #tpu.memory_space<vmem>> -> memref<80xi32, #tpu.memory_space<vmem>>
        %dma_start3A_148 = arith.constant 0 : i32
        %dma_start3A_149 = arith.constant 0 : i32
        %dma_start3A_150 = tpu.memref_slice %arg2[%dma_start3A_148, %dma_start3A_149] : memref<10000x128xf32, #tpu.memory_space<hbm>> -> memref<10000x128xf32, #tpu.memory_space<hbm>>
        tpu.enqueue_indirect_dma source(%dma_start3A_150 : memref<10000x128xf32, #tpu.memory_space<hbm>>) target(%dma_start3A_146 : memref<80x128xf32, #tpu.memory_space<vmem>>) offsets(%dma_start3A_147 : memref<80xi32, #tpu.memory_space<vmem>>) semaphore(%arg11 : memref<!tpu.dma_semaphore, #tpu.memory_space<semaphore_mem>>)
      } else {
      }
    }
    %scan3A_18 = arith.constant 62 : i32
    %dma_wait3A = arith.constant 0 : i32
    %dma_wait3A_19 = arith.constant 0 : i32
    %dma_wait3A_20 = arith.constant 0 : i32
    %dma_wait3A_21 = tpu.memref_slice %arg9[%dma_wait3A, %dma_wait3A_19, %dma_wait3A_20] : memref<2x80x128xf32, #tpu.memory_space<vmem>> -> memref<1x80x128xf32, #tpu.memory_space<vmem>>
    %dma_wait3A_22 = tpu.memref_squeeze %dma_wait3A_21 : memref<1x80x128xf32, #tpu.memory_space<vmem>> -> memref<80x128xf32, #tpu.memory_space<vmem>>
    %dma_wait3A_23 = arith.constant 9920 : i32
    %dma_wait3A_24 = tpu.memref_slice %arg7[%dma_wait3A_23] : memref<10000xi32, #tpu.memory_space<vmem>> -> memref<80xi32, #tpu.memory_space<vmem>>
    %dma_wait3A_25 = arith.constant 0 : i32
    %dma_wait3A_26 = arith.constant 0 : i32
    %dma_wait3A_27 = tpu.memref_slice %arg2[%dma_wait3A_25, %dma_wait3A_26] : memref<10000x128xf32, #tpu.memory_space<hbm>> -> memref<10000x128xf32, #tpu.memory_space<hbm>>
    tpu.wait_indirect_dma semaphore(%arg11 : memref<!tpu.dma_semaphore, #tpu.memory_space<semaphore_mem>>) src(%dma_wait3A_27 : memref<10000x128xf32, #tpu.memory_space<hbm>>) dst(%dma_wait3A_22 : memref<80x128xf32, #tpu.memory_space<vmem>>)
    %dma_start3A_28 = arith.constant 0 : i32
    %dma_start3A_29 = arith.constant 124 : i32
    %dma_start3A_30 = arith.constant 0 : i32
    %dma_start3A_31 = arith.constant 0 : i32
    %dma_start3A_32 = tpu.memref_slice %arg9[%dma_start3A_28, %dma_start3A_30, %dma_start3A_31] : memref<2x80x128xf32, #tpu.memory_space<vmem>> -> memref<1x80x128xf32, #tpu.memory_space<vmem>>
    %dma_start3A_33 = tpu.memref_squeeze %dma_start3A_32 : memref<1x80x128xf32, #tpu.memory_space<vmem>> -> memref<80x128xf32, #tpu.memory_space<vmem>>
    %dma_start3A_34 = arith.constant 0 : i32
    %dma_start3A_35 = tpu.memref_slice %arg8[%dma_start3A_29, %dma_start3A_34] : memref<125x80xi32, #tpu.memory_space<vmem>> -> memref<1x80xi32, #tpu.memory_space<vmem>>
    %dma_start3A_36 = tpu.memref_squeeze %dma_start3A_35 : memref<1x80xi32, #tpu.memory_space<vmem>> -> memref<80xi32, #tpu.memory_space<vmem>>
    %dma_start3A_37 = arith.constant 0 : i32
    %dma_start3A_38 = arith.constant 0 : i32
    %dma_start3A_39 = tpu.memref_slice %arg10[%dma_start3A_37, %dma_start3A_38] : memref<10240x128xf32, #tpu.memory_space<vmem_shared>> -> memref<10240x128xf32, #tpu.memory_space<vmem_shared>>
    tpu.enqueue_indirect_dma source(%dma_start3A_33 : memref<80x128xf32, #tpu.memory_space<vmem>>) target(%dma_start3A_39 : memref<10240x128xf32, #tpu.memory_space<vmem_shared>>) offsets(%dma_start3A_36 : memref<80xi32, #tpu.memory_space<vmem>>) semaphore(%arg13 : memref<!tpu.dma_semaphore, #tpu.memory_space<semaphore_mem>>) {add = true}
    %dma_wait3A_40 = arith.constant 0 : i32
    %dma_wait3A_41 = arith.constant 0 : i32
    %dma_wait3A_42 = arith.constant 0 : i32
    %dma_wait3A_43 = arith.constant 0 : i32
    %dma_wait3A_44 = tpu.memref_slice %arg9[%dma_wait3A_40, %dma_wait3A_42, %dma_wait3A_43] : memref<2x80x128xf32, #tpu.memory_space<vmem>> -> memref<1x80x128xf32, #tpu.memory_space<vmem>>
    %dma_wait3A_45 = tpu.memref_squeeze %dma_wait3A_44 : memref<1x80x128xf32, #tpu.memory_space<vmem>> -> memref<80x128xf32, #tpu.memory_space<vmem>>
    %dma_wait3A_46 = arith.constant 0 : i32
    %dma_wait3A_47 = tpu.memref_slice %arg8[%dma_wait3A_41, %dma_wait3A_46] : memref<125x80xi32, #tpu.memory_space<vmem>> -> memref<1x80xi32, #tpu.memory_space<vmem>>
    %dma_wait3A_48 = tpu.memref_squeeze %dma_wait3A_47 : memref<1x80xi32, #tpu.memory_space<vmem>> -> memref<80xi32, #tpu.memory_space<vmem>>
    %dma_wait3A_49 = arith.constant 0 : i32
    %dma_wait3A_50 = arith.constant 0 : i32
    %dma_wait3A_51 = tpu.memref_slice %arg10[%dma_wait3A_49, %dma_wait3A_50] : memref<10240x128xf32, #tpu.memory_space<vmem_shared>> -> memref<10240x128xf32, #tpu.memory_space<vmem_shared>>
    tpu.wait_indirect_dma semaphore(%arg13 : memref<!tpu.dma_semaphore, #tpu.memory_space<semaphore_mem>>) src(%dma_wait3A_45 : memref<80x128xf32, #tpu.memory_space<vmem>>) dst(%dma_wait3A_51 : memref<10240x128xf32, #tpu.memory_space<vmem_shared>>)
    %dma_wait3A_52 = arith.constant 1 : i32
    %dma_wait3A_53 = arith.constant 0 : i32
    %dma_wait3A_54 = arith.constant 0 : i32
    %dma_wait3A_55 = arith.constant 0 : i32
    %dma_wait3A_56 = tpu.memref_slice %arg9[%dma_wait3A_52, %dma_wait3A_54, %dma_wait3A_55] : memref<2x80x128xf32, #tpu.memory_space<vmem>> -> memref<1x80x128xf32, #tpu.memory_space<vmem>>
    %dma_wait3A_57 = tpu.memref_squeeze %dma_wait3A_56 : memref<1x80x128xf32, #tpu.memory_space<vmem>> -> memref<80x128xf32, #tpu.memory_space<vmem>>
    %dma_wait3A_58 = arith.constant 0 : i32
    %dma_wait3A_59 = tpu.memref_slice %arg8[%dma_wait3A_53, %dma_wait3A_58] : memref<125x80xi32, #tpu.memory_space<vmem>> -> memref<1x80xi32, #tpu.memory_space<vmem>>
    %dma_wait3A_60 = tpu.memref_squeeze %dma_wait3A_59 : memref<1x80xi32, #tpu.memory_space<vmem>> -> memref<80xi32, #tpu.memory_space<vmem>>
    %dma_wait3A_61 = arith.constant 0 : i32
    %dma_wait3A_62 = arith.constant 0 : i32
    %dma_wait3A_63 = tpu.memref_slice %arg10[%dma_wait3A_61, %dma_wait3A_62] : memref<10240x128xf32, #tpu.memory_space<vmem_shared>> -> memref<10240x128xf32, #tpu.memory_space<vmem_shared>>
    tpu.wait_indirect_dma semaphore(%arg14 : memref<!tpu.dma_semaphore, #tpu.memory_space<semaphore_mem>>) src(%dma_wait3A_57 : memref<80x128xf32, #tpu.memory_space<vmem>>) dst(%dma_wait3A_63 : memref<10240x128xf32, #tpu.memory_space<vmem_shared>>)
    %barrier3A_64 = arith.constant 0 : index
    tpu.barrier barrier_id(%barrier3A_64)
    %mul3A_65 = arith.constant 640 : i32
    %mul3A_66 = arith.muli %arg1, %mul3A_65 : i32
    %mul3A_67 = arith.constant 10240 : i32
    %mul3A_68 = arith.muli %arg0, %mul3A_67 : i32
    %mul3A_69 = arith.constant 640 : i32
    %mul3A_70 = arith.muli %arg1, %mul3A_69 : i32
    %add3A_71 = arith.addi %mul3A_68, %mul3A_70 : i32
    "tpu.region"() ({
      %run_scoped3A = tpu.sem_alloc : memref<!tpu.dma_semaphore, #tpu.memory_space<semaphore_mem>>
      %dma_start3A_72 = arith.constant 0 : i32
      %dma_start3A_73 = tpu.memref_slice %arg6[%add3A_71, %dma_start3A_72] : memref<20480x128xf32, #tpu.memory_space<hbm>> -> memref<640x128xf32, #tpu.memory_space<hbm>>
      %dma_start3A_74 = arith.constant 0 : i32
      %dma_start3A_75 = tpu.memref_slice %arg10[%mul3A_66, %dma_start3A_74] : memref<10240x128xf32, #tpu.memory_space<vmem_shared>> -> memref<640x128xf32, #tpu.memory_space<vmem_shared>>
      tpu.enqueue_dma source(%dma_start3A_75 : memref<640x128xf32, #tpu.memory_space<vmem_shared>>) target(%dma_start3A_73 : memref<640x128xf32, #tpu.memory_space<hbm>>) target_semaphore(%run_scoped3A : memref<!tpu.dma_semaphore, #tpu.memory_space<semaphore_mem>>)
      %dma_wait3A_76 = arith.constant 0 : i32
      %dma_wait3A_77 = tpu.memref_slice %arg6[%add3A_71, %dma_wait3A_76] : memref<20480x128xf32, #tpu.memory_space<hbm>> -> memref<640x128xf32, #tpu.memory_space<hbm>>
      %dma_wait3A_78 = arith.constant 0 : i32
      %dma_wait3A_79 = tpu.memref_slice %arg10[%mul3A_66, %dma_wait3A_78] : memref<10240x128xf32, #tpu.memory_space<vmem_shared>> -> memref<640x128xf32, #tpu.memory_space<vmem_shared>>
      tpu.wait_dma2 semaphore(%run_scoped3A : memref<!tpu.dma_semaphore, #tpu.memory_space<semaphore_mem>>) src(%dma_wait3A_79 : memref<640x128xf32, #tpu.memory_space<vmem_shared>>) dst(%dma_wait3A_77 : memref<640x128xf32, #tpu.memory_space<hbm>>)
      tpu.yield
    }) : () -> ()
    return
  }
}

#map = affine_map<(d0, d1) -> (0, 0)>
#map1 = affine_map<(d0, d1) -> (0)>
#map2 = affine_map<(d0, d1) -> (0, 0, 0)>
module attributes {stable_mosaic.version = 14 : i64} {
  func.func @_spmm_body(%arg0: i32, %arg1: i32, %arg2: memref<10000x128xf32, #tpu.memory_space<hbm>>, %arg3: memref<320000xi32, #tpu.memory_space<hbm>>, %arg4: memref<32x125x80xi32, #tpu.memory_space<hbm>>, %arg5: memref<640x128xf32, #tpu.memory_space<hbm>>, %arg6: memref<20480x128xf32, #tpu.memory_space<hbm>>, %arg7: memref<10000xi32, #tpu.memory_space<vmem>>, %arg8: memref<125x80xi32, #tpu.memory_space<vmem>>, %arg9: memref<2x80x128xf32, #tpu.memory_space<vmem>>, %arg10: memref<10240x128xf32, #tpu.memory_space<vmem_shared>>, %arg11: memref<!tpu.dma_semaphore, #tpu.memory_space<semaphore_mem>>, %arg12: memref<!tpu.dma_semaphore, #tpu.memory_space<semaphore_mem>>, %arg13: memref<!tpu.dma_semaphore, #tpu.memory_space<semaphore_mem>>, %arg14: memref<!tpu.dma_semaphore, #tpu.memory_space<semaphore_mem>>) attributes {dimension_semantics = [#tpu.dimension_semantics<core_parallel>, #tpu.dimension_semantics<subcore_parallel>], iteration_bounds = array<i64: 2, 16>, scalar_prefetch = 0 : i64, scratch_operands = 8 : i64, tpu.core_type = #tpu.core_type<sc_vector_subcore>, window_params = [{transform_indices = #map}, {transform_indices = #map1}, {transform_indices = #map2}, {transform_indices = #map}, {transform_indices = #map}]} {
    %mul3A = arith.constant 16 : i32
    %mul3A_0 = arith.muli %arg0, %mul3A : i32
    %add3A = arith.addi %mul3A_0, %arg1 : i32
    %mul3A_1 = arith.constant 10000 : i32
    %mul3A_2 = arith.muli %add3A, %mul3A_1 : i32
    "tpu.region"() ({
      %run_scoped3A = tpu.sem_alloc : memref<!tpu.dma_semaphore, #tpu.memory_space<semaphore_mem>>
      %dma_start3A_72 = tpu.memref_slice %arg3[%mul3A_2] : memref<320000xi32, #tpu.memory_space<hbm>> -> memref<10000xi32, #tpu.memory_space<hbm>>
      %dma_start3A_73 = tpu.memref_slice %arg3[%mul3A_2] : memref<320000xi32, #tpu.memory_space<hbm>> -> memref<10000xi32, #tpu.memory_space<hbm>>
      tpu.enqueue_dma source(%dma_start3A_73 : memref<10000xi32, #tpu.memory_space<hbm>>) target(%arg7 : memref<10000xi32, #tpu.memory_space<vmem>>) target_semaphore(%run_scoped3A : memref<!tpu.dma_semaphore, #tpu.memory_space<semaphore_mem>>)
      %dma_wait3A_74 = tpu.memref_slice %arg3[%mul3A_2] : memref<320000xi32, #tpu.memory_space<hbm>> -> memref<10000xi32, #tpu.memory_space<hbm>>
      %dma_wait3A_75 = tpu.memref_slice %arg3[%mul3A_2] : memref<320000xi32, #tpu.memory_space<hbm>> -> memref<10000xi32, #tpu.memory_space<hbm>>
      tpu.wait_dma2 semaphore(%run_scoped3A : memref<!tpu.dma_semaphore, #tpu.memory_space<semaphore_mem>>) src(%dma_wait3A_75 : memref<10000xi32, #tpu.memory_space<hbm>>) dst(%arg7 : memref<10000xi32, #tpu.memory_space<vmem>>)
      tpu.yield
    }) : () -> ()
    "tpu.region"() ({
      %run_scoped3A = tpu.sem_alloc : memref<!tpu.dma_semaphore, #tpu.memory_space<semaphore_mem>>
      %dma_start3A_72 = arith.constant 0 : i32
      %dma_start3A_73 = arith.constant 0 : i32
      %dma_start3A_74 = tpu.memref_slice %arg4[%add3A, %dma_start3A_72, %dma_start3A_73] : memref<32x125x80xi32, #tpu.memory_space<hbm>> -> memref<1x125x80xi32, #tpu.memory_space<hbm>>
      %dma_start3A_75 = tpu.memref_squeeze %dma_start3A_74 : memref<1x125x80xi32, #tpu.memory_space<hbm>> -> memref<125x80xi32, #tpu.memory_space<hbm>>
      %dma_start3A_76 = arith.constant 0 : i32
      %dma_start3A_77 = arith.constant 0 : i32
      %dma_start3A_78 = tpu.memref_slice %arg4[%add3A, %dma_start3A_76, %dma_start3A_77] : memref<32x125x80xi32, #tpu.memory_space<hbm>> -> memref<1x125x80xi32, #tpu.memory_space<hbm>>
      %dma_start3A_79 = tpu.memref_squeeze %dma_start3A_78 : memref<1x125x80xi32, #tpu.memory_space<hbm>> -> memref<125x80xi32, #tpu.memory_space<hbm>>
      tpu.enqueue_dma source(%dma_start3A_79 : memref<125x80xi32, #tpu.memory_space<hbm>>) target(%arg8 : memref<125x80xi32, #tpu.memory_space<vmem>>) target_semaphore(%run_scoped3A : memref<!tpu.dma_semaphore, #tpu.memory_space<semaphore_mem>>)
      %dma_wait3A_80 = arith.constant 0 : i32
      %dma_wait3A_81 = arith.constant 0 : i32
      %dma_wait3A_82 = tpu.memref_slice %arg4[%add3A, %dma_wait3A_80, %dma_wait3A_81] : memref<32x125x80xi32, #tpu.memory_space<hbm>> -> memref<1x125x80xi32, #tpu.memory_space<hbm>>
      %dma_wait3A_83 = tpu.memref_squeeze %dma_wait3A_82 : memref<1x125x80xi32, #tpu.memory_space<hbm>> -> memref<125x80xi32, #tpu.memory_space<hbm>>
      %dma_wait3A_84 = arith.constant 0 : i32
      %dma_wait3A_85 = arith.constant 0 : i32
      %dma_wait3A_86 = tpu.memref_slice %arg4[%add3A, %dma_wait3A_84, %dma_wait3A_85] : memref<32x125x80xi32, #tpu.memory_space<hbm>> -> memref<1x125x80xi32, #tpu.memory_space<hbm>>
      %dma_wait3A_87 = tpu.memref_squeeze %dma_wait3A_86 : memref<1x125x80xi32, #tpu.memory_space<hbm>> -> memref<125x80xi32, #tpu.memory_space<hbm>>
      tpu.wait_dma2 semaphore(%run_scoped3A : memref<!tpu.dma_semaphore, #tpu.memory_space<semaphore_mem>>) src(%dma_wait3A_87 : memref<125x80xi32, #tpu.memory_space<hbm>>) dst(%arg8 : memref<125x80xi32, #tpu.memory_space<vmem>>)
      tpu.yield
    }) : () -> ()
    %mul3A_3 = arith.constant 640 : i32
    %mul3A_4 = arith.muli %arg1, %mul3A_3 : i32
    "tpu.region"() ({
      %run_scoped3A = tpu.sem_alloc : memref<!tpu.dma_semaphore, #tpu.memory_space<semaphore_mem>>
      %dma_start3A_72 = arith.constant 0 : i32
      %dma_start3A_73 = tpu.memref_slice %arg10[%mul3A_4, %dma_start3A_72] : memref<10240x128xf32, #tpu.memory_space<vmem_shared>> -> memref<640x128xf32, #tpu.memory_space<vmem_shared>>
      tpu.enqueue_dma source(%arg5 : memref<640x128xf32, #tpu.memory_space<hbm>>) target(%dma_start3A_73 : memref<640x128xf32, #tpu.memory_space<vmem_shared>>) target_semaphore(%run_scoped3A : memref<!tpu.dma_semaphore, #tpu.memory_space<semaphore_mem>>)
      %dma_wait3A_74 = arith.constant 0 : i32
      %dma_wait3A_75 = tpu.memref_slice %arg10[%mul3A_4, %dma_wait3A_74] : memref<10240x128xf32, #tpu.memory_space<vmem_shared>> -> memref<640x128xf32, #tpu.memory_space<vmem_shared>>
      tpu.wait_dma2 semaphore(%run_scoped3A : memref<!tpu.dma_semaphore, #tpu.memory_space<semaphore_mem>>) src(%arg5 : memref<640x128xf32, #tpu.memory_space<hbm>>) dst(%dma_wait3A_75 : memref<640x128xf32, #tpu.memory_space<vmem_shared>>)
      tpu.yield
    }) : () -> ()
    %barrier3A = arith.constant 0 : index
    tpu.barrier barrier_id(%barrier3A)
    %dma_start3A = arith.constant 0 : i32
    %dma_start3A_5 = arith.constant 0 : i32
    %dma_start3A_6 = arith.constant 0 : i32
    %dma_start3A_7 = tpu.memref_slice %arg9[%dma_start3A, %dma_start3A_5, %dma_start3A_6] : memref<2x80x128xf32, #tpu.memory_space<vmem>> -> memref<1x80x128xf32, #tpu.memory_space<vmem>>
    %dma_start3A_8 = tpu.memref_squeeze %dma_start3A_7 : memref<1x80x128xf32, #tpu.memory_space<vmem>> -> memref<80x128xf32, #tpu.memory_space<vmem>>
    %dma_start3A_9 = arith.constant 0 : i32
    %dma_start3A_10 = tpu.memref_slice %arg7[%dma_start3A_9] : memref<10000xi32, #tpu.memory_space<vmem>> -> memref<80xi32, #tpu.memory_space<vmem>>
    %dma_start3A_11 = arith.constant 0 : i32
    %dma_start3A_12 = arith.constant 0 : i32
    %dma_start3A_13 = tpu.memref_slice %arg2[%dma_start3A_11, %dma_start3A_12] : memref<10000x128xf32, #tpu.memory_space<hbm>> -> memref<10000x128xf32, #tpu.memory_space<hbm>>
    tpu.enqueue_indirect_dma source(%dma_start3A_13 : memref<10000x128xf32, #tpu.memory_space<hbm>>) target(%dma_start3A_8 : memref<80x128xf32, #tpu.memory_space<vmem>>) offsets(%dma_start3A_10 : memref<80xi32, #tpu.memory_space<vmem>>) semaphore(%arg11 : memref<!tpu.dma_semaphore, #tpu.memory_space<semaphore_mem>>)
    %scan3A = arith.constant 0 : i32
    %scan3A_14 = arith.constant 0 : i32
    %scan3A_15 = arith.constant 62 : i32
    %scan3A_16 = arith.addi %scan3A_14, %scan3A_15 : i32
    %scan3A_17 = arith.constant 1 : i32
    scf.for %scan3A_72 = %scan3A_14 to %scan3A_16 step %scan3A_17  : i32 {
      %mul3A_73 = arith.constant 2 : i32
      %mul3A_74 = arith.muli %scan3A_72, %mul3A_73 : i32
      %mul3A_75 = arith.constant 80 : i32
      %mul3A_76 = arith.muli %mul3A_74, %mul3A_75 : i32
      %dma_wait3A_77 = arith.constant 0 : i32
      %dma_wait3A_78 = arith.constant 0 : i32
      %dma_wait3A_79 = arith.constant 0 : i32
      %dma_wait3A_80 = tpu.memref_slice %arg9[%dma_wait3A_77, %dma_wait3A_78, %dma_wait3A_79] : memref<2x80x128xf32, #tpu.memory_space<vmem>> -> memref<1x80x128xf32, #tpu.memory_space<vmem>>
      %dma_wait3A_81 = tpu.memref_squeeze %dma_wait3A_80 : memref<1x80x128xf32, #tpu.memory_space<vmem>> -> memref<80x128xf32, #tpu.memory_space<vmem>>
      %dma_wait3A_82 = tpu.memref_slice %arg7[%mul3A_76] : memref<10000xi32, #tpu.memory_space<vmem>> -> memref<80xi32, #tpu.memory_space<vmem>>
      %dma_wait3A_83 = arith.constant 0 : i32
      %dma_wait3A_84 = arith.constant 0 : i32
      %dma_wait3A_85 = tpu.memref_slice %arg2[%dma_wait3A_83, %dma_wait3A_84] : memref<10000x128xf32, #tpu.memory_space<hbm>> -> memref<10000x128xf32, #tpu.memory_space<hbm>>
      tpu.wait_indirect_dma semaphore(%arg11 : memref<!tpu.dma_semaphore, #tpu.memory_space<semaphore_mem>>) src(%dma_wait3A_85 : memref<10000x128xf32, #tpu.memory_space<hbm>>) dst(%dma_wait3A_81 : memref<80x128xf32, #tpu.memory_space<vmem>>)
      %dma_start3A_86 = arith.constant 0 : i32
      %dma_start3A_87 = arith.constant 0 : i32
      %dma_start3A_88 = arith.constant 0 : i32
      %dma_start3A_89 = tpu.memref_slice %arg9[%dma_start3A_86, %dma_start3A_87, %dma_start3A_88] : memref<2x80x128xf32, #tpu.memory_space<vmem>> -> memref<1x80x128xf32, #tpu.memory_space<vmem>>
      %dma_start3A_90 = tpu.memref_squeeze %dma_start3A_89 : memref<1x80x128xf32, #tpu.memory_space<vmem>> -> memref<80x128xf32, #tpu.memory_space<vmem>>
      %dma_start3A_91 = arith.constant 0 : i32
      %dma_start3A_92 = tpu.memref_slice %arg8[%mul3A_74, %dma_start3A_91] : memref<125x80xi32, #tpu.memory_space<vmem>> -> memref<1x80xi32, #tpu.memory_space<vmem>>
      %dma_start3A_93 = tpu.memref_squeeze %dma_start3A_92 : memref<1x80xi32, #tpu.memory_space<vmem>> -> memref<80xi32, #tpu.memory_space<vmem>>
      %dma_start3A_94 = arith.constant 0 : i32
      %dma_start3A_95 = arith.constant 0 : i32
      %dma_start3A_96 = tpu.memref_slice %arg10[%dma_start3A_94, %dma_start3A_95] : memref<10240x128xf32, #tpu.memory_space<vmem_shared>> -> memref<10240x128xf32, #tpu.memory_space<vmem_shared>>
      tpu.enqueue_indirect_dma source(%dma_start3A_90 : memref<80x128xf32, #tpu.memory_space<vmem>>) target(%dma_start3A_96 : memref<10240x128xf32, #tpu.memory_space<vmem_shared>>) offsets(%dma_start3A_93 : memref<80xi32, #tpu.memory_space<vmem>>) semaphore(%arg13 : memref<!tpu.dma_semaphore, #tpu.memory_space<semaphore_mem>>) {add = true}
      %add3A_97 = arith.constant 1 : i32
      %add3A_98 = arith.addi %mul3A_74, %add3A_97 : i32
      %lt3A = arith.constant 125 : i32
      %lt3A_99 = arith.cmpi slt, %add3A_98, %lt3A : i32
      %convert_element_type3A = arith.extui %lt3A_99 : i1 to i32
      %cond3A = arith.constant 0 : i32
      %cond3A_100 = arith.cmpi ne, %convert_element_type3A, %cond3A : i32
      scf.if %cond3A_100 {
        %ge3A = arith.constant 1 : i32
        %ge3A_134 = arith.cmpi sge, %mul3A_74, %ge3A : i32
        %convert_element_type3A_135 = arith.extui %ge3A_134 : i1 to i32
        %cond3A_136 = arith.constant 0 : i32
        %cond3A_137 = arith.cmpi ne, %convert_element_type3A_135, %cond3A_136 : i32
        scf.if %cond3A_137 {
          %dma_wait3A_151 = arith.constant 1 : i32
          %dma_wait3A_152 = arith.constant 0 : i32
          %dma_wait3A_153 = arith.constant 0 : i32
          %dma_wait3A_154 = tpu.memref_slice %arg9[%dma_wait3A_151, %dma_wait3A_152, %dma_wait3A_153] : memref<2x80x128xf32, #tpu.memory_space<vmem>> -> memref<1x80x128xf32, #tpu.memory_space<vmem>>
          %dma_wait3A_155 = tpu.memref_squeeze %dma_wait3A_154 : memref<1x80x128xf32, #tpu.memory_space<vmem>> -> memref<80x128xf32, #tpu.memory_space<vmem>>
          %dma_wait3A_156 = arith.constant 0 : i32
          %dma_wait3A_157 = tpu.memref_slice %arg8[%mul3A_74, %dma_wait3A_156] : memref<125x80xi32, #tpu.memory_space<vmem>> -> memref<1x80xi32, #tpu.memory_space<vmem>>
          %dma_wait3A_158 = tpu.memref_squeeze %dma_wait3A_157 : memref<1x80xi32, #tpu.memory_space<vmem>> -> memref<80xi32, #tpu.memory_space<vmem>>
          %dma_wait3A_159 = arith.constant 0 : i32
          %dma_wait3A_160 = arith.constant 0 : i32
          %dma_wait3A_161 = tpu.memref_slice %arg10[%dma_wait3A_159, %dma_wait3A_160] : memref<10240x128xf32, #tpu.memory_space<vmem_shared>> -> memref<10240x128xf32, #tpu.memory_space<vmem_shared>>
          tpu.wait_indirect_dma semaphore(%arg14 : memref<!tpu.dma_semaphore, #tpu.memory_space<semaphore_mem>>) src(%dma_wait3A_155 : memref<80x128xf32, #tpu.memory_space<vmem>>) dst(%dma_wait3A_161 : memref<10240x128xf32, #tpu.memory_space<vmem_shared>>)
        } else {
        }
        %add3A_138 = arith.constant 1 : i32
        %add3A_139 = arith.addi %mul3A_74, %add3A_138 : i32
        %mul3A_140 = arith.constant 80 : i32
        %mul3A_141 = arith.muli %add3A_139, %mul3A_140 : i32
        %dma_start3A_142 = arith.constant 1 : i32
        %dma_start3A_143 = arith.constant 0 : i32
        %dma_start3A_144 = arith.constant 0 : i32
        %dma_start3A_145 = tpu.memref_slice %arg9[%dma_start3A_142, %dma_start3A_143, %dma_start3A_144] : memref<2x80x128xf32, #tpu.memory_space<vmem>> -> memref<1x80x128xf32, #tpu.memory_space<vmem>>
        %dma_start3A_146 = tpu.memref_squeeze %dma_start3A_145 : memref<1x80x128xf32, #tpu.memory_space<vmem>> -> memref<80x128xf32, #tpu.memory_space<vmem>>
        %dma_start3A_147 = tpu.memref_slice %arg7[%mul3A_141] : memref<10000xi32, #tpu.memory_space<vmem>> -> memref<80xi32, #tpu.memory_space<vmem>>
        %dma_start3A_148 = arith.constant 0 : i32
        %dma_start3A_149 = arith.constant 0 : i32
        %dma_start3A_150 = tpu.memref_slice %arg2[%dma_start3A_148, %dma_start3A_149] : memref<10000x128xf32, #tpu.memory_space<hbm>> -> memref<10000x128xf32, #tpu.memory_space<hbm>>
        tpu.enqueue_indirect_dma source(%dma_start3A_150 : memref<10000x128xf32, #tpu.memory_space<hbm>>) target(%dma_start3A_146 : memref<80x128xf32, #tpu.memory_space<vmem>>) offsets(%dma_start3A_147 : memref<80xi32, #tpu.memory_space<vmem>>) semaphore(%arg12 : memref<!tpu.dma_semaphore, #tpu.memory_space<semaphore_mem>>)
      } else {
      }
      %mul3A_101 = arith.constant 2 : i32
      %mul3A_102 = arith.muli %scan3A_72, %mul3A_101 : i32
      %add3A_103 = arith.constant 1 : i32
      %add3A_104 = arith.addi %mul3A_102, %add3A_103 : i32
      %mul3A_105 = arith.constant 80 : i32
      %mul3A_106 = arith.muli %add3A_104, %mul3A_105 : i32
      %dma_wait3A_107 = arith.constant 1 : i32
      %dma_wait3A_108 = arith.constant 0 : i32
      %dma_wait3A_109 = arith.constant 0 : i32
      %dma_wait3A_110 = tpu.memref_slice %arg9[%dma_wait3A_107, %dma_wait3A_108, %dma_wait3A_109] : memref<2x80x128xf32, #tpu.memory_space<vmem>> -> memref<1x80x128xf32, #tpu.memory_space<vmem>>
      %dma_wait3A_111 = tpu.memref_squeeze %dma_wait3A_110 : memref<1x80x128xf32, #tpu.memory_space<vmem>> -> memref<80x128xf32, #tpu.memory_space<vmem>>
      %dma_wait3A_112 = tpu.memref_slice %arg7[%mul3A_106] : memref<10000xi32, #tpu.memory_space<vmem>> -> memref<80xi32, #tpu.memory_space<vmem>>
      %dma_wait3A_113 = arith.constant 0 : i32
      %dma_wait3A_114 = arith.constant 0 : i32
      %dma_wait3A_115 = tpu.memref_slice %arg2[%dma_wait3A_113, %dma_wait3A_114] : memref<10000x128xf32, #tpu.memory_space<hbm>> -> memref<10000x128xf32, #tpu.memory_space<hbm>>
      tpu.wait_indirect_dma semaphore(%arg12 : memref<!tpu.dma_semaphore, #tpu.memory_space<semaphore_mem>>) src(%dma_wait3A_115 : memref<10000x128xf32, #tpu.memory_space<hbm>>) dst(%dma_wait3A_111 : memref<80x128xf32, #tpu.memory_space<vmem>>)
      %dma_start3A_116 = arith.constant 1 : i32
      %dma_start3A_117 = arith.constant 0 : i32
      %dma_start3A_118 = arith.constant 0 : i32
      %dma_start3A_119 = tpu.memref_slice %arg9[%dma_start3A_116, %dma_start3A_117, %dma_start3A_118] : memref<2x80x128xf32, #tpu.memory_space<vmem>> -> memref<1x80x128xf32, #tpu.memory_space<vmem>>
      %dma_start3A_120 = tpu.memref_squeeze %dma_start3A_119 : memref<1x80x128xf32, #tpu.memory_space<vmem>> -> memref<80x128xf32, #tpu.memory_space<vmem>>
      %dma_start3A_121 = arith.constant 0 : i32
      %dma_start3A_122 = tpu.memref_slice %arg8[%add3A_104, %dma_start3A_121] : memref<125x80xi32, #tpu.memory_space<vmem>> -> memref<1x80xi32, #tpu.memory_space<vmem>>
      %dma_start3A_123 = tpu.memref_squeeze %dma_start3A_122 : memref<1x80xi32, #tpu.memory_space<vmem>> -> memref<80xi32, #tpu.memory_space<vmem>>
      %dma_start3A_124 = arith.constant 0 : i32
      %dma_start3A_125 = arith.constant 0 : i32
      %dma_start3A_126 = tpu.memref_slice %arg10[%dma_start3A_124, %dma_start3A_125] : memref<10240x128xf32, #tpu.memory_space<vmem_shared>> -> memref<10240x128xf32, #tpu.memory_space<vmem_shared>>
      tpu.enqueue_indirect_dma source(%dma_start3A_120 : memref<80x128xf32, #tpu.memory_space<vmem>>) target(%dma_start3A_126 : memref<10240x128xf32, #tpu.memory_space<vmem_shared>>) offsets(%dma_start3A_123 : memref<80xi32, #tpu.memory_space<vmem>>) semaphore(%arg14 : memref<!tpu.dma_semaphore, #tpu.memory_space<semaphore_mem>>) {add = true}
      %add3A_127 = arith.constant 1 : i32
      %add3A_128 = arith.addi %add3A_104, %add3A_127 : i32
      %lt3A_129 = arith.constant 125 : i32
      %lt3A_130 = arith.cmpi slt, %add3A_128, %lt3A_129 : i32
      %convert_element_type3A_131 = arith.extui %lt3A_130 : i1 to i32
      %cond3A_132 = arith.constant 0 : i32
      %cond3A_133 = arith.cmpi ne, %convert_element_type3A_131, %cond3A_132 : i32
      scf.if %cond3A_133 {
        %ge3A = arith.constant 1 : i32
        %ge3A_134 = arith.cmpi sge, %add3A_104, %ge3A : i32
        %convert_element_type3A_135 = arith.extui %ge3A_134 : i1 to i32
        %cond3A_136 = arith.constant 0 : i32
        %cond3A_137 = arith.cmpi ne, %convert_element_type3A_135, %cond3A_136 : i32
        scf.if %cond3A_137 {
          %dma_wait3A_151 = arith.constant 0 : i32
          %dma_wait3A_152 = arith.constant 0 : i32
          %dma_wait3A_153 = arith.constant 0 : i32
          %dma_wait3A_154 = tpu.memref_slice %arg9[%dma_wait3A_151, %dma_wait3A_152, %dma_wait3A_153] : memref<2x80x128xf32, #tpu.memory_space<vmem>> -> memref<1x80x128xf32, #tpu.memory_space<vmem>>
          %dma_wait3A_155 = tpu.memref_squeeze %dma_wait3A_154 : memref<1x80x128xf32, #tpu.memory_space<vmem>> -> memref<80x128xf32, #tpu.memory_space<vmem>>
          %dma_wait3A_156 = arith.constant 0 : i32
          %dma_wait3A_157 = tpu.memref_slice %arg8[%add3A_104, %dma_wait3A_156] : memref<125x80xi32, #tpu.memory_space<vmem>> -> memref<1x80xi32, #tpu.memory_space<vmem>>
          %dma_wait3A_158 = tpu.memref_squeeze %dma_wait3A_157 : memref<1x80xi32, #tpu.memory_space<vmem>> -> memref<80xi32, #tpu.memory_space<vmem>>
          %dma_wait3A_159 = arith.constant 0 : i32
          %dma_wait3A_160 = arith.constant 0 : i32
          %dma_wait3A_161 = tpu.memref_slice %arg10[%dma_wait3A_159, %dma_wait3A_160] : memref<10240x128xf32, #tpu.memory_space<vmem_shared>> -> memref<10240x128xf32, #tpu.memory_space<vmem_shared>>
          tpu.wait_indirect_dma semaphore(%arg13 : memref<!tpu.dma_semaphore, #tpu.memory_space<semaphore_mem>>) src(%dma_wait3A_155 : memref<80x128xf32, #tpu.memory_space<vmem>>) dst(%dma_wait3A_161 : memref<10240x128xf32, #tpu.memory_space<vmem_shared>>)
        } else {
        }
        %add3A_138 = arith.constant 1 : i32
        %add3A_139 = arith.addi %add3A_104, %add3A_138 : i32
        %mul3A_140 = arith.constant 80 : i32
        %mul3A_141 = arith.muli %add3A_139, %mul3A_140 : i32
        %dma_start3A_142 = arith.constant 0 : i32
        %dma_start3A_143 = arith.constant 0 : i32
        %dma_start3A_144 = arith.constant 0 : i32
        %dma_start3A_145 = tpu.memref_slice %arg9[%dma_start3A_142, %dma_start3A_143, %dma_start3A_144] : memref<2x80x128xf32, #tpu.memory_space<vmem>> -> memref<1x80x128xf32, #tpu.memory_space<vmem>>
        %dma_start3A_146 = tpu.memref_squeeze %dma_start3A_145 : memref<1x80x128xf32, #tpu.memory_space<vmem>> -> memref<80x128xf32, #tpu.memory_space<vmem>>
        %dma_start3A_147 = tpu.memref_slice %arg7[%mul3A_141] : memref<10000xi32, #tpu.memory_space<vmem>> -> memref<80xi32, #tpu.memory_space<vmem>>
        %dma_start3A_148 = arith.constant 0 : i32
        %dma_start3A_149 = arith.constant 0 : i32
        %dma_start3A_150 = tpu.memref_slice %arg2[%dma_start3A_148, %dma_start3A_149] : memref<10000x128xf32, #tpu.memory_space<hbm>> -> memref<10000x128xf32, #tpu.memory_space<hbm>>
        tpu.enqueue_indirect_dma source(%dma_start3A_150 : memref<10000x128xf32, #tpu.memory_space<hbm>>) target(%dma_start3A_146 : memref<80x128xf32, #tpu.memory_space<vmem>>) offsets(%dma_start3A_147 : memref<80xi32, #tpu.memory_space<vmem>>) semaphore(%arg11 : memref<!tpu.dma_semaphore, #tpu.memory_space<semaphore_mem>>)
      } else {
      }
    }
    %scan3A_18 = arith.constant 62 : i32
    %dma_wait3A = arith.constant 0 : i32
    %dma_wait3A_19 = arith.constant 0 : i32
    %dma_wait3A_20 = arith.constant 0 : i32
    %dma_wait3A_21 = tpu.memref_slice %arg9[%dma_wait3A, %dma_wait3A_19, %dma_wait3A_20] : memref<2x80x128xf32, #tpu.memory_space<vmem>> -> memref<1x80x128xf32, #tpu.memory_space<vmem>>
    %dma_wait3A_22 = tpu.memref_squeeze %dma_wait3A_21 : memref<1x80x128xf32, #tpu.memory_space<vmem>> -> memref<80x128xf32, #tpu.memory_space<vmem>>
    %dma_wait3A_23 = arith.constant 9920 : i32
    %dma_wait3A_24 = tpu.memref_slice %arg7[%dma_wait3A_23] : memref<10000xi32, #tpu.memory_space<vmem>> -> memref<80xi32, #tpu.memory_space<vmem>>
    %dma_wait3A_25 = arith.constant 0 : i32
    %dma_wait3A_26 = arith.constant 0 : i32
    %dma_wait3A_27 = tpu.memref_slice %arg2[%dma_wait3A_25, %dma_wait3A_26] : memref<10000x128xf32, #tpu.memory_space<hbm>> -> memref<10000x128xf32, #tpu.memory_space<hbm>>
    tpu.wait_indirect_dma semaphore(%arg11 : memref<!tpu.dma_semaphore, #tpu.memory_space<semaphore_mem>>) src(%dma_wait3A_27 : memref<10000x128xf32, #tpu.memory_space<hbm>>) dst(%dma_wait3A_22 : memref<80x128xf32, #tpu.memory_space<vmem>>)
    %dma_start3A_28 = arith.constant 0 : i32
    %dma_start3A_29 = arith.constant 124 : i32
    %dma_start3A_30 = arith.constant 0 : i32
    %dma_start3A_31 = arith.constant 0 : i32
    %dma_start3A_32 = tpu.memref_slice %arg9[%dma_start3A_28, %dma_start3A_30, %dma_start3A_31] : memref<2x80x128xf32, #tpu.memory_space<vmem>> -> memref<1x80x128xf32, #tpu.memory_space<vmem>>
    %dma_start3A_33 = tpu.memref_squeeze %dma_start3A_32 : memref<1x80x128xf32, #tpu.memory_space<vmem>> -> memref<80x128xf32, #tpu.memory_space<vmem>>
    %dma_start3A_34 = arith.constant 0 : i32
    %dma_start3A_35 = tpu.memref_slice %arg8[%dma_start3A_29, %dma_start3A_34] : memref<125x80xi32, #tpu.memory_space<vmem>> -> memref<1x80xi32, #tpu.memory_space<vmem>>
    %dma_start3A_36 = tpu.memref_squeeze %dma_start3A_35 : memref<1x80xi32, #tpu.memory_space<vmem>> -> memref<80xi32, #tpu.memory_space<vmem>>
    %dma_start3A_37 = arith.constant 0 : i32
    %dma_start3A_38 = arith.constant 0 : i32
    %dma_start3A_39 = tpu.memref_slice %arg10[%dma_start3A_37, %dma_start3A_38] : memref<10240x128xf32, #tpu.memory_space<vmem_shared>> -> memref<10240x128xf32, #tpu.memory_space<vmem_shared>>
    tpu.enqueue_indirect_dma source(%dma_start3A_33 : memref<80x128xf32, #tpu.memory_space<vmem>>) target(%dma_start3A_39 : memref<10240x128xf32, #tpu.memory_space<vmem_shared>>) offsets(%dma_start3A_36 : memref<80xi32, #tpu.memory_space<vmem>>) semaphore(%arg13 : memref<!tpu.dma_semaphore, #tpu.memory_space<semaphore_mem>>) {add = true}
    %dma_wait3A_40 = arith.constant 0 : i32
    %dma_wait3A_41 = arith.constant 0 : i32
    %dma_wait3A_42 = arith.constant 0 : i32
    %dma_wait3A_43 = arith.constant 0 : i32
    %dma_wait3A_44 = tpu.memref_slice %arg9[%dma_wait3A_40, %dma_wait3A_42, %dma_wait3A_43] : memref<2x80x128xf32, #tpu.memory_space<vmem>> -> memref<1x80x128xf32, #tpu.memory_space<vmem>>
    %dma_wait3A_45 = tpu.memref_squeeze %dma_wait3A_44 : memref<1x80x128xf32, #tpu.memory_space<vmem>> -> memref<80x128xf32, #tpu.memory_space<vmem>>
    %dma_wait3A_46 = arith.constant 0 : i32
    %dma_wait3A_47 = tpu.memref_slice %arg8[%dma_wait3A_41, %dma_wait3A_46] : memref<125x80xi32, #tpu.memory_space<vmem>> -> memref<1x80xi32, #tpu.memory_space<vmem>>
    %dma_wait3A_48 = tpu.memref_squeeze %dma_wait3A_47 : memref<1x80xi32, #tpu.memory_space<vmem>> -> memref<80xi32, #tpu.memory_space<vmem>>
    %dma_wait3A_49 = arith.constant 0 : i32
    %dma_wait3A_50 = arith.constant 0 : i32
    %dma_wait3A_51 = tpu.memref_slice %arg10[%dma_wait3A_49, %dma_wait3A_50] : memref<10240x128xf32, #tpu.memory_space<vmem_shared>> -> memref<10240x128xf32, #tpu.memory_space<vmem_shared>>
    tpu.wait_indirect_dma semaphore(%arg13 : memref<!tpu.dma_semaphore, #tpu.memory_space<semaphore_mem>>) src(%dma_wait3A_45 : memref<80x128xf32, #tpu.memory_space<vmem>>) dst(%dma_wait3A_51 : memref<10240x128xf32, #tpu.memory_space<vmem_shared>>)
    %dma_wait3A_52 = arith.constant 1 : i32
    %dma_wait3A_53 = arith.constant 0 : i32
    %dma_wait3A_54 = arith.constant 0 : i32
    %dma_wait3A_55 = arith.constant 0 : i32
    %dma_wait3A_56 = tpu.memref_slice %arg9[%dma_wait3A_52, %dma_wait3A_54, %dma_wait3A_55] : memref<2x80x128xf32, #tpu.memory_space<vmem>> -> memref<1x80x128xf32, #tpu.memory_space<vmem>>
    %dma_wait3A_57 = tpu.memref_squeeze %dma_wait3A_56 : memref<1x80x128xf32, #tpu.memory_space<vmem>> -> memref<80x128xf32, #tpu.memory_space<vmem>>
    %dma_wait3A_58 = arith.constant 0 : i32
    %dma_wait3A_59 = tpu.memref_slice %arg8[%dma_wait3A_53, %dma_wait3A_58] : memref<125x80xi32, #tpu.memory_space<vmem>> -> memref<1x80xi32, #tpu.memory_space<vmem>>
    %dma_wait3A_60 = tpu.memref_squeeze %dma_wait3A_59 : memref<1x80xi32, #tpu.memory_space<vmem>> -> memref<80xi32, #tpu.memory_space<vmem>>
    %dma_wait3A_61 = arith.constant 0 : i32
    %dma_wait3A_62 = arith.constant 0 : i32
    %dma_wait3A_63 = tpu.memref_slice %arg10[%dma_wait3A_61, %dma_wait3A_62] : memref<10240x128xf32, #tpu.memory_space<vmem_shared>> -> memref<10240x128xf32, #tpu.memory_space<vmem_shared>>
    tpu.wait_indirect_dma semaphore(%arg14 : memref<!tpu.dma_semaphore, #tpu.memory_space<semaphore_mem>>) src(%dma_wait3A_57 : memref<80x128xf32, #tpu.memory_space<vmem>>) dst(%dma_wait3A_63 : memref<10240x128xf32, #tpu.memory_space<vmem_shared>>)
    %barrier3A_64 = arith.constant 0 : index
    tpu.barrier barrier_id(%barrier3A_64)
    %mul3A_65 = arith.constant 640 : i32
    %mul3A_66 = arith.muli %arg1, %mul3A_65 : i32
    %mul3A_67 = arith.constant 10240 : i32
    %mul3A_68 = arith.muli %arg0, %mul3A_67 : i32
    %mul3A_69 = arith.constant 640 : i32
    %mul3A_70 = arith.muli %arg1, %mul3A_69 : i32
    %add3A_71 = arith.addi %mul3A_68, %mul3A_70 : i32
    "tpu.region"() ({
      %run_scoped3A = tpu.sem_alloc : memref<!tpu.dma_semaphore, #tpu.memory_space<semaphore_mem>>
      %dma_start3A_72 = arith.constant 0 : i32
      %dma_start3A_73 = tpu.memref_slice %arg6[%add3A_71, %dma_start3A_72] : memref<20480x128xf32, #tpu.memory_space<hbm>> -> memref<640x128xf32, #tpu.memory_space<hbm>>
      %dma_start3A_74 = arith.constant 0 : i32
      %dma_start3A_75 = tpu.memref_slice %arg10[%mul3A_66, %dma_start3A_74] : memref<10240x128xf32, #tpu.memory_space<vmem_shared>> -> memref<640x128xf32, #tpu.memory_space<vmem_shared>>
      tpu.enqueue_dma source(%dma_start3A_75 : memref<640x128xf32, #tpu.memory_space<vmem_shared>>) target(%dma_start3A_73 : memref<640x128xf32, #tpu.memory_space<hbm>>) target_semaphore(%run_scoped3A : memref<!tpu.dma_semaphore, #tpu.memory_space<semaphore_mem>>)
      %dma_wait3A_76 = arith.constant 0 : i32
      %dma_wait3A_77 = tpu.memref_slice %arg6[%add3A_71, %dma_wait3A_76] : memref<20480x128xf32, #tpu.memory_space<hbm>> -> memref<640x128xf32, #tpu.memory_space<hbm>>
      %dma_wait3A_78 = arith.constant 0 : i32
      %dma_wait3A_79 = tpu.memref_slice %arg10[%mul3A_66, %dma_wait3A_78] : memref<10240x128xf32, #tpu.memory_space<vmem_shared>> -> memref<640x128xf32, #tpu.memory_space<vmem_shared>>
      tpu.wait_dma2 semaphore(%run_scoped3A : memref<!tpu.dma_semaphore, #tpu.memory_space<semaphore_mem>>) src(%dma_wait3A_79 : memref<640x128xf32, #tpu.memory_space<vmem_shared>>) dst(%dma_wait3A_77 : memref<640x128xf32, #tpu.memory_space<hbm>>)
      tpu.yield
    }) : () -> ()
    return
  }
}

module attributes {stable_mosaic.version = 14 : i64} {
  func.func @_first_body(%arg0: i32, %arg1: memref<1000x128xf32, #tpu.memory_space<vmem>>, %arg2: memref<128x128xf32, #tpu.memory_space<vmem>>, %arg3: memref<1000x1xf32, #tpu.memory_space<vmem>>, %arg4: memref<1000x1xf32, #tpu.memory_space<vmem>>, %arg5: memref<1000x128xf32, #tpu.memory_space<vmem>>, %arg6: memref<1000x128xf32, #tpu.memory_space<vmem>>, %arg7: memref<1000x1xf32, #tpu.memory_space<vmem>>) attributes {dimension_semantics = [#tpu.dimension_semantics<arbitrary>], iteration_bounds = array<i64: 10>, scalar_prefetch = 0 : i64, scratch_operands = 0 : i64, tpu.core_type = #tpu.core_type<tc>, window_params = [{transform_indices = @transform_0, window_bounds = array<i64: 1000, 128>}, {pipeline_mode = #tpu.pipeline_mode<synchronous>, transform_indices = @transform_1, window_bounds = array<i64: 128, 128>}, {transform_indices = @transform_2, window_bounds = array<i64: 1000, 1>}, {transform_indices = @transform_3, window_bounds = array<i64: 1000, 1>}, {transform_indices = @transform_4, window_bounds = array<i64: 1000, 128>}, {transform_indices = @transform_5, window_bounds = array<i64: 1000, 128>}, {transform_indices = @transform_6, window_bounds = array<i64: 1000, 1>}]} {
    %get3A = arith.constant 0 : index
    %get3A_0 = arith.constant 0 : index
    %get3A_1 = vector.load %arg3[%get3A, %get3A_0] : memref<1000x1xf32, #tpu.memory_space<vmem>>, vector<1000x1xf32>
    %get3A_2 = arith.constant 0 : index
    %get3A_3 = arith.constant 0 : index
    %get3A_4 = vector.load %arg4[%get3A_2, %get3A_3] : memref<1000x1xf32, #tpu.memory_space<vmem>>, vector<1000x1xf32>
    %add3A = arith.addf %get3A_1, %get3A_4 : vector<1000x1xf32>
    %add3A_5 = arith.constant 1.000000e+00 : f32
    %add3A_6 = vector.broadcast %add3A_5 : f32 to vector<1000x1xf32>
    %add3A_7 = arith.addf %add3A, %add3A_6 : vector<1000x1xf32>
    %rsqrt3A = math.rsqrt %add3A_7 : vector<1000x1xf32>
    %swap3A = arith.constant 0 : index
    %swap3A_8 = arith.constant 0 : index
    %swap3A_9 = vector.load %arg7[%swap3A, %swap3A_8] : memref<1000x1xf32, #tpu.memory_space<vmem>>, vector<1000x1xf32>
    tpu.vector_store %arg7[%swap3A, %swap3A_8], %rsqrt3A {strides = array<i32>} : memref<1000x1xf32, #tpu.memory_space<vmem>>, vector<1000x1xf32>,
    %get3A_10 = arith.constant 0 : index
    %get3A_11 = arith.constant 0 : index
    %get3A_12 = vector.load %arg1[%get3A_10, %get3A_11] : memref<1000x128xf32, #tpu.memory_space<vmem>>, vector<1000x128xf32>
    %get3A_13 = arith.constant 0 : index
    %get3A_14 = arith.constant 0 : index
    %get3A_15 = vector.load %arg2[%get3A_13, %get3A_14] : memref<128x128xf32, #tpu.memory_space<vmem>>, vector<128x128xf32>
    %dot_general3A = arith.constant dense<0.000000e+00> : vector<1000x128xf32>
    %dot_general3A_16 = tpu.matmul %get3A_12, %get3A_15, %dot_general3A {dimension_numbers = #tpu.dot_dimension_numbers<[1], [0], [0], [1], [0, 0, 1, 1], [], []>, transpose_lhs_hint = false} : vector<1000x128xf32>, vector<128x128xf32>, vector<1000x128xf32> -> vector<1000x128xf32>
    %swap3A_17 = arith.constant 0 : index
    %swap3A_18 = arith.constant 0 : index
    %swap3A_19 = vector.load %arg5[%swap3A_17, %swap3A_18] : memref<1000x128xf32, #tpu.memory_space<vmem>>, vector<1000x128xf32>
    tpu.vector_store %arg5[%swap3A_17, %swap3A_18], %dot_general3A_16 {strides = array<i32>} : memref<1000x128xf32, #tpu.memory_space<vmem>>, vector<1000x128xf32>,
    %mul3A = vector.broadcast %rsqrt3A : vector<1000x1xf32> to vector<1000x128xf32>
    %mul3A_20 = arith.mulf %dot_general3A_16, %mul3A : vector<1000x128xf32>
    %swap3A_21 = arith.constant 0 : index
    %swap3A_22 = arith.constant 0 : index
    %swap3A_23 = vector.load %arg6[%swap3A_21, %swap3A_22] : memref<1000x128xf32, #tpu.memory_space<vmem>>, vector<1000x128xf32>
    tpu.vector_store %arg6[%swap3A_21, %swap3A_22], %mul3A_20 {strides = array<i32>} : memref<1000x128xf32, #tpu.memory_space<vmem>>, vector<1000x128xf32>,
    return
  }
  func.func @transform_0(%arg0: i32) -> (i32, i32) {
    %c0_i32 = arith.constant 0 : i32
    %c0_i32_0 = arith.constant 0 : i32
    return %arg0, %c0_i32 : i32, i32
  }
  func.func @transform_1(%arg0: i32) -> (i32, i32) {
    %c0_i32 = arith.constant 0 : i32
    %c0_i32_0 = arith.constant 0 : i32
    %c0_i32_1 = arith.constant 0 : i32
    return %c0_i32, %c0_i32_0 : i32, i32
  }
  func.func @transform_2(%arg0: i32) -> (i32, i32) {
    %c0_i32 = arith.constant 0 : i32
    %c0_i32_0 = arith.constant 0 : i32
    return %arg0, %c0_i32 : i32, i32
  }
  func.func @transform_3(%arg0: i32) -> (i32, i32) {
    %c0_i32 = arith.constant 0 : i32
    %c0_i32_0 = arith.constant 0 : i32
    return %arg0, %c0_i32 : i32, i32
  }
  func.func @transform_4(%arg0: i32) -> (i32, i32) {
    %c0_i32 = arith.constant 0 : i32
    %c0_i32_0 = arith.constant 0 : i32
    return %arg0, %c0_i32 : i32, i32
  }
  func.func @transform_5(%arg0: i32) -> (i32, i32) {
    %c0_i32 = arith.constant 0 : i32
    %c0_i32_0 = arith.constant 0 : i32
    return %arg0, %c0_i32 : i32, i32
  }
  func.func @transform_6(%arg0: i32) -> (i32, i32) {
    %c0_i32 = arith.constant 0 : i32
    %c0_i32_0 = arith.constant 0 : i32
    return %arg0, %c0_i32 : i32, i32
  }
}

module attributes {stable_mosaic.version = 14 : i64} {
  func.func @_mid_body(%arg0: i32, %arg1: memref<1000x128xf32, #tpu.memory_space<vmem>>, %arg2: memref<1000x128xf32, #tpu.memory_space<vmem>>, %arg3: memref<1000x128xf32, #tpu.memory_space<vmem>>, %arg4: memref<1x128xf32, #tpu.memory_space<vmem>>, %arg5: memref<1000x1xf32, #tpu.memory_space<vmem>>, %arg6: memref<128x128xf32, #tpu.memory_space<vmem>>, %arg7: memref<1000x128xf32, #tpu.memory_space<vmem>>, %arg8: memref<1000x128xf32, #tpu.memory_space<vmem>>) attributes {dimension_semantics = [#tpu.dimension_semantics<arbitrary>], iteration_bounds = array<i64: 10>, scalar_prefetch = 0 : i64, scratch_operands = 0 : i64, tpu.core_type = #tpu.core_type<tc>, window_params = [{transform_indices = @transform_0, window_bounds = array<i64: 1000, 128>}, {transform_indices = @transform_1, window_bounds = array<i64: 1000, 128>}, {transform_indices = @transform_2, window_bounds = array<i64: 1000, 128>}, {pipeline_mode = #tpu.pipeline_mode<synchronous>, transform_indices = @transform_3, window_bounds = array<i64: 1, 128>}, {transform_indices = @transform_4, window_bounds = array<i64: 1000, 1>}, {pipeline_mode = #tpu.pipeline_mode<synchronous>, transform_indices = @transform_5, window_bounds = array<i64: 128, 128>}, {transform_indices = @transform_6, window_bounds = array<i64: 1000, 128>}, {transform_indices = @transform_7, window_bounds = array<i64: 1000, 128>}]} {
    %get3A = arith.constant 0 : index
    %get3A_0 = arith.constant 0 : index
    %get3A_1 = vector.load %arg5[%get3A, %get3A_0] : memref<1000x1xf32, #tpu.memory_space<vmem>>, vector<1000x1xf32>
    %get3A_2 = arith.constant 0 : index
    %get3A_3 = arith.constant 0 : index
    %get3A_4 = vector.load %arg1[%get3A_2, %get3A_3] : memref<1000x128xf32, #tpu.memory_space<vmem>>, vector<1000x128xf32>
    %get3A_5 = arith.constant 0 : index
    %get3A_6 = arith.constant 0 : index
    %get3A_7 = vector.load %arg2[%get3A_5, %get3A_6] : memref<1000x128xf32, #tpu.memory_space<vmem>>, vector<1000x128xf32>
    %add3A = arith.addf %get3A_4, %get3A_7 : vector<1000x128xf32>
    %mul3A = vector.broadcast %get3A_1 : vector<1000x1xf32> to vector<1000x128xf32>
    %mul3A_8 = arith.mulf %mul3A, %add3A : vector<1000x128xf32>
    %mul3A_9 = arith.mulf %get3A_1, %get3A_1 : vector<1000x1xf32>
    %get3A_10 = arith.constant 0 : index
    %get3A_11 = arith.constant 0 : index
    %get3A_12 = vector.load %arg3[%get3A_10, %get3A_11] : memref<1000x128xf32, #tpu.memory_space<vmem>>, vector<1000x128xf32>
    %mul3A_13 = vector.broadcast %mul3A_9 : vector<1000x1xf32> to vector<1000x128xf32>
    %mul3A_14 = arith.mulf %mul3A_13, %get3A_12 : vector<1000x128xf32>
    %add3A_15 = arith.addf %mul3A_8, %mul3A_14 : vector<1000x128xf32>
    %get3A_16 = arith.constant 0 : index
    %get3A_17 = arith.constant 0 : index
    %get3A_18 = vector.load %arg4[%get3A_16, %get3A_17] : memref<1x128xf32, #tpu.memory_space<vmem>>, vector<1x128xf32>
    %add3A_19 = vector.broadcast %get3A_18 : vector<1x128xf32> to vector<1000x128xf32>
    %add3A_20 = arith.addf %add3A_15, %add3A_19 : vector<1000x128xf32>
    %max3A = arith.constant 0.000000e+00 : f32
    %max3A_21 = vector.broadcast %max3A : f32 to vector<1000x128xf32>
    %max3A_22 = arith.maximumf %add3A_20, %max3A_21 : vector<1000x128xf32>
    %get3A_23 = arith.constant 0 : index
    %get3A_24 = arith.constant 0 : index
    %get3A_25 = vector.load %arg6[%get3A_23, %get3A_24] : memref<128x128xf32, #tpu.memory_space<vmem>>, vector<128x128xf32>
    %dot_general3A = arith.constant dense<0.000000e+00> : vector<1000x128xf32>
    %dot_general3A_26 = tpu.matmul %max3A_22, %get3A_25, %dot_general3A {dimension_numbers = #tpu.dot_dimension_numbers<[1], [0], [0], [1], [0, 0, 1, 1], [], []>, transpose_lhs_hint = false} : vector<1000x128xf32>, vector<128x128xf32>, vector<1000x128xf32> -> vector<1000x128xf32>
    %swap3A = arith.constant 0 : index
    %swap3A_27 = arith.constant 0 : index
    %swap3A_28 = vector.load %arg7[%swap3A, %swap3A_27] : memref<1000x128xf32, #tpu.memory_space<vmem>>, vector<1000x128xf32>
    tpu.vector_store %arg7[%swap3A, %swap3A_27], %dot_general3A_26 {strides = array<i32>} : memref<1000x128xf32, #tpu.memory_space<vmem>>, vector<1000x128xf32>,
    %mul3A_29 = vector.broadcast %get3A_1 : vector<1000x1xf32> to vector<1000x128xf32>
    %mul3A_30 = arith.mulf %dot_general3A_26, %mul3A_29 : vector<1000x128xf32>
    %swap3A_31 = arith.constant 0 : index
    %swap3A_32 = arith.constant 0 : index
    %swap3A_33 = vector.load %arg8[%swap3A_31, %swap3A_32] : memref<1000x128xf32, #tpu.memory_space<vmem>>, vector<1000x128xf32>
    tpu.vector_store %arg8[%swap3A_31, %swap3A_32], %mul3A_30 {strides = array<i32>} : memref<1000x128xf32, #tpu.memory_space<vmem>>, vector<1000x128xf32>,
    return
  }
  func.func @transform_0(%arg0: i32) -> (i32, i32) {
    %c0_i32 = arith.constant 0 : i32
    %c0_i32_0 = arith.constant 0 : i32
    return %arg0, %c0_i32 : i32, i32
  }
  func.func @transform_1(%arg0: i32) -> (i32, i32) {
    %c0_i32 = arith.constant 0 : i32
    %c0_i32_0 = arith.constant 0 : i32
    return %arg0, %c0_i32 : i32, i32
  }
  func.func @transform_2(%arg0: i32) -> (i32, i32) {
    %c0_i32 = arith.constant 0 : i32
    %c0_i32_0 = arith.constant 0 : i32
    return %arg0, %c0_i32 : i32, i32
  }
  func.func @transform_3(%arg0: i32) -> (i32, i32) {
    %c0_i32 = arith.constant 0 : i32
    %c0_i32_0 = arith.constant 0 : i32
    %c0_i32_1 = arith.constant 0 : i32
    return %c0_i32, %c0_i32_0 : i32, i32
  }
  func.func @transform_4(%arg0: i32) -> (i32, i32) {
    %c0_i32 = arith.constant 0 : i32
    %c0_i32_0 = arith.constant 0 : i32
    return %arg0, %c0_i32 : i32, i32
  }
  func.func @transform_5(%arg0: i32) -> (i32, i32) {
    %c0_i32 = arith.constant 0 : i32
    %c0_i32_0 = arith.constant 0 : i32
    %c0_i32_1 = arith.constant 0 : i32
    return %c0_i32, %c0_i32_0 : i32, i32
  }
  func.func @transform_6(%arg0: i32) -> (i32, i32) {
    %c0_i32 = arith.constant 0 : i32
    %c0_i32_0 = arith.constant 0 : i32
    return %arg0, %c0_i32 : i32, i32
  }
  func.func @transform_7(%arg0: i32) -> (i32, i32) {
    %c0_i32 = arith.constant 0 : i32
    %c0_i32_0 = arith.constant 0 : i32
    return %arg0, %c0_i32 : i32, i32
  }
}

module attributes {stable_mosaic.version = 14 : i64} {
  func.func @_final_body(%arg0: i32, %arg1: memref<1000x128xf32, #tpu.memory_space<vmem>>, %arg2: memref<1000x128xf32, #tpu.memory_space<vmem>>, %arg3: memref<1000x128xf32, #tpu.memory_space<vmem>>, %arg4: memref<1x128xf32, #tpu.memory_space<vmem>>, %arg5: memref<1000x1xf32, #tpu.memory_space<vmem>>, %arg6: memref<1000x40xf32, #tpu.memory_space<vmem>>) attributes {dimension_semantics = [#tpu.dimension_semantics<arbitrary>], iteration_bounds = array<i64: 10>, scalar_prefetch = 0 : i64, scratch_operands = 0 : i64, tpu.core_type = #tpu.core_type<tc>, window_params = [{transform_indices = @transform_0, window_bounds = array<i64: 1000, 128>}, {transform_indices = @transform_1, window_bounds = array<i64: 1000, 128>}, {transform_indices = @transform_2, window_bounds = array<i64: 1000, 128>}, {pipeline_mode = #tpu.pipeline_mode<synchronous>, transform_indices = @transform_3, window_bounds = array<i64: 1, 128>}, {transform_indices = @transform_4, window_bounds = array<i64: 1000, 1>}, {transform_indices = @transform_5, window_bounds = array<i64: 1000, 40>}]} {
    %get3A = arith.constant 0 : index
    %get3A_0 = arith.constant 0 : index
    %get3A_1 = vector.load %arg5[%get3A, %get3A_0] : memref<1000x1xf32, #tpu.memory_space<vmem>>, vector<1000x1xf32>
    %get3A_2 = arith.constant 0 : index
    %get3A_3 = arith.constant 0 : index
    %get3A_4 = vector.load %arg1[%get3A_2, %get3A_3] : memref<1000x128xf32, #tpu.memory_space<vmem>>, vector<1000x128xf32>
    %get3A_5 = arith.constant 0 : index
    %get3A_6 = arith.constant 0 : index
    %get3A_7 = vector.load %arg2[%get3A_5, %get3A_6] : memref<1000x128xf32, #tpu.memory_space<vmem>>, vector<1000x128xf32>
    %add3A = arith.addf %get3A_4, %get3A_7 : vector<1000x128xf32>
    %mul3A = vector.broadcast %get3A_1 : vector<1000x1xf32> to vector<1000x128xf32>
    %mul3A_8 = arith.mulf %mul3A, %add3A : vector<1000x128xf32>
    %mul3A_9 = arith.mulf %get3A_1, %get3A_1 : vector<1000x1xf32>
    %get3A_10 = arith.constant 0 : index
    %get3A_11 = arith.constant 0 : index
    %get3A_12 = vector.load %arg3[%get3A_10, %get3A_11] : memref<1000x128xf32, #tpu.memory_space<vmem>>, vector<1000x128xf32>
    %mul3A_13 = vector.broadcast %mul3A_9 : vector<1000x1xf32> to vector<1000x128xf32>
    %mul3A_14 = arith.mulf %mul3A_13, %get3A_12 : vector<1000x128xf32>
    %add3A_15 = arith.addf %mul3A_8, %mul3A_14 : vector<1000x128xf32>
    %get3A_16 = arith.constant 0 : index
    %get3A_17 = arith.constant 0 : index
    %get3A_18 = vector.load %arg4[%get3A_16, %get3A_17] : memref<1x128xf32, #tpu.memory_space<vmem>>, vector<1x128xf32>
    %add3A_19 = vector.broadcast %get3A_18 : vector<1x128xf32> to vector<1000x128xf32>
    %add3A_20 = arith.addf %add3A_15, %add3A_19 : vector<1000x128xf32>
    %slice3A = vector.extract_strided_slice %add3A_20 {offsets = [0, 0], sizes = [1000, 40], strides = [1, 1]} : vector<1000x128xf32> to vector<1000x40xf32>
    %reduce_max3A = arith.constant dense<0xFF800000> : vector<1000xf32>
    %reduce_max3A_21 = vector.multi_reduction <maximumf>, %slice3A, %reduce_max3A [1] : vector<1000x40xf32> to vector<1000xf32>
    %broadcast_in_dim3A = vector.shape_cast %reduce_max3A_21 : vector<1000xf32> to vector<1000x1xf32>
    %sub3A = vector.broadcast %broadcast_in_dim3A : vector<1000x1xf32> to vector<1000x40xf32>
    %sub3A_22 = arith.subf %slice3A, %sub3A : vector<1000x40xf32>
    %exp3A = math.exp %sub3A_22 : vector<1000x40xf32>
    %sub3A_23 = vector.broadcast %broadcast_in_dim3A : vector<1000x1xf32> to vector<1000x40xf32>
    %sub3A_24 = arith.subf %slice3A, %sub3A_23 : vector<1000x40xf32>
    %reduce_sum3A = arith.constant dense<0.000000e+00> : vector<1000xf32>
    %reduce_sum3A_25 = vector.multi_reduction <add>, %exp3A, %reduce_sum3A [1] : vector<1000x40xf32> to vector<1000xf32>
    %broadcast_in_dim3A_26 = vector.shape_cast %reduce_sum3A_25 : vector<1000xf32> to vector<1000x1xf32>
    %log3A = math.log %broadcast_in_dim3A_26 : vector<1000x1xf32>
    %sub3A_27 = vector.broadcast %log3A : vector<1000x1xf32> to vector<1000x40xf32>
    %sub3A_28 = arith.subf %sub3A_24, %sub3A_27 : vector<1000x40xf32>
    %swap3A = arith.constant 0 : index
    %swap3A_29 = arith.constant 0 : index
    %swap3A_30 = vector.load %arg6[%swap3A, %swap3A_29] : memref<1000x40xf32, #tpu.memory_space<vmem>>, vector<1000x40xf32>
    tpu.vector_store %arg6[%swap3A, %swap3A_29], %sub3A_28 {strides = array<i32>} : memref<1000x40xf32, #tpu.memory_space<vmem>>, vector<1000x40xf32>,
    return
  }
  func.func @transform_0(%arg0: i32) -> (i32, i32) {
    %c0_i32 = arith.constant 0 : i32
    %c0_i32_0 = arith.constant 0 : i32
    return %arg0, %c0_i32 : i32, i32
  }
  func.func @transform_1(%arg0: i32) -> (i32, i32) {
    %c0_i32 = arith.constant 0 : i32
    %c0_i32_0 = arith.constant 0 : i32
    return %arg0, %c0_i32 : i32, i32
  }
  func.func @transform_2(%arg0: i32) -> (i32, i32) {
    %c0_i32 = arith.constant 0 : i32
    %c0_i32_0 = arith.constant 0 : i32
    return %arg0, %c0_i32 : i32, i32
  }
  func.func @transform_3(%arg0: i32) -> (i32, i32) {
    %c0_i32 = arith.constant 0 : i32
    %c0_i32_0 = arith.constant 0 : i32
    %c0_i32_1 = arith.constant 0 : i32
    return %c0_i32, %c0_i32_0 : i32, i32
  }
  func.func @transform_4(%arg0: i32) -> (i32, i32) {
    %c0_i32 = arith.constant 0 : i32
    %c0_i32_0 = arith.constant 0 : i32
    return %arg0, %c0_i32 : i32, i32
  }
  func.func @transform_5(%arg0: i32) -> (i32, i32) {
    %c0_i32 = arith.constant 0 : i32
    %c0_i32_0 = arith.constant 0 : i32
    return %arg0, %c0_i32 : i32, i32
  }
}

</mosaic_0001>

<sc_bundles>
// kernel: kernel.20.cloned.1.call-start
scs
__scs_entry_jumppad:
0x0: {  	(pc) =	sbr.rel $0x88, $3  }
0x1: {  	(tag) =	ssettag $0x0;
	lr =	simm.s32 $0x1  }
0x2: {  	[smem:$0x3F8F] =	sst lr;
	_ =	strace $0xD0000000  }
0x3: {  	_ = 	snop  }
0x4: {  	_ = 	snop  }
0x5: {  	_ = 	snop  }
0x6: {  	_ = 	snop  }
0x7: {  	_ = 	snop  }
__scs_overlays_trampoline_lowered:
0x8: {  	[smem:$0x3F9E] =	sst s0  }
0x9: {  	[smem:$0x3F9F] =	sst s1  }
0xa: {  	[smem:$0x3FA0] =	sst s2  }
0xb: {  	[smem:$0x3FA1] =	sst s3  }
0xc: {  	[smem:$0x3FA2] =	sst s4  }
0xd: {  	[smem:$0x3FA3] =	sst s5  }
0xe: {  	[smem:$0x3FA4] =	sst s6  }
0xf: {  	[smem:$0x3FA5] =	sst s7  }
0x10: {  	[smem:$0x3FA6] =	sst s8  }
0x11: {  	[smem:$0x3FA7] =	sst s9;
	s0 =	simm.s32 @!p0 $0x0  }
0x12: {  	s1 =	sld [smem:$0x3F8D];
	s0 =	simm.s32 @p0 $0x1  }
0x13: {  	[smem:$0x3FA8] =	sst s0;
	s0 =	simm.s32 @!p1 $0x0  }
0x14: {  	s2 =	sld [smem:$0x3F8C];
	s0 =	simm.s32 @p1 $0x1  }
0x15: {  	[smem:$0x3FA9] =	sst s0;
	s0 =	simm.s32 @!p2 $0x0  }
0x16: {  	s3 =	sld [smem:$0x3FDB];
	s0 =	simm.s32 @p2 $0x1  }
0x17: {  	s4 =	simm.s32 $0x1BF5;
	[smem:$0x3FAB] =	sst s0  }
0x18: {  	s0 =	sld [smem:$0x3F8E];
	_ =	swait.ge [sflag:s4], $0x0  }
0x19: {  	s7 =	sld [smem:$0x3F8F]  }
0x1a: {  	s8 =	sadd.s32 $0xFFFFE003, lr  }
0x1b: {  	s9 =	sadd.s32 $0xFFFFFEF7, lr;
	s5 =	simm.s32 $0xFFFFFFFF;
	p2 =	slt.u32 s8, $0xFFFFF086  }
0x1c: {  	p1 =	slt.u32 s9, $0xF7A;
	s5 =	simm.s32 @!p2 $0x0  }
0x1d: {  	s5 =	simm.s32 @p1 $0x1;
	p0 =	seq.s32 s7, s2  }
0x1e: {  	s7 =	smul.u32 @!p0 $0xF7A, s2;
	p2 =	seq.s32 @!p0 s5, $0x0  }
0x1f: {  	s9 =	smul.u32 $0xF7A, s1;
	s8 =	simm.s32 @!p0 $0x1BF5;
	p2 =	por !p2, p0  }
0x20: {  	[sflag:s8] =	ssyncset.s32 @!p0 $0xFFFFF086;
	s6 =	sadd.s32 @!p0 s3, s7;
	s7 =	simm.s32 @!p0 $0x108  }
0x21: {  	s3 =	sadd.s32 s3, s9;
	s6 =	sadd.s32 @!p0 $0x88, s6;
	s7 =	simm.s32 @p2 $0x1082  }
0x22: {  	[simem:s7], [sflag:s8] =	dma.local @!p0 [hbm:s6], $0xF7A  }
0x23: {  	s9 =	sor.u32 $0xD0000000, s2;
	s6 =	simm.s32 $0x108;
	_ =	swait.ge @!p0 [sflag:s8], $0x0  }
0x24: {  	s3 =	sadd.s32 $0x88, s3;
	s6 =	simm.s32 @!p1 $0x1082;
	[sflag:s4] =	ssyncset.s32 $0xFFFFF086  }
0x25: {  	[simem:s6], [sflag:s4] =	dma.local [hbm:s3], $0xF7A  }
0x26: {  	[smem:$0x3F8F] =	sst s1;
	(tag) =	ssettag s2;
	_ =	strace s9  }
0x27: {  	s1 =	sld [smem:$0x3F9F]  }
0x28: {  	s2 =	sld [smem:$0x3FA0]  }
0x29: {  	s4 =	sld [smem:$0x3FA2]  }
0x2a: {  	p0 =	seq.s32 s5, $0x0;
	s5 =	sld [smem:$0x3FA3]  }
0x2b: {  	s6 =	sld [smem:$0x3FA4]  }
0x2c: {  	s7 =	sld [smem:$0x3FA5]  }
0x2d: {  	s3 =	simm.s32 $0x108;
	s8 =	sld [smem:$0x3FA6]  }
0x2e: {  	s3 =	simm.s32 @!p0 $0x1082;
	s9 =	sld [smem:$0x3FA7]  }
0x2f: {  	lr =	sadd.s32 s0, s3;
	s0 =	sld [smem:$0x3F9E]  }
0x30: {  	s3 =	sld [smem:$0x3FA1]  }
0x31: {  	[smem:$0x3FAA] =	sst s10  }
0x32: {  	s10 =	sld [smem:$0x3FA8];
	_ =	sdelay $0x3  }
0x33: {  	p0 =	seq.s32 s10, $0x1;
	s10 =	sld [smem:$0x3FAA];
	_ =	sdelay $0x3  }
0x34: {  	[smem:$0x3FAA] =	sst s10  }
0x35: {  	s10 =	sld [smem:$0x3FA9];
	_ =	sdelay $0x3  }
0x36: {  	p1 =	seq.s32 s10, $0x1;
	s10 =	sld [smem:$0x3FAA];
	_ =	sdelay $0x3  }
0x37: {  	[smem:$0x3FAA] =	sst s10  }
0x38: {  	s10 =	sld [smem:$0x3FAB]  }
0x39: {  	_ = 	snop;
	(pc) =	sbr.ind lr, $3  }
0x3a: {  	_ = 	snop  }
0x3b: {  	_ = 	snop  }
0x3c: {  	p2 =	seq.s32 s10, $0x1;
	s10 =	sld [smem:$0x3FAA]  }
0x3d: {  	_ =	shalt  }
0x3e: {  	_ =	shalt  }
0x3f: {  	_ =	shalt  }
0x40: {  	_ =	shalt  }
0x41: {  	_ =	shalt  }
0x42: {  	_ =	shalt  }
0x43: {  	_ =	shalt  }
0x44: {  	_ =	shalt  }
0x45: {  	_ =	shalt  }
0x46: {  	_ =	shalt  }
0x47: {  	_ =	shalt  }
0x48: {  	_ =	shalt  }
0x49: {  	_ =	shalt  }
0x4a: {  	_ =	shalt  }
0x4b: {  	_ =	shalt  }
0x4c: {  	_ =	shalt  }
0x4d: {  	_ =	shalt  }
0x4e: {  	_ =	shalt  }
0x4f: {  	_ =	shalt  }
0x50: {  	_ =	shalt  }
0x51: {  	_ =	shalt  }
0x52: {  	_ =	shalt  }
0x53: {  	_ =	shalt  }
0x54: {  	_ =	shalt  }
0x55: {  	_ =	shalt  }
0x56: {  	_ =	shalt  }
0x57: {  	_ =	shalt  }
0x58: {  	_ =	shalt  }
0x59: {  	_ =	shalt  }
0x5a: {  	_ =	shalt  }
0x5b: {  	_ =	shalt  }
0x5c: {  	_ =	shalt  }
0x5d: {  	_ =	shalt  }
0x5e: {  	_ =	shalt  }
0x5f: {  	_ =	shalt  }
0x60: {  	_ =	shalt  }
0x61: {  	_ =	shalt  }
0x62: {  	_ =	shalt  }
0x63: {  	_ =	shalt  }
0x64: {  	_ =	shalt  }
0x65: {  	_ =	shalt  }
0x66: {  	_ =	shalt  }
0x67: {  	_ =	shalt  }
0x68: {  	_ =	shalt  }
0x69: {  	_ =	shalt  }
0x6a: {  	_ =	shalt  }
0x6b: {  	_ =	shalt  }
0x6c: {  	_ =	shalt  }
0x6d: {  	_ =	shalt  }
0x6e: {  	_ =	shalt  }
0x6f: {  	_ =	shalt  }
0x70: {  	_ =	shalt  }
0x71: {  	_ =	shalt  }
0x72: {  	_ =	shalt  }
0x73: {  	_ =	shalt  }
0x74: {  	_ =	shalt  }
0x75: {  	_ =	shalt  }
0x76: {  	_ =	shalt  }
0x77: {  	_ =	shalt  }
0x78: {  	_ =	shalt  }
0x79: {  	_ =	shalt  }
0x7a: {  	_ =	shalt  }
0x7b: {  	_ =	shalt  }
0x7c: {  	_ =	shalt  }
0x7d: {  	_ =	shalt  }
0x7e: {  	_ =	shalt  }
0x7f: {  	_ =	shalt  }
0x80: {  	_ =	shalt  }
0x81: {  	_ =	shalt  }
0x82: {  	_ =	shalt  }
0x83: {  	_ =	shalt  }
0x84: {  	_ =	shalt  }
0x85: {  	_ =	shalt  }
0x86: {  	_ =	shalt  }
0x87: {  	_ =	shalt  }
.Lfunc_end0:
.L_simem_size_0:
called_computation_lowered:
.L_overlay_start_0:
0x88: {  	s2 =	sld [smem:$0x3FD9]  }
0x89: {  	s3 =	sld [smem:$0x3FFE];
	_ =	sdelay $0x1  }
0x8a: {  	s1 =	srdreg.scid  }
0x8b: {  	s0 =	sand.u32 $0x1, s1  }
0x8c: {  	s16 =	sshll.u32 s0, $0xA;
	s2 =	sadd.s32 s3, s2  }
0x8d: {  	s2 =	sadd.s32 s2, s16  }
0x8e: {  	[smem:$0x3FB6] =	sst s2  }
0x8f: {  	_ = 	snop  }
0x90: {  	(tm) =	ssettm $0x1  }
0x91: {  	s17 =	sld [smem:$0x3FFB];
	_ =	sdelay $0x3  }
0x92: {  	_ =	strace s17  }
0x93: {  	s2 =	sld [smem:$0x3FFC];
	_ =	sdelay $0x3  }
0x94: {  	_ =	strace s2  }
0x95: {  	s2 =	sld [smem:$0x3FFD];
	_ =	sdelay $0x3  }
0x96: {  	_ =	strace s2  }
0x97: {  	_ =	strace $0x8FFFFFFF  }
0x98: {  	s18 =	sld [smem:$0x3FDB];
	_ =	sdelay $0x1  }
0x99: {  	s19 =	simm.s32 $_scs_section_size  }
0x9a: {  	s4 =	simm.s32 $_size__tile_overlayer_lowered;
	s5 =	simm.s32 $_tile_overlayer_lowered  }
0x9b: {  	s22 =	simm.s32 $0x1BFF;
	s21 =	sshll.u32 s5, $0x1;
	s2 =	sadd.s32 s19, s18  }
0x9c: {  	s6 =	simm.s32 $0x0;
	s20 =	sshll.u32 s4, $0x1;
	s4 =	sadd.s32 s21, s2  }
0x9d: {  	[timem:s6], [sflag:s22] =	dma.local [hbm:s4], s20  }
0x9e: {  	_ =	swait.ge [sflag:s22], s20  }
0x9f: {  	s3 =	ssub.s32 $0x0, s20;
	[sflag:s22] =	ssyncset.done $0x0  }
0xa0: {  	[sflag:s22] =	ssyncadd.s32 s3;
	_ =	sdelay $0x1  }
0xa1: {  	s23 =	simm.s32 $0x1B8B  }
0xa2: {  	_ =	swait.ge [sflag:s23], $0x1  }
0xa3: {  	[sflag:s23] =	ssyncset.done $0x0  }
0xa4: {  	s25 =	simm.s32 $0x1B8E;
	s24 =	sld [smem:$0x3FFE];
	[sflag:s23] =	ssyncadd.s32 $0xFFFFFFFF  }
0xa5: {  	s26 =	simm.s32 $execute0_lowered;
	[smem:$0x3FD2] =	sst s25  }
0xa6: {  	s4 =	sshll.u32 s26, $0x1;
	_ =	strace $0x80000046;
	[dreg:$0x1] =	wrdreg $0xFFFFFFFF  }
0xa7: {  	s28 =	simm.s32 $_size_execute0_lowered;
	s2 =	sadd.s32 s2, s4;
	[dreg:$0x0] =	wrdreg $0x0  }
0xa8: {  	s4 =	sshll.u32 s28, $0x1;
	[dreg:$0x2] =	wrdreg s2  }
0xa9: {  	[dreg:$0x3] =	wrdreg s4  }
0xaa: {  	[dreg:$0x4] =	wrdreg $0xC0  }
0xab: {  	_ =	task [dreg:s6], $0x5FFFF  }
0xac: {  	[dreg:$0x1] =	wrdreg $0xFFFFFFFF  }
0xad: {  	[dreg:$0x0] =	wrdreg $0x60  }
0xae: {  	[dreg:$0x2] =	wrdreg s24  }
0xaf: {  	[dreg:$0x3] =	wrdreg $0x68000  }
0xb0: {  	[dreg:$0x4] =	wrdreg $0x9  }
0xb1: {  	_ =	task.clear_ibuf [dreg:s6], $0x5FFFF;
	_ =	strace $0x90000046  }
0xb2: {  	s29 =	simm.s32 $0x9;
	_ =	strace $0x80000048  }
0xb3: {  	_ =	swait.ge [sflag:s29], $0x1  }
0xb4: {  	[sflag:s29] =	ssyncadd.s32 $0xFFFFFFFF  }
0xb5: {  	_ =	strace $0x90000048  }
0xb6: {  	_ =	sfence  }
0xb7: {  	s30 =	sld [smem:$0x0];
	_ =	sdelay $0x2  }
0xb8: {  	s31 =	sshll.u32 s1, $0xD;
	s1 =	sshrl.u32 s1, $0x2  }
0xb9: {  	s3 =	sand.u32 $0x4000, s31;
	s1 =	sadd.s32 s1, s30  }
0xba: {  	s0 =	sor.u32 s3, s0;
	s1 =	sshll.u32 s1, $0x11  }
0xbb: {  	s0 =	sor.u32 s1, s0  }
0xbc: {  	s0 =	sadd.s32 $0x8F2B, s0  }
0xbd: {  	[sflag:s0] =	ssyncadd.remote.s32 $0x1  }
0xbe: {  	_ =	sfence.sel $0xFFFF  }
0xbf: {  	[dreg:$0x0] =	wrdreg $0xFFFFFFFF;
	(pc) =	sbr.abs _section_cstart, $3  }
0xc0: {  	[dreg:$0x1] =	wrdreg $0xFFFFFFFF  }
0xc1: {  	_ =	task.clear_ibuf [dreg:s6], $0x2FFFF;
	_ =	strace $0x9FFFFFFF  }
0xc2: {  	(tm) =	ssettm $0x7FFFFFFF  }
0xc3: {  	_ =	shalt  }
tec
execute0_lowered:
.L_overlay_start_1:
0x0: {  	(tag) =	ssettag $0x1  }
0x1: {  	s6 =	rddreg [dreg:$0x0]  }
0x2: {  	s2 =	rddreg [dreg:$0x1]  }
0x3: {  	s0 =	rddreg [dreg:$0x2]  }
0x4: {  	s3 =	simm.s32 $0x0;
	s1 =	stileid.u32;
	s4 =	srdreg.scid  }
0x5: {  	s12 =	simm.s32 $0x4000;
	s13 =	simm.s32 $0x50;
	s14 =	simm.s32 $0x80  }
0x6: {  	s15 =	simm.s32 $0x1;
	s16 =	simm.s32 $0x2;
	s17 =	simm.s32 $0x3E00  }
0x7: {  	s18 =	simm.s32 $0x0;
	[smem:$0x7FF] =	sst s3;
	s7 =	sand.u32 $0x1, s4  }
0x8: {  	s8 =	smul.u32 $0x2800, s1;
	s25 =	sshll.u32 s1, $0xB;
	s4 =	sadd.s32 $0x18000, s6  }
0x9: {  	s5 =	sadd.s32 $0x1A800, s6;
	s11 =	smul.u32 $0x50000, s1;
	s31 =	sshll.u32 s1, $0x6  }
0xa: {  	_ =	strace $0x80000047;
	s9 =	smul.u32 $0x28000, s7;
	s26 =	ssub.s32 $0x2, s7  }
0xb: {  	s10 =	sadd.s32 s25, s6;
	s7 =	sshll.u32 s7, $0xF;
	s28 =	sshrl.u32 s26, $0x1  }
0xc: {  	s29 =	sadd.s32 s7, s10;
	s30 =	sshrl.u32 s11, $0x2;
	s10 =	sor.u32 $0x1C03, s31  }
0xd: {  	s8 =	sadd.s32 s8, s9;
	s9 =	ssub.s32 s26, s28;
	s11 =	sadd.s32 s30, s2  }
0xe: {  	s8 =	sadd.s32 s8, s6;
	s6 =	sadd.s32 $0x8000, s29;
	s11 =	sshrl.u32 s11, $0x3  }
0xf: {  	s7 =	sadd.s32 $0x1AE00, s8;
	s8 =	smax.u32 s9, $0x1;
	s9 =	simm.s32 $0x3  }
.LBB2_1:
0x10: {  	[tilespmem:s3], [sflag:$0x3] =	stream.linear.gather [hbm4b:s6+s3], $0x3E80, $0x38;
	[tilespmem:$0x1A800] =	vst v63  }
0x11: {  	_ =	swait.ge [sflag:s9], $0x3E80  }
0x12: {  	[sflag:s9] =	ssyncset.done $0x0  }
0x13: {  	[sflag:s9] =	ssyncadd.s32 $0xFFFFC180  }
0x14: {  	[spmem:s11], [sflag:s10] =	dma.local [hbm:s4], $0x2800  }
0x15: {  	_ =	swait.ge [sflag:s9], $0x2800  }
0x16: {  	[sflag:s9] =	ssyncset.done $0x0  }
0x17: {  	[sflag:s9] =	ssyncadd.s32 $0xFFFFD800  }
0x18: {  	[tilespmem:s12], [sflag:$0x3] =	stream.linear.gather [hbm4b:s5+s3], $0x2800, $0x38;
	[tilespmem:$0x1A800] =	vst v63  }
0x19: {  	_ =	swait.ge [sflag:s9], $0x2800  }
0x1a: {  	[sflag:s9] =	ssyncset.done $0x0  }
0x1b: {  	[sflag:s9] =	ssyncadd.s32 $0xFFFFD800  }
0x1c: {  	[bflag:$0x0] =	sbarrier.arrive $0xFFFF  }
0x1d: {  	[spmem:s2] =	stream.indirect.scatter.add.f32 [tilespmem:s12], [sflag:$0x1], $0x80, s3, s13, $0xb8;
	[tilespmem:$0x1A800] =	vst v63  }
0x1e: {  	_ = 	snop  }
0x1f: {  	[spmem:s2] =	stream.indirect.scatter.add.f32 [tilespmem:s12], [sflag:$0x2], $0x80, s14, s13, $0xb8;
	[tilespmem:$0x1A800] =	vst v63  }
0x20: {  	_ =	swait.ge [sflag:s15], $0x2800  }
0x21: {  	[sflag:s15] =	ssyncset.done $0x0  }
0x22: {  	s19 =	simm.s32 $0x100;
	[sflag:s15] =	ssyncadd.s32 $0xFFFFD800  }
0x23: {  	[spmem:s2] =	stream.indirect.scatter.add.f32 [tilespmem:s12], [sflag:$0x1], $0x80, s19, s13, $0xb8;
	[tilespmem:$0x1A800] =	vst v63  }
0x24: {  	_ =	swait.ge [sflag:s16], $0x2800  }
0x25: {  	[sflag:s16] =	ssyncset.done $0x0  }
0x26: {  	s20 =	simm.s32 $0x180;
	s19 =	simm.s32 $0xFFFF1000;
	[sflag:s16] =	ssyncadd.s32 $0xFFFFD800  }
.LBB2_2:
0x27: {  	[spmem:s2] =	stream.indirect.scatter.add.f32 [tilespmem:s12], [sflag:$0x2], $0x80, s20, s13, $0xb8;
	[tilespmem:$0x1A800] =	vst v63  }
0x28: {  	s20 =	smov.u32 s19  }
0x29: {  	p0 =	sne.s32 s19, $0xFFFFFC00;
	s19 =	sadd.s32 $0x400, s19;
	_ =	swait.ge [sflag:s15], $0x2800  }
0x2a: {  	s20 =	sshra.s32 s20, $0x2;
	[sflag:s15] =	ssyncset.done $0x0  }
.Ltmp0:
0x2b: {  	s21 =	sadd.s32 $0x3E00, s20;
	[sflag:s15] =	ssyncadd.s32 $0xFFFFD800;
	(pc) =	sbr.rel @p0 .LBB2_2-.Ltmp0, $4  }
0x2c: {  	[spmem:s2] =	stream.indirect.scatter.add.f32 [tilespmem:s12], [sflag:$0x1], $0x80, s21, s13, $0xb8;
	[tilespmem:$0x1A800] =	vst v63  }
0x2d: {  	_ =	swait.ge [sflag:s16], $0x2800  }
0x2e: {  	[sflag:s16] =	ssyncset.done $0x0  }
0x2f: {  	s20 =	sadd.s32 $0x3E80, s20;
	[sflag:s16] =	ssyncadd.s32 $0xFFFFD800  }
0x30: {  	[spmem:s2] =	stream.indirect.scatter.add.f32 [tilespmem:s12], [sflag:$0x2], $0x80, s20, s13, $0xb8;
	[tilespmem:$0x1A800] =	vst v63  }
0x31: {  	_ =	swait.ge [sflag:s15], $0x2800  }
0x32: {  	[sflag:s15] =	ssyncset.done $0x0  }
0x33: {  	[sflag:s15] =	ssyncadd.s32 $0xFFFFD800  }
0x34: {  	[spmem:s2] =	stream.indirect.scatter.add.f32 [tilespmem:s12], [sflag:$0x1], $0x80, s17, s13, $0xb8;
	[tilespmem:$0x1A800] =	vst v63  }
0x35: {  	_ =	swait.ge [sflag:s16], $0x2800  }
0x36: {  	[sflag:s16] =	ssyncset.done $0x0  }
0x37: {  	[sflag:s16] =	ssyncadd.s32 $0xFFFFD800  }
0x38: {  	_ =	swait.ge [sflag:s15], $0x2800  }
0x39: {  	s18 =	sadd.s32 $0x1, s18;
	[sflag:s15] =	ssyncset.done $0x0  }
0x3a: {  	p0 =	sne.s32 s18, s8;
	[sflag:s15] =	ssyncadd.s32 $0xFFFFD800  }
.Ltmp1:
0x3b: {  	[bflag:$0x0] =	sbarrier.arrive $0xFFFF;
	(pc) =	sbr.rel @p0 .LBB2_1-.Ltmp1, $4  }
0x3c: {  	[hbm:s7], [sflag:s10] =	dma.local [spmem:s11], $0x2800  }
0x3d: {  	_ =	swait.ge [sflag:s9], $0x2800  }
0x3e: {  	[sflag:s9] =	ssyncset.done $0x0  }
0x3f: {  	[sflag:s9] =	ssyncadd.s32 $0xFFFFD800  }
0x40: {  	_ =	sfence.sel $0x180000  }
0x41: {  	[bflag:$0x0] =	sbarrier.arrive $0xFFFF  }
0x42: {  	p0 =	sne.s32 s1, $0x0;
	_ =	strace $0x90000047  }
0x43: {  	s0 =	sadd.s32 @!p0 $0x100000, s0;
	[bflag:$0x2] =	sbarrier.arrive $0xFFFF  }
0x44: {  	[sflag:s0] =	ssyncadd.tile.s32 @!p0 $0x1;
	_ =	shalt  }
.Lfunc_end2:
_tile_overlayer_lowered:
.L_overlay_start_2:
0x45: {  	(tag) =	ssettag $0x2  }
0x46: {  	s0 =	rddreg [dreg:$0x0];
	s2 =	stileid.u32  }
0x47: {  	s1 =	rddreg [dreg:$0x1];
	p0 =	sne.s32 s2, $0x0  }
0x48: {  	s3 =	rddreg [dreg:$0x2];
	[bflag:$0x3] =	sbarrier.arrive $0xFFFF;
	s2 =	simm.s32 @!p0 $0x1C03  }
0x49: {  	[timem:s3], [sflag:s2] =	dma.local @!p0 [hbm:s0], s1  }
0x4a: {  	s0 =	simm.s32 @!p0 $0x3  }
0x4b: {  	_ =	swait.ge @!p0 [sflag:s0], s1  }
0x4c: {  	s1 =	ssub.s32 @!p0 $0x0, s1;
	[sflag:s0] =	ssyncset.done @!p0 $0x0  }
0x4d: {  	[sflag:s0] =	ssyncadd.s32 @!p0 s1  }
0x4e: {  	[bflag:$0x3] =	sbarrier.arrive $0xFFFF  }
0x4f: {  	_ =	shalt  }

// kernel: kernel.23.cloned.1.call-start
scs
__scs_entry_jumppad:
0x0: {  	(pc) =	sbr.rel $0x88, $3  }
0x1: {  	(tag) =	ssettag $0x0;
	lr =	simm.s32 $0x1  }
0x2: {  	[smem:$0x3F8F] =	sst lr;
	_ =	strace $0xD0000000  }
0x3: {  	_ = 	snop  }
0x4: {  	_ = 	snop  }
0x5: {  	_ = 	snop  }
0x6: {  	_ = 	snop  }
0x7: {  	_ = 	snop  }
__scs_overlays_trampoline_lowered:
0x8: {  	[smem:$0x3F9E] =	sst s0  }
0x9: {  	[smem:$0x3F9F] =	sst s1  }
0xa: {  	[smem:$0x3FA0] =	sst s2  }
0xb: {  	[smem:$0x3FA1] =	sst s3  }
0xc: {  	[smem:$0x3FA2] =	sst s4  }
0xd: {  	[smem:$0x3FA3] =	sst s5  }
0xe: {  	[smem:$0x3FA4] =	sst s6  }
0xf: {  	[smem:$0x3FA5] =	sst s7  }
0x10: {  	[smem:$0x3FA6] =	sst s8  }
0x11: {  	[smem:$0x3FA7] =	sst s9;
	s0 =	simm.s32 @!p0 $0x0  }
0x12: {  	s1 =	sld [smem:$0x3F8D];
	s0 =	simm.s32 @p0 $0x1  }
0x13: {  	[smem:$0x3FA8] =	sst s0;
	s0 =	simm.s32 @!p1 $0x0  }
0x14: {  	s2 =	sld [smem:$0x3F8C];
	s0 =	simm.s32 @p1 $0x1  }
0x15: {  	[smem:$0x3FA9] =	sst s0;
	s0 =	simm.s32 @!p2 $0x0  }
0x16: {  	s3 =	sld [smem:$0x3FDB];
	s0 =	simm.s32 @p2 $0x1  }
0x17: {  	s4 =	simm.s32 $0x1BF5;
	[smem:$0x3FAB] =	sst s0  }
0x18: {  	s0 =	sld [smem:$0x3F8E];
	_ =	swait.ge [sflag:s4], $0x0  }
0x19: {  	s7 =	sld [smem:$0x3F8F]  }
0x1a: {  	s8 =	sadd.s32 $0xFFFFE003, lr  }
0x1b: {  	s9 =	sadd.s32 $0xFFFFFEF7, lr;
	s5 =	simm.s32 $0xFFFFFFFF;
	p2 =	slt.u32 s8, $0xFFFFF086  }
0x1c: {  	p1 =	slt.u32 s9, $0xF7A;
	s5 =	simm.s32 @!p2 $0x0  }
0x1d: {  	s5 =	simm.s32 @p1 $0x1;
	p0 =	seq.s32 s7, s2  }
0x1e: {  	s7 =	smul.u32 @!p0 $0xF7A, s2;
	p2 =	seq.s32 @!p0 s5, $0x0  }
0x1f: {  	s9 =	smul.u32 $0xF7A, s1;
	s8 =	simm.s32 @!p0 $0x1BF5;
	p2 =	por !p2, p0  }
0x20: {  	[sflag:s8] =	ssyncset.s32 @!p0 $0xFFFFF086;
	s6 =	sadd.s32 @!p0 s3, s7;
	s7 =	simm.s32 @!p0 $0x108  }
0x21: {  	s3 =	sadd.s32 s3, s9;
	s6 =	sadd.s32 @!p0 $0x88, s6;
	s7 =	simm.s32 @p2 $0x1082  }
0x22: {  	[simem:s7], [sflag:s8] =	dma.local @!p0 [hbm:s6], $0xF7A  }
0x23: {  	s9 =	sor.u32 $0xD0000000, s2;
	s6 =	simm.s32 $0x108;
	_ =	swait.ge @!p0 [sflag:s8], $0x0  }
0x24: {  	s3 =	sadd.s32 $0x88, s3;
	s6 =	simm.s32 @!p1 $0x1082;
	[sflag:s4] =	ssyncset.s32 $0xFFFFF086  }
0x25: {  	[simem:s6], [sflag:s4] =	dma.local [hbm:s3], $0xF7A  }
0x26: {  	[smem:$0x3F8F] =	sst s1;
	(tag) =	ssettag s2;
	_ =	strace s9  }
0x27: {  	s1 =	sld [smem:$0x3F9F]  }
0x28: {  	s2 =	sld [smem:$0x3FA0]  }
0x29: {  	s4 =	sld [smem:$0x3FA2]  }
0x2a: {  	p0 =	seq.s32 s5, $0x0;
	s5 =	sld [smem:$0x3FA3]  }
0x2b: {  	s6 =	sld [smem:$0x3FA4]  }
0x2c: {  	s7 =	sld [smem:$0x3FA5]  }
0x2d: {  	s3 =	simm.s32 $0x108;
	s8 =	sld [smem:$0x3FA6]  }
0x2e: {  	s3 =	simm.s32 @!p0 $0x1082;
	s9 =	sld [smem:$0x3FA7]  }
0x2f: {  	lr =	sadd.s32 s0, s3;
	s0 =	sld [smem:$0x3F9E]  }
0x30: {  	s3 =	sld [smem:$0x3FA1]  }
0x31: {  	[smem:$0x3FAA] =	sst s10  }
0x32: {  	s10 =	sld [smem:$0x3FA8];
	_ =	sdelay $0x3  }
0x33: {  	p0 =	seq.s32 s10, $0x1;
	s10 =	sld [smem:$0x3FAA];
	_ =	sdelay $0x3  }
0x34: {  	[smem:$0x3FAA] =	sst s10  }
0x35: {  	s10 =	sld [smem:$0x3FA9];
	_ =	sdelay $0x3  }
0x36: {  	p1 =	seq.s32 s10, $0x1;
	s10 =	sld [smem:$0x3FAA];
	_ =	sdelay $0x3  }
0x37: {  	[smem:$0x3FAA] =	sst s10  }
0x38: {  	s10 =	sld [smem:$0x3FAB]  }
0x39: {  	_ = 	snop;
	(pc) =	sbr.ind lr, $3  }
0x3a: {  	_ = 	snop  }
0x3b: {  	_ = 	snop  }
0x3c: {  	p2 =	seq.s32 s10, $0x1;
	s10 =	sld [smem:$0x3FAA]  }
0x3d: {  	_ =	shalt  }
0x3e: {  	_ =	shalt  }
0x3f: {  	_ =	shalt  }
0x40: {  	_ =	shalt  }
0x41: {  	_ =	shalt  }
0x42: {  	_ =	shalt  }
0x43: {  	_ =	shalt  }
0x44: {  	_ =	shalt  }
0x45: {  	_ =	shalt  }
0x46: {  	_ =	shalt  }
0x47: {  	_ =	shalt  }
0x48: {  	_ =	shalt  }
0x49: {  	_ =	shalt  }
0x4a: {  	_ =	shalt  }
0x4b: {  	_ =	shalt  }
0x4c: {  	_ =	shalt  }
0x4d: {  	_ =	shalt  }
0x4e: {  	_ =	shalt  }
0x4f: {  	_ =	shalt  }
0x50: {  	_ =	shalt  }
0x51: {  	_ =	shalt  }
0x52: {  	_ =	shalt  }
0x53: {  	_ =	shalt  }
0x54: {  	_ =	shalt  }
0x55: {  	_ =	shalt  }
0x56: {  	_ =	shalt  }
0x57: {  	_ =	shalt  }
0x58: {  	_ =	shalt  }
0x59: {  	_ =	shalt  }
0x5a: {  	_ =	shalt  }
0x5b: {  	_ =	shalt  }
0x5c: {  	_ =	shalt  }
0x5d: {  	_ =	shalt  }
0x5e: {  	_ =	shalt  }
0x5f: {  	_ =	shalt  }
0x60: {  	_ =	shalt  }
0x61: {  	_ =	shalt  }
0x62: {  	_ =	shalt  }
0x63: {  	_ =	shalt  }
0x64: {  	_ =	shalt  }
0x65: {  	_ =	shalt  }
0x66: {  	_ =	shalt  }
0x67: {  	_ =	shalt  }
0x68: {  	_ =	shalt  }
0x69: {  	_ =	shalt  }
0x6a: {  	_ =	shalt  }
0x6b: {  	_ =	shalt  }
0x6c: {  	_ =	shalt  }
0x6d: {  	_ =	shalt  }
0x6e: {  	_ =	shalt  }
0x6f: {  	_ =	shalt  }
0x70: {  	_ =	shalt  }
0x71: {  	_ =	shalt  }
0x72: {  	_ =	shalt  }
0x73: {  	_ =	shalt  }
0x74: {  	_ =	shalt  }
0x75: {  	_ =	shalt  }
0x76: {  	_ =	shalt  }
0x77: {  	_ =	shalt  }
0x78: {  	_ =	shalt  }
0x79: {  	_ =	shalt  }
0x7a: {  	_ =	shalt  }
0x7b: {  	_ =	shalt  }
0x7c: {  	_ =	shalt  }
0x7d: {  	_ =	shalt  }
0x7e: {  	_ =	shalt  }
0x7f: {  	_ =	shalt  }
0x80: {  	_ =	shalt  }
0x81: {  	_ =	shalt  }
0x82: {  	_ =	shalt  }
0x83: {  	_ =	shalt  }
0x84: {  	_ =	shalt  }
0x85: {  	_ =	shalt  }
0x86: {  	_ =	shalt  }
0x87: {  	_ =	shalt  }
.Lfunc_end0:
.L_simem_size_0:
called_computation.1_lowered:
.L_overlay_start_0:
0x88: {  	s2 =	sld [smem:$0x3FD9]  }
0x89: {  	s3 =	sld [smem:$0x3FFE];
	_ =	sdelay $0x1  }
0x8a: {  	s1 =	srdreg.scid  }
0x8b: {  	s0 =	sand.u32 $0x1, s1  }
0x8c: {  	s17 =	sshll.u32 s0, $0xA;
	s2 =	sadd.s32 s3, s2  }
0x8d: {  	s2 =	sadd.s32 s2, s17  }
0x8e: {  	[smem:$0x3FB6] =	sst s2  }
0x8f: {  	_ = 	snop  }
0x90: {  	s2 =	sld [smem:$0x3FD0];
	(tm) =	ssettm $0x1  }
0x91: {  	s18 =	sld [smem:$0x3FFB];
	_ =	sdelay $0x3  }
0x92: {  	_ =	strace s18  }
0x93: {  	s3 =	sld [smem:$0x3FFC];
	_ =	sdelay $0x3  }
0x94: {  	_ =	strace s3  }
0x95: {  	s3 =	sld [smem:$0x3FFD];
	_ =	sdelay $0x3  }
0x96: {  	_ =	strace s3  }
0x97: {  	_ =	strace $0x8FFFFFFF  }
0x98: {  	s19 =	sld [smem:$0x3FDB];
	_ =	sdelay $0x1  }
0x99: {  	s4 =	simm.s32 $_scs_section_size  }
0x9a: {  	s5 =	simm.s32 $_size__tile_overlayer_lowered;
	s6 =	simm.s32 $_tile_overlayer_lowered  }
0x9b: {  	s22 =	simm.s32 $0x1BFF;
	s21 =	sshll.u32 s6, $0x1;
	s3 =	sadd.s32 s4, s19  }
0x9c: {  	s7 =	simm.s32 $0x0;
	s20 =	sshll.u32 s5, $0x1;
	s5 =	sadd.s32 s21, s3  }
0x9d: {  	[timem:s7], [sflag:s22] =	dma.local [hbm:s5], s20  }
0x9e: {  	_ =	swait.ge [sflag:s22], s20  }
0x9f: {  	s4 =	ssub.s32 $0x0, s20;
	[sflag:s22] =	ssyncset.done $0x0  }
0xa0: {  	[sflag:s22] =	ssyncadd.s32 s4;
	_ =	sdelay $0x1  }
0xa1: {  	s23 =	simm.s32 $0x1B8B  }
0xa2: {  	_ =	swait.ge [sflag:s23], $0x1  }
0xa3: {  	[sflag:s23] =	ssyncset.done $0x0  }
0xa4: {  	s25 =	simm.s32 $0x1B8E;
	s24 =	sld [smem:$0x3FFE];
	[sflag:s23] =	ssyncadd.s32 $0xFFFFFFFF  }
0xa5: {  	s26 =	simm.s32 $execute0_lowered;
	[smem:$0x3FD2] =	sst s25  }
0xa6: {  	s5 =	sshll.u32 s26, $0x1;
	_ =	strace $0x80000049;
	[dreg:$0x1] =	wrdreg $0xFFFFFFFF  }
0xa7: {  	s28 =	simm.s32 $_size_execute0_lowered;
	s3 =	sadd.s32 s3, s5;
	[dreg:$0x0] =	wrdreg $0x0  }
0xa8: {  	s5 =	sshll.u32 s28, $0x1;
	[dreg:$0x2] =	wrdreg s3  }
0xa9: {  	[dreg:$0x3] =	wrdreg s5  }
0xaa: {  	[dreg:$0x4] =	wrdreg $0xC0  }
0xab: {  	_ =	task [dreg:s7], $0x5FFFF  }
0xac: {  	[dreg:$0x1] =	wrdreg $0xFFFFFFFF  }
0xad: {  	[dreg:$0x0] =	wrdreg $0x60  }
0xae: {  	[dreg:$0x2] =	wrdreg s24  }
0xaf: {  	[dreg:$0x3] =	wrdreg s2  }
0xb0: {  	[dreg:$0x4] =	wrdreg $0xB7800  }
0xb1: {  	[dreg:$0x5] =	wrdreg $0x9  }
0xb2: {  	_ =	task.clear_ibuf [dreg:s7], $0x6FFFF;
	_ =	strace $0x90000049  }
0xb3: {  	s29 =	simm.s32 $0x9;
	_ =	strace $0x8000004B  }
0xb4: {  	_ =	swait.ge [sflag:s29], $0x1  }
0xb5: {  	[sflag:s29] =	ssyncadd.s32 $0xFFFFFFFF  }
0xb6: {  	_ =	strace $0x9000004B  }
0xb7: {  	_ =	sfence  }
0xb8: {  	s30 =	sld [smem:$0x0];
	_ =	sdelay $0x2  }
0xb9: {  	s31 =	sshll.u32 s1, $0xD;
	s1 =	sshrl.u32 s1, $0x2  }
0xba: {  	s3 =	sand.u32 $0x4000, s31;
	s1 =	sadd.s32 s1, s30  }
0xbb: {  	s0 =	sor.u32 s3, s0;
	s1 =	sshll.u32 s1, $0x11  }
0xbc: {  	s0 =	sor.u32 s1, s0  }
0xbd: {  	s0 =	sadd.s32 $0x8F2B, s0  }
0xbe: {  	[sflag:s0] =	ssyncadd.remote.s32 $0x1  }
0xbf: {  	_ =	sfence.sel $0xFFFF  }
0xc0: {  	[dreg:$0x0] =	wrdreg $0xFFFFFFFF;
	(pc) =	sbr.abs _section_cstart, $3  }
0xc1: {  	[dreg:$0x1] =	wrdreg $0xFFFFFFFF  }
0xc2: {  	_ =	task.clear_ibuf [dreg:s7], $0x2FFFF;
	_ =	strace $0x9FFFFFFF  }
0xc3: {  	(tm) =	ssettm $0x7FFFFFFF  }
tec
execute0_lowered:
.L_overlay_start_1:
0x0: {  	(tag) =	ssettag $0x1  }
0x1: {  	s6 =	rddreg [dreg:$0x0]  }
0x2: {  	s7 =	rddreg [dreg:$0x1]  }
0x3: {  	s1 =	rddreg [dreg:$0x2]  }
0x4: {  	s2 =	srdreg.scid;
	s0 =	rddreg [dreg:$0x3]  }
0x5: {  	s3 =	simm.s32 $0x0;
	s14 =	simm.s32 $0x50;
	s15 =	simm.s32 $0x6780  }
0x6: {  	s16 =	simm.s32 $0x1;
	s17 =	simm.s32 $0x8F80;
	s18 =	simm.s32 $0x2  }
0x7: {  	s19 =	simm.s32 $0x2800;
	s20 =	simm.s32 $0x3;
	s21 =	simm.s32 $0xA0  }
0x8: {  	s22 =	simm.s32 $0x4;
	s8 =	sand.u32 $0x1, s2;
	s2 =	stileid.u32  }
0x9: {  	s23 =	simm.s32 $0x6580;
	s24 =	simm.s32 $0x0;
	s10 =	smul.u32 $0x2800, s2  }
0xa: {  	[smem:$0x7FF] =	sst s3;
	s4 =	sshll.u32 s8, $0x4;
	s12 =	smul.u32 $0x28000, s8  }
0xb: {  	_ =	strace $0x8000004A;
	s8 =	ssub.s32 $0x2, s8;
	s13 =	smul.u32 $0x50000, s2  }
0xc: {  	s31 =	sshll.u32 s2, $0x6;
	s9 =	sor.u32 s2, s4;
	s4 =	sadd.s32 $0x1A800, s6  }
0xd: {  	s29 =	sshrl.u32 s8, $0x1;
	s5 =	sshll.u32 s9, $0xB;
	s10 =	sadd.s32 s10, s12  }
0xe: {  	s9 =	smul.u32 $0x4E2, s9;
	s12 =	ssub.s32 s8, s29;
	s30 =	sshrl.u32 s13, $0x2  }
0xf: {  	s11 =	sadd.s32 s5, s6;
	s5 =	sadd.s32 $0x18000, s6;
	s10 =	sadd.s32 s10, s6  }
0x10: {  	s13 =	sadd.s32 s30, s1;
	s6 =	sadd.s32 s7, s9;
	s7 =	sadd.s32 $0x8000, s11  }
0x11: {  	s8 =	sadd.s32 $0x8FE00, s10;
	s9 =	smax.u32 s12, $0x1;
	s10 =	simm.s32 $0x5  }
0x12: {  	s11 =	simm.s32 $0x2780;
	s12 =	sor.u32 $0x1C05, s31;
	s13 =	sshrl.u32 s13, $0x3  }
.LBB2_1:
0x13: {  	[tilespmem:s3], [sflag:$0x5] =	stream.linear.gather [hbm4b:s6+s3], $0x2710, $0x38;
	[tilespmem:$0x1F780] =	vst v63  }
0x14: {  	_ =	swait.ge [sflag:s10], $0x2710  }
0x15: {  	[sflag:s10] =	ssyncset.done $0x0  }
0x16: {  	[sflag:s10] =	ssyncadd.s32 $0xFFFFD8F0  }
0x17: {  	[tilespmem:s11], [sflag:$0x5] =	stream.linear.gather [hbm4b:s7+s3], $0x3E80, $0x38;
	[tilespmem:$0x1F780] =	vst v63  }
0x18: {  	_ =	swait.ge [sflag:s10], $0x3E80  }
0x19: {  	[sflag:s10] =	ssyncset.done $0x0  }
0x1a: {  	[sflag:s10] =	ssyncadd.s32 $0xFFFFC180  }
0x1b: {  	[spmem:s13], [sflag:s12] =	dma.local [hbm:s5], $0x2800  }
0x1c: {  	_ =	swait.ge [sflag:s10], $0x2800  }
0x1d: {  	[sflag:s10] =	ssyncset.done $0x0  }
0x1e: {  	[sflag:s10] =	ssyncadd.s32 $0xFFFFD800  }
0x1f: {  	[bflag:$0x0] =	sbarrier.arrive $0xFFFF  }
0x20: {  	[tilespmem:s15], [sflag:$0x1] =	stream.indirect.gather [hbm4b:s4+s14], $0x80, s3, s14, $0xb8;
	[tilespmem:$0x1F780] =	vst v63  }
0x21: {  	_ =	swait.ge [sflag:s16], $0x2800  }
0x22: {  	[sflag:s16] =	ssyncset.done $0x0  }
0x23: {  	[sflag:s16] =	ssyncadd.s32 $0xFFFFD800  }
0x24: {  	[spmem:s1] =	stream.indirect.scatter.add.f32 [tilespmem:s15], [sflag:$0x3], $0x80, s11, s14, $0xb8;
	[tilespmem:$0x1F780] =	vst v63  }
0x25: {  	_ = 	snop  }
0x26: {  	[tilespmem:s17], [sflag:$0x2] =	stream.indirect.gather [hbm4b:s4+s14], $0x80, s14, s14, $0xb8;
	[tilespmem:$0x1F780] =	vst v63  }
0x27: {  	_ =	swait.ge [sflag:s18], $0x2800  }
0x28: {  	[sflag:s18] =	ssyncset.done $0x0  }
0x29: {  	[sflag:s18] =	ssyncadd.s32 $0xFFFFD800  }
0x2a: {  	[spmem:s1] =	stream.indirect.scatter.add.f32 [tilespmem:s17], [sflag:$0x4], $0x80, s19, s14, $0xb8;
	[tilespmem:$0x1F780] =	vst v63  }
0x2b: {  	_ =	swait.ge [sflag:s20], $0x2800  }
0x2c: {  	[sflag:s20] =	ssyncset.done $0x0  }
0x2d: {  	[sflag:s20] =	ssyncadd.s32 $0xFFFFD800  }
0x2e: {  	[tilespmem:s15], [sflag:$0x1] =	stream.indirect.gather [hbm4b:s4+s14], $0x80, s21, s14, $0xb8;
	[tilespmem:$0x1F780] =	vst v63  }
0x2f: {  	_ =	swait.ge [sflag:s16], $0x2800  }
0x30: {  	[sflag:s16] =	ssyncset.done $0x0  }
0x31: {  	s25 =	simm.s32 $0x2880;
	[sflag:s16] =	ssyncadd.s32 $0xFFFFD800  }
0x32: {  	[spmem:s1] =	stream.indirect.scatter.add.f32 [tilespmem:s15], [sflag:$0x3], $0x80, s25, s14, $0xb8;
	[tilespmem:$0x1F780] =	vst v63  }
0x33: {  	_ =	swait.ge [sflag:s22], $0x2800  }
0x34: {  	[sflag:s22] =	ssyncset.done $0x0  }
0x35: {  	s30 =	simm.s32 $0xF0;
	[sflag:s22] =	ssyncadd.s32 $0xFFFFD800  }
0x36: {  	[tilespmem:s17], [sflag:$0x2] =	stream.indirect.gather [hbm4b:s4+s14], $0x80, s30, s14, $0xb8;
	[tilespmem:$0x1F780] =	vst v63  }
0x37: {  	_ =	swait.ge [sflag:s18], $0x2800  }
0x38: {  	[sflag:s18] =	ssyncset.done $0x0  }
0x39: {  	s31 =	simm.s32 $0x2900;
	[sflag:s18] =	ssyncadd.s32 $0xFFFFD800  }
0x3a: {  	[spmem:s1] =	stream.indirect.scatter.add.f32 [tilespmem:s17], [sflag:$0x4], $0x80, s31, s14, $0xb8;
	[tilespmem:$0x1F780] =	vst v63  }
0x3b: {  	_ =	swait.ge [sflag:s20], $0x2800  }
0x3c: {  	s28 =	simm.s32 $0x140;
	[sflag:s20] =	ssyncset.done $0x0  }
0x3d: {  	s26 =	simm.s32 $0x190;
	s25 =	simm.s32 $0xFFFF1000;
	[sflag:s20] =	ssyncadd.s32 $0xFFFFD800  }
.LBB2_2:
0x3e: {  	[tilespmem:s15], [sflag:$0x1] =	stream.indirect.gather [hbm4b:s4+s14], $0x80, s28, s14, $0xb8;
	[tilespmem:$0x1F780] =	vst v63  }
0x3f: {  	s28 =	smov.u32 s25  }
0x40: {  	p0 =	sne.s32 s25, $0xFFFFFC00;
	s25 =	sadd.s32 $0x400, s25;
	_ =	swait.ge [sflag:s16], $0x2800  }
0x41: {  	s28 =	sshra.s32 s28, $0x2;
	[sflag:s16] =	ssyncset.done $0x0  }
0x42: {  	s29 =	sadd.s32 $0x6580, s28;
	[sflag:s16] =	ssyncadd.s32 $0xFFFFD800  }
0x43: {  	[spmem:s1] =	stream.indirect.scatter.add.f32 [tilespmem:s15], [sflag:$0x3], $0x80, s29, s14, $0xb8;
	[tilespmem:$0x1F780] =	vst v63  }
0x44: {  	_ =	swait.ge [sflag:s22], $0x2800  }
0x45: {  	[sflag:s22] =	ssyncset.done $0x0  }
0x46: {  	[sflag:s22] =	ssyncadd.s32 $0xFFFFD800  }
0x47: {  	[tilespmem:s17], [sflag:$0x2] =	stream.indirect.gather [hbm4b:s4+s14], $0x80, s26, s14, $0xb8;
	[tilespmem:$0x1F780] =	vst v63  }
0x48: {  	_ =	swait.ge [sflag:s18], $0x2800  }
0x49: {  	[sflag:s18] =	ssyncset.done $0x0  }
.Ltmp0:
0x4a: {  	s28 =	sadd.s32 $0x6600, s28;
	[sflag:s18] =	ssyncadd.s32 $0xFFFFD800;
	(pc) =	sbr.rel @p0 .LBB2_2-.Ltmp0, $4  }
0x4b: {  	[spmem:s1] =	stream.indirect.scatter.add.f32 [tilespmem:s17], [sflag:$0x4], $0x80, s28, s14, $0xb8;
	[tilespmem:$0x1F780] =	vst v63  }
0x4c: {  	_ =	swait.ge [sflag:s20], $0x2800  }
0x4d: {  	[sflag:s20] =	ssyncset.done $0x0  }
0x4e: {  	s28 =	sadd.s32 $0x50, s26;
	s26 =	sadd.s32 $0xA0, s26;
	[sflag:s20] =	ssyncadd.s32 $0xFFFFD800  }
0x4f: {  	[tilespmem:s15], [sflag:$0x1] =	stream.indirect.gather [hbm4b:s4+s14], $0x80, s28, s14, $0xb8;
	[tilespmem:$0x1F780] =	vst v63  }
0x50: {  	_ =	swait.ge [sflag:s16], $0x2800  }
0x51: {  	[sflag:s16] =	ssyncset.done $0x0  }
0x52: {  	[sflag:s16] =	ssyncadd.s32 $0xFFFFD800  }
0x53: {  	[spmem:s1] =	stream.indirect.scatter.add.f32 [tilespmem:s15], [sflag:$0x3], $0x80, s23, s14, $0xb8;
	[tilespmem:$0x1F780] =	vst v63  }
0x54: {  	_ =	swait.ge [sflag:s20], $0x2800  }
0x55: {  	[sflag:s20] =	ssyncset.done $0x0  }
0x56: {  	[sflag:s20] =	ssyncadd.s32 $0xFFFFD800  }
0x57: {  	_ =	swait.ge [sflag:s22], $0x2800  }
0x58: {  	s24 =	sadd.s32 $0x1, s24;
	[sflag:s22] =	ssyncset.done $0x0  }
0x59: {  	p0 =	sne.s32 s24, s9;
	[sflag:s22] =	ssyncadd.s32 $0xFFFFD800  }
.Ltmp1:
0x5a: {  	[bflag:$0x0] =	sbarrier.arrive $0xFFFF;
	(pc) =	sbr.rel @p0 .LBB2_1-.Ltmp1, $4  }
0x5b: {  	[hbm:s8], [sflag:s12] =	dma.local [spmem:s13], $0x2800  }
0x5c: {  	_ =	swait.ge [sflag:s10], $0x2800  }
0x5d: {  	[sflag:s10] =	ssyncset.done $0x0  }
0x5e: {  	[sflag:s10] =	ssyncadd.s32 $0xFFFFD800  }
0x5f: {  	_ =	sfence.sel $0x180000  }
0x60: {  	[bflag:$0x0] =	sbarrier.arrive $0xFFFF  }
0x61: {  	p0 =	sne.s32 s2, $0x0;
	_ =	strace $0x9000004A  }
0x62: {  	s0 =	sadd.s32 @!p0 $0x100000, s0;
	[bflag:$0x2] =	sbarrier.arrive $0xFFFF  }
0x63: {  	[sflag:s0] =	ssyncadd.tile.s32 @!p0 $0x1;
	_ =	shalt  }
.Lfunc_end2:
_tile_overlayer_lowered:
.L_overlay_start_2:
0x64: {  	(tag) =	ssettag $0x2  }
0x65: {  	s0 =	rddreg [dreg:$0x0];
	s2 =	stileid.u32  }
0x66: {  	s1 =	rddreg [dreg:$0x1];
	p0 =	sne.s32 s2, $0x0  }
0x67: {  	s3 =	rddreg [dreg:$0x2];
	[bflag:$0x3] =	sbarrier.arrive $0xFFFF;
	s2 =	simm.s32 @!p0 $0x1C05  }
0x68: {  	[timem:s3], [sflag:s2] =	dma.local @!p0 [hbm:s0], s1  }
0x69: {  	s0 =	simm.s32 @!p0 $0x5  }
0x6a: {  	_ =	swait.ge @!p0 [sflag:s0], s1  }
0x6b: {  	s1 =	ssub.s32 @!p0 $0x0, s1;
	[sflag:s0] =	ssyncset.done @!p0 $0x0  }
0x6c: {  	[sflag:s0] =	ssyncadd.s32 @!p0 s1  }
0x6d: {  	[bflag:$0x3] =	sbarrier.arrive $0xFFFF  }
0x6e: {  	_ =	shalt  }

// kernel: kernel.26.cloned.1.call-start
scs
__scs_entry_jumppad:
0x0: {  	(pc) =	sbr.rel $0x88, $3  }
0x1: {  	(tag) =	ssettag $0x0;
	lr =	simm.s32 $0x1  }
0x2: {  	[smem:$0x3F8F] =	sst lr;
	_ =	strace $0xD0000000  }
0x3: {  	_ = 	snop  }
0x4: {  	_ = 	snop  }
0x5: {  	_ = 	snop  }
0x6: {  	_ = 	snop  }
0x7: {  	_ = 	snop  }
__scs_overlays_trampoline_lowered:
0x8: {  	[smem:$0x3F9E] =	sst s0  }
0x9: {  	[smem:$0x3F9F] =	sst s1  }
0xa: {  	[smem:$0x3FA0] =	sst s2  }
0xb: {  	[smem:$0x3FA1] =	sst s3  }
0xc: {  	[smem:$0x3FA2] =	sst s4  }
0xd: {  	[smem:$0x3FA3] =	sst s5  }
0xe: {  	[smem:$0x3FA4] =	sst s6  }
0xf: {  	[smem:$0x3FA5] =	sst s7  }
0x10: {  	[smem:$0x3FA6] =	sst s8  }
0x11: {  	[smem:$0x3FA7] =	sst s9;
	s0 =	simm.s32 @!p0 $0x0  }
0x12: {  	s1 =	sld [smem:$0x3F8D];
	s0 =	simm.s32 @p0 $0x1  }
0x13: {  	[smem:$0x3FA8] =	sst s0;
	s0 =	simm.s32 @!p1 $0x0  }
0x14: {  	s2 =	sld [smem:$0x3F8C];
	s0 =	simm.s32 @p1 $0x1  }
0x15: {  	[smem:$0x3FA9] =	sst s0;
	s0 =	simm.s32 @!p2 $0x0  }
0x16: {  	s3 =	sld [smem:$0x3FDB];
	s0 =	simm.s32 @p2 $0x1  }
0x17: {  	s4 =	simm.s32 $0x1BF5;
	[smem:$0x3FAB] =	sst s0  }
0x18: {  	s0 =	sld [smem:$0x3F8E];
	_ =	swait.ge [sflag:s4], $0x0  }
0x19: {  	s7 =	sld [smem:$0x3F8F]  }
0x1a: {  	s8 =	sadd.s32 $0xFFFFE003, lr  }
0x1b: {  	s9 =	sadd.s32 $0xFFFFFEF7, lr;
	s5 =	simm.s32 $0xFFFFFFFF;
	p2 =	slt.u32 s8, $0xFFFFF086  }
0x1c: {  	p1 =	slt.u32 s9, $0xF7A;
	s5 =	simm.s32 @!p2 $0x0  }
0x1d: {  	s5 =	simm.s32 @p1 $0x1;
	p0 =	seq.s32 s7, s2  }
0x1e: {  	s7 =	smul.u32 @!p0 $0xF7A, s2;
	p2 =	seq.s32 @!p0 s5, $0x0  }
0x1f: {  	s9 =	smul.u32 $0xF7A, s1;
	s8 =	simm.s32 @!p0 $0x1BF5;
	p2 =	por !p2, p0  }
0x20: {  	[sflag:s8] =	ssyncset.s32 @!p0 $0xFFFFF086;
	s6 =	sadd.s32 @!p0 s3, s7;
	s7 =	simm.s32 @!p0 $0x108  }
0x21: {  	s3 =	sadd.s32 s3, s9;
	s6 =	sadd.s32 @!p0 $0x88, s6;
	s7 =	simm.s32 @p2 $0x1082  }
0x22: {  	[simem:s7], [sflag:s8] =	dma.local @!p0 [hbm:s6], $0xF7A  }
0x23: {  	s9 =	sor.u32 $0xD0000000, s2;
	s6 =	simm.s32 $0x108;
	_ =	swait.ge @!p0 [sflag:s8], $0x0  }
0x24: {  	s3 =	sadd.s32 $0x88, s3;
	s6 =	simm.s32 @!p1 $0x1082;
	[sflag:s4] =	ssyncset.s32 $0xFFFFF086  }
0x25: {  	[simem:s6], [sflag:s4] =	dma.local [hbm:s3], $0xF7A  }
0x26: {  	[smem:$0x3F8F] =	sst s1;
	(tag) =	ssettag s2;
	_ =	strace s9  }
0x27: {  	s1 =	sld [smem:$0x3F9F]  }
0x28: {  	s2 =	sld [smem:$0x3FA0]  }
0x29: {  	s4 =	sld [smem:$0x3FA2]  }
0x2a: {  	p0 =	seq.s32 s5, $0x0;
	s5 =	sld [smem:$0x3FA3]  }
0x2b: {  	s6 =	sld [smem:$0x3FA4]  }
0x2c: {  	s7 =	sld [smem:$0x3FA5]  }
0x2d: {  	s3 =	simm.s32 $0x108;
	s8 =	sld [smem:$0x3FA6]  }
0x2e: {  	s3 =	simm.s32 @!p0 $0x1082;
	s9 =	sld [smem:$0x3FA7]  }
0x2f: {  	lr =	sadd.s32 s0, s3;
	s0 =	sld [smem:$0x3F9E]  }
0x30: {  	s3 =	sld [smem:$0x3FA1]  }
0x31: {  	[smem:$0x3FAA] =	sst s10  }
0x32: {  	s10 =	sld [smem:$0x3FA8];
	_ =	sdelay $0x3  }
0x33: {  	p0 =	seq.s32 s10, $0x1;
	s10 =	sld [smem:$0x3FAA];
	_ =	sdelay $0x3  }
0x34: {  	[smem:$0x3FAA] =	sst s10  }
0x35: {  	s10 =	sld [smem:$0x3FA9];
	_ =	sdelay $0x3  }
0x36: {  	p1 =	seq.s32 s10, $0x1;
	s10 =	sld [smem:$0x3FAA];
	_ =	sdelay $0x3  }
0x37: {  	[smem:$0x3FAA] =	sst s10  }
0x38: {  	s10 =	sld [smem:$0x3FAB]  }
0x39: {  	_ = 	snop;
	(pc) =	sbr.ind lr, $3  }
0x3a: {  	_ = 	snop  }
0x3b: {  	_ = 	snop  }
0x3c: {  	p2 =	seq.s32 s10, $0x1;
	s10 =	sld [smem:$0x3FAA]  }
0x3d: {  	_ =	shalt  }
0x3e: {  	_ =	shalt  }
0x3f: {  	_ =	shalt  }
0x40: {  	_ =	shalt  }
0x41: {  	_ =	shalt  }
0x42: {  	_ =	shalt  }
0x43: {  	_ =	shalt  }
0x44: {  	_ =	shalt  }
0x45: {  	_ =	shalt  }
0x46: {  	_ =	shalt  }
0x47: {  	_ =	shalt  }
0x48: {  	_ =	shalt  }
0x49: {  	_ =	shalt  }
0x4a: {  	_ =	shalt  }
0x4b: {  	_ =	shalt  }
0x4c: {  	_ =	shalt  }
0x4d: {  	_ =	shalt  }
0x4e: {  	_ =	shalt  }
0x4f: {  	_ =	shalt  }
0x50: {  	_ =	shalt  }
0x51: {  	_ =	shalt  }
0x52: {  	_ =	shalt  }
0x53: {  	_ =	shalt  }
0x54: {  	_ =	shalt  }
0x55: {  	_ =	shalt  }
0x56: {  	_ =	shalt  }
0x57: {  	_ =	shalt  }
0x58: {  	_ =	shalt  }
0x59: {  	_ =	shalt  }
0x5a: {  	_ =	shalt  }
0x5b: {  	_ =	shalt  }
0x5c: {  	_ =	shalt  }
0x5d: {  	_ =	shalt  }
0x5e: {  	_ =	shalt  }
0x5f: {  	_ =	shalt  }
0x60: {  	_ =	shalt  }
0x61: {  	_ =	shalt  }
0x62: {  	_ =	shalt  }
0x63: {  	_ =	shalt  }
0x64: {  	_ =	shalt  }
0x65: {  	_ =	shalt  }
0x66: {  	_ =	shalt  }
0x67: {  	_ =	shalt  }
0x68: {  	_ =	shalt  }
0x69: {  	_ =	shalt  }
0x6a: {  	_ =	shalt  }
0x6b: {  	_ =	shalt  }
0x6c: {  	_ =	shalt  }
0x6d: {  	_ =	shalt  }
0x6e: {  	_ =	shalt  }
0x6f: {  	_ =	shalt  }
0x70: {  	_ =	shalt  }
0x71: {  	_ =	shalt  }
0x72: {  	_ =	shalt  }
0x73: {  	_ =	shalt  }
0x74: {  	_ =	shalt  }
0x75: {  	_ =	shalt  }
0x76: {  	_ =	shalt  }
0x77: {  	_ =	shalt  }
0x78: {  	_ =	shalt  }
0x79: {  	_ =	shalt  }
0x7a: {  	_ =	shalt  }
0x7b: {  	_ =	shalt  }
0x7c: {  	_ =	shalt  }
0x7d: {  	_ =	shalt  }
0x7e: {  	_ =	shalt  }
0x7f: {  	_ =	shalt  }
0x80: {  	_ =	shalt  }
0x81: {  	_ =	shalt  }
0x82: {  	_ =	shalt  }
0x83: {  	_ =	shalt  }
0x84: {  	_ =	shalt  }
0x85: {  	_ =	shalt  }
0x86: {  	_ =	shalt  }
0x87: {  	_ =	shalt  }
.Lfunc_end0:
.L_simem_size_0:
called_computation.2_lowered:
.L_overlay_start_0:
0x88: {  	s2 =	sld [smem:$0x3FD9]  }
0x89: {  	s3 =	sld [smem:$0x3FFE];
	_ =	sdelay $0x1  }
0x8a: {  	s1 =	srdreg.scid  }
0x8b: {  	s0 =	sand.u32 $0x1, s1  }
0x8c: {  	s17 =	sshll.u32 s0, $0xA;
	s2 =	sadd.s32 s3, s2  }
0x8d: {  	s2 =	sadd.s32 s2, s17  }
0x8e: {  	[smem:$0x3FB6] =	sst s2  }
0x8f: {  	_ = 	snop  }
0x90: {  	s2 =	sld [smem:$0x3FD0];
	(tm) =	ssettm $0x1  }
0x91: {  	s18 =	sld [smem:$0x3FFB];
	_ =	sdelay $0x3  }
0x92: {  	_ =	strace s18  }
0x93: {  	s3 =	sld [smem:$0x3FFC];
	_ =	sdelay $0x3  }
0x94: {  	_ =	strace s3  }
0x95: {  	s3 =	sld [smem:$0x3FFD];
	_ =	sdelay $0x3  }
0x96: {  	_ =	strace s3  }
0x97: {  	_ =	strace $0x8FFFFFFF  }
0x98: {  	s19 =	sld [smem:$0x3FDB];
	_ =	sdelay $0x1  }
0x99: {  	s4 =	simm.s32 $_scs_section_size  }
0x9a: {  	s5 =	simm.s32 $_size__tile_overlayer_lowered;
	s6 =	simm.s32 $_tile_overlayer_lowered  }
0x9b: {  	s22 =	simm.s32 $0x1BFF;
	s21 =	sshll.u32 s6, $0x1;
	s3 =	sadd.s32 s4, s19  }
0x9c: {  	s7 =	simm.s32 $0x0;
	s20 =	sshll.u32 s5, $0x1;
	s5 =	sadd.s32 s21, s3  }
0x9d: {  	[timem:s7], [sflag:s22] =	dma.local [hbm:s5], s20  }
0x9e: {  	_ =	swait.ge [sflag:s22], s20  }
0x9f: {  	s4 =	ssub.s32 $0x0, s20;
	[sflag:s22] =	ssyncset.done $0x0  }
0xa0: {  	[sflag:s22] =	ssyncadd.s32 s4;
	_ =	sdelay $0x1  }
0xa1: {  	s23 =	simm.s32 $0x1B8B  }
0xa2: {  	_ =	swait.ge [sflag:s23], $0x1  }
0xa3: {  	[sflag:s23] =	ssyncset.done $0x0  }
0xa4: {  	s25 =	simm.s32 $0x1B8E;
	s24 =	sld [smem:$0x3FFE];
	[sflag:s23] =	ssyncadd.s32 $0xFFFFFFFF  }
0xa5: {  	s26 =	simm.s32 $execute0_lowered;
	[smem:$0x3FD2] =	sst s25  }
0xa6: {  	s5 =	sshll.u32 s26, $0x1;
	_ =	strace $0x8000004C;
	[dreg:$0x1] =	wrdreg $0xFFFFFFFF  }
0xa7: {  	s28 =	simm.s32 $_size_execute0_lowered;
	s3 =	sadd.s32 s3, s5;
	[dreg:$0x0] =	wrdreg $0x0  }
0xa8: {  	s5 =	sshll.u32 s28, $0x1;
	[dreg:$0x2] =	wrdreg s3  }
0xa9: {  	[dreg:$0x3] =	wrdreg s5  }
0xaa: {  	[dreg:$0x4] =	wrdreg $0xC0  }
0xab: {  	_ =	task [dreg:s7], $0x5FFFF  }
0xac: {  	[dreg:$0x1] =	wrdreg $0xFFFFFFFF  }
0xad: {  	[dreg:$0x0] =	wrdreg $0x60  }
0xae: {  	[dreg:$0x2] =	wrdreg s24  }
0xaf: {  	[dreg:$0x3] =	wrdreg s2  }
0xb0: {  	[dreg:$0x4] =	wrdreg $0xB7800  }
0xb1: {  	[dreg:$0x5] =	wrdreg $0x9  }
0xb2: {  	_ =	task.clear_ibuf [dreg:s7], $0x6FFFF;
	_ =	strace $0x9000004C  }
0xb3: {  	s29 =	simm.s32 $0x9;
	_ =	strace $0x8000004E  }
0xb4: {  	_ =	swait.ge [sflag:s29], $0x1  }
0xb5: {  	[sflag:s29] =	ssyncadd.s32 $0xFFFFFFFF  }
0xb6: {  	_ =	strace $0x9000004E  }
0xb7: {  	_ =	sfence  }
0xb8: {  	s30 =	sld [smem:$0x0];
	_ =	sdelay $0x2  }
0xb9: {  	s31 =	sshll.u32 s1, $0xD;
	s1 =	sshrl.u32 s1, $0x2  }
0xba: {  	s3 =	sand.u32 $0x4000, s31;
	s1 =	sadd.s32 s1, s30  }
0xbb: {  	s0 =	sor.u32 s3, s0;
	s1 =	sshll.u32 s1, $0x11  }
0xbc: {  	s0 =	sor.u32 s1, s0  }
0xbd: {  	s0 =	sadd.s32 $0x8F2B, s0  }
0xbe: {  	[sflag:s0] =	ssyncadd.remote.s32 $0x1  }
0xbf: {  	_ =	sfence.sel $0xFFFF  }
0xc0: {  	[dreg:$0x0] =	wrdreg $0xFFFFFFFF;
	(pc) =	sbr.abs _section_cstart, $3  }
0xc1: {  	[dreg:$0x1] =	wrdreg $0xFFFFFFFF  }
0xc2: {  	_ =	task.clear_ibuf [dreg:s7], $0x2FFFF;
	_ =	strace $0x9FFFFFFF  }
0xc3: {  	(tm) =	ssettm $0x7FFFFFFF  }
tec
execute0_lowered:
.L_overlay_start_1:
0x0: {  	(tag) =	ssettag $0x1  }
0x1: {  	s6 =	rddreg [dreg:$0x0]  }
0x2: {  	s7 =	rddreg [dreg:$0x1]  }
0x3: {  	s1 =	rddreg [dreg:$0x2]  }
0x4: {  	s2 =	srdreg.scid;
	s0 =	rddreg [dreg:$0x3]  }
0x5: {  	s3 =	simm.s32 $0x0;
	s14 =	simm.s32 $0x50;
	s15 =	simm.s32 $0x6780  }
0x6: {  	s16 =	simm.s32 $0x1;
	s17 =	simm.s32 $0x8F80;
	s18 =	simm.s32 $0x2  }
0x7: {  	s19 =	simm.s32 $0x2800;
	s20 =	simm.s32 $0x3;
	s21 =	simm.s32 $0xA0  }
0x8: {  	s22 =	simm.s32 $0x4;
	s8 =	sand.u32 $0x1, s2;
	s2 =	stileid.u32  }
0x9: {  	s23 =	simm.s32 $0x6580;
	s24 =	simm.s32 $0x0;
	s10 =	smul.u32 $0x2800, s2  }
0xa: {  	[smem:$0x7FF] =	sst s3;
	s4 =	sshll.u32 s8, $0x4;
	s12 =	smul.u32 $0x28000, s8  }
0xb: {  	_ =	strace $0x8000004D;
	s8 =	ssub.s32 $0x2, s8;
	s13 =	smul.u32 $0x50000, s2  }
0xc: {  	s31 =	sshll.u32 s2, $0x6;
	s9 =	sor.u32 s2, s4;
	s4 =	sadd.s32 $0x1A800, s6  }
0xd: {  	s29 =	sshrl.u32 s8, $0x1;
	s5 =	sshll.u32 s9, $0xB;
	s10 =	sadd.s32 s10, s12  }
0xe: {  	s9 =	smul.u32 $0x4E2, s9;
	s12 =	ssub.s32 s8, s29;
	s30 =	sshrl.u32 s13, $0x2  }
0xf: {  	s11 =	sadd.s32 s5, s6;
	s5 =	sadd.s32 $0x18000, s6;
	s10 =	sadd.s32 s10, s6  }
0x10: {  	s13 =	sadd.s32 s30, s1;
	s6 =	sadd.s32 s7, s9;
	s7 =	sadd.s32 $0x8000, s11  }
0x11: {  	s8 =	sadd.s32 $0x8FE00, s10;
	s9 =	smax.u32 s12, $0x1;
	s10 =	simm.s32 $0x5  }
0x12: {  	s11 =	simm.s32 $0x2780;
	s12 =	sor.u32 $0x1C05, s31;
	s13 =	sshrl.u32 s13, $0x3  }
.LBB2_1:
0x13: {  	[tilespmem:s3], [sflag:$0x5] =	stream.linear.gather [hbm4b:s6+s3], $0x2710, $0x38;
	[tilespmem:$0x1F780] =	vst v63  }
0x14: {  	_ =	swait.ge [sflag:s10], $0x2710  }
0x15: {  	[sflag:s10] =	ssyncset.done $0x0  }
0x16: {  	[sflag:s10] =	ssyncadd.s32 $0xFFFFD8F0  }
0x17: {  	[tilespmem:s11], [sflag:$0x5] =	stream.linear.gather [hbm4b:s7+s3], $0x3E80, $0x38;
	[tilespmem:$0x1F780] =	vst v63  }
0x18: {  	_ =	swait.ge [sflag:s10], $0x3E80  }
0x19: {  	[sflag:s10] =	ssyncset.done $0x0  }
0x1a: {  	[sflag:s10] =	ssyncadd.s32 $0xFFFFC180  }
0x1b: {  	[spmem:s13], [sflag:s12] =	dma.local [hbm:s5], $0x2800  }
0x1c: {  	_ =	swait.ge [sflag:s10], $0x2800  }
0x1d: {  	[sflag:s10] =	ssyncset.done $0x0  }
0x1e: {  	[sflag:s10] =	ssyncadd.s32 $0xFFFFD800  }
0x1f: {  	[bflag:$0x0] =	sbarrier.arrive $0xFFFF  }
0x20: {  	[tilespmem:s15], [sflag:$0x1] =	stream.indirect.gather [hbm4b:s4+s14], $0x80, s3, s14, $0xb8;
	[tilespmem:$0x1F780] =	vst v63  }
0x21: {  	_ =	swait.ge [sflag:s16], $0x2800  }
0x22: {  	[sflag:s16] =	ssyncset.done $0x0  }
0x23: {  	[sflag:s16] =	ssyncadd.s32 $0xFFFFD800  }
0x24: {  	[spmem:s1] =	stream.indirect.scatter.add.f32 [tilespmem:s15], [sflag:$0x3], $0x80, s11, s14, $0xb8;
	[tilespmem:$0x1F780] =	vst v63  }
0x25: {  	_ = 	snop  }
0x26: {  	[tilespmem:s17], [sflag:$0x2] =	stream.indirect.gather [hbm4b:s4+s14], $0x80, s14, s14, $0xb8;
	[tilespmem:$0x1F780] =	vst v63  }
0x27: {  	_ =	swait.ge [sflag:s18], $0x2800  }
0x28: {  	[sflag:s18] =	ssyncset.done $0x0  }
0x29: {  	[sflag:s18] =	ssyncadd.s32 $0xFFFFD800  }
0x2a: {  	[spmem:s1] =	stream.indirect.scatter.add.f32 [tilespmem:s17], [sflag:$0x4], $0x80, s19, s14, $0xb8;
	[tilespmem:$0x1F780] =	vst v63  }
0x2b: {  	_ =	swait.ge [sflag:s20], $0x2800  }
0x2c: {  	[sflag:s20] =	ssyncset.done $0x0  }
0x2d: {  	[sflag:s20] =	ssyncadd.s32 $0xFFFFD800  }
0x2e: {  	[tilespmem:s15], [sflag:$0x1] =	stream.indirect.gather [hbm4b:s4+s14], $0x80, s21, s14, $0xb8;
	[tilespmem:$0x1F780] =	vst v63  }
0x2f: {  	_ =	swait.ge [sflag:s16], $0x2800  }
0x30: {  	[sflag:s16] =	ssyncset.done $0x0  }
0x31: {  	s25 =	simm.s32 $0x2880;
	[sflag:s16] =	ssyncadd.s32 $0xFFFFD800  }
0x32: {  	[spmem:s1] =	stream.indirect.scatter.add.f32 [tilespmem:s15], [sflag:$0x3], $0x80, s25, s14, $0xb8;
	[tilespmem:$0x1F780] =	vst v63  }
0x33: {  	_ =	swait.ge [sflag:s22], $0x2800  }
0x34: {  	[sflag:s22] =	ssyncset.done $0x0  }
0x35: {  	s30 =	simm.s32 $0xF0;
	[sflag:s22] =	ssyncadd.s32 $0xFFFFD800  }
0x36: {  	[tilespmem:s17], [sflag:$0x2] =	stream.indirect.gather [hbm4b:s4+s14], $0x80, s30, s14, $0xb8;
	[tilespmem:$0x1F780] =	vst v63  }
0x37: {  	_ =	swait.ge [sflag:s18], $0x2800  }
0x38: {  	[sflag:s18] =	ssyncset.done $0x0  }
0x39: {  	s31 =	simm.s32 $0x2900;
	[sflag:s18] =	ssyncadd.s32 $0xFFFFD800  }
0x3a: {  	[spmem:s1] =	stream.indirect.scatter.add.f32 [tilespmem:s17], [sflag:$0x4], $0x80, s31, s14, $0xb8;
	[tilespmem:$0x1F780] =	vst v63  }
0x3b: {  	_ =	swait.ge [sflag:s20], $0x2800  }
0x3c: {  	s28 =	simm.s32 $0x140;
	[sflag:s20] =	ssyncset.done $0x0  }
0x3d: {  	s26 =	simm.s32 $0x190;
	s25 =	simm.s32 $0xFFFF1000;
	[sflag:s20] =	ssyncadd.s32 $0xFFFFD800  }
.LBB2_2:
0x3e: {  	[tilespmem:s15], [sflag:$0x1] =	stream.indirect.gather [hbm4b:s4+s14], $0x80, s28, s14, $0xb8;
	[tilespmem:$0x1F780] =	vst v63  }
0x3f: {  	s28 =	smov.u32 s25  }
0x40: {  	p0 =	sne.s32 s25, $0xFFFFFC00;
	s25 =	sadd.s32 $0x400, s25;
	_ =	swait.ge [sflag:s16], $0x2800  }
0x41: {  	s28 =	sshra.s32 s28, $0x2;
	[sflag:s16] =	ssyncset.done $0x0  }
0x42: {  	s29 =	sadd.s32 $0x6580, s28;
	[sflag:s16] =	ssyncadd.s32 $0xFFFFD800  }
0x43: {  	[spmem:s1] =	stream.indirect.scatter.add.f32 [tilespmem:s15], [sflag:$0x3], $0x80, s29, s14, $0xb8;
	[tilespmem:$0x1F780] =	vst v63  }
0x44: {  	_ =	swait.ge [sflag:s22], $0x2800  }
0x45: {  	[sflag:s22] =	ssyncset.done $0x0  }
0x46: {  	[sflag:s22] =	ssyncadd.s32 $0xFFFFD800  }
0x47: {  	[tilespmem:s17], [sflag:$0x2] =	stream.indirect.gather [hbm4b:s4+s14], $0x80, s26, s14, $0xb8;
	[tilespmem:$0x1F780] =	vst v63  }
0x48: {  	_ =	swait.ge [sflag:s18], $0x2800  }
0x49: {  	[sflag:s18] =	ssyncset.done $0x0  }
.Ltmp0:
0x4a: {  	s28 =	sadd.s32 $0x6600, s28;
	[sflag:s18] =	ssyncadd.s32 $0xFFFFD800;
	(pc) =	sbr.rel @p0 .LBB2_2-.Ltmp0, $4  }
0x4b: {  	[spmem:s1] =	stream.indirect.scatter.add.f32 [tilespmem:s17], [sflag:$0x4], $0x80, s28, s14, $0xb8;
	[tilespmem:$0x1F780] =	vst v63  }
0x4c: {  	_ =	swait.ge [sflag:s20], $0x2800  }
0x4d: {  	[sflag:s20] =	ssyncset.done $0x0  }
0x4e: {  	s28 =	sadd.s32 $0x50, s26;
	s26 =	sadd.s32 $0xA0, s26;
	[sflag:s20] =	ssyncadd.s32 $0xFFFFD800  }
0x4f: {  	[tilespmem:s15], [sflag:$0x1] =	stream.indirect.gather [hbm4b:s4+s14], $0x80, s28, s14, $0xb8;
	[tilespmem:$0x1F780] =	vst v63  }
0x50: {  	_ =	swait.ge [sflag:s16], $0x2800  }
0x51: {  	[sflag:s16] =	ssyncset.done $0x0  }
0x52: {  	[sflag:s16] =	ssyncadd.s32 $0xFFFFD800  }
0x53: {  	[spmem:s1] =	stream.indirect.scatter.add.f32 [tilespmem:s15], [sflag:$0x3], $0x80, s23, s14, $0xb8;
	[tilespmem:$0x1F780] =	vst v63  }
0x54: {  	_ =	swait.ge [sflag:s20], $0x2800  }
0x55: {  	[sflag:s20] =	ssyncset.done $0x0  }
0x56: {  	[sflag:s20] =	ssyncadd.s32 $0xFFFFD800  }
0x57: {  	_ =	swait.ge [sflag:s22], $0x2800  }
0x58: {  	s24 =	sadd.s32 $0x1, s24;
	[sflag:s22] =	ssyncset.done $0x0  }
0x59: {  	p0 =	sne.s32 s24, s9;
	[sflag:s22] =	ssyncadd.s32 $0xFFFFD800  }
.Ltmp1:
0x5a: {  	[bflag:$0x0] =	sbarrier.arrive $0xFFFF;
	(pc) =	sbr.rel @p0 .LBB2_1-.Ltmp1, $4  }
0x5b: {  	[hbm:s8], [sflag:s12] =	dma.local [spmem:s13], $0x2800  }
0x5c: {  	_ =	swait.ge [sflag:s10], $0x2800  }
0x5d: {  	[sflag:s10] =	ssyncset.done $0x0  }
0x5e: {  	[sflag:s10] =	ssyncadd.s32 $0xFFFFD800  }
0x5f: {  	_ =	sfence.sel $0x180000  }
0x60: {  	[bflag:$0x0] =	sbarrier.arrive $0xFFFF  }
0x61: {  	p0 =	sne.s32 s2, $0x0;
	_ =	strace $0x9000004D  }
0x62: {  	s0 =	sadd.s32 @!p0 $0x100000, s0;
	[bflag:$0x2] =	sbarrier.arrive $0xFFFF  }
0x63: {  	[sflag:s0] =	ssyncadd.tile.s32 @!p0 $0x1;
	_ =	shalt  }
.Lfunc_end2:
_tile_overlayer_lowered:
.L_overlay_start_2:
0x64: {  	(tag) =	ssettag $0x2  }
0x65: {  	s0 =	rddreg [dreg:$0x0];
	s2 =	stileid.u32  }
0x66: {  	s1 =	rddreg [dreg:$0x1];
	p0 =	sne.s32 s2, $0x0  }
0x67: {  	s3 =	rddreg [dreg:$0x2];
	[bflag:$0x3] =	sbarrier.arrive $0xFFFF;
	s2 =	simm.s32 @!p0 $0x1C05  }
0x68: {  	[timem:s3], [sflag:s2] =	dma.local @!p0 [hbm:s0], s1  }
0x69: {  	s0 =	simm.s32 @!p0 $0x5  }
0x6a: {  	_ =	swait.ge @!p0 [sflag:s0], s1  }
0x6b: {  	s1 =	ssub.s32 @!p0 $0x0, s1;
	[sflag:s0] =	ssyncset.done @!p0 $0x0  }
0x6c: {  	[sflag:s0] =	ssyncadd.s32 @!p0 s1  }
0x6d: {  	[bflag:$0x3] =	sbarrier.arrive $0xFFFF  }
0x6e: {  	_ =	shalt  }

// kernel: kernel.29.cloned.1.call-start
scs
__scs_entry_jumppad:
0x0: {  	(pc) =	sbr.rel $0x88, $3  }
0x1: {  	(tag) =	ssettag $0x0;
	lr =	simm.s32 $0x1  }
0x2: {  	[smem:$0x3F8F] =	sst lr;
	_ =	strace $0xD0000000  }
0x3: {  	_ = 	snop  }
0x4: {  	_ = 	snop  }
0x5: {  	_ = 	snop  }
0x6: {  	_ = 	snop  }
0x7: {  	_ = 	snop  }
__scs_overlays_trampoline_lowered:
0x8: {  	[smem:$0x3F9E] =	sst s0  }
0x9: {  	[smem:$0x3F9F] =	sst s1  }
0xa: {  	[smem:$0x3FA0] =	sst s2  }
0xb: {  	[smem:$0x3FA1] =	sst s3  }
0xc: {  	[smem:$0x3FA2] =	sst s4  }
0xd: {  	[smem:$0x3FA3] =	sst s5  }
0xe: {  	[smem:$0x3FA4] =	sst s6  }
0xf: {  	[smem:$0x3FA5] =	sst s7  }
0x10: {  	[smem:$0x3FA6] =	sst s8  }
0x11: {  	[smem:$0x3FA7] =	sst s9;
	s0 =	simm.s32 @!p0 $0x0  }
0x12: {  	s1 =	sld [smem:$0x3F8D];
	s0 =	simm.s32 @p0 $0x1  }
0x13: {  	[smem:$0x3FA8] =	sst s0;
	s0 =	simm.s32 @!p1 $0x0  }
0x14: {  	s2 =	sld [smem:$0x3F8C];
	s0 =	simm.s32 @p1 $0x1  }
0x15: {  	[smem:$0x3FA9] =	sst s0;
	s0 =	simm.s32 @!p2 $0x0  }
0x16: {  	s3 =	sld [smem:$0x3FDB];
	s0 =	simm.s32 @p2 $0x1  }
0x17: {  	s4 =	simm.s32 $0x1BF5;
	[smem:$0x3FAB] =	sst s0  }
0x18: {  	s0 =	sld [smem:$0x3F8E];
	_ =	swait.ge [sflag:s4], $0x0  }
0x19: {  	s7 =	sld [smem:$0x3F8F]  }
0x1a: {  	s8 =	sadd.s32 $0xFFFFE003, lr  }
0x1b: {  	s9 =	sadd.s32 $0xFFFFFEF7, lr;
	s5 =	simm.s32 $0xFFFFFFFF;
	p2 =	slt.u32 s8, $0xFFFFF086  }
0x1c: {  	p1 =	slt.u32 s9, $0xF7A;
	s5 =	simm.s32 @!p2 $0x0  }
0x1d: {  	s5 =	simm.s32 @p1 $0x1;
	p0 =	seq.s32 s7, s2  }
0x1e: {  	s7 =	smul.u32 @!p0 $0xF7A, s2;
	p2 =	seq.s32 @!p0 s5, $0x0  }
0x1f: {  	s9 =	smul.u32 $0xF7A, s1;
	s8 =	simm.s32 @!p0 $0x1BF5;
	p2 =	por !p2, p0  }
0x20: {  	[sflag:s8] =	ssyncset.s32 @!p0 $0xFFFFF086;
	s6 =	sadd.s32 @!p0 s3, s7;
	s7 =	simm.s32 @!p0 $0x108  }
0x21: {  	s3 =	sadd.s32 s3, s9;
	s6 =	sadd.s32 @!p0 $0x88, s6;
	s7 =	simm.s32 @p2 $0x1082  }
0x22: {  	[simem:s7], [sflag:s8] =	dma.local @!p0 [hbm:s6], $0xF7A  }
0x23: {  	s9 =	sor.u32 $0xD0000000, s2;
	s6 =	simm.s32 $0x108;
	_ =	swait.ge @!p0 [sflag:s8], $0x0  }
0x24: {  	s3 =	sadd.s32 $0x88, s3;
	s6 =	simm.s32 @!p1 $0x1082;
	[sflag:s4] =	ssyncset.s32 $0xFFFFF086  }
0x25: {  	[simem:s6], [sflag:s4] =	dma.local [hbm:s3], $0xF7A  }
0x26: {  	[smem:$0x3F8F] =	sst s1;
	(tag) =	ssettag s2;
	_ =	strace s9  }
0x27: {  	s1 =	sld [smem:$0x3F9F]  }
0x28: {  	s2 =	sld [smem:$0x3FA0]  }
0x29: {  	s4 =	sld [smem:$0x3FA2]  }
0x2a: {  	p0 =	seq.s32 s5, $0x0;
	s5 =	sld [smem:$0x3FA3]  }
0x2b: {  	s6 =	sld [smem:$0x3FA4]  }
0x2c: {  	s7 =	sld [smem:$0x3FA5]  }
0x2d: {  	s3 =	simm.s32 $0x108;
	s8 =	sld [smem:$0x3FA6]  }
0x2e: {  	s3 =	simm.s32 @!p0 $0x1082;
	s9 =	sld [smem:$0x3FA7]  }
0x2f: {  	lr =	sadd.s32 s0, s3;
	s0 =	sld [smem:$0x3F9E]  }
0x30: {  	s3 =	sld [smem:$0x3FA1]  }
0x31: {  	[smem:$0x3FAA] =	sst s10  }
0x32: {  	s10 =	sld [smem:$0x3FA8];
	_ =	sdelay $0x3  }
0x33: {  	p0 =	seq.s32 s10, $0x1;
	s10 =	sld [smem:$0x3FAA];
	_ =	sdelay $0x3  }
0x34: {  	[smem:$0x3FAA] =	sst s10  }
0x35: {  	s10 =	sld [smem:$0x3FA9];
	_ =	sdelay $0x3  }
0x36: {  	p1 =	seq.s32 s10, $0x1;
	s10 =	sld [smem:$0x3FAA];
	_ =	sdelay $0x3  }
0x37: {  	[smem:$0x3FAA] =	sst s10  }
0x38: {  	s10 =	sld [smem:$0x3FAB]  }
0x39: {  	_ = 	snop;
	(pc) =	sbr.ind lr, $3  }
0x3a: {  	_ = 	snop  }
0x3b: {  	_ = 	snop  }
0x3c: {  	p2 =	seq.s32 s10, $0x1;
	s10 =	sld [smem:$0x3FAA]  }
0x3d: {  	_ =	shalt  }
0x3e: {  	_ =	shalt  }
0x3f: {  	_ =	shalt  }
0x40: {  	_ =	shalt  }
0x41: {  	_ =	shalt  }
0x42: {  	_ =	shalt  }
0x43: {  	_ =	shalt  }
0x44: {  	_ =	shalt  }
0x45: {  	_ =	shalt  }
0x46: {  	_ =	shalt  }
0x47: {  	_ =	shalt  }
0x48: {  	_ =	shalt  }
0x49: {  	_ =	shalt  }
0x4a: {  	_ =	shalt  }
0x4b: {  	_ =	shalt  }
0x4c: {  	_ =	shalt  }
0x4d: {  	_ =	shalt  }
0x4e: {  	_ =	shalt  }
0x4f: {  	_ =	shalt  }
0x50: {  	_ =	shalt  }
0x51: {  	_ =	shalt  }
0x52: {  	_ =	shalt  }
0x53: {  	_ =	shalt  }
0x54: {  	_ =	shalt  }
0x55: {  	_ =	shalt  }
0x56: {  	_ =	shalt  }
0x57: {  	_ =	shalt  }
0x58: {  	_ =	shalt  }
0x59: {  	_ =	shalt  }
0x5a: {  	_ =	shalt  }
0x5b: {  	_ =	shalt  }
0x5c: {  	_ =	shalt  }
0x5d: {  	_ =	shalt  }
0x5e: {  	_ =	shalt  }
0x5f: {  	_ =	shalt  }
0x60: {  	_ =	shalt  }
0x61: {  	_ =	shalt  }
0x62: {  	_ =	shalt  }
0x63: {  	_ =	shalt  }
0x64: {  	_ =	shalt  }
0x65: {  	_ =	shalt  }
0x66: {  	_ =	shalt  }
0x67: {  	_ =	shalt  }
0x68: {  	_ =	shalt  }
0x69: {  	_ =	shalt  }
0x6a: {  	_ =	shalt  }
0x6b: {  	_ =	shalt  }
0x6c: {  	_ =	shalt  }
0x6d: {  	_ =	shalt  }
0x6e: {  	_ =	shalt  }
0x6f: {  	_ =	shalt  }
0x70: {  	_ =	shalt  }
0x71: {  	_ =	shalt  }
0x72: {  	_ =	shalt  }
0x73: {  	_ =	shalt  }
0x74: {  	_ =	shalt  }
0x75: {  	_ =	shalt  }
0x76: {  	_ =	shalt  }
0x77: {  	_ =	shalt  }
0x78: {  	_ =	shalt  }
0x79: {  	_ =	shalt  }
0x7a: {  	_ =	shalt  }
0x7b: {  	_ =	shalt  }
0x7c: {  	_ =	shalt  }
0x7d: {  	_ =	shalt  }
0x7e: {  	_ =	shalt  }
0x7f: {  	_ =	shalt  }
0x80: {  	_ =	shalt  }
0x81: {  	_ =	shalt  }
0x82: {  	_ =	shalt  }
0x83: {  	_ =	shalt  }
0x84: {  	_ =	shalt  }
0x85: {  	_ =	shalt  }
0x86: {  	_ =	shalt  }
0x87: {  	_ =	shalt  }
.Lfunc_end0:
.L_simem_size_0:
called_computation.3_lowered:
.L_overlay_start_0:
0x88: {  	s2 =	sld [smem:$0x3FD9]  }
0x89: {  	s3 =	sld [smem:$0x3FFE];
	_ =	sdelay $0x1  }
0x8a: {  	s1 =	srdreg.scid  }
0x8b: {  	s0 =	sand.u32 $0x1, s1  }
0x8c: {  	s17 =	sshll.u32 s0, $0xA;
	s2 =	sadd.s32 s3, s2  }
0x8d: {  	s2 =	sadd.s32 s2, s17  }
0x8e: {  	[smem:$0x3FB6] =	sst s2  }
0x8f: {  	_ = 	snop  }
0x90: {  	s2 =	sld [smem:$0x3FD0];
	(tm) =	ssettm $0x1  }
0x91: {  	s18 =	sld [smem:$0x3FFB];
	_ =	sdelay $0x3  }
0x92: {  	_ =	strace s18  }
0x93: {  	s3 =	sld [smem:$0x3FFC];
	_ =	sdelay $0x3  }
0x94: {  	_ =	strace s3  }
0x95: {  	s3 =	sld [smem:$0x3FFD];
	_ =	sdelay $0x3  }
0x96: {  	_ =	strace s3  }
0x97: {  	_ =	strace $0x8FFFFFFF  }
0x98: {  	s19 =	sld [smem:$0x3FDB];
	_ =	sdelay $0x1  }
0x99: {  	s4 =	simm.s32 $_scs_section_size  }
0x9a: {  	s5 =	simm.s32 $_size__tile_overlayer_lowered;
	s6 =	simm.s32 $_tile_overlayer_lowered  }
0x9b: {  	s22 =	simm.s32 $0x1BFF;
	s21 =	sshll.u32 s6, $0x1;
	s3 =	sadd.s32 s4, s19  }
0x9c: {  	s7 =	simm.s32 $0x0;
	s20 =	sshll.u32 s5, $0x1;
	s5 =	sadd.s32 s21, s3  }
0x9d: {  	[timem:s7], [sflag:s22] =	dma.local [hbm:s5], s20  }
0x9e: {  	_ =	swait.ge [sflag:s22], s20  }
0x9f: {  	s4 =	ssub.s32 $0x0, s20;
	[sflag:s22] =	ssyncset.done $0x0  }
0xa0: {  	[sflag:s22] =	ssyncadd.s32 s4;
	_ =	sdelay $0x1  }
0xa1: {  	s23 =	simm.s32 $0x1B8B  }
0xa2: {  	_ =	swait.ge [sflag:s23], $0x1  }
0xa3: {  	[sflag:s23] =	ssyncset.done $0x0  }
0xa4: {  	s25 =	simm.s32 $0x1B8E;
	s24 =	sld [smem:$0x3FFE];
	[sflag:s23] =	ssyncadd.s32 $0xFFFFFFFF  }
0xa5: {  	s26 =	simm.s32 $execute0_lowered;
	[smem:$0x3FD2] =	sst s25  }
0xa6: {  	s5 =	sshll.u32 s26, $0x1;
	_ =	strace $0x8000004F;
	[dreg:$0x1] =	wrdreg $0xFFFFFFFF  }
0xa7: {  	s28 =	simm.s32 $_size_execute0_lowered;
	s3 =	sadd.s32 s3, s5;
	[dreg:$0x0] =	wrdreg $0x0  }
0xa8: {  	s5 =	sshll.u32 s28, $0x1;
	[dreg:$0x2] =	wrdreg s3  }
0xa9: {  	[dreg:$0x3] =	wrdreg s5  }
0xaa: {  	[dreg:$0x4] =	wrdreg $0xC0  }
0xab: {  	_ =	task [dreg:s7], $0x5FFFF  }
0xac: {  	[dreg:$0x1] =	wrdreg $0xFFFFFFFF  }
0xad: {  	[dreg:$0x0] =	wrdreg $0x60  }
0xae: {  	[dreg:$0x2] =	wrdreg s24  }
0xaf: {  	[dreg:$0x3] =	wrdreg s2  }
0xb0: {  	[dreg:$0x4] =	wrdreg $0xB7800  }
0xb1: {  	[dreg:$0x5] =	wrdreg $0x9  }
0xb2: {  	_ =	task.clear_ibuf [dreg:s7], $0x6FFFF;
	_ =	strace $0x9000004F  }
0xb3: {  	s29 =	simm.s32 $0x9;
	_ =	strace $0x80000051  }
0xb4: {  	_ =	swait.ge [sflag:s29], $0x1  }
0xb5: {  	[sflag:s29] =	ssyncadd.s32 $0xFFFFFFFF  }
0xb6: {  	_ =	strace $0x90000051  }
0xb7: {  	_ =	sfence  }
0xb8: {  	s30 =	sld [smem:$0x0];
	_ =	sdelay $0x2  }
0xb9: {  	s31 =	sshll.u32 s1, $0xD;
	s1 =	sshrl.u32 s1, $0x2  }
0xba: {  	s3 =	sand.u32 $0x4000, s31;
	s1 =	sadd.s32 s1, s30  }
0xbb: {  	s0 =	sor.u32 s3, s0;
	s1 =	sshll.u32 s1, $0x11  }
0xbc: {  	s0 =	sor.u32 s1, s0  }
0xbd: {  	s0 =	sadd.s32 $0x8F2B, s0  }
0xbe: {  	[sflag:s0] =	ssyncadd.remote.s32 $0x1  }
0xbf: {  	_ =	sfence.sel $0xFFFF  }
0xc0: {  	[dreg:$0x0] =	wrdreg $0xFFFFFFFF;
	(pc) =	sbr.abs _section_cstart, $3  }
0xc1: {  	[dreg:$0x1] =	wrdreg $0xFFFFFFFF  }
0xc2: {  	_ =	task.clear_ibuf [dreg:s7], $0x2FFFF;
	_ =	strace $0x9FFFFFFF  }
0xc3: {  	(tm) =	ssettm $0x7FFFFFFF  }
tec
execute0_lowered:
.L_overlay_start_1:
0x0: {  	(tag) =	ssettag $0x1  }
0x1: {  	s6 =	rddreg [dreg:$0x0]  }
0x2: {  	s7 =	rddreg [dreg:$0x1]  }
0x3: {  	s1 =	rddreg [dreg:$0x2]  }
0x4: {  	s2 =	srdreg.scid;
	s0 =	rddreg [dreg:$0x3]  }
0x5: {  	s3 =	simm.s32 $0x0;
	s14 =	simm.s32 $0x50;
	s15 =	simm.s32 $0x6780  }
0x6: {  	s16 =	simm.s32 $0x1;
	s17 =	simm.s32 $0x8F80;
	s18 =	simm.s32 $0x2  }
0x7: {  	s19 =	simm.s32 $0x2800;
	s20 =	simm.s32 $0x3;
	s21 =	simm.s32 $0xA0  }
0x8: {  	s22 =	simm.s32 $0x4;
	s8 =	sand.u32 $0x1, s2;
	s2 =	stileid.u32  }
0x9: {  	s23 =	simm.s32 $0x6580;
	s24 =	simm.s32 $0x0;
	s10 =	smul.u32 $0x2800, s2  }
0xa: {  	[smem:$0x7FF] =	sst s3;
	s4 =	sshll.u32 s8, $0x4;
	s12 =	smul.u32 $0x28000, s8  }
0xb: {  	_ =	strace $0x80000050;
	s8 =	ssub.s32 $0x2, s8;
	s13 =	smul.u32 $0x50000, s2  }
0xc: {  	s31 =	sshll.u32 s2, $0x6;
	s9 =	sor.u32 s2, s4;
	s4 =	sadd.s32 $0x1A800, s6  }
0xd: {  	s29 =	sshrl.u32 s8, $0x1;
	s5 =	sshll.u32 s9, $0xB;
	s10 =	sadd.s32 s10, s12  }
0xe: {  	s9 =	smul.u32 $0x4E2, s9;
	s12 =	ssub.s32 s8, s29;
	s30 =	sshrl.u32 s13, $0x2  }
0xf: {  	s11 =	sadd.s32 s5, s6;
	s5 =	sadd.s32 $0x18000, s6;
	s10 =	sadd.s32 s10, s6  }
0x10: {  	s13 =	sadd.s32 s30, s1;
	s6 =	sadd.s32 s7, s9;
	s7 =	sadd.s32 $0x8000, s11  }
0x11: {  	s8 =	sadd.s32 $0x8FE00, s10;
	s9 =	smax.u32 s12, $0x1;
	s10 =	simm.s32 $0x5  }
0x12: {  	s11 =	simm.s32 $0x2780;
	s12 =	sor.u32 $0x1C05, s31;
	s13 =	sshrl.u32 s13, $0x3  }
.LBB2_1:
0x13: {  	[tilespmem:s3], [sflag:$0x5] =	stream.linear.gather [hbm4b:s6+s3], $0x2710, $0x38;
	[tilespmem:$0x1F780] =	vst v63  }
0x14: {  	_ =	swait.ge [sflag:s10], $0x2710  }
0x15: {  	[sflag:s10] =	ssyncset.done $0x0  }
0x16: {  	[sflag:s10] =	ssyncadd.s32 $0xFFFFD8F0  }
0x17: {  	[tilespmem:s11], [sflag:$0x5] =	stream.linear.gather [hbm4b:s7+s3], $0x3E80, $0x38;
	[tilespmem:$0x1F780] =	vst v63  }
0x18: {  	_ =	swait.ge [sflag:s10], $0x3E80  }
0x19: {  	[sflag:s10] =	ssyncset.done $0x0  }
0x1a: {  	[sflag:s10] =	ssyncadd.s32 $0xFFFFC180  }
0x1b: {  	[spmem:s13], [sflag:s12] =	dma.local [hbm:s5], $0x2800  }
0x1c: {  	_ =	swait.ge [sflag:s10], $0x2800  }
0x1d: {  	[sflag:s10] =	ssyncset.done $0x0  }
0x1e: {  	[sflag:s10] =	ssyncadd.s32 $0xFFFFD800  }
0x1f: {  	[bflag:$0x0] =	sbarrier.arrive $0xFFFF  }
0x20: {  	[tilespmem:s15], [sflag:$0x1] =	stream.indirect.gather [hbm4b:s4+s14], $0x80, s3, s14, $0xb8;
	[tilespmem:$0x1F780] =	vst v63  }
0x21: {  	_ =	swait.ge [sflag:s16], $0x2800  }
0x22: {  	[sflag:s16] =	ssyncset.done $0x0  }
0x23: {  	[sflag:s16] =	ssyncadd.s32 $0xFFFFD800  }
0x24: {  	[spmem:s1] =	stream.indirect.scatter.add.f32 [tilespmem:s15], [sflag:$0x3], $0x80, s11, s14, $0xb8;
	[tilespmem:$0x1F780] =	vst v63  }
0x25: {  	_ = 	snop  }
0x26: {  	[tilespmem:s17], [sflag:$0x2] =	stream.indirect.gather [hbm4b:s4+s14], $0x80, s14, s14, $0xb8;
	[tilespmem:$0x1F780] =	vst v63  }
0x27: {  	_ =	swait.ge [sflag:s18], $0x2800  }
0x28: {  	[sflag:s18] =	ssyncset.done $0x0  }
0x29: {  	[sflag:s18] =	ssyncadd.s32 $0xFFFFD800  }
0x2a: {  	[spmem:s1] =	stream.indirect.scatter.add.f32 [tilespmem:s17], [sflag:$0x4], $0x80, s19, s14, $0xb8;
	[tilespmem:$0x1F780] =	vst v63  }
0x2b: {  	_ =	swait.ge [sflag:s20], $0x2800  }
0x2c: {  	[sflag:s20] =	ssyncset.done $0x0  }
0x2d: {  	[sflag:s20] =	ssyncadd.s32 $0xFFFFD800  }
0x2e: {  	[tilespmem:s15], [sflag:$0x1] =	stream.indirect.gather [hbm4b:s4+s14], $0x80, s21, s14, $0xb8;
	[tilespmem:$0x1F780] =	vst v63  }
0x2f: {  	_ =	swait.ge [sflag:s16], $0x2800  }
0x30: {  	[sflag:s16] =	ssyncset.done $0x0  }
0x31: {  	s25 =	simm.s32 $0x2880;
	[sflag:s16] =	ssyncadd.s32 $0xFFFFD800  }
0x32: {  	[spmem:s1] =	stream.indirect.scatter.add.f32 [tilespmem:s15], [sflag:$0x3], $0x80, s25, s14, $0xb8;
	[tilespmem:$0x1F780] =	vst v63  }
0x33: {  	_ =	swait.ge [sflag:s22], $0x2800  }
0x34: {  	[sflag:s22] =	ssyncset.done $0x0  }
0x35: {  	s30 =	simm.s32 $0xF0;
	[sflag:s22] =	ssyncadd.s32 $0xFFFFD800  }
0x36: {  	[tilespmem:s17], [sflag:$0x2] =	stream.indirect.gather [hbm4b:s4+s14], $0x80, s30, s14, $0xb8;
	[tilespmem:$0x1F780] =	vst v63  }
0x37: {  	_ =	swait.ge [sflag:s18], $0x2800  }
0x38: {  	[sflag:s18] =	ssyncset.done $0x0  }
0x39: {  	s31 =	simm.s32 $0x2900;
	[sflag:s18] =	ssyncadd.s32 $0xFFFFD800  }
0x3a: {  	[spmem:s1] =	stream.indirect.scatter.add.f32 [tilespmem:s17], [sflag:$0x4], $0x80, s31, s14, $0xb8;
	[tilespmem:$0x1F780] =	vst v63  }
0x3b: {  	_ =	swait.ge [sflag:s20], $0x2800  }
0x3c: {  	s28 =	simm.s32 $0x140;
	[sflag:s20] =	ssyncset.done $0x0  }
0x3d: {  	s26 =	simm.s32 $0x190;
	s25 =	simm.s32 $0xFFFF1000;
	[sflag:s20] =	ssyncadd.s32 $0xFFFFD800  }
.LBB2_2:
0x3e: {  	[tilespmem:s15], [sflag:$0x1] =	stream.indirect.gather [hbm4b:s4+s14], $0x80, s28, s14, $0xb8;
	[tilespmem:$0x1F780] =	vst v63  }
0x3f: {  	s28 =	smov.u32 s25  }
0x40: {  	p0 =	sne.s32 s25, $0xFFFFFC00;
	s25 =	sadd.s32 $0x400, s25;
	_ =	swait.ge [sflag:s16], $0x2800  }
0x41: {  	s28 =	sshra.s32 s28, $0x2;
	[sflag:s16] =	ssyncset.done $0x0  }
0x42: {  	s29 =	sadd.s32 $0x6580, s28;
	[sflag:s16] =	ssyncadd.s32 $0xFFFFD800  }
0x43: {  	[spmem:s1] =	stream.indirect.scatter.add.f32 [tilespmem:s15], [sflag:$0x3], $0x80, s29, s14, $0xb8;
	[tilespmem:$0x1F780] =	vst v63  }
0x44: {  	_ =	swait.ge [sflag:s22], $0x2800  }
0x45: {  	[sflag:s22] =	ssyncset.done $0x0  }
0x46: {  	[sflag:s22] =	ssyncadd.s32 $0xFFFFD800  }
0x47: {  	[tilespmem:s17], [sflag:$0x2] =	stream.indirect.gather [hbm4b:s4+s14], $0x80, s26, s14, $0xb8;
	[tilespmem:$0x1F780] =	vst v63  }
0x48: {  	_ =	swait.ge [sflag:s18], $0x2800  }
0x49: {  	[sflag:s18] =	ssyncset.done $0x0  }
.Ltmp0:
0x4a: {  	s28 =	sadd.s32 $0x6600, s28;
	[sflag:s18] =	ssyncadd.s32 $0xFFFFD800;
	(pc) =	sbr.rel @p0 .LBB2_2-.Ltmp0, $4  }
0x4b: {  	[spmem:s1] =	stream.indirect.scatter.add.f32 [tilespmem:s17], [sflag:$0x4], $0x80, s28, s14, $0xb8;
	[tilespmem:$0x1F780] =	vst v63  }
0x4c: {  	_ =	swait.ge [sflag:s20], $0x2800  }
0x4d: {  	[sflag:s20] =	ssyncset.done $0x0  }
0x4e: {  	s28 =	sadd.s32 $0x50, s26;
	s26 =	sadd.s32 $0xA0, s26;
	[sflag:s20] =	ssyncadd.s32 $0xFFFFD800  }
0x4f: {  	[tilespmem:s15], [sflag:$0x1] =	stream.indirect.gather [hbm4b:s4+s14], $0x80, s28, s14, $0xb8;
	[tilespmem:$0x1F780] =	vst v63  }
0x50: {  	_ =	swait.ge [sflag:s16], $0x2800  }
0x51: {  	[sflag:s16] =	ssyncset.done $0x0  }
0x52: {  	[sflag:s16] =	ssyncadd.s32 $0xFFFFD800  }
0x53: {  	[spmem:s1] =	stream.indirect.scatter.add.f32 [tilespmem:s15], [sflag:$0x3], $0x80, s23, s14, $0xb8;
	[tilespmem:$0x1F780] =	vst v63  }
0x54: {  	_ =	swait.ge [sflag:s20], $0x2800  }
0x55: {  	[sflag:s20] =	ssyncset.done $0x0  }
0x56: {  	[sflag:s20] =	ssyncadd.s32 $0xFFFFD800  }
0x57: {  	_ =	swait.ge [sflag:s22], $0x2800  }
0x58: {  	s24 =	sadd.s32 $0x1, s24;
	[sflag:s22] =	ssyncset.done $0x0  }
0x59: {  	p0 =	sne.s32 s24, s9;
	[sflag:s22] =	ssyncadd.s32 $0xFFFFD800  }
.Ltmp1:
0x5a: {  	[bflag:$0x0] =	sbarrier.arrive $0xFFFF;
	(pc) =	sbr.rel @p0 .LBB2_1-.Ltmp1, $4  }
0x5b: {  	[hbm:s8], [sflag:s12] =	dma.local [spmem:s13], $0x2800  }
0x5c: {  	_ =	swait.ge [sflag:s10], $0x2800  }
0x5d: {  	[sflag:s10] =	ssyncset.done $0x0  }
0x5e: {  	[sflag:s10] =	ssyncadd.s32 $0xFFFFD800  }
0x5f: {  	_ =	sfence.sel $0x180000  }
0x60: {  	[bflag:$0x0] =	sbarrier.arrive $0xFFFF  }
0x61: {  	p0 =	sne.s32 s2, $0x0;
	_ =	strace $0x90000050  }
0x62: {  	s0 =	sadd.s32 @!p0 $0x100000, s0;
	[bflag:$0x2] =	sbarrier.arrive $0xFFFF  }
0x63: {  	[sflag:s0] =	ssyncadd.tile.s32 @!p0 $0x1;
	_ =	shalt  }
.Lfunc_end2:
_tile_overlayer_lowered:
.L_overlay_start_2:
0x64: {  	(tag) =	ssettag $0x2  }
0x65: {  	s0 =	rddreg [dreg:$0x0];
	s2 =	stileid.u32  }
0x66: {  	s1 =	rddreg [dreg:$0x1];
	p0 =	sne.s32 s2, $0x0  }
0x67: {  	s3 =	rddreg [dreg:$0x2];
	[bflag:$0x3] =	sbarrier.arrive $0xFFFF;
	s2 =	simm.s32 @!p0 $0x1C05  }
0x68: {  	[timem:s3], [sflag:s2] =	dma.local @!p0 [hbm:s0], s1  }
0x69: {  	s0 =	simm.s32 @!p0 $0x5  }
0x6a: {  	_ =	swait.ge @!p0 [sflag:s0], s1  }
0x6b: {  	s1 =	ssub.s32 @!p0 $0x0, s1;
	[sflag:s0] =	ssyncset.done @!p0 $0x0  }
0x6c: {  	[sflag:s0] =	ssyncadd.s32 @!p0 s1  }
0x6d: {  	[bflag:$0x3] =	sbarrier.arrive $0xFFFF  }
0x6e: {  	_ =	shalt  }

// kernel: kernel.32.cloned.1.call-start
scs
__scs_entry_jumppad:
0x0: {  	(pc) =	sbr.rel $0x88, $3  }
0x1: {  	(tag) =	ssettag $0x0;
	lr =	simm.s32 $0x1  }
0x2: {  	[smem:$0x3F8F] =	sst lr;
	_ =	strace $0xD0000000  }
0x3: {  	_ = 	snop  }
0x4: {  	_ = 	snop  }
0x5: {  	_ = 	snop  }
0x6: {  	_ = 	snop  }
0x7: {  	_ = 	snop  }
__scs_overlays_trampoline_lowered:
0x8: {  	[smem:$0x3F9E] =	sst s0  }
0x9: {  	[smem:$0x3F9F] =	sst s1  }
0xa: {  	[smem:$0x3FA0] =	sst s2  }
0xb: {  	[smem:$0x3FA1] =	sst s3  }
0xc: {  	[smem:$0x3FA2] =	sst s4  }
0xd: {  	[smem:$0x3FA3] =	sst s5  }
0xe: {  	[smem:$0x3FA4] =	sst s6  }
0xf: {  	[smem:$0x3FA5] =	sst s7  }
0x10: {  	[smem:$0x3FA6] =	sst s8  }
0x11: {  	[smem:$0x3FA7] =	sst s9;
	s0 =	simm.s32 @!p0 $0x0  }
0x12: {  	s1 =	sld [smem:$0x3F8D];
	s0 =	simm.s32 @p0 $0x1  }
0x13: {  	[smem:$0x3FA8] =	sst s0;
	s0 =	simm.s32 @!p1 $0x0  }
0x14: {  	s2 =	sld [smem:$0x3F8C];
	s0 =	simm.s32 @p1 $0x1  }
0x15: {  	[smem:$0x3FA9] =	sst s0;
	s0 =	simm.s32 @!p2 $0x0  }
0x16: {  	s3 =	sld [smem:$0x3FDB];
	s0 =	simm.s32 @p2 $0x1  }
0x17: {  	s4 =	simm.s32 $0x1BF5;
	[smem:$0x3FAB] =	sst s0  }
0x18: {  	s0 =	sld [smem:$0x3F8E];
	_ =	swait.ge [sflag:s4], $0x0  }
0x19: {  	s7 =	sld [smem:$0x3F8F]  }
0x1a: {  	s8 =	sadd.s32 $0xFFFFE003, lr  }
0x1b: {  	s9 =	sadd.s32 $0xFFFFFEF7, lr;
	s5 =	simm.s32 $0xFFFFFFFF;
	p2 =	slt.u32 s8, $0xFFFFF086  }
0x1c: {  	p1 =	slt.u32 s9, $0xF7A;
	s5 =	simm.s32 @!p2 $0x0  }
0x1d: {  	s5 =	simm.s32 @p1 $0x1;
	p0 =	seq.s32 s7, s2  }
0x1e: {  	s7 =	smul.u32 @!p0 $0xF7A, s2;
	p2 =	seq.s32 @!p0 s5, $0x0  }
0x1f: {  	s9 =	smul.u32 $0xF7A, s1;
	s8 =	simm.s32 @!p0 $0x1BF5;
	p2 =	por !p2, p0  }
0x20: {  	[sflag:s8] =	ssyncset.s32 @!p0 $0xFFFFF086;
	s6 =	sadd.s32 @!p0 s3, s7;
	s7 =	simm.s32 @!p0 $0x108  }
0x21: {  	s3 =	sadd.s32 s3, s9;
	s6 =	sadd.s32 @!p0 $0x88, s6;
	s7 =	simm.s32 @p2 $0x1082  }
0x22: {  	[simem:s7], [sflag:s8] =	dma.local @!p0 [hbm:s6], $0xF7A  }
0x23: {  	s9 =	sor.u32 $0xD0000000, s2;
	s6 =	simm.s32 $0x108;
	_ =	swait.ge @!p0 [sflag:s8], $0x0  }
0x24: {  	s3 =	sadd.s32 $0x88, s3;
	s6 =	simm.s32 @!p1 $0x1082;
	[sflag:s4] =	ssyncset.s32 $0xFFFFF086  }
0x25: {  	[simem:s6], [sflag:s4] =	dma.local [hbm:s3], $0xF7A  }
0x26: {  	[smem:$0x3F8F] =	sst s1;
	(tag) =	ssettag s2;
	_ =	strace s9  }
0x27: {  	s1 =	sld [smem:$0x3F9F]  }
0x28: {  	s2 =	sld [smem:$0x3FA0]  }
0x29: {  	s4 =	sld [smem:$0x3FA2]  }
0x2a: {  	p0 =	seq.s32 s5, $0x0;
	s5 =	sld [smem:$0x3FA3]  }
0x2b: {  	s6 =	sld [smem:$0x3FA4]  }
0x2c: {  	s7 =	sld [smem:$0x3FA5]  }
0x2d: {  	s3 =	simm.s32 $0x108;
	s8 =	sld [smem:$0x3FA6]  }
0x2e: {  	s3 =	simm.s32 @!p0 $0x1082;
	s9 =	sld [smem:$0x3FA7]  }
0x2f: {  	lr =	sadd.s32 s0, s3;
	s0 =	sld [smem:$0x3F9E]  }
0x30: {  	s3 =	sld [smem:$0x3FA1]  }
0x31: {  	[smem:$0x3FAA] =	sst s10  }
0x32: {  	s10 =	sld [smem:$0x3FA8];
	_ =	sdelay $0x3  }
0x33: {  	p0 =	seq.s32 s10, $0x1;
	s10 =	sld [smem:$0x3FAA];
	_ =	sdelay $0x3  }
0x34: {  	[smem:$0x3FAA] =	sst s10  }
0x35: {  	s10 =	sld [smem:$0x3FA9];
	_ =	sdelay $0x3  }
0x36: {  	p1 =	seq.s32 s10, $0x1;
	s10 =	sld [smem:$0x3FAA];
	_ =	sdelay $0x3  }
0x37: {  	[smem:$0x3FAA] =	sst s10  }
0x38: {  	s10 =	sld [smem:$0x3FAB]  }
0x39: {  	_ = 	snop;
	(pc) =	sbr.ind lr, $3  }
0x3a: {  	_ = 	snop  }
0x3b: {  	_ = 	snop  }
0x3c: {  	p2 =	seq.s32 s10, $0x1;
	s10 =	sld [smem:$0x3FAA]  }
0x3d: {  	_ =	shalt  }
0x3e: {  	_ =	shalt  }
0x3f: {  	_ =	shalt  }
0x40: {  	_ =	shalt  }
0x41: {  	_ =	shalt  }
0x42: {  	_ =	shalt  }
0x43: {  	_ =	shalt  }
0x44: {  	_ =	shalt  }
0x45: {  	_ =	shalt  }
0x46: {  	_ =	shalt  }
0x47: {  	_ =	shalt  }
0x48: {  	_ =	shalt  }
0x49: {  	_ =	shalt  }
0x4a: {  	_ =	shalt  }
0x4b: {  	_ =	shalt  }
0x4c: {  	_ =	shalt  }
0x4d: {  	_ =	shalt  }
0x4e: {  	_ =	shalt  }
0x4f: {  	_ =	shalt  }
0x50: {  	_ =	shalt  }
0x51: {  	_ =	shalt  }
0x52: {  	_ =	shalt  }
0x53: {  	_ =	shalt  }
0x54: {  	_ =	shalt  }
0x55: {  	_ =	shalt  }
0x56: {  	_ =	shalt  }
0x57: {  	_ =	shalt  }
0x58: {  	_ =	shalt  }
0x59: {  	_ =	shalt  }
0x5a: {  	_ =	shalt  }
0x5b: {  	_ =	shalt  }
0x5c: {  	_ =	shalt  }
0x5d: {  	_ =	shalt  }
0x5e: {  	_ =	shalt  }
0x5f: {  	_ =	shalt  }
0x60: {  	_ =	shalt  }
0x61: {  	_ =	shalt  }
0x62: {  	_ =	shalt  }
0x63: {  	_ =	shalt  }
0x64: {  	_ =	shalt  }
0x65: {  	_ =	shalt  }
0x66: {  	_ =	shalt  }
0x67: {  	_ =	shalt  }
0x68: {  	_ =	shalt  }
0x69: {  	_ =	shalt  }
0x6a: {  	_ =	shalt  }
0x6b: {  	_ =	shalt  }
0x6c: {  	_ =	shalt  }
0x6d: {  	_ =	shalt  }
0x6e: {  	_ =	shalt  }
0x6f: {  	_ =	shalt  }
0x70: {  	_ =	shalt  }
0x71: {  	_ =	shalt  }
0x72: {  	_ =	shalt  }
0x73: {  	_ =	shalt  }
0x74: {  	_ =	shalt  }
0x75: {  	_ =	shalt  }
0x76: {  	_ =	shalt  }
0x77: {  	_ =	shalt  }
0x78: {  	_ =	shalt  }
0x79: {  	_ =	shalt  }
0x7a: {  	_ =	shalt  }
0x7b: {  	_ =	shalt  }
0x7c: {  	_ =	shalt  }
0x7d: {  	_ =	shalt  }
0x7e: {  	_ =	shalt  }
0x7f: {  	_ =	shalt  }
0x80: {  	_ =	shalt  }
0x81: {  	_ =	shalt  }
0x82: {  	_ =	shalt  }
0x83: {  	_ =	shalt  }
0x84: {  	_ =	shalt  }
0x85: {  	_ =	shalt  }
0x86: {  	_ =	shalt  }
0x87: {  	_ =	shalt  }
.Lfunc_end0:
.L_simem_size_0:
called_computation.4_lowered:
.L_overlay_start_0:
0x88: {  	s2 =	sld [smem:$0x3FD9]  }
0x89: {  	s3 =	sld [smem:$0x3FFE];
	_ =	sdelay $0x1  }
0x8a: {  	s1 =	srdreg.scid  }
0x8b: {  	s0 =	sand.u32 $0x1, s1  }
0x8c: {  	s17 =	sshll.u32 s0, $0xA;
	s2 =	sadd.s32 s3, s2  }
0x8d: {  	s2 =	sadd.s32 s2, s17  }
0x8e: {  	[smem:$0x3FB6] =	sst s2  }
0x8f: {  	_ = 	snop  }
0x90: {  	s2 =	sld [smem:$0x3FD0];
	(tm) =	ssettm $0x1  }
0x91: {  	s18 =	sld [smem:$0x3FFB];
	_ =	sdelay $0x3  }
0x92: {  	_ =	strace s18  }
0x93: {  	s3 =	sld [smem:$0x3FFC];
	_ =	sdelay $0x3  }
0x94: {  	_ =	strace s3  }
0x95: {  	s3 =	sld [smem:$0x3FFD];
	_ =	sdelay $0x3  }
0x96: {  	_ =	strace s3  }
0x97: {  	_ =	strace $0x8FFFFFFF  }
0x98: {  	s19 =	sld [smem:$0x3FDB];
	_ =	sdelay $0x1  }
0x99: {  	s4 =	simm.s32 $_scs_section_size  }
0x9a: {  	s5 =	simm.s32 $_size__tile_overlayer_lowered;
	s6 =	simm.s32 $_tile_overlayer_lowered  }
0x9b: {  	s22 =	simm.s32 $0x1BFF;
	s21 =	sshll.u32 s6, $0x1;
	s3 =	sadd.s32 s4, s19  }
0x9c: {  	s7 =	simm.s32 $0x0;
	s20 =	sshll.u32 s5, $0x1;
	s5 =	sadd.s32 s21, s3  }
0x9d: {  	[timem:s7], [sflag:s22] =	dma.local [hbm:s5], s20  }
0x9e: {  	_ =	swait.ge [sflag:s22], s20  }
0x9f: {  	s4 =	ssub.s32 $0x0, s20;
	[sflag:s22] =	ssyncset.done $0x0  }
0xa0: {  	[sflag:s22] =	ssyncadd.s32 s4;
	_ =	sdelay $0x1  }
0xa1: {  	s23 =	simm.s32 $0x1B8B  }
0xa2: {  	_ =	swait.ge [sflag:s23], $0x1  }
0xa3: {  	[sflag:s23] =	ssyncset.done $0x0  }
0xa4: {  	s25 =	simm.s32 $0x1B8E;
	s24 =	sld [smem:$0x3FFE];
	[sflag:s23] =	ssyncadd.s32 $0xFFFFFFFF  }
0xa5: {  	s26 =	simm.s32 $execute0_lowered;
	[smem:$0x3FD2] =	sst s25  }
0xa6: {  	s5 =	sshll.u32 s26, $0x1;
	_ =	strace $0x80000052;
	[dreg:$0x1] =	wrdreg $0xFFFFFFFF  }
0xa7: {  	s28 =	simm.s32 $_size_execute0_lowered;
	s3 =	sadd.s32 s3, s5;
	[dreg:$0x0] =	wrdreg $0x0  }
0xa8: {  	s5 =	sshll.u32 s28, $0x1;
	[dreg:$0x2] =	wrdreg s3  }
0xa9: {  	[dreg:$0x3] =	wrdreg s5  }
0xaa: {  	[dreg:$0x4] =	wrdreg $0xC0  }
0xab: {  	_ =	task [dreg:s7], $0x5FFFF  }
0xac: {  	[dreg:$0x1] =	wrdreg $0xFFFFFFFF  }
0xad: {  	[dreg:$0x0] =	wrdreg $0x60  }
0xae: {  	[dreg:$0x2] =	wrdreg s24  }
0xaf: {  	[dreg:$0x3] =	wrdreg s2  }
0xb0: {  	[dreg:$0x4] =	wrdreg $0xB7800  }
0xb1: {  	[dreg:$0x5] =	wrdreg $0x9  }
0xb2: {  	_ =	task.clear_ibuf [dreg:s7], $0x6FFFF;
	_ =	strace $0x90000052  }
0xb3: {  	s29 =	simm.s32 $0x9;
	_ =	strace $0x80000054  }
0xb4: {  	_ =	swait.ge [sflag:s29], $0x1  }
0xb5: {  	[sflag:s29] =	ssyncadd.s32 $0xFFFFFFFF  }
0xb6: {  	_ =	strace $0x90000054  }
0xb7: {  	_ =	sfence  }
0xb8: {  	s30 =	sld [smem:$0x0];
	_ =	sdelay $0x2  }
0xb9: {  	s31 =	sshll.u32 s1, $0xD;
	s1 =	sshrl.u32 s1, $0x2  }
0xba: {  	s3 =	sand.u32 $0x4000, s31;
	s1 =	sadd.s32 s1, s30  }
0xbb: {  	s0 =	sor.u32 s3, s0;
	s1 =	sshll.u32 s1, $0x11  }
0xbc: {  	s0 =	sor.u32 s1, s0  }
0xbd: {  	s0 =	sadd.s32 $0x8F2B, s0  }
0xbe: {  	[sflag:s0] =	ssyncadd.remote.s32 $0x1  }
0xbf: {  	_ =	sfence.sel $0xFFFF  }
0xc0: {  	[dreg:$0x0] =	wrdreg $0xFFFFFFFF;
	(pc) =	sbr.abs _section_cstart, $3  }
0xc1: {  	[dreg:$0x1] =	wrdreg $0xFFFFFFFF  }
0xc2: {  	_ =	task.clear_ibuf [dreg:s7], $0x2FFFF;
	_ =	strace $0x9FFFFFFF  }
0xc3: {  	(tm) =	ssettm $0x7FFFFFFF  }
tec
execute0_lowered:
.L_overlay_start_1:
0x0: {  	(tag) =	ssettag $0x1  }
0x1: {  	s6 =	rddreg [dreg:$0x0]  }
0x2: {  	s7 =	rddreg [dreg:$0x1]  }
0x3: {  	s1 =	rddreg [dreg:$0x2]  }
0x4: {  	s2 =	srdreg.scid;
	s0 =	rddreg [dreg:$0x3]  }
0x5: {  	s3 =	simm.s32 $0x0;
	s14 =	simm.s32 $0x50;
	s15 =	simm.s32 $0x6780  }
0x6: {  	s16 =	simm.s32 $0x1;
	s17 =	simm.s32 $0x8F80;
	s18 =	simm.s32 $0x2  }
0x7: {  	s19 =	simm.s32 $0x2800;
	s20 =	simm.s32 $0x3;
	s21 =	simm.s32 $0xA0  }
0x8: {  	s22 =	simm.s32 $0x4;
	s8 =	sand.u32 $0x1, s2;
	s2 =	stileid.u32  }
0x9: {  	s23 =	simm.s32 $0x6580;
	s24 =	simm.s32 $0x0;
	s10 =	smul.u32 $0x2800, s2  }
0xa: {  	[smem:$0x7FF] =	sst s3;
	s4 =	sshll.u32 s8, $0x4;
	s12 =	smul.u32 $0x28000, s8  }
0xb: {  	_ =	strace $0x80000053;
	s8 =	ssub.s32 $0x2, s8;
	s13 =	smul.u32 $0x50000, s2  }
0xc: {  	s31 =	sshll.u32 s2, $0x6;
	s9 =	sor.u32 s2, s4;
	s4 =	sadd.s32 $0x1A800, s6  }
0xd: {  	s29 =	sshrl.u32 s8, $0x1;
	s5 =	sshll.u32 s9, $0xB;
	s10 =	sadd.s32 s10, s12  }
0xe: {  	s9 =	smul.u32 $0x4E2, s9;
	s12 =	ssub.s32 s8, s29;
	s30 =	sshrl.u32 s13, $0x2  }
0xf: {  	s11 =	sadd.s32 s5, s6;
	s5 =	sadd.s32 $0x18000, s6;
	s10 =	sadd.s32 s10, s6  }
0x10: {  	s13 =	sadd.s32 s30, s1;
	s6 =	sadd.s32 s7, s9;
	s7 =	sadd.s32 $0x8000, s11  }
0x11: {  	s8 =	sadd.s32 $0x8FE00, s10;
	s9 =	smax.u32 s12, $0x1;
	s10 =	simm.s32 $0x5  }
0x12: {  	s11 =	simm.s32 $0x2780;
	s12 =	sor.u32 $0x1C05, s31;
	s13 =	sshrl.u32 s13, $0x3  }
.LBB2_1:
0x13: {  	[tilespmem:s3], [sflag:$0x5] =	stream.linear.gather [hbm4b:s6+s3], $0x2710, $0x38;
	[tilespmem:$0x1F780] =	vst v63  }
0x14: {  	_ =	swait.ge [sflag:s10], $0x2710  }
0x15: {  	[sflag:s10] =	ssyncset.done $0x0  }
0x16: {  	[sflag:s10] =	ssyncadd.s32 $0xFFFFD8F0  }
0x17: {  	[tilespmem:s11], [sflag:$0x5] =	stream.linear.gather [hbm4b:s7+s3], $0x3E80, $0x38;
	[tilespmem:$0x1F780] =	vst v63  }
0x18: {  	_ =	swait.ge [sflag:s10], $0x3E80  }
0x19: {  	[sflag:s10] =	ssyncset.done $0x0  }
0x1a: {  	[sflag:s10] =	ssyncadd.s32 $0xFFFFC180  }
0x1b: {  	[spmem:s13], [sflag:s12] =	dma.local [hbm:s5], $0x2800  }
0x1c: {  	_ =	swait.ge [sflag:s10], $0x2800  }
0x1d: {  	[sflag:s10] =	ssyncset.done $0x0  }
0x1e: {  	[sflag:s10] =	ssyncadd.s32 $0xFFFFD800  }
0x1f: {  	[bflag:$0x0] =	sbarrier.arrive $0xFFFF  }
0x20: {  	[tilespmem:s15], [sflag:$0x1] =	stream.indirect.gather [hbm4b:s4+s14], $0x80, s3, s14, $0xb8;
	[tilespmem:$0x1F780] =	vst v63  }
0x21: {  	_ =	swait.ge [sflag:s16], $0x2800  }
0x22: {  	[sflag:s16] =	ssyncset.done $0x0  }
0x23: {  	[sflag:s16] =	ssyncadd.s32 $0xFFFFD800  }
0x24: {  	[spmem:s1] =	stream.indirect.scatter.add.f32 [tilespmem:s15], [sflag:$0x3], $0x80, s11, s14, $0xb8;
	[tilespmem:$0x1F780] =	vst v63  }
0x25: {  	_ = 	snop  }
0x26: {  	[tilespmem:s17], [sflag:$0x2] =	stream.indirect.gather [hbm4b:s4+s14], $0x80, s14, s14, $0xb8;
	[tilespmem:$0x1F780] =	vst v63  }
0x27: {  	_ =	swait.ge [sflag:s18], $0x2800  }
0x28: {  	[sflag:s18] =	ssyncset.done $0x0  }
0x29: {  	[sflag:s18] =	ssyncadd.s32 $0xFFFFD800  }
0x2a: {  	[spmem:s1] =	stream.indirect.scatter.add.f32 [tilespmem:s17], [sflag:$0x4], $0x80, s19, s14, $0xb8;
	[tilespmem:$0x1F780] =	vst v63  }
0x2b: {  	_ =	swait.ge [sflag:s20], $0x2800  }
0x2c: {  	[sflag:s20] =	ssyncset.done $0x0  }
0x2d: {  	[sflag:s20] =	ssyncadd.s32 $0xFFFFD800  }
0x2e: {  	[tilespmem:s15], [sflag:$0x1] =	stream.indirect.gather [hbm4b:s4+s14], $0x80, s21, s14, $0xb8;
	[tilespmem:$0x1F780] =	vst v63  }
0x2f: {  	_ =	swait.ge [sflag:s16], $0x2800  }
0x30: {  	[sflag:s16] =	ssyncset.done $0x0  }
0x31: {  	s25 =	simm.s32 $0x2880;
	[sflag:s16] =	ssyncadd.s32 $0xFFFFD800  }
0x32: {  	[spmem:s1] =	stream.indirect.scatter.add.f32 [tilespmem:s15], [sflag:$0x3], $0x80, s25, s14, $0xb8;
	[tilespmem:$0x1F780] =	vst v63  }
0x33: {  	_ =	swait.ge [sflag:s22], $0x2800  }
0x34: {  	[sflag:s22] =	ssyncset.done $0x0  }
0x35: {  	s30 =	simm.s32 $0xF0;
	[sflag:s22] =	ssyncadd.s32 $0xFFFFD800  }
0x36: {  	[tilespmem:s17], [sflag:$0x2] =	stream.indirect.gather [hbm4b:s4+s14], $0x80, s30, s14, $0xb8;
	[tilespmem:$0x1F780] =	vst v63  }
0x37: {  	_ =	swait.ge [sflag:s18], $0x2800  }
0x38: {  	[sflag:s18] =	ssyncset.done $0x0  }
0x39: {  	s31 =	simm.s32 $0x2900;
	[sflag:s18] =	ssyncadd.s32 $0xFFFFD800  }
0x3a: {  	[spmem:s1] =	stream.indirect.scatter.add.f32 [tilespmem:s17], [sflag:$0x4], $0x80, s31, s14, $0xb8;
	[tilespmem:$0x1F780] =	vst v63  }
0x3b: {  	_ =	swait.ge [sflag:s20], $0x2800  }
0x3c: {  	s28 =	simm.s32 $0x140;
	[sflag:s20] =	ssyncset.done $0x0  }
0x3d: {  	s26 =	simm.s32 $0x190;
	s25 =	simm.s32 $0xFFFF1000;
	[sflag:s20] =	ssyncadd.s32 $0xFFFFD800  }
.LBB2_2:
0x3e: {  	[tilespmem:s15], [sflag:$0x1] =	stream.indirect.gather [hbm4b:s4+s14], $0x80, s28, s14, $0xb8;
	[tilespmem:$0x1F780] =	vst v63  }
0x3f: {  	s28 =	smov.u32 s25  }
0x40: {  	p0 =	sne.s32 s25, $0xFFFFFC00;
	s25 =	sadd.s32 $0x400, s25;
	_ =	swait.ge [sflag:s16], $0x2800  }
0x41: {  	s28 =	sshra.s32 s28, $0x2;
	[sflag:s16] =	ssyncset.done $0x0  }
0x42: {  	s29 =	sadd.s32 $0x6580, s28;
	[sflag:s16] =	ssyncadd.s32 $0xFFFFD800  }
0x43: {  	[spmem:s1] =	stream.indirect.scatter.add.f32 [tilespmem:s15], [sflag:$0x3], $0x80, s29, s14, $0xb8;
	[tilespmem:$0x1F780] =	vst v63  }
0x44: {  	_ =	swait.ge [sflag:s22], $0x2800  }
0x45: {  	[sflag:s22] =	ssyncset.done $0x0  }
0x46: {  	[sflag:s22] =	ssyncadd.s32 $0xFFFFD800  }
0x47: {  	[tilespmem:s17], [sflag:$0x2] =	stream.indirect.gather [hbm4b:s4+s14], $0x80, s26, s14, $0xb8;
	[tilespmem:$0x1F780] =	vst v63  }
0x48: {  	_ =	swait.ge [sflag:s18], $0x2800  }
0x49: {  	[sflag:s18] =	ssyncset.done $0x0  }
.Ltmp0:
0x4a: {  	s28 =	sadd.s32 $0x6600, s28;
	[sflag:s18] =	ssyncadd.s32 $0xFFFFD800;
	(pc) =	sbr.rel @p0 .LBB2_2-.Ltmp0, $4  }
0x4b: {  	[spmem:s1] =	stream.indirect.scatter.add.f32 [tilespmem:s17], [sflag:$0x4], $0x80, s28, s14, $0xb8;
	[tilespmem:$0x1F780] =	vst v63  }
0x4c: {  	_ =	swait.ge [sflag:s20], $0x2800  }
0x4d: {  	[sflag:s20] =	ssyncset.done $0x0  }
0x4e: {  	s28 =	sadd.s32 $0x50, s26;
	s26 =	sadd.s32 $0xA0, s26;
	[sflag:s20] =	ssyncadd.s32 $0xFFFFD800  }
0x4f: {  	[tilespmem:s15], [sflag:$0x1] =	stream.indirect.gather [hbm4b:s4+s14], $0x80, s28, s14, $0xb8;
	[tilespmem:$0x1F780] =	vst v63  }
0x50: {  	_ =	swait.ge [sflag:s16], $0x2800  }
0x51: {  	[sflag:s16] =	ssyncset.done $0x0  }
0x52: {  	[sflag:s16] =	ssyncadd.s32 $0xFFFFD800  }
0x53: {  	[spmem:s1] =	stream.indirect.scatter.add.f32 [tilespmem:s15], [sflag:$0x3], $0x80, s23, s14, $0xb8;
	[tilespmem:$0x1F780] =	vst v63  }
0x54: {  	_ =	swait.ge [sflag:s20], $0x2800  }
0x55: {  	[sflag:s20] =	ssyncset.done $0x0  }
0x56: {  	[sflag:s20] =	ssyncadd.s32 $0xFFFFD800  }
0x57: {  	_ =	swait.ge [sflag:s22], $0x2800  }
0x58: {  	s24 =	sadd.s32 $0x1, s24;
	[sflag:s22] =	ssyncset.done $0x0  }
0x59: {  	p0 =	sne.s32 s24, s9;
	[sflag:s22] =	ssyncadd.s32 $0xFFFFD800  }
.Ltmp1:
0x5a: {  	[bflag:$0x0] =	sbarrier.arrive $0xFFFF;
	(pc) =	sbr.rel @p0 .LBB2_1-.Ltmp1, $4  }
0x5b: {  	[hbm:s8], [sflag:s12] =	dma.local [spmem:s13], $0x2800  }
0x5c: {  	_ =	swait.ge [sflag:s10], $0x2800  }
0x5d: {  	[sflag:s10] =	ssyncset.done $0x0  }
0x5e: {  	[sflag:s10] =	ssyncadd.s32 $0xFFFFD800  }
0x5f: {  	_ =	sfence.sel $0x180000  }
0x60: {  	[bflag:$0x0] =	sbarrier.arrive $0xFFFF  }
0x61: {  	p0 =	sne.s32 s2, $0x0;
	_ =	strace $0x90000053  }
0x62: {  	s0 =	sadd.s32 @!p0 $0x100000, s0;
	[bflag:$0x2] =	sbarrier.arrive $0xFFFF  }
0x63: {  	[sflag:s0] =	ssyncadd.tile.s32 @!p0 $0x1;
	_ =	shalt  }
.Lfunc_end2:
_tile_overlayer_lowered:
.L_overlay_start_2:
0x64: {  	(tag) =	ssettag $0x2  }
0x65: {  	s0 =	rddreg [dreg:$0x0];
	s2 =	stileid.u32  }
0x66: {  	s1 =	rddreg [dreg:$0x1];
	p0 =	sne.s32 s2, $0x0  }
0x67: {  	s3 =	rddreg [dreg:$0x2];
	[bflag:$0x3] =	sbarrier.arrive $0xFFFF;
	s2 =	simm.s32 @!p0 $0x1C05  }
0x68: {  	[timem:s3], [sflag:s2] =	dma.local @!p0 [hbm:s0], s1  }
0x69: {  	s0 =	simm.s32 @!p0 $0x5  }
0x6a: {  	_ =	swait.ge @!p0 [sflag:s0], s1  }
0x6b: {  	s1 =	ssub.s32 @!p0 $0x0, s1;
	[sflag:s0] =	ssyncset.done @!p0 $0x0  }
0x6c: {  	[sflag:s0] =	ssyncadd.s32 @!p0 s1  }
0x6d: {  	[bflag:$0x3] =	sbarrier.arrive $0xFFFF  }
0x6e: {  	_ =	shalt  }

// kernel: kernel.35.cloned.1.call-start
scs
__scs_entry_jumppad:
0x0: {  	(pc) =	sbr.rel $0x88, $3  }
0x1: {  	(tag) =	ssettag $0x0;
	lr =	simm.s32 $0x1  }
0x2: {  	[smem:$0x3F8F] =	sst lr;
	_ =	strace $0xD0000000  }
0x3: {  	_ = 	snop  }
0x4: {  	_ = 	snop  }
0x5: {  	_ = 	snop  }
0x6: {  	_ = 	snop  }
0x7: {  	_ = 	snop  }
__scs_overlays_trampoline_lowered:
0x8: {  	[smem:$0x3F9E] =	sst s0  }
0x9: {  	[smem:$0x3F9F] =	sst s1  }
0xa: {  	[smem:$0x3FA0] =	sst s2  }
0xb: {  	[smem:$0x3FA1] =	sst s3  }
0xc: {  	[smem:$0x3FA2] =	sst s4  }
0xd: {  	[smem:$0x3FA3] =	sst s5  }
0xe: {  	[smem:$0x3FA4] =	sst s6  }
0xf: {  	[smem:$0x3FA5] =	sst s7  }
0x10: {  	[smem:$0x3FA6] =	sst s8  }
0x11: {  	[smem:$0x3FA7] =	sst s9;
	s0 =	simm.s32 @!p0 $0x0  }
0x12: {  	s1 =	sld [smem:$0x3F8D];
	s0 =	simm.s32 @p0 $0x1  }
0x13: {  	[smem:$0x3FA8] =	sst s0;
	s0 =	simm.s32 @!p1 $0x0  }
0x14: {  	s2 =	sld [smem:$0x3F8C];
	s0 =	simm.s32 @p1 $0x1  }
0x15: {  	[smem:$0x3FA9] =	sst s0;
	s0 =	simm.s32 @!p2 $0x0  }
0x16: {  	s3 =	sld [smem:$0x3FDB];
	s0 =	simm.s32 @p2 $0x1  }
0x17: {  	s4 =	simm.s32 $0x1BF5;
	[smem:$0x3FAB] =	sst s0  }
0x18: {  	s0 =	sld [smem:$0x3F8E];
	_ =	swait.ge [sflag:s4], $0x0  }
0x19: {  	s7 =	sld [smem:$0x3F8F]  }
0x1a: {  	s8 =	sadd.s32 $0xFFFFE003, lr  }
0x1b: {  	s9 =	sadd.s32 $0xFFFFFEF7, lr;
	s5 =	simm.s32 $0xFFFFFFFF;
	p2 =	slt.u32 s8, $0xFFFFF086  }
0x1c: {  	p1 =	slt.u32 s9, $0xF7A;
	s5 =	simm.s32 @!p2 $0x0  }
0x1d: {  	s5 =	simm.s32 @p1 $0x1;
	p0 =	seq.s32 s7, s2  }
0x1e: {  	s7 =	smul.u32 @!p0 $0xF7A, s2;
	p2 =	seq.s32 @!p0 s5, $0x0  }
0x1f: {  	s9 =	smul.u32 $0xF7A, s1;
	s8 =	simm.s32 @!p0 $0x1BF5;
	p2 =	por !p2, p0  }
0x20: {  	[sflag:s8] =	ssyncset.s32 @!p0 $0xFFFFF086;
	s6 =	sadd.s32 @!p0 s3, s7;
	s7 =	simm.s32 @!p0 $0x108  }
0x21: {  	s3 =	sadd.s32 s3, s9;
	s6 =	sadd.s32 @!p0 $0x88, s6;
	s7 =	simm.s32 @p2 $0x1082  }
0x22: {  	[simem:s7], [sflag:s8] =	dma.local @!p0 [hbm:s6], $0xF7A  }
0x23: {  	s9 =	sor.u32 $0xD0000000, s2;
	s6 =	simm.s32 $0x108;
	_ =	swait.ge @!p0 [sflag:s8], $0x0  }
0x24: {  	s3 =	sadd.s32 $0x88, s3;
	s6 =	simm.s32 @!p1 $0x1082;
	[sflag:s4] =	ssyncset.s32 $0xFFFFF086  }
0x25: {  	[simem:s6], [sflag:s4] =	dma.local [hbm:s3], $0xF7A  }
0x26: {  	[smem:$0x3F8F] =	sst s1;
	(tag) =	ssettag s2;
	_ =	strace s9  }
0x27: {  	s1 =	sld [smem:$0x3F9F]  }
0x28: {  	s2 =	sld [smem:$0x3FA0]  }
0x29: {  	s4 =	sld [smem:$0x3FA2]  }
0x2a: {  	p0 =	seq.s32 s5, $0x0;
	s5 =	sld [smem:$0x3FA3]  }
0x2b: {  	s6 =	sld [smem:$0x3FA4]  }
0x2c: {  	s7 =	sld [smem:$0x3FA5]  }
0x2d: {  	s3 =	simm.s32 $0x108;
	s8 =	sld [smem:$0x3FA6]  }
0x2e: {  	s3 =	simm.s32 @!p0 $0x1082;
	s9 =	sld [smem:$0x3FA7]  }
0x2f: {  	lr =	sadd.s32 s0, s3;
	s0 =	sld [smem:$0x3F9E]  }
0x30: {  	s3 =	sld [smem:$0x3FA1]  }
0x31: {  	[smem:$0x3FAA] =	sst s10  }
0x32: {  	s10 =	sld [smem:$0x3FA8];
	_ =	sdelay $0x3  }
0x33: {  	p0 =	seq.s32 s10, $0x1;
	s10 =	sld [smem:$0x3FAA];
	_ =	sdelay $0x3  }
0x34: {  	[smem:$0x3FAA] =	sst s10  }
0x35: {  	s10 =	sld [smem:$0x3FA9];
	_ =	sdelay $0x3  }
0x36: {  	p1 =	seq.s32 s10, $0x1;
	s10 =	sld [smem:$0x3FAA];
	_ =	sdelay $0x3  }
0x37: {  	[smem:$0x3FAA] =	sst s10  }
0x38: {  	s10 =	sld [smem:$0x3FAB]  }
0x39: {  	_ = 	snop;
	(pc) =	sbr.ind lr, $3  }
0x3a: {  	_ = 	snop  }
0x3b: {  	_ = 	snop  }
0x3c: {  	p2 =	seq.s32 s10, $0x1;
	s10 =	sld [smem:$0x3FAA]  }
0x3d: {  	_ =	shalt  }
0x3e: {  	_ =	shalt  }
0x3f: {  	_ =	shalt  }
0x40: {  	_ =	shalt  }
0x41: {  	_ =	shalt  }
0x42: {  	_ =	shalt  }
0x43: {  	_ =	shalt  }
0x44: {  	_ =	shalt  }
0x45: {  	_ =	shalt  }
0x46: {  	_ =	shalt  }
0x47: {  	_ =	shalt  }
0x48: {  	_ =	shalt  }
0x49: {  	_ =	shalt  }
0x4a: {  	_ =	shalt  }
0x4b: {  	_ =	shalt  }
0x4c: {  	_ =	shalt  }
0x4d: {  	_ =	shalt  }
0x4e: {  	_ =	shalt  }
0x4f: {  	_ =	shalt  }
0x50: {  	_ =	shalt  }
0x51: {  	_ =	shalt  }
0x52: {  	_ =	shalt  }
0x53: {  	_ =	shalt  }
0x54: {  	_ =	shalt  }
0x55: {  	_ =	shalt  }
0x56: {  	_ =	shalt  }
0x57: {  	_ =	shalt  }
0x58: {  	_ =	shalt  }
0x59: {  	_ =	shalt  }
0x5a: {  	_ =	shalt  }
0x5b: {  	_ =	shalt  }
0x5c: {  	_ =	shalt  }
0x5d: {  	_ =	shalt  }
0x5e: {  	_ =	shalt  }
0x5f: {  	_ =	shalt  }
0x60: {  	_ =	shalt  }
0x61: {  	_ =	shalt  }
0x62: {  	_ =	shalt  }
0x63: {  	_ =	shalt  }
0x64: {  	_ =	shalt  }
0x65: {  	_ =	shalt  }
0x66: {  	_ =	shalt  }
0x67: {  	_ =	shalt  }
0x68: {  	_ =	shalt  }
0x69: {  	_ =	shalt  }
0x6a: {  	_ =	shalt  }
0x6b: {  	_ =	shalt  }
0x6c: {  	_ =	shalt  }
0x6d: {  	_ =	shalt  }
0x6e: {  	_ =	shalt  }
0x6f: {  	_ =	shalt  }
0x70: {  	_ =	shalt  }
0x71: {  	_ =	shalt  }
0x72: {  	_ =	shalt  }
0x73: {  	_ =	shalt  }
0x74: {  	_ =	shalt  }
0x75: {  	_ =	shalt  }
0x76: {  	_ =	shalt  }
0x77: {  	_ =	shalt  }
0x78: {  	_ =	shalt  }
0x79: {  	_ =	shalt  }
0x7a: {  	_ =	shalt  }
0x7b: {  	_ =	shalt  }
0x7c: {  	_ =	shalt  }
0x7d: {  	_ =	shalt  }
0x7e: {  	_ =	shalt  }
0x7f: {  	_ =	shalt  }
0x80: {  	_ =	shalt  }
0x81: {  	_ =	shalt  }
0x82: {  	_ =	shalt  }
0x83: {  	_ =	shalt  }
0x84: {  	_ =	shalt  }
0x85: {  	_ =	shalt  }
0x86: {  	_ =	shalt  }
0x87: {  	_ =	shalt  }
.Lfunc_end0:
.L_simem_size_0:
called_computation.5_lowered:
.L_overlay_start_0:
0x88: {  	s2 =	sld [smem:$0x3FD9]  }
0x89: {  	s3 =	sld [smem:$0x3FFE];
	_ =	sdelay $0x1  }
0x8a: {  	s1 =	srdreg.scid  }
0x8b: {  	s0 =	sand.u32 $0x1, s1  }
0x8c: {  	s17 =	sshll.u32 s0, $0xA;
	s2 =	sadd.s32 s3, s2  }
0x8d: {  	s2 =	sadd.s32 s2, s17  }
0x8e: {  	[smem:$0x3FB6] =	sst s2  }
0x8f: {  	_ = 	snop  }
0x90: {  	s2 =	sld [smem:$0x3FD0];
	(tm) =	ssettm $0x1  }
0x91: {  	s18 =	sld [smem:$0x3FFB];
	_ =	sdelay $0x3  }
0x92: {  	_ =	strace s18  }
0x93: {  	s3 =	sld [smem:$0x3FFC];
	_ =	sdelay $0x3  }
0x94: {  	_ =	strace s3  }
0x95: {  	s3 =	sld [smem:$0x3FFD];
	_ =	sdelay $0x3  }
0x96: {  	_ =	strace s3  }
0x97: {  	_ =	strace $0x8FFFFFFF  }
0x98: {  	s19 =	sld [smem:$0x3FDB];
	_ =	sdelay $0x1  }
0x99: {  	s4 =	simm.s32 $_scs_section_size  }
0x9a: {  	s5 =	simm.s32 $_size__tile_overlayer_lowered;
	s6 =	simm.s32 $_tile_overlayer_lowered  }
0x9b: {  	s22 =	simm.s32 $0x1BFF;
	s21 =	sshll.u32 s6, $0x1;
	s3 =	sadd.s32 s4, s19  }
0x9c: {  	s7 =	simm.s32 $0x0;
	s20 =	sshll.u32 s5, $0x1;
	s5 =	sadd.s32 s21, s3  }
0x9d: {  	[timem:s7], [sflag:s22] =	dma.local [hbm:s5], s20  }
0x9e: {  	_ =	swait.ge [sflag:s22], s20  }
0x9f: {  	s4 =	ssub.s32 $0x0, s20;
	[sflag:s22] =	ssyncset.done $0x0  }
0xa0: {  	[sflag:s22] =	ssyncadd.s32 s4;
	_ =	sdelay $0x1  }
0xa1: {  	s23 =	simm.s32 $0x1B8B  }
0xa2: {  	_ =	swait.ge [sflag:s23], $0x1  }
0xa3: {  	[sflag:s23] =	ssyncset.done $0x0  }
0xa4: {  	s25 =	simm.s32 $0x1B8E;
	s24 =	sld [smem:$0x3FFE];
	[sflag:s23] =	ssyncadd.s32 $0xFFFFFFFF  }
0xa5: {  	s26 =	simm.s32 $execute0_lowered;
	[smem:$0x3FD2] =	sst s25  }
0xa6: {  	s5 =	sshll.u32 s26, $0x1;
	_ =	strace $0x80000055;
	[dreg:$0x1] =	wrdreg $0xFFFFFFFF  }
0xa7: {  	s28 =	simm.s32 $_size_execute0_lowered;
	s3 =	sadd.s32 s3, s5;
	[dreg:$0x0] =	wrdreg $0x0  }
0xa8: {  	s5 =	sshll.u32 s28, $0x1;
	[dreg:$0x2] =	wrdreg s3  }
0xa9: {  	[dreg:$0x3] =	wrdreg s5  }
0xaa: {  	[dreg:$0x4] =	wrdreg $0xC0  }
0xab: {  	_ =	task [dreg:s7], $0x5FFFF  }
0xac: {  	[dreg:$0x1] =	wrdreg $0xFFFFFFFF  }
0xad: {  	[dreg:$0x0] =	wrdreg $0x60  }
0xae: {  	[dreg:$0x2] =	wrdreg s24  }
0xaf: {  	[dreg:$0x3] =	wrdreg s2  }
0xb0: {  	[dreg:$0x4] =	wrdreg $0xB7800  }
0xb1: {  	[dreg:$0x5] =	wrdreg $0x9  }
0xb2: {  	_ =	task.clear_ibuf [dreg:s7], $0x6FFFF;
	_ =	strace $0x90000055  }
0xb3: {  	s29 =	simm.s32 $0x9;
	_ =	strace $0x80000057  }
0xb4: {  	_ =	swait.ge [sflag:s29], $0x1  }
0xb5: {  	[sflag:s29] =	ssyncadd.s32 $0xFFFFFFFF  }
0xb6: {  	_ =	strace $0x90000057  }
0xb7: {  	_ =	sfence  }
0xb8: {  	s30 =	sld [smem:$0x0];
	_ =	sdelay $0x2  }
0xb9: {  	s31 =	sshll.u32 s1, $0xD;
	s1 =	sshrl.u32 s1, $0x2  }
0xba: {  	s3 =	sand.u32 $0x4000, s31;
	s1 =	sadd.s32 s1, s30  }
0xbb: {  	s0 =	sor.u32 s3, s0;
	s1 =	sshll.u32 s1, $0x11  }
0xbc: {  	s0 =	sor.u32 s1, s0  }
0xbd: {  	s0 =	sadd.s32 $0x8F2B, s0  }
0xbe: {  	[sflag:s0] =	ssyncadd.remote.s32 $0x1  }
0xbf: {  	_ =	sfence.sel $0xFFFF  }
0xc0: {  	[dreg:$0x0] =	wrdreg $0xFFFFFFFF;
	(pc) =	sbr.abs _section_cstart, $3  }
0xc1: {  	[dreg:$0x1] =	wrdreg $0xFFFFFFFF  }
0xc2: {  	_ =	task.clear_ibuf [dreg:s7], $0x2FFFF;
	_ =	strace $0x9FFFFFFF  }
0xc3: {  	(tm) =	ssettm $0x7FFFFFFF  }
tec
execute0_lowered:
.L_overlay_start_1:
0x0: {  	(tag) =	ssettag $0x1  }
0x1: {  	s6 =	rddreg [dreg:$0x0]  }
0x2: {  	s7 =	rddreg [dreg:$0x1]  }
0x3: {  	s1 =	rddreg [dreg:$0x2]  }
0x4: {  	s2 =	srdreg.scid;
	s0 =	rddreg [dreg:$0x3]  }
0x5: {  	s3 =	simm.s32 $0x0;
	s14 =	simm.s32 $0x50;
	s15 =	simm.s32 $0x6780  }
0x6: {  	s16 =	simm.s32 $0x1;
	s17 =	simm.s32 $0x8F80;
	s18 =	simm.s32 $0x2  }
0x7: {  	s19 =	simm.s32 $0x2800;
	s20 =	simm.s32 $0x3;
	s21 =	simm.s32 $0xA0  }
0x8: {  	s22 =	simm.s32 $0x4;
	s8 =	sand.u32 $0x1, s2;
	s2 =	stileid.u32  }
0x9: {  	s23 =	simm.s32 $0x6580;
	s24 =	simm.s32 $0x0;
	s10 =	smul.u32 $0x2800, s2  }
0xa: {  	[smem:$0x7FF] =	sst s3;
	s4 =	sshll.u32 s8, $0x4;
	s12 =	smul.u32 $0x28000, s8  }
0xb: {  	_ =	strace $0x80000056;
	s8 =	ssub.s32 $0x2, s8;
	s13 =	smul.u32 $0x50000, s2  }
0xc: {  	s31 =	sshll.u32 s2, $0x6;
	s9 =	sor.u32 s2, s4;
	s4 =	sadd.s32 $0x1A800, s6  }
0xd: {  	s29 =	sshrl.u32 s8, $0x1;
	s5 =	sshll.u32 s9, $0xB;
	s10 =	sadd.s32 s10, s12  }
0xe: {  	s9 =	smul.u32 $0x4E2, s9;
	s12 =	ssub.s32 s8, s29;
	s30 =	sshrl.u32 s13, $0x2  }
0xf: {  	s11 =	sadd.s32 s5, s6;
	s5 =	sadd.s32 $0x18000, s6;
	s10 =	sadd.s32 s10, s6  }
0x10: {  	s13 =	sadd.s32 s30, s1;
	s6 =	sadd.s32 s7, s9;
	s7 =	sadd.s32 $0x8000, s11  }
0x11: {  	s8 =	sadd.s32 $0x8FE00, s10;
	s9 =	smax.u32 s12, $0x1;
	s10 =	simm.s32 $0x5  }
0x12: {  	s11 =	simm.s32 $0x2780;
	s12 =	sor.u32 $0x1C05, s31;
	s13 =	sshrl.u32 s13, $0x3  }
.LBB2_1:
0x13: {  	[tilespmem:s3], [sflag:$0x5] =	stream.linear.gather [hbm4b:s6+s3], $0x2710, $0x38;
	[tilespmem:$0x1F780] =	vst v63  }
0x14: {  	_ =	swait.ge [sflag:s10], $0x2710  }
0x15: {  	[sflag:s10] =	ssyncset.done $0x0  }
0x16: {  	[sflag:s10] =	ssyncadd.s32 $0xFFFFD8F0  }
0x17: {  	[tilespmem:s11], [sflag:$0x5] =	stream.linear.gather [hbm4b:s7+s3], $0x3E80, $0x38;
	[tilespmem:$0x1F780] =	vst v63  }
0x18: {  	_ =	swait.ge [sflag:s10], $0x3E80  }
0x19: {  	[sflag:s10] =	ssyncset.done $0x0  }
0x1a: {  	[sflag:s10] =	ssyncadd.s32 $0xFFFFC180  }
0x1b: {  	[spmem:s13], [sflag:s12] =	dma.local [hbm:s5], $0x2800  }
0x1c: {  	_ =	swait.ge [sflag:s10], $0x2800  }
0x1d: {  	[sflag:s10] =	ssyncset.done $0x0  }
0x1e: {  	[sflag:s10] =	ssyncadd.s32 $0xFFFFD800  }
0x1f: {  	[bflag:$0x0] =	sbarrier.arrive $0xFFFF  }
0x20: {  	[tilespmem:s15], [sflag:$0x1] =	stream.indirect.gather [hbm4b:s4+s14], $0x80, s3, s14, $0xb8;
	[tilespmem:$0x1F780] =	vst v63  }
0x21: {  	_ =	swait.ge [sflag:s16], $0x2800  }
0x22: {  	[sflag:s16] =	ssyncset.done $0x0  }
0x23: {  	[sflag:s16] =	ssyncadd.s32 $0xFFFFD800  }
0x24: {  	[spmem:s1] =	stream.indirect.scatter.add.f32 [tilespmem:s15], [sflag:$0x3], $0x80, s11, s14, $0xb8;
	[tilespmem:$0x1F780] =	vst v63  }
0x25: {  	_ = 	snop  }
0x26: {  	[tilespmem:s17], [sflag:$0x2] =	stream.indirect.gather [hbm4b:s4+s14], $0x80, s14, s14, $0xb8;
	[tilespmem:$0x1F780] =	vst v63  }
0x27: {  	_ =	swait.ge [sflag:s18], $0x2800  }
0x28: {  	[sflag:s18] =	ssyncset.done $0x0  }
0x29: {  	[sflag:s18] =	ssyncadd.s32 $0xFFFFD800  }
0x2a: {  	[spmem:s1] =	stream.indirect.scatter.add.f32 [tilespmem:s17], [sflag:$0x4], $0x80, s19, s14, $0xb8;
	[tilespmem:$0x1F780] =	vst v63  }
0x2b: {  	_ =	swait.ge [sflag:s20], $0x2800  }
0x2c: {  	[sflag:s20] =	ssyncset.done $0x0  }
0x2d: {  	[sflag:s20] =	ssyncadd.s32 $0xFFFFD800  }
0x2e: {  	[tilespmem:s15], [sflag:$0x1] =	stream.indirect.gather [hbm4b:s4+s14], $0x80, s21, s14, $0xb8;
	[tilespmem:$0x1F780] =	vst v63  }
0x2f: {  	_ =	swait.ge [sflag:s16], $0x2800  }
0x30: {  	[sflag:s16] =	ssyncset.done $0x0  }
0x31: {  	s25 =	simm.s32 $0x2880;
	[sflag:s16] =	ssyncadd.s32 $0xFFFFD800  }
0x32: {  	[spmem:s1] =	stream.indirect.scatter.add.f32 [tilespmem:s15], [sflag:$0x3], $0x80, s25, s14, $0xb8;
	[tilespmem:$0x1F780] =	vst v63  }
0x33: {  	_ =	swait.ge [sflag:s22], $0x2800  }
0x34: {  	[sflag:s22] =	ssyncset.done $0x0  }
0x35: {  	s30 =	simm.s32 $0xF0;
	[sflag:s22] =	ssyncadd.s32 $0xFFFFD800  }
0x36: {  	[tilespmem:s17], [sflag:$0x2] =	stream.indirect.gather [hbm4b:s4+s14], $0x80, s30, s14, $0xb8;
	[tilespmem:$0x1F780] =	vst v63  }
0x37: {  	_ =	swait.ge [sflag:s18], $0x2800  }
0x38: {  	[sflag:s18] =	ssyncset.done $0x0  }
0x39: {  	s31 =	simm.s32 $0x2900;
	[sflag:s18] =	ssyncadd.s32 $0xFFFFD800  }
0x3a: {  	[spmem:s1] =	stream.indirect.scatter.add.f32 [tilespmem:s17], [sflag:$0x4], $0x80, s31, s14, $0xb8;
	[tilespmem:$0x1F780] =	vst v63  }
0x3b: {  	_ =	swait.ge [sflag:s20], $0x2800  }
0x3c: {  	s28 =	simm.s32 $0x140;
	[sflag:s20] =	ssyncset.done $0x0  }
0x3d: {  	s26 =	simm.s32 $0x190;
	s25 =	simm.s32 $0xFFFF1000;
	[sflag:s20] =	ssyncadd.s32 $0xFFFFD800  }
.LBB2_2:
0x3e: {  	[tilespmem:s15], [sflag:$0x1] =	stream.indirect.gather [hbm4b:s4+s14], $0x80, s28, s14, $0xb8;
	[tilespmem:$0x1F780] =	vst v63  }
0x3f: {  	s28 =	smov.u32 s25  }
0x40: {  	p0 =	sne.s32 s25, $0xFFFFFC00;
	s25 =	sadd.s32 $0x400, s25;
	_ =	swait.ge [sflag:s16], $0x2800  }
0x41: {  	s28 =	sshra.s32 s28, $0x2;
	[sflag:s16] =	ssyncset.done $0x0  }
0x42: {  	s29 =	sadd.s32 $0x6580, s28;
	[sflag:s16] =	ssyncadd.s32 $0xFFFFD800  }
0x43: {  	[spmem:s1] =	stream.indirect.scatter.add.f32 [tilespmem:s15], [sflag:$0x3], $0x80, s29, s14, $0xb8;
	[tilespmem:$0x1F780] =	vst v63  }
0x44: {  	_ =	swait.ge [sflag:s22], $0x2800  }
0x45: {  	[sflag:s22] =	ssyncset.done $0x0  }
0x46: {  	[sflag:s22] =	ssyncadd.s32 $0xFFFFD800  }
0x47: {  	[tilespmem:s17], [sflag:$0x2] =	stream.indirect.gather [hbm4b:s4+s14], $0x80, s26, s14, $0xb8;
	[tilespmem:$0x1F780] =	vst v63  }
0x48: {  	_ =	swait.ge [sflag:s18], $0x2800  }
0x49: {  	[sflag:s18] =	ssyncset.done $0x0  }
.Ltmp0:
0x4a: {  	s28 =	sadd.s32 $0x6600, s28;
	[sflag:s18] =	ssyncadd.s32 $0xFFFFD800;
	(pc) =	sbr.rel @p0 .LBB2_2-.Ltmp0, $4  }
0x4b: {  	[spmem:s1] =	stream.indirect.scatter.add.f32 [tilespmem:s17], [sflag:$0x4], $0x80, s28, s14, $0xb8;
	[tilespmem:$0x1F780] =	vst v63  }
0x4c: {  	_ =	swait.ge [sflag:s20], $0x2800  }
0x4d: {  	[sflag:s20] =	ssyncset.done $0x0  }
0x4e: {  	s28 =	sadd.s32 $0x50, s26;
	s26 =	sadd.s32 $0xA0, s26;
	[sflag:s20] =	ssyncadd.s32 $0xFFFFD800  }
0x4f: {  	[tilespmem:s15], [sflag:$0x1] =	stream.indirect.gather [hbm4b:s4+s14], $0x80, s28, s14, $0xb8;
	[tilespmem:$0x1F780] =	vst v63  }
0x50: {  	_ =	swait.ge [sflag:s16], $0x2800  }
0x51: {  	[sflag:s16] =	ssyncset.done $0x0  }
0x52: {  	[sflag:s16] =	ssyncadd.s32 $0xFFFFD800  }
0x53: {  	[spmem:s1] =	stream.indirect.scatter.add.f32 [tilespmem:s15], [sflag:$0x3], $0x80, s23, s14, $0xb8;
	[tilespmem:$0x1F780] =	vst v63  }
0x54: {  	_ =	swait.ge [sflag:s20], $0x2800  }
0x55: {  	[sflag:s20] =	ssyncset.done $0x0  }
0x56: {  	[sflag:s20] =	ssyncadd.s32 $0xFFFFD800  }
0x57: {  	_ =	swait.ge [sflag:s22], $0x2800  }
0x58: {  	s24 =	sadd.s32 $0x1, s24;
	[sflag:s22] =	ssyncset.done $0x0  }
0x59: {  	p0 =	sne.s32 s24, s9;
	[sflag:s22] =	ssyncadd.s32 $0xFFFFD800  }
.Ltmp1:
0x5a: {  	[bflag:$0x0] =	sbarrier.arrive $0xFFFF;
	(pc) =	sbr.rel @p0 .LBB2_1-.Ltmp1, $4  }
0x5b: {  	[hbm:s8], [sflag:s12] =	dma.local [spmem:s13], $0x2800  }
0x5c: {  	_ =	swait.ge [sflag:s10], $0x2800  }
0x5d: {  	[sflag:s10] =	ssyncset.done $0x0  }
0x5e: {  	[sflag:s10] =	ssyncadd.s32 $0xFFFFD800  }
0x5f: {  	_ =	sfence.sel $0x180000  }
0x60: {  	[bflag:$0x0] =	sbarrier.arrive $0xFFFF  }
0x61: {  	p0 =	sne.s32 s2, $0x0;
	_ =	strace $0x90000056  }
0x62: {  	s0 =	sadd.s32 @!p0 $0x100000, s0;
	[bflag:$0x2] =	sbarrier.arrive $0xFFFF  }
0x63: {  	[sflag:s0] =	ssyncadd.tile.s32 @!p0 $0x1;
	_ =	shalt  }
.Lfunc_end2:
_tile_overlayer_lowered:
.L_overlay_start_2:
0x64: {  	(tag) =	ssettag $0x2  }
0x65: {  	s0 =	rddreg [dreg:$0x0];
	s2 =	stileid.u32  }
0x66: {  	s1 =	rddreg [dreg:$0x1];
	p0 =	sne.s32 s2, $0x0  }
0x67: {  	s3 =	rddreg [dreg:$0x2];
	[bflag:$0x3] =	sbarrier.arrive $0xFFFF;
	s2 =	simm.s32 @!p0 $0x1C05  }
0x68: {  	[timem:s3], [sflag:s2] =	dma.local @!p0 [hbm:s0], s1  }
0x69: {  	s0 =	simm.s32 @!p0 $0x5  }
0x6a: {  	_ =	swait.ge @!p0 [sflag:s0], s1  }
0x6b: {  	s1 =	ssub.s32 @!p0 $0x0, s1;
	[sflag:s0] =	ssyncset.done @!p0 $0x0  }
0x6c: {  	[sflag:s0] =	ssyncadd.s32 @!p0 s1  }
0x6d: {  	[bflag:$0x3] =	sbarrier.arrive $0xFFFF  }
0x6e: {  	_ =	shalt  }

// kernel: kernel.38.cloned.1.call-start
scs
__scs_entry_jumppad:
0x0: {  	(pc) =	sbr.rel $0x88, $3  }
0x1: {  	(tag) =	ssettag $0x0;
	lr =	simm.s32 $0x1  }
0x2: {  	[smem:$0x3F8F] =	sst lr;
	_ =	strace $0xD0000000  }
0x3: {  	_ = 	snop  }
0x4: {  	_ = 	snop  }
0x5: {  	_ = 	snop  }
0x6: {  	_ = 	snop  }
0x7: {  	_ = 	snop  }
__scs_overlays_trampoline_lowered:
0x8: {  	[smem:$0x3F9E] =	sst s0  }
0x9: {  	[smem:$0x3F9F] =	sst s1  }
0xa: {  	[smem:$0x3FA0] =	sst s2  }
0xb: {  	[smem:$0x3FA1] =	sst s3  }
0xc: {  	[smem:$0x3FA2] =	sst s4  }
0xd: {  	[smem:$0x3FA3] =	sst s5  }
0xe: {  	[smem:$0x3FA4] =	sst s6  }
0xf: {  	[smem:$0x3FA5] =	sst s7  }
0x10: {  	[smem:$0x3FA6] =	sst s8  }
0x11: {  	[smem:$0x3FA7] =	sst s9;
	s0 =	simm.s32 @!p0 $0x0  }
0x12: {  	s1 =	sld [smem:$0x3F8D];
	s0 =	simm.s32 @p0 $0x1  }
0x13: {  	[smem:$0x3FA8] =	sst s0;
	s0 =	simm.s32 @!p1 $0x0  }
0x14: {  	s2 =	sld [smem:$0x3F8C];
	s0 =	simm.s32 @p1 $0x1  }
0x15: {  	[smem:$0x3FA9] =	sst s0;
	s0 =	simm.s32 @!p2 $0x0  }
0x16: {  	s3 =	sld [smem:$0x3FDB];
	s0 =	simm.s32 @p2 $0x1  }
0x17: {  	s4 =	simm.s32 $0x1BF5;
	[smem:$0x3FAB] =	sst s0  }
0x18: {  	s0 =	sld [smem:$0x3F8E];
	_ =	swait.ge [sflag:s4], $0x0  }
0x19: {  	s7 =	sld [smem:$0x3F8F]  }
0x1a: {  	s8 =	sadd.s32 $0xFFFFE003, lr  }
0x1b: {  	s9 =	sadd.s32 $0xFFFFFEF7, lr;
	s5 =	simm.s32 $0xFFFFFFFF;
	p2 =	slt.u32 s8, $0xFFFFF086  }
0x1c: {  	p1 =	slt.u32 s9, $0xF7A;
	s5 =	simm.s32 @!p2 $0x0  }
0x1d: {  	s5 =	simm.s32 @p1 $0x1;
	p0 =	seq.s32 s7, s2  }
0x1e: {  	s7 =	smul.u32 @!p0 $0xF7A, s2;
	p2 =	seq.s32 @!p0 s5, $0x0  }
0x1f: {  	s9 =	smul.u32 $0xF7A, s1;
	s8 =	simm.s32 @!p0 $0x1BF5;
	p2 =	por !p2, p0  }
0x20: {  	[sflag:s8] =	ssyncset.s32 @!p0 $0xFFFFF086;
	s6 =	sadd.s32 @!p0 s3, s7;
	s7 =	simm.s32 @!p0 $0x108  }
0x21: {  	s3 =	sadd.s32 s3, s9;
	s6 =	sadd.s32 @!p0 $0x88, s6;
	s7 =	simm.s32 @p2 $0x1082  }
0x22: {  	[simem:s7], [sflag:s8] =	dma.local @!p0 [hbm:s6], $0xF7A  }
0x23: {  	s9 =	sor.u32 $0xD0000000, s2;
	s6 =	simm.s32 $0x108;
	_ =	swait.ge @!p0 [sflag:s8], $0x0  }
0x24: {  	s3 =	sadd.s32 $0x88, s3;
	s6 =	simm.s32 @!p1 $0x1082;
	[sflag:s4] =	ssyncset.s32 $0xFFFFF086  }
0x25: {  	[simem:s6], [sflag:s4] =	dma.local [hbm:s3], $0xF7A  }
0x26: {  	[smem:$0x3F8F] =	sst s1;
	(tag) =	ssettag s2;
	_ =	strace s9  }
0x27: {  	s1 =	sld [smem:$0x3F9F]  }
0x28: {  	s2 =	sld [smem:$0x3FA0]  }
0x29: {  	s4 =	sld [smem:$0x3FA2]  }
0x2a: {  	p0 =	seq.s32 s5, $0x0;
	s5 =	sld [smem:$0x3FA3]  }
0x2b: {  	s6 =	sld [smem:$0x3FA4]  }
0x2c: {  	s7 =	sld [smem:$0x3FA5]  }
0x2d: {  	s3 =	simm.s32 $0x108;
	s8 =	sld [smem:$0x3FA6]  }
0x2e: {  	s3 =	simm.s32 @!p0 $0x1082;
	s9 =	sld [smem:$0x3FA7]  }
0x2f: {  	lr =	sadd.s32 s0, s3;
	s0 =	sld [smem:$0x3F9E]  }
0x30: {  	s3 =	sld [smem:$0x3FA1]  }
0x31: {  	[smem:$0x3FAA] =	sst s10  }
0x32: {  	s10 =	sld [smem:$0x3FA8];
	_ =	sdelay $0x3  }
0x33: {  	p0 =	seq.s32 s10, $0x1;
	s10 =	sld [smem:$0x3FAA];
	_ =	sdelay $0x3  }
0x34: {  	[smem:$0x3FAA] =	sst s10  }
0x35: {  	s10 =	sld [smem:$0x3FA9];
	_ =	sdelay $0x3  }
0x36: {  	p1 =	seq.s32 s10, $0x1;
	s10 =	sld [smem:$0x3FAA];
	_ =	sdelay $0x3  }
0x37: {  	[smem:$0x3FAA] =	sst s10  }
0x38: {  	s10 =	sld [smem:$0x3FAB]  }
0x39: {  	_ = 	snop;
	(pc) =	sbr.ind lr, $3  }
0x3a: {  	_ = 	snop  }
0x3b: {  	_ = 	snop  }
0x3c: {  	p2 =	seq.s32 s10, $0x1;
	s10 =	sld [smem:$0x3FAA]  }
0x3d: {  	_ =	shalt  }
0x3e: {  	_ =	shalt  }
0x3f: {  	_ =	shalt  }
0x40: {  	_ =	shalt  }
0x41: {  	_ =	shalt  }
0x42: {  	_ =	shalt  }
0x43: {  	_ =	shalt  }
0x44: {  	_ =	shalt  }
0x45: {  	_ =	shalt  }
0x46: {  	_ =	shalt  }
0x47: {  	_ =	shalt  }
0x48: {  	_ =	shalt  }
0x49: {  	_ =	shalt  }
0x4a: {  	_ =	shalt  }
0x4b: {  	_ =	shalt  }
0x4c: {  	_ =	shalt  }
0x4d: {  	_ =	shalt  }
0x4e: {  	_ =	shalt  }
0x4f: {  	_ =	shalt  }
0x50: {  	_ =	shalt  }
0x51: {  	_ =	shalt  }
0x52: {  	_ =	shalt  }
0x53: {  	_ =	shalt  }
0x54: {  	_ =	shalt  }
0x55: {  	_ =	shalt  }
0x56: {  	_ =	shalt  }
0x57: {  	_ =	shalt  }
0x58: {  	_ =	shalt  }
0x59: {  	_ =	shalt  }
0x5a: {  	_ =	shalt  }
0x5b: {  	_ =	shalt  }
0x5c: {  	_ =	shalt  }
0x5d: {  	_ =	shalt  }
0x5e: {  	_ =	shalt  }
0x5f: {  	_ =	shalt  }
0x60: {  	_ =	shalt  }
0x61: {  	_ =	shalt  }
0x62: {  	_ =	shalt  }
0x63: {  	_ =	shalt  }
0x64: {  	_ =	shalt  }
0x65: {  	_ =	shalt  }
0x66: {  	_ =	shalt  }
0x67: {  	_ =	shalt  }
0x68: {  	_ =	shalt  }
0x69: {  	_ =	shalt  }
0x6a: {  	_ =	shalt  }
0x6b: {  	_ =	shalt  }
0x6c: {  	_ =	shalt  }
0x6d: {  	_ =	shalt  }
0x6e: {  	_ =	shalt  }
0x6f: {  	_ =	shalt  }
0x70: {  	_ =	shalt  }
0x71: {  	_ =	shalt  }
0x72: {  	_ =	shalt  }
0x73: {  	_ =	shalt  }
0x74: {  	_ =	shalt  }
0x75: {  	_ =	shalt  }
0x76: {  	_ =	shalt  }
0x77: {  	_ =	shalt  }
0x78: {  	_ =	shalt  }
0x79: {  	_ =	shalt  }
0x7a: {  	_ =	shalt  }
0x7b: {  	_ =	shalt  }
0x7c: {  	_ =	shalt  }
0x7d: {  	_ =	shalt  }
0x7e: {  	_ =	shalt  }
0x7f: {  	_ =	shalt  }
0x80: {  	_ =	shalt  }
0x81: {  	_ =	shalt  }
0x82: {  	_ =	shalt  }
0x83: {  	_ =	shalt  }
0x84: {  	_ =	shalt  }
0x85: {  	_ =	shalt  }
0x86: {  	_ =	shalt  }
0x87: {  	_ =	shalt  }
.Lfunc_end0:
.L_simem_size_0:
called_computation.6_lowered:
.L_overlay_start_0:
0x88: {  	s2 =	sld [smem:$0x3FD9]  }
0x89: {  	s3 =	sld [smem:$0x3FFE];
	_ =	sdelay $0x1  }
0x8a: {  	s1 =	srdreg.scid  }
0x8b: {  	s0 =	sand.u32 $0x1, s1  }
0x8c: {  	s17 =	sshll.u32 s0, $0xA;
	s2 =	sadd.s32 s3, s2  }
0x8d: {  	s2 =	sadd.s32 s2, s17  }
0x8e: {  	[smem:$0x3FB6] =	sst s2  }
0x8f: {  	_ = 	snop  }
0x90: {  	s2 =	sld [smem:$0x3FD0];
	(tm) =	ssettm $0x1  }
0x91: {  	s18 =	sld [smem:$0x3FFB];
	_ =	sdelay $0x3  }
0x92: {  	_ =	strace s18  }
0x93: {  	s3 =	sld [smem:$0x3FFC];
	_ =	sdelay $0x3  }
0x94: {  	_ =	strace s3  }
0x95: {  	s3 =	sld [smem:$0x3FFD];
	_ =	sdelay $0x3  }
0x96: {  	_ =	strace s3  }
0x97: {  	_ =	strace $0x8FFFFFFF  }
0x98: {  	s19 =	sld [smem:$0x3FDB];
	_ =	sdelay $0x1  }
0x99: {  	s4 =	simm.s32 $_scs_section_size  }
0x9a: {  	s5 =	simm.s32 $_size__tile_overlayer_lowered;
	s6 =	simm.s32 $_tile_overlayer_lowered  }
0x9b: {  	s22 =	simm.s32 $0x1BFF;
	s21 =	sshll.u32 s6, $0x1;
	s3 =	sadd.s32 s4, s19  }
0x9c: {  	s7 =	simm.s32 $0x0;
	s20 =	sshll.u32 s5, $0x1;
	s5 =	sadd.s32 s21, s3  }
0x9d: {  	[timem:s7], [sflag:s22] =	dma.local [hbm:s5], s20  }
0x9e: {  	_ =	swait.ge [sflag:s22], s20  }
0x9f: {  	s4 =	ssub.s32 $0x0, s20;
	[sflag:s22] =	ssyncset.done $0x0  }
0xa0: {  	[sflag:s22] =	ssyncadd.s32 s4;
	_ =	sdelay $0x1  }
0xa1: {  	s23 =	simm.s32 $0x1B8B  }
0xa2: {  	_ =	swait.ge [sflag:s23], $0x1  }
0xa3: {  	[sflag:s23] =	ssyncset.done $0x0  }
0xa4: {  	s25 =	simm.s32 $0x1B8E;
	s24 =	sld [smem:$0x3FFE];
	[sflag:s23] =	ssyncadd.s32 $0xFFFFFFFF  }
0xa5: {  	s26 =	simm.s32 $execute0_lowered;
	[smem:$0x3FD2] =	sst s25  }
0xa6: {  	s5 =	sshll.u32 s26, $0x1;
	_ =	strace $0x80000058;
	[dreg:$0x1] =	wrdreg $0xFFFFFFFF  }
0xa7: {  	s28 =	simm.s32 $_size_execute0_lowered;
	s3 =	sadd.s32 s3, s5;
	[dreg:$0x0] =	wrdreg $0x0  }
0xa8: {  	s5 =	sshll.u32 s28, $0x1;
	[dreg:$0x2] =	wrdreg s3  }
0xa9: {  	[dreg:$0x3] =	wrdreg s5  }
0xaa: {  	[dreg:$0x4] =	wrdreg $0xC0  }
0xab: {  	_ =	task [dreg:s7], $0x5FFFF  }
0xac: {  	[dreg:$0x1] =	wrdreg $0xFFFFFFFF  }
0xad: {  	[dreg:$0x0] =	wrdreg $0x60  }
0xae: {  	[dreg:$0x2] =	wrdreg s24  }
0xaf: {  	[dreg:$0x3] =	wrdreg s2  }
0xb0: {  	[dreg:$0x4] =	wrdreg $0xB7800  }
0xb1: {  	[dreg:$0x5] =	wrdreg $0x9  }
0xb2: {  	_ =	task.clear_ibuf [dreg:s7], $0x6FFFF;
	_ =	strace $0x90000058  }
0xb3: {  	s29 =	simm.s32 $0x9;
	_ =	strace $0x8000005A  }
0xb4: {  	_ =	swait.ge [sflag:s29], $0x1  }
0xb5: {  	[sflag:s29] =	ssyncadd.s32 $0xFFFFFFFF  }
0xb6: {  	_ =	strace $0x9000005A  }
0xb7: {  	_ =	sfence  }
0xb8: {  	s30 =	sld [smem:$0x0];
	_ =	sdelay $0x2  }
0xb9: {  	s31 =	sshll.u32 s1, $0xD;
	s1 =	sshrl.u32 s1, $0x2  }
0xba: {  	s3 =	sand.u32 $0x4000, s31;
	s1 =	sadd.s32 s1, s30  }
0xbb: {  	s0 =	sor.u32 s3, s0;
	s1 =	sshll.u32 s1, $0x11  }
0xbc: {  	s0 =	sor.u32 s1, s0  }
0xbd: {  	s0 =	sadd.s32 $0x8F2B, s0  }
0xbe: {  	[sflag:s0] =	ssyncadd.remote.s32 $0x1  }
0xbf: {  	_ =	sfence.sel $0xFFFF  }
0xc0: {  	[dreg:$0x0] =	wrdreg $0xFFFFFFFF;
	(pc) =	sbr.abs _section_cstart, $3  }
0xc1: {  	[dreg:$0x1] =	wrdreg $0xFFFFFFFF  }
0xc2: {  	_ =	task.clear_ibuf [dreg:s7], $0x2FFFF;
	_ =	strace $0x9FFFFFFF  }
0xc3: {  	(tm) =	ssettm $0x7FFFFFFF  }
tec
execute0_lowered:
.L_overlay_start_1:
0x0: {  	(tag) =	ssettag $0x1  }
0x1: {  	s6 =	rddreg [dreg:$0x0]  }
0x2: {  	s7 =	rddreg [dreg:$0x1]  }
0x3: {  	s1 =	rddreg [dreg:$0x2]  }
0x4: {  	s2 =	srdreg.scid;
	s0 =	rddreg [dreg:$0x3]  }
0x5: {  	s3 =	simm.s32 $0x0;
	s14 =	simm.s32 $0x50;
	s15 =	simm.s32 $0x6780  }
0x6: {  	s16 =	simm.s32 $0x1;
	s17 =	simm.s32 $0x8F80;
	s18 =	simm.s32 $0x2  }
0x7: {  	s19 =	simm.s32 $0x2800;
	s20 =	simm.s32 $0x3;
	s21 =	simm.s32 $0xA0  }
0x8: {  	s22 =	simm.s32 $0x4;
	s8 =	sand.u32 $0x1, s2;
	s2 =	stileid.u32  }
0x9: {  	s23 =	simm.s32 $0x6580;
	s24 =	simm.s32 $0x0;
	s10 =	smul.u32 $0x2800, s2  }
0xa: {  	[smem:$0x7FF] =	sst s3;
	s4 =	sshll.u32 s8, $0x4;
	s12 =	smul.u32 $0x28000, s8  }
0xb: {  	_ =	strace $0x80000059;
	s8 =	ssub.s32 $0x2, s8;
	s13 =	smul.u32 $0x50000, s2  }
0xc: {  	s31 =	sshll.u32 s2, $0x6;
	s9 =	sor.u32 s2, s4;
	s4 =	sadd.s32 $0x1A800, s6  }
0xd: {  	s29 =	sshrl.u32 s8, $0x1;
	s5 =	sshll.u32 s9, $0xB;
	s10 =	sadd.s32 s10, s12  }
0xe: {  	s9 =	smul.u32 $0x4E2, s9;
	s12 =	ssub.s32 s8, s29;
	s30 =	sshrl.u32 s13, $0x2  }
0xf: {  	s11 =	sadd.s32 s5, s6;
	s5 =	sadd.s32 $0x18000, s6;
	s10 =	sadd.s32 s10, s6  }
0x10: {  	s13 =	sadd.s32 s30, s1;
	s6 =	sadd.s32 s7, s9;
	s7 =	sadd.s32 $0x8000, s11  }
0x11: {  	s8 =	sadd.s32 $0x8FE00, s10;
	s9 =	smax.u32 s12, $0x1;
	s10 =	simm.s32 $0x5  }
0x12: {  	s11 =	simm.s32 $0x2780;
	s12 =	sor.u32 $0x1C05, s31;
	s13 =	sshrl.u32 s13, $0x3  }
.LBB2_1:
0x13: {  	[tilespmem:s3], [sflag:$0x5] =	stream.linear.gather [hbm4b:s6+s3], $0x2710, $0x38;
	[tilespmem:$0x1F780] =	vst v63  }
0x14: {  	_ =	swait.ge [sflag:s10], $0x2710  }
0x15: {  	[sflag:s10] =	ssyncset.done $0x0  }
0x16: {  	[sflag:s10] =	ssyncadd.s32 $0xFFFFD8F0  }
0x17: {  	[tilespmem:s11], [sflag:$0x5] =	stream.linear.gather [hbm4b:s7+s3], $0x3E80, $0x38;
	[tilespmem:$0x1F780] =	vst v63  }
0x18: {  	_ =	swait.ge [sflag:s10], $0x3E80  }
0x19: {  	[sflag:s10] =	ssyncset.done $0x0  }
0x1a: {  	[sflag:s10] =	ssyncadd.s32 $0xFFFFC180  }
0x1b: {  	[spmem:s13], [sflag:s12] =	dma.local [hbm:s5], $0x2800  }
0x1c: {  	_ =	swait.ge [sflag:s10], $0x2800  }
0x1d: {  	[sflag:s10] =	ssyncset.done $0x0  }
0x1e: {  	[sflag:s10] =	ssyncadd.s32 $0xFFFFD800  }
0x1f: {  	[bflag:$0x0] =	sbarrier.arrive $0xFFFF  }
0x20: {  	[tilespmem:s15], [sflag:$0x1] =	stream.indirect.gather [hbm4b:s4+s14], $0x80, s3, s14, $0xb8;
	[tilespmem:$0x1F780] =	vst v63  }
0x21: {  	_ =	swait.ge [sflag:s16], $0x2800  }
0x22: {  	[sflag:s16] =	ssyncset.done $0x0  }
0x23: {  	[sflag:s16] =	ssyncadd.s32 $0xFFFFD800  }
0x24: {  	[spmem:s1] =	stream.indirect.scatter.add.f32 [tilespmem:s15], [sflag:$0x3], $0x80, s11, s14, $0xb8;
	[tilespmem:$0x1F780] =	vst v63  }
0x25: {  	_ = 	snop  }
0x26: {  	[tilespmem:s17], [sflag:$0x2] =	stream.indirect.gather [hbm4b:s4+s14], $0x80, s14, s14, $0xb8;
	[tilespmem:$0x1F780] =	vst v63  }
0x27: {  	_ =	swait.ge [sflag:s18], $0x2800  }
0x28: {  	[sflag:s18] =	ssyncset.done $0x0  }
0x29: {  	[sflag:s18] =	ssyncadd.s32 $0xFFFFD800  }
0x2a: {  	[spmem:s1] =	stream.indirect.scatter.add.f32 [tilespmem:s17], [sflag:$0x4], $0x80, s19, s14, $0xb8;
	[tilespmem:$0x1F780] =	vst v63  }
0x2b: {  	_ =	swait.ge [sflag:s20], $0x2800  }
0x2c: {  	[sflag:s20] =	ssyncset.done $0x0  }
0x2d: {  	[sflag:s20] =	ssyncadd.s32 $0xFFFFD800  }
0x2e: {  	[tilespmem:s15], [sflag:$0x1] =	stream.indirect.gather [hbm4b:s4+s14], $0x80, s21, s14, $0xb8;
	[tilespmem:$0x1F780] =	vst v63  }
0x2f: {  	_ =	swait.ge [sflag:s16], $0x2800  }
0x30: {  	[sflag:s16] =	ssyncset.done $0x0  }
0x31: {  	s25 =	simm.s32 $0x2880;
	[sflag:s16] =	ssyncadd.s32 $0xFFFFD800  }
0x32: {  	[spmem:s1] =	stream.indirect.scatter.add.f32 [tilespmem:s15], [sflag:$0x3], $0x80, s25, s14, $0xb8;
	[tilespmem:$0x1F780] =	vst v63  }
0x33: {  	_ =	swait.ge [sflag:s22], $0x2800  }
0x34: {  	[sflag:s22] =	ssyncset.done $0x0  }
0x35: {  	s30 =	simm.s32 $0xF0;
	[sflag:s22] =	ssyncadd.s32 $0xFFFFD800  }
0x36: {  	[tilespmem:s17], [sflag:$0x2] =	stream.indirect.gather [hbm4b:s4+s14], $0x80, s30, s14, $0xb8;
	[tilespmem:$0x1F780] =	vst v63  }
0x37: {  	_ =	swait.ge [sflag:s18], $0x2800  }
0x38: {  	[sflag:s18] =	ssyncset.done $0x0  }
0x39: {  	s31 =	simm.s32 $0x2900;
	[sflag:s18] =	ssyncadd.s32 $0xFFFFD800  }
0x3a: {  	[spmem:s1] =	stream.indirect.scatter.add.f32 [tilespmem:s17], [sflag:$0x4], $0x80, s31, s14, $0xb8;
	[tilespmem:$0x1F780] =	vst v63  }
0x3b: {  	_ =	swait.ge [sflag:s20], $0x2800  }
0x3c: {  	s28 =	simm.s32 $0x140;
	[sflag:s20] =	ssyncset.done $0x0  }
0x3d: {  	s26 =	simm.s32 $0x190;
	s25 =	simm.s32 $0xFFFF1000;
	[sflag:s20] =	ssyncadd.s32 $0xFFFFD800  }
.LBB2_2:
0x3e: {  	[tilespmem:s15], [sflag:$0x1] =	stream.indirect.gather [hbm4b:s4+s14], $0x80, s28, s14, $0xb8;
	[tilespmem:$0x1F780] =	vst v63  }
0x3f: {  	s28 =	smov.u32 s25  }
0x40: {  	p0 =	sne.s32 s25, $0xFFFFFC00;
	s25 =	sadd.s32 $0x400, s25;
	_ =	swait.ge [sflag:s16], $0x2800  }
0x41: {  	s28 =	sshra.s32 s28, $0x2;
	[sflag:s16] =	ssyncset.done $0x0  }
0x42: {  	s29 =	sadd.s32 $0x6580, s28;
	[sflag:s16] =	ssyncadd.s32 $0xFFFFD800  }
0x43: {  	[spmem:s1] =	stream.indirect.scatter.add.f32 [tilespmem:s15], [sflag:$0x3], $0x80, s29, s14, $0xb8;
	[tilespmem:$0x1F780] =	vst v63  }
0x44: {  	_ =	swait.ge [sflag:s22], $0x2800  }
0x45: {  	[sflag:s22] =	ssyncset.done $0x0  }
0x46: {  	[sflag:s22] =	ssyncadd.s32 $0xFFFFD800  }
0x47: {  	[tilespmem:s17], [sflag:$0x2] =	stream.indirect.gather [hbm4b:s4+s14], $0x80, s26, s14, $0xb8;
	[tilespmem:$0x1F780] =	vst v63  }
0x48: {  	_ =	swait.ge [sflag:s18], $0x2800  }
0x49: {  	[sflag:s18] =	ssyncset.done $0x0  }
.Ltmp0:
0x4a: {  	s28 =	sadd.s32 $0x6600, s28;
	[sflag:s18] =	ssyncadd.s32 $0xFFFFD800;
	(pc) =	sbr.rel @p0 .LBB2_2-.Ltmp0, $4  }
0x4b: {  	[spmem:s1] =	stream.indirect.scatter.add.f32 [tilespmem:s17], [sflag:$0x4], $0x80, s28, s14, $0xb8;
	[tilespmem:$0x1F780] =	vst v63  }
0x4c: {  	_ =	swait.ge [sflag:s20], $0x2800  }
0x4d: {  	[sflag:s20] =	ssyncset.done $0x0  }
0x4e: {  	s28 =	sadd.s32 $0x50, s26;
	s26 =	sadd.s32 $0xA0, s26;
	[sflag:s20] =	ssyncadd.s32 $0xFFFFD800  }
0x4f: {  	[tilespmem:s15], [sflag:$0x1] =	stream.indirect.gather [hbm4b:s4+s14], $0x80, s28, s14, $0xb8;
	[tilespmem:$0x1F780] =	vst v63  }
0x50: {  	_ =	swait.ge [sflag:s16], $0x2800  }
0x51: {  	[sflag:s16] =	ssyncset.done $0x0  }
0x52: {  	[sflag:s16] =	ssyncadd.s32 $0xFFFFD800  }
0x53: {  	[spmem:s1] =	stream.indirect.scatter.add.f32 [tilespmem:s15], [sflag:$0x3], $0x80, s23, s14, $0xb8;
	[tilespmem:$0x1F780] =	vst v63  }
0x54: {  	_ =	swait.ge [sflag:s20], $0x2800  }
0x55: {  	[sflag:s20] =	ssyncset.done $0x0  }
0x56: {  	[sflag:s20] =	ssyncadd.s32 $0xFFFFD800  }
0x57: {  	_ =	swait.ge [sflag:s22], $0x2800  }
0x58: {  	s24 =	sadd.s32 $0x1, s24;
	[sflag:s22] =	ssyncset.done $0x0  }
0x59: {  	p0 =	sne.s32 s24, s9;
	[sflag:s22] =	ssyncadd.s32 $0xFFFFD800  }
.Ltmp1:
0x5a: {  	[bflag:$0x0] =	sbarrier.arrive $0xFFFF;
	(pc) =	sbr.rel @p0 .LBB2_1-.Ltmp1, $4  }
0x5b: {  	[hbm:s8], [sflag:s12] =	dma.local [spmem:s13], $0x2800  }
0x5c: {  	_ =	swait.ge [sflag:s10], $0x2800  }
0x5d: {  	[sflag:s10] =	ssyncset.done $0x0  }
0x5e: {  	[sflag:s10] =	ssyncadd.s32 $0xFFFFD800  }
0x5f: {  	_ =	sfence.sel $0x180000  }
0x60: {  	[bflag:$0x0] =	sbarrier.arrive $0xFFFF  }
0x61: {  	p0 =	sne.s32 s2, $0x0;
	_ =	strace $0x90000059  }
0x62: {  	s0 =	sadd.s32 @!p0 $0x100000, s0;
	[bflag:$0x2] =	sbarrier.arrive $0xFFFF  }
0x63: {  	[sflag:s0] =	ssyncadd.tile.s32 @!p0 $0x1;
	_ =	shalt  }
.Lfunc_end2:
_tile_overlayer_lowered:
.L_overlay_start_2:
0x64: {  	(tag) =	ssettag $0x2  }
0x65: {  	s0 =	rddreg [dreg:$0x0];
	s2 =	stileid.u32  }
0x66: {  	s1 =	rddreg [dreg:$0x1];
	p0 =	sne.s32 s2, $0x0  }
0x67: {  	s3 =	rddreg [dreg:$0x2];
	[bflag:$0x3] =	sbarrier.arrive $0xFFFF;
	s2 =	simm.s32 @!p0 $0x1C05  }
0x68: {  	[timem:s3], [sflag:s2] =	dma.local @!p0 [hbm:s0], s1  }
0x69: {  	s0 =	simm.s32 @!p0 $0x5  }
0x6a: {  	_ =	swait.ge @!p0 [sflag:s0], s1  }
0x6b: {  	s1 =	ssub.s32 @!p0 $0x0, s1;
	[sflag:s0] =	ssyncset.done @!p0 $0x0  }
0x6c: {  	[sflag:s0] =	ssyncadd.s32 @!p0 s1  }
0x6d: {  	[bflag:$0x3] =	sbarrier.arrive $0xFFFF  }
0x6e: {  	_ =	shalt  }

// kernel: kernel.41.cloned.1.call-start
scs
__scs_entry_jumppad:
0x0: {  	(pc) =	sbr.rel $0x88, $3  }
0x1: {  	(tag) =	ssettag $0x0;
	lr =	simm.s32 $0x1  }
0x2: {  	[smem:$0x3F8F] =	sst lr;
	_ =	strace $0xD0000000  }
0x3: {  	_ = 	snop  }
0x4: {  	_ = 	snop  }
0x5: {  	_ = 	snop  }
0x6: {  	_ = 	snop  }
0x7: {  	_ = 	snop  }
__scs_overlays_trampoline_lowered:
0x8: {  	[smem:$0x3F9E] =	sst s0  }
0x9: {  	[smem:$0x3F9F] =	sst s1  }
0xa: {  	[smem:$0x3FA0] =	sst s2  }
0xb: {  	[smem:$0x3FA1] =	sst s3  }
0xc: {  	[smem:$0x3FA2] =	sst s4  }
0xd: {  	[smem:$0x3FA3] =	sst s5  }
0xe: {  	[smem:$0x3FA4] =	sst s6  }
0xf: {  	[smem:$0x3FA5] =	sst s7  }
0x10: {  	[smem:$0x3FA6] =	sst s8  }
0x11: {  	[smem:$0x3FA7] =	sst s9;
	s0 =	simm.s32 @!p0 $0x0  }
0x12: {  	s1 =	sld [smem:$0x3F8D];
	s0 =	simm.s32 @p0 $0x1  }
0x13: {  	[smem:$0x3FA8] =	sst s0;
	s0 =	simm.s32 @!p1 $0x0  }
0x14: {  	s2 =	sld [smem:$0x3F8C];
	s0 =	simm.s32 @p1 $0x1  }
0x15: {  	[smem:$0x3FA9] =	sst s0;
	s0 =	simm.s32 @!p2 $0x0  }
0x16: {  	s3 =	sld [smem:$0x3FDB];
	s0 =	simm.s32 @p2 $0x1  }
0x17: {  	s4 =	simm.s32 $0x1BF5;
	[smem:$0x3FAB] =	sst s0  }
0x18: {  	s0 =	sld [smem:$0x3F8E];
	_ =	swait.ge [sflag:s4], $0x0  }
0x19: {  	s7 =	sld [smem:$0x3F8F]  }
0x1a: {  	s8 =	sadd.s32 $0xFFFFE003, lr  }
0x1b: {  	s9 =	sadd.s32 $0xFFFFFEF7, lr;
	s5 =	simm.s32 $0xFFFFFFFF;
	p2 =	slt.u32 s8, $0xFFFFF086  }
0x1c: {  	p1 =	slt.u32 s9, $0xF7A;
	s5 =	simm.s32 @!p2 $0x0  }
0x1d: {  	s5 =	simm.s32 @p1 $0x1;
	p0 =	seq.s32 s7, s2  }
0x1e: {  	s7 =	smul.u32 @!p0 $0xF7A, s2;
	p2 =	seq.s32 @!p0 s5, $0x0  }
0x1f: {  	s9 =	smul.u32 $0xF7A, s1;
	s8 =	simm.s32 @!p0 $0x1BF5;
	p2 =	por !p2, p0  }
0x20: {  	[sflag:s8] =	ssyncset.s32 @!p0 $0xFFFFF086;
	s6 =	sadd.s32 @!p0 s3, s7;
	s7 =	simm.s32 @!p0 $0x108  }
0x21: {  	s3 =	sadd.s32 s3, s9;
	s6 =	sadd.s32 @!p0 $0x88, s6;
	s7 =	simm.s32 @p2 $0x1082  }
0x22: {  	[simem:s7], [sflag:s8] =	dma.local @!p0 [hbm:s6], $0xF7A  }
0x23: {  	s9 =	sor.u32 $0xD0000000, s2;
	s6 =	simm.s32 $0x108;
	_ =	swait.ge @!p0 [sflag:s8], $0x0  }
0x24: {  	s3 =	sadd.s32 $0x88, s3;
	s6 =	simm.s32 @!p1 $0x1082;
	[sflag:s4] =	ssyncset.s32 $0xFFFFF086  }
0x25: {  	[simem:s6], [sflag:s4] =	dma.local [hbm:s3], $0xF7A  }
0x26: {  	[smem:$0x3F8F] =	sst s1;
	(tag) =	ssettag s2;
	_ =	strace s9  }
0x27: {  	s1 =	sld [smem:$0x3F9F]  }
0x28: {  	s2 =	sld [smem:$0x3FA0]  }
0x29: {  	s4 =	sld [smem:$0x3FA2]  }
0x2a: {  	p0 =	seq.s32 s5, $0x0;
	s5 =	sld [smem:$0x3FA3]  }
0x2b: {  	s6 =	sld [smem:$0x3FA4]  }
0x2c: {  	s7 =	sld [smem:$0x3FA5]  }
0x2d: {  	s3 =	simm.s32 $0x108;
	s8 =	sld [smem:$0x3FA6]  }
0x2e: {  	s3 =	simm.s32 @!p0 $0x1082;
	s9 =	sld [smem:$0x3FA7]  }
0x2f: {  	lr =	sadd.s32 s0, s3;
	s0 =	sld [smem:$0x3F9E]  }
0x30: {  	s3 =	sld [smem:$0x3FA1]  }
0x31: {  	[smem:$0x3FAA] =	sst s10  }
0x32: {  	s10 =	sld [smem:$0x3FA8];
	_ =	sdelay $0x3  }
0x33: {  	p0 =	seq.s32 s10, $0x1;
	s10 =	sld [smem:$0x3FAA];
	_ =	sdelay $0x3  }
0x34: {  	[smem:$0x3FAA] =	sst s10  }
0x35: {  	s10 =	sld [smem:$0x3FA9];
	_ =	sdelay $0x3  }
0x36: {  	p1 =	seq.s32 s10, $0x1;
	s10 =	sld [smem:$0x3FAA];
	_ =	sdelay $0x3  }
0x37: {  	[smem:$0x3FAA] =	sst s10  }
0x38: {  	s10 =	sld [smem:$0x3FAB]  }
0x39: {  	_ = 	snop;
	(pc) =	sbr.ind lr, $3  }
0x3a: {  	_ = 	snop  }
0x3b: {  	_ = 	snop  }
0x3c: {  	p2 =	seq.s32 s10, $0x1;
	s10 =	sld [smem:$0x3FAA]  }
0x3d: {  	_ =	shalt  }
0x3e: {  	_ =	shalt  }
0x3f: {  	_ =	shalt  }
0x40: {  	_ =	shalt  }
0x41: {  	_ =	shalt  }
0x42: {  	_ =	shalt  }
0x43: {  	_ =	shalt  }
0x44: {  	_ =	shalt  }
0x45: {  	_ =	shalt  }
0x46: {  	_ =	shalt  }
0x47: {  	_ =	shalt  }
0x48: {  	_ =	shalt  }
0x49: {  	_ =	shalt  }
0x4a: {  	_ =	shalt  }
0x4b: {  	_ =	shalt  }
0x4c: {  	_ =	shalt  }
0x4d: {  	_ =	shalt  }
0x4e: {  	_ =	shalt  }
0x4f: {  	_ =	shalt  }
0x50: {  	_ =	shalt  }
0x51: {  	_ =	shalt  }
0x52: {  	_ =	shalt  }
0x53: {  	_ =	shalt  }
0x54: {  	_ =	shalt  }
0x55: {  	_ =	shalt  }
0x56: {  	_ =	shalt  }
0x57: {  	_ =	shalt  }
0x58: {  	_ =	shalt  }
0x59: {  	_ =	shalt  }
0x5a: {  	_ =	shalt  }
0x5b: {  	_ =	shalt  }
0x5c: {  	_ =	shalt  }
0x5d: {  	_ =	shalt  }
0x5e: {  	_ =	shalt  }
0x5f: {  	_ =	shalt  }
0x60: {  	_ =	shalt  }
0x61: {  	_ =	shalt  }
0x62: {  	_ =	shalt  }
0x63: {  	_ =	shalt  }
0x64: {  	_ =	shalt  }
0x65: {  	_ =	shalt  }
0x66: {  	_ =	shalt  }
0x67: {  	_ =	shalt  }
0x68: {  	_ =	shalt  }
0x69: {  	_ =	shalt  }
0x6a: {  	_ =	shalt  }
0x6b: {  	_ =	shalt  }
0x6c: {  	_ =	shalt  }
0x6d: {  	_ =	shalt  }
0x6e: {  	_ =	shalt  }
0x6f: {  	_ =	shalt  }
0x70: {  	_ =	shalt  }
0x71: {  	_ =	shalt  }
0x72: {  	_ =	shalt  }
0x73: {  	_ =	shalt  }
0x74: {  	_ =	shalt  }
0x75: {  	_ =	shalt  }
0x76: {  	_ =	shalt  }
0x77: {  	_ =	shalt  }
0x78: {  	_ =	shalt  }
0x79: {  	_ =	shalt  }
0x7a: {  	_ =	shalt  }
0x7b: {  	_ =	shalt  }
0x7c: {  	_ =	shalt  }
0x7d: {  	_ =	shalt  }
0x7e: {  	_ =	shalt  }
0x7f: {  	_ =	shalt  }
0x80: {  	_ =	shalt  }
0x81: {  	_ =	shalt  }
0x82: {  	_ =	shalt  }
0x83: {  	_ =	shalt  }
0x84: {  	_ =	shalt  }
0x85: {  	_ =	shalt  }
0x86: {  	_ =	shalt  }
0x87: {  	_ =	shalt  }
.Lfunc_end0:
.L_simem_size_0:
called_computation.7_lowered:
.L_overlay_start_0:
0x88: {  	s2 =	sld [smem:$0x3FD9]  }
0x89: {  	s3 =	sld [smem:$0x3FFE];
	_ =	sdelay $0x1  }
0x8a: {  	s1 =	srdreg.scid  }
0x8b: {  	s0 =	sand.u32 $0x1, s1  }
0x8c: {  	s17 =	sshll.u32 s0, $0xA;
	s2 =	sadd.s32 s3, s2  }
0x8d: {  	s2 =	sadd.s32 s2, s17  }
0x8e: {  	[smem:$0x3FB6] =	sst s2  }
0x8f: {  	_ = 	snop  }
0x90: {  	s2 =	sld [smem:$0x3FD0];
	(tm) =	ssettm $0x1  }
0x91: {  	s18 =	sld [smem:$0x3FFB];
	_ =	sdelay $0x3  }
0x92: {  	_ =	strace s18  }
0x93: {  	s3 =	sld [smem:$0x3FFC];
	_ =	sdelay $0x3  }
0x94: {  	_ =	strace s3  }
0x95: {  	s3 =	sld [smem:$0x3FFD];
	_ =	sdelay $0x3  }
0x96: {  	_ =	strace s3  }
0x97: {  	_ =	strace $0x8FFFFFFF  }
0x98: {  	s19 =	sld [smem:$0x3FDB];
	_ =	sdelay $0x1  }
0x99: {  	s4 =	simm.s32 $_scs_section_size  }
0x9a: {  	s5 =	simm.s32 $_size__tile_overlayer_lowered;
	s6 =	simm.s32 $_tile_overlayer_lowered  }
0x9b: {  	s22 =	simm.s32 $0x1BFF;
	s21 =	sshll.u32 s6, $0x1;
	s3 =	sadd.s32 s4, s19  }
0x9c: {  	s7 =	simm.s32 $0x0;
	s20 =	sshll.u32 s5, $0x1;
	s5 =	sadd.s32 s21, s3  }
0x9d: {  	[timem:s7], [sflag:s22] =	dma.local [hbm:s5], s20  }
0x9e: {  	_ =	swait.ge [sflag:s22], s20  }
0x9f: {  	s4 =	ssub.s32 $0x0, s20;
	[sflag:s22] =	ssyncset.done $0x0  }
0xa0: {  	[sflag:s22] =	ssyncadd.s32 s4;
	_ =	sdelay $0x1  }
0xa1: {  	s23 =	simm.s32 $0x1B8B  }
0xa2: {  	_ =	swait.ge [sflag:s23], $0x1  }
0xa3: {  	[sflag:s23] =	ssyncset.done $0x0  }
0xa4: {  	s25 =	simm.s32 $0x1B8E;
	s24 =	sld [smem:$0x3FFE];
	[sflag:s23] =	ssyncadd.s32 $0xFFFFFFFF  }
0xa5: {  	s26 =	simm.s32 $execute0_lowered;
	[smem:$0x3FD2] =	sst s25  }
0xa6: {  	s5 =	sshll.u32 s26, $0x1;
	_ =	strace $0x8000005B;
	[dreg:$0x1] =	wrdreg $0xFFFFFFFF  }
0xa7: {  	s28 =	simm.s32 $_size_execute0_lowered;
	s3 =	sadd.s32 s3, s5;
	[dreg:$0x0] =	wrdreg $0x0  }
0xa8: {  	s5 =	sshll.u32 s28, $0x1;
	[dreg:$0x2] =	wrdreg s3  }
0xa9: {  	[dreg:$0x3] =	wrdreg s5  }
0xaa: {  	[dreg:$0x4] =	wrdreg $0xC0  }
0xab: {  	_ =	task [dreg:s7], $0x5FFFF  }
0xac: {  	[dreg:$0x1] =	wrdreg $0xFFFFFFFF  }
0xad: {  	[dreg:$0x0] =	wrdreg $0x60  }
0xae: {  	[dreg:$0x2] =	wrdreg s24  }
0xaf: {  	[dreg:$0x3] =	wrdreg s2  }
0xb0: {  	[dreg:$0x4] =	wrdreg $0xB7800  }
0xb1: {  	[dreg:$0x5] =	wrdreg $0x9  }
0xb2: {  	_ =	task.clear_ibuf [dreg:s7], $0x6FFFF;
	_ =	strace $0x9000005B  }
0xb3: {  	s29 =	simm.s32 $0x9;
	_ =	strace $0x8000005D  }
0xb4: {  	_ =	swait.ge [sflag:s29], $0x1  }
0xb5: {  	[sflag:s29] =	ssyncadd.s32 $0xFFFFFFFF  }
0xb6: {  	_ =	strace $0x9000005D  }
0xb7: {  	_ =	sfence  }
0xb8: {  	s30 =	sld [smem:$0x0];
	_ =	sdelay $0x2  }
0xb9: {  	s31 =	sshll.u32 s1, $0xD;
	s1 =	sshrl.u32 s1, $0x2  }
0xba: {  	s3 =	sand.u32 $0x4000, s31;
	s1 =	sadd.s32 s1, s30  }
0xbb: {  	s0 =	sor.u32 s3, s0;
	s1 =	sshll.u32 s1, $0x11  }
0xbc: {  	s0 =	sor.u32 s1, s0  }
0xbd: {  	s0 =	sadd.s32 $0x8F2B, s0  }
0xbe: {  	[sflag:s0] =	ssyncadd.remote.s32 $0x1  }
0xbf: {  	_ =	sfence.sel $0xFFFF  }
0xc0: {  	[dreg:$0x0] =	wrdreg $0xFFFFFFFF;
	(pc) =	sbr.abs _section_cstart, $3  }
0xc1: {  	[dreg:$0x1] =	wrdreg $0xFFFFFFFF  }
0xc2: {  	_ =	task.clear_ibuf [dreg:s7], $0x2FFFF;
	_ =	strace $0x9FFFFFFF  }
0xc3: {  	(tm) =	ssettm $0x7FFFFFFF  }
tec
execute0_lowered:
.L_overlay_start_1:
0x0: {  	(tag) =	ssettag $0x1  }
0x1: {  	s6 =	rddreg [dreg:$0x0]  }
0x2: {  	s7 =	rddreg [dreg:$0x1]  }
0x3: {  	s1 =	rddreg [dreg:$0x2]  }
0x4: {  	s2 =	srdreg.scid;
	s0 =	rddreg [dreg:$0x3]  }
0x5: {  	s3 =	simm.s32 $0x0;
	s14 =	simm.s32 $0x50;
	s15 =	simm.s32 $0x6780  }
0x6: {  	s16 =	simm.s32 $0x1;
	s17 =	simm.s32 $0x8F80;
	s18 =	simm.s32 $0x2  }
0x7: {  	s19 =	simm.s32 $0x2800;
	s20 =	simm.s32 $0x3;
	s21 =	simm.s32 $0xA0  }
0x8: {  	s22 =	simm.s32 $0x4;
	s8 =	sand.u32 $0x1, s2;
	s2 =	stileid.u32  }
0x9: {  	s23 =	simm.s32 $0x6580;
	s24 =	simm.s32 $0x0;
	s10 =	smul.u32 $0x2800, s2  }
0xa: {  	[smem:$0x7FF] =	sst s3;
	s4 =	sshll.u32 s8, $0x4;
	s12 =	smul.u32 $0x28000, s8  }
0xb: {  	_ =	strace $0x8000005C;
	s8 =	ssub.s32 $0x2, s8;
	s13 =	smul.u32 $0x50000, s2  }
0xc: {  	s31 =	sshll.u32 s2, $0x6;
	s9 =	sor.u32 s2, s4;
	s4 =	sadd.s32 $0x1A800, s6  }
0xd: {  	s29 =	sshrl.u32 s8, $0x1;
	s5 =	sshll.u32 s9, $0xB;
	s10 =	sadd.s32 s10, s12  }
0xe: {  	s9 =	smul.u32 $0x4E2, s9;
	s12 =	ssub.s32 s8, s29;
	s30 =	sshrl.u32 s13, $0x2  }
0xf: {  	s11 =	sadd.s32 s5, s6;
	s5 =	sadd.s32 $0x18000, s6;
	s10 =	sadd.s32 s10, s6  }
0x10: {  	s13 =	sadd.s32 s30, s1;
	s6 =	sadd.s32 s7, s9;
	s7 =	sadd.s32 $0x8000, s11  }
0x11: {  	s8 =	sadd.s32 $0x8FE00, s10;
	s9 =	smax.u32 s12, $0x1;
	s10 =	simm.s32 $0x5  }
0x12: {  	s11 =	simm.s32 $0x2780;
	s12 =	sor.u32 $0x1C05, s31;
	s13 =	sshrl.u32 s13, $0x3  }
.LBB2_1:
0x13: {  	[tilespmem:s3], [sflag:$0x5] =	stream.linear.gather [hbm4b:s6+s3], $0x2710, $0x38;
	[tilespmem:$0x1F780] =	vst v63  }
0x14: {  	_ =	swait.ge [sflag:s10], $0x2710  }
0x15: {  	[sflag:s10] =	ssyncset.done $0x0  }
0x16: {  	[sflag:s10] =	ssyncadd.s32 $0xFFFFD8F0  }
0x17: {  	[tilespmem:s11], [sflag:$0x5] =	stream.linear.gather [hbm4b:s7+s3], $0x3E80, $0x38;
	[tilespmem:$0x1F780] =	vst v63  }
0x18: {  	_ =	swait.ge [sflag:s10], $0x3E80  }
0x19: {  	[sflag:s10] =	ssyncset.done $0x0  }
0x1a: {  	[sflag:s10] =	ssyncadd.s32 $0xFFFFC180  }
0x1b: {  	[spmem:s13], [sflag:s12] =	dma.local [hbm:s5], $0x2800  }
0x1c: {  	_ =	swait.ge [sflag:s10], $0x2800  }
0x1d: {  	[sflag:s10] =	ssyncset.done $0x0  }
0x1e: {  	[sflag:s10] =	ssyncadd.s32 $0xFFFFD800  }
0x1f: {  	[bflag:$0x0] =	sbarrier.arrive $0xFFFF  }
0x20: {  	[tilespmem:s15], [sflag:$0x1] =	stream.indirect.gather [hbm4b:s4+s14], $0x80, s3, s14, $0xb8;
	[tilespmem:$0x1F780] =	vst v63  }
0x21: {  	_ =	swait.ge [sflag:s16], $0x2800  }
0x22: {  	[sflag:s16] =	ssyncset.done $0x0  }
0x23: {  	[sflag:s16] =	ssyncadd.s32 $0xFFFFD800  }
0x24: {  	[spmem:s1] =	stream.indirect.scatter.add.f32 [tilespmem:s15], [sflag:$0x3], $0x80, s11, s14, $0xb8;
	[tilespmem:$0x1F780] =	vst v63  }
0x25: {  	_ = 	snop  }
0x26: {  	[tilespmem:s17], [sflag:$0x2] =	stream.indirect.gather [hbm4b:s4+s14], $0x80, s14, s14, $0xb8;
	[tilespmem:$0x1F780] =	vst v63  }
0x27: {  	_ =	swait.ge [sflag:s18], $0x2800  }
0x28: {  	[sflag:s18] =	ssyncset.done $0x0  }
0x29: {  	[sflag:s18] =	ssyncadd.s32 $0xFFFFD800  }
0x2a: {  	[spmem:s1] =	stream.indirect.scatter.add.f32 [tilespmem:s17], [sflag:$0x4], $0x80, s19, s14, $0xb8;
	[tilespmem:$0x1F780] =	vst v63  }
0x2b: {  	_ =	swait.ge [sflag:s20], $0x2800  }
0x2c: {  	[sflag:s20] =	ssyncset.done $0x0  }
0x2d: {  	[sflag:s20] =	ssyncadd.s32 $0xFFFFD800  }
0x2e: {  	[tilespmem:s15], [sflag:$0x1] =	stream.indirect.gather [hbm4b:s4+s14], $0x80, s21, s14, $0xb8;
	[tilespmem:$0x1F780] =	vst v63  }
0x2f: {  	_ =	swait.ge [sflag:s16], $0x2800  }
0x30: {  	[sflag:s16] =	ssyncset.done $0x0  }
0x31: {  	s25 =	simm.s32 $0x2880;
	[sflag:s16] =	ssyncadd.s32 $0xFFFFD800  }
0x32: {  	[spmem:s1] =	stream.indirect.scatter.add.f32 [tilespmem:s15], [sflag:$0x3], $0x80, s25, s14, $0xb8;
	[tilespmem:$0x1F780] =	vst v63  }
0x33: {  	_ =	swait.ge [sflag:s22], $0x2800  }
0x34: {  	[sflag:s22] =	ssyncset.done $0x0  }
0x35: {  	s30 =	simm.s32 $0xF0;
	[sflag:s22] =	ssyncadd.s32 $0xFFFFD800  }
0x36: {  	[tilespmem:s17], [sflag:$0x2] =	stream.indirect.gather [hbm4b:s4+s14], $0x80, s30, s14, $0xb8;
	[tilespmem:$0x1F780] =	vst v63  }
0x37: {  	_ =	swait.ge [sflag:s18], $0x2800  }
0x38: {  	[sflag:s18] =	ssyncset.done $0x0  }
0x39: {  	s31 =	simm.s32 $0x2900;
	[sflag:s18] =	ssyncadd.s32 $0xFFFFD800  }
0x3a: {  	[spmem:s1] =	stream.indirect.scatter.add.f32 [tilespmem:s17], [sflag:$0x4], $0x80, s31, s14, $0xb8;
	[tilespmem:$0x1F780] =	vst v63  }
0x3b: {  	_ =	swait.ge [sflag:s20], $0x2800  }
0x3c: {  	s28 =	simm.s32 $0x140;
	[sflag:s20] =	ssyncset.done $0x0  }
0x3d: {  	s26 =	simm.s32 $0x190;
	s25 =	simm.s32 $0xFFFF1000;
	[sflag:s20] =	ssyncadd.s32 $0xFFFFD800  }
.LBB2_2:
0x3e: {  	[tilespmem:s15], [sflag:$0x1] =	stream.indirect.gather [hbm4b:s4+s14], $0x80, s28, s14, $0xb8;
	[tilespmem:$0x1F780] =	vst v63  }
0x3f: {  	s28 =	smov.u32 s25  }
0x40: {  	p0 =	sne.s32 s25, $0xFFFFFC00;
	s25 =	sadd.s32 $0x400, s25;
	_ =	swait.ge [sflag:s16], $0x2800  }
0x41: {  	s28 =	sshra.s32 s28, $0x2;
	[sflag:s16] =	ssyncset.done $0x0  }
0x42: {  	s29 =	sadd.s32 $0x6580, s28;
	[sflag:s16] =	ssyncadd.s32 $0xFFFFD800  }
0x43: {  	[spmem:s1] =	stream.indirect.scatter.add.f32 [tilespmem:s15], [sflag:$0x3], $0x80, s29, s14, $0xb8;
	[tilespmem:$0x1F780] =	vst v63  }
0x44: {  	_ =	swait.ge [sflag:s22], $0x2800  }
0x45: {  	[sflag:s22] =	ssyncset.done $0x0  }
0x46: {  	[sflag:s22] =	ssyncadd.s32 $0xFFFFD800  }
0x47: {  	[tilespmem:s17], [sflag:$0x2] =	stream.indirect.gather [hbm4b:s4+s14], $0x80, s26, s14, $0xb8;
	[tilespmem:$0x1F780] =	vst v63  }
0x48: {  	_ =	swait.ge [sflag:s18], $0x2800  }
0x49: {  	[sflag:s18] =	ssyncset.done $0x0  }
.Ltmp0:
0x4a: {  	s28 =	sadd.s32 $0x6600, s28;
	[sflag:s18] =	ssyncadd.s32 $0xFFFFD800;
	(pc) =	sbr.rel @p0 .LBB2_2-.Ltmp0, $4  }
0x4b: {  	[spmem:s1] =	stream.indirect.scatter.add.f32 [tilespmem:s17], [sflag:$0x4], $0x80, s28, s14, $0xb8;
	[tilespmem:$0x1F780] =	vst v63  }
0x4c: {  	_ =	swait.ge [sflag:s20], $0x2800  }
0x4d: {  	[sflag:s20] =	ssyncset.done $0x0  }
0x4e: {  	s28 =	sadd.s32 $0x50, s26;
	s26 =	sadd.s32 $0xA0, s26;
	[sflag:s20] =	ssyncadd.s32 $0xFFFFD800  }
0x4f: {  	[tilespmem:s15], [sflag:$0x1] =	stream.indirect.gather [hbm4b:s4+s14], $0x80, s28, s14, $0xb8;
	[tilespmem:$0x1F780] =	vst v63  }
0x50: {  	_ =	swait.ge [sflag:s16], $0x2800  }
0x51: {  	[sflag:s16] =	ssyncset.done $0x0  }
0x52: {  	[sflag:s16] =	ssyncadd.s32 $0xFFFFD800  }
0x53: {  	[spmem:s1] =	stream.indirect.scatter.add.f32 [tilespmem:s15], [sflag:$0x3], $0x80, s23, s14, $0xb8;
	[tilespmem:$0x1F780] =	vst v63  }
0x54: {  	_ =	swait.ge [sflag:s20], $0x2800  }
0x55: {  	[sflag:s20] =	ssyncset.done $0x0  }
0x56: {  	[sflag:s20] =	ssyncadd.s32 $0xFFFFD800  }
0x57: {  	_ =	swait.ge [sflag:s22], $0x2800  }
0x58: {  	s24 =	sadd.s32 $0x1, s24;
	[sflag:s22] =	ssyncset.done $0x0  }
0x59: {  	p0 =	sne.s32 s24, s9;
	[sflag:s22] =	ssyncadd.s32 $0xFFFFD800  }
.Ltmp1:
0x5a: {  	[bflag:$0x0] =	sbarrier.arrive $0xFFFF;
	(pc) =	sbr.rel @p0 .LBB2_1-.Ltmp1, $4  }
0x5b: {  	[hbm:s8], [sflag:s12] =	dma.local [spmem:s13], $0x2800  }
0x5c: {  	_ =	swait.ge [sflag:s10], $0x2800  }
0x5d: {  	[sflag:s10] =	ssyncset.done $0x0  }
0x5e: {  	[sflag:s10] =	ssyncadd.s32 $0xFFFFD800  }
0x5f: {  	_ =	sfence.sel $0x180000  }
0x60: {  	[bflag:$0x0] =	sbarrier.arrive $0xFFFF  }
0x61: {  	p0 =	sne.s32 s2, $0x0;
	_ =	strace $0x9000005C  }
0x62: {  	s0 =	sadd.s32 @!p0 $0x100000, s0;
	[bflag:$0x2] =	sbarrier.arrive $0xFFFF  }
0x63: {  	[sflag:s0] =	ssyncadd.tile.s32 @!p0 $0x1;
	_ =	shalt  }
.Lfunc_end2:
_tile_overlayer_lowered:
.L_overlay_start_2:
0x64: {  	(tag) =	ssettag $0x2  }
0x65: {  	s0 =	rddreg [dreg:$0x0];
	s2 =	stileid.u32  }
0x66: {  	s1 =	rddreg [dreg:$0x1];
	p0 =	sne.s32 s2, $0x0  }
0x67: {  	s3 =	rddreg [dreg:$0x2];
	[bflag:$0x3] =	sbarrier.arrive $0xFFFF;
	s2 =	simm.s32 @!p0 $0x1C05  }
0x68: {  	[timem:s3], [sflag:s2] =	dma.local @!p0 [hbm:s0], s1  }
0x69: {  	s0 =	simm.s32 @!p0 $0x5  }
0x6a: {  	_ =	swait.ge @!p0 [sflag:s0], s1  }
0x6b: {  	s1 =	ssub.s32 @!p0 $0x0, s1;
	[sflag:s0] =	ssyncset.done @!p0 $0x0  }
0x6c: {  	[sflag:s0] =	ssyncadd.s32 @!p0 s1  }
0x6d: {  	[bflag:$0x3] =	sbarrier.arrive $0xFFFF  }
0x6e: {  	_ =	shalt  }

// kernel: kernel.44.cloned.1.call-start
scs
__scs_entry_jumppad:
0x0: {  	(pc) =	sbr.rel $0x88, $3  }
0x1: {  	(tag) =	ssettag $0x0;
	lr =	simm.s32 $0x1  }
0x2: {  	[smem:$0x3F8F] =	sst lr;
	_ =	strace $0xD0000000  }
0x3: {  	_ = 	snop  }
0x4: {  	_ = 	snop  }
0x5: {  	_ = 	snop  }
0x6: {  	_ = 	snop  }
0x7: {  	_ = 	snop  }
__scs_overlays_trampoline_lowered:
0x8: {  	[smem:$0x3F9E] =	sst s0  }
0x9: {  	[smem:$0x3F9F] =	sst s1  }
0xa: {  	[smem:$0x3FA0] =	sst s2  }
0xb: {  	[smem:$0x3FA1] =	sst s3  }
0xc: {  	[smem:$0x3FA2] =	sst s4  }
0xd: {  	[smem:$0x3FA3] =	sst s5  }
0xe: {  	[smem:$0x3FA4] =	sst s6  }
0xf: {  	[smem:$0x3FA5] =	sst s7  }
0x10: {  	[smem:$0x3FA6] =	sst s8  }
0x11: {  	[smem:$0x3FA7] =	sst s9;
	s0 =	simm.s32 @!p0 $0x0  }
0x12: {  	s1 =	sld [smem:$0x3F8D];
	s0 =	simm.s32 @p0 $0x1  }
0x13: {  	[smem:$0x3FA8] =	sst s0;
	s0 =	simm.s32 @!p1 $0x0  }
0x14: {  	s2 =	sld [smem:$0x3F8C];
	s0 =	simm.s32 @p1 $0x1  }
0x15: {  	[smem:$0x3FA9] =	sst s0;
	s0 =	simm.s32 @!p2 $0x0  }
0x16: {  	s3 =	sld [smem:$0x3FDB];
	s0 =	simm.s32 @p2 $0x1  }
0x17: {  	s4 =	simm.s32 $0x1BF5;
	[smem:$0x3FAB] =	sst s0  }
0x18: {  	s0 =	sld [smem:$0x3F8E];
	_ =	swait.ge [sflag:s4], $0x0  }
0x19: {  	s7 =	sld [smem:$0x3F8F]  }
0x1a: {  	s8 =	sadd.s32 $0xFFFFE003, lr  }
0x1b: {  	s9 =	sadd.s32 $0xFFFFFEF7, lr;
	s5 =	simm.s32 $0xFFFFFFFF;
	p2 =	slt.u32 s8, $0xFFFFF086  }
0x1c: {  	p1 =	slt.u32 s9, $0xF7A;
	s5 =	simm.s32 @!p2 $0x0  }
0x1d: {  	s5 =	simm.s32 @p1 $0x1;
	p0 =	seq.s32 s7, s2  }
0x1e: {  	s7 =	smul.u32 @!p0 $0xF7A, s2;
	p2 =	seq.s32 @!p0 s5, $0x0  }
0x1f: {  	s9 =	smul.u32 $0xF7A, s1;
	s8 =	simm.s32 @!p0 $0x1BF5;
	p2 =	por !p2, p0  }
0x20: {  	[sflag:s8] =	ssyncset.s32 @!p0 $0xFFFFF086;
	s6 =	sadd.s32 @!p0 s3, s7;
	s7 =	simm.s32 @!p0 $0x108  }
0x21: {  	s3 =	sadd.s32 s3, s9;
	s6 =	sadd.s32 @!p0 $0x88, s6;
	s7 =	simm.s32 @p2 $0x1082  }
0x22: {  	[simem:s7], [sflag:s8] =	dma.local @!p0 [hbm:s6], $0xF7A  }
0x23: {  	s9 =	sor.u32 $0xD0000000, s2;
	s6 =	simm.s32 $0x108;
	_ =	swait.ge @!p0 [sflag:s8], $0x0  }
0x24: {  	s3 =	sadd.s32 $0x88, s3;
	s6 =	simm.s32 @!p1 $0x1082;
	[sflag:s4] =	ssyncset.s32 $0xFFFFF086  }
0x25: {  	[simem:s6], [sflag:s4] =	dma.local [hbm:s3], $0xF7A  }
0x26: {  	[smem:$0x3F8F] =	sst s1;
	(tag) =	ssettag s2;
	_ =	strace s9  }
0x27: {  	s1 =	sld [smem:$0x3F9F]  }
0x28: {  	s2 =	sld [smem:$0x3FA0]  }
0x29: {  	s4 =	sld [smem:$0x3FA2]  }
0x2a: {  	p0 =	seq.s32 s5, $0x0;
	s5 =	sld [smem:$0x3FA3]  }
0x2b: {  	s6 =	sld [smem:$0x3FA4]  }
0x2c: {  	s7 =	sld [smem:$0x3FA5]  }
0x2d: {  	s3 =	simm.s32 $0x108;
	s8 =	sld [smem:$0x3FA6]  }
0x2e: {  	s3 =	simm.s32 @!p0 $0x1082;
	s9 =	sld [smem:$0x3FA7]  }
0x2f: {  	lr =	sadd.s32 s0, s3;
	s0 =	sld [smem:$0x3F9E]  }
0x30: {  	s3 =	sld [smem:$0x3FA1]  }
0x31: {  	[smem:$0x3FAA] =	sst s10  }
0x32: {  	s10 =	sld [smem:$0x3FA8];
	_ =	sdelay $0x3  }
0x33: {  	p0 =	seq.s32 s10, $0x1;
	s10 =	sld [smem:$0x3FAA];
	_ =	sdelay $0x3  }
0x34: {  	[smem:$0x3FAA] =	sst s10  }
0x35: {  	s10 =	sld [smem:$0x3FA9];
	_ =	sdelay $0x3  }
0x36: {  	p1 =	seq.s32 s10, $0x1;
	s10 =	sld [smem:$0x3FAA];
	_ =	sdelay $0x3  }
0x37: {  	[smem:$0x3FAA] =	sst s10  }
0x38: {  	s10 =	sld [smem:$0x3FAB]  }
0x39: {  	_ = 	snop;
	(pc) =	sbr.ind lr, $3  }
0x3a: {  	_ = 	snop  }
0x3b: {  	_ = 	snop  }
0x3c: {  	p2 =	seq.s32 s10, $0x1;
	s10 =	sld [smem:$0x3FAA]  }
0x3d: {  	_ =	shalt  }
0x3e: {  	_ =	shalt  }
0x3f: {  	_ =	shalt  }
0x40: {  	_ =	shalt  }
0x41: {  	_ =	shalt  }
0x42: {  	_ =	shalt  }
0x43: {  	_ =	shalt  }
0x44: {  	_ =	shalt  }
0x45: {  	_ =	shalt  }
0x46: {  	_ =	shalt  }
0x47: {  	_ =	shalt  }
0x48: {  	_ =	shalt  }
0x49: {  	_ =	shalt  }
0x4a: {  	_ =	shalt  }
0x4b: {  	_ =	shalt  }
0x4c: {  	_ =	shalt  }
0x4d: {  	_ =	shalt  }
0x4e: {  	_ =	shalt  }
0x4f: {  	_ =	shalt  }
0x50: {  	_ =	shalt  }
0x51: {  	_ =	shalt  }
0x52: {  	_ =	shalt  }
0x53: {  	_ =	shalt  }
0x54: {  	_ =	shalt  }
0x55: {  	_ =	shalt  }
0x56: {  	_ =	shalt  }
0x57: {  	_ =	shalt  }
0x58: {  	_ =	shalt  }
0x59: {  	_ =	shalt  }
0x5a: {  	_ =	shalt  }
0x5b: {  	_ =	shalt  }
0x5c: {  	_ =	shalt  }
0x5d: {  	_ =	shalt  }
0x5e: {  	_ =	shalt  }
0x5f: {  	_ =	shalt  }
0x60: {  	_ =	shalt  }
0x61: {  	_ =	shalt  }
0x62: {  	_ =	shalt  }
0x63: {  	_ =	shalt  }
0x64: {  	_ =	shalt  }
0x65: {  	_ =	shalt  }
0x66: {  	_ =	shalt  }
0x67: {  	_ =	shalt  }
0x68: {  	_ =	shalt  }
0x69: {  	_ =	shalt  }
0x6a: {  	_ =	shalt  }
0x6b: {  	_ =	shalt  }
0x6c: {  	_ =	shalt  }
0x6d: {  	_ =	shalt  }
0x6e: {  	_ =	shalt  }
0x6f: {  	_ =	shalt  }
0x70: {  	_ =	shalt  }
0x71: {  	_ =	shalt  }
0x72: {  	_ =	shalt  }
0x73: {  	_ =	shalt  }
0x74: {  	_ =	shalt  }
0x75: {  	_ =	shalt  }
0x76: {  	_ =	shalt  }
0x77: {  	_ =	shalt  }
0x78: {  	_ =	shalt  }
0x79: {  	_ =	shalt  }
0x7a: {  	_ =	shalt  }
0x7b: {  	_ =	shalt  }
0x7c: {  	_ =	shalt  }
0x7d: {  	_ =	shalt  }
0x7e: {  	_ =	shalt  }
0x7f: {  	_ =	shalt  }
0x80: {  	_ =	shalt  }
0x81: {  	_ =	shalt  }
0x82: {  	_ =	shalt  }
0x83: {  	_ =	shalt  }
0x84: {  	_ =	shalt  }
0x85: {  	_ =	shalt  }
0x86: {  	_ =	shalt  }
0x87: {  	_ =	shalt  }
.Lfunc_end0:
.L_simem_size_0:
called_computation.8_lowered:
.L_overlay_start_0:
0x88: {  	s2 =	sld [smem:$0x3FD9]  }
0x89: {  	s3 =	sld [smem:$0x3FFE];
	_ =	sdelay $0x1  }
0x8a: {  	s1 =	srdreg.scid  }
0x8b: {  	s0 =	sand.u32 $0x1, s1  }
0x8c: {  	s17 =	sshll.u32 s0, $0xA;
	s2 =	sadd.s32 s3, s2  }
0x8d: {  	s2 =	sadd.s32 s2, s17  }
0x8e: {  	[smem:$0x3FB6] =	sst s2  }
0x8f: {  	_ = 	snop  }
0x90: {  	s2 =	sld [smem:$0x3FD0];
	(tm) =	ssettm $0x1  }
0x91: {  	s18 =	sld [smem:$0x3FFB];
	_ =	sdelay $0x3  }
0x92: {  	_ =	strace s18  }
0x93: {  	s3 =	sld [smem:$0x3FFC];
	_ =	sdelay $0x3  }
0x94: {  	_ =	strace s3  }
0x95: {  	s3 =	sld [smem:$0x3FFD];
	_ =	sdelay $0x3  }
0x96: {  	_ =	strace s3  }
0x97: {  	_ =	strace $0x8FFFFFFF  }
0x98: {  	s19 =	sld [smem:$0x3FDB];
	_ =	sdelay $0x1  }
0x99: {  	s4 =	simm.s32 $_scs_section_size  }
0x9a: {  	s5 =	simm.s32 $_size__tile_overlayer_lowered;
	s6 =	simm.s32 $_tile_overlayer_lowered  }
0x9b: {  	s22 =	simm.s32 $0x1BFF;
	s21 =	sshll.u32 s6, $0x1;
	s3 =	sadd.s32 s4, s19  }
0x9c: {  	s7 =	simm.s32 $0x0;
	s20 =	sshll.u32 s5, $0x1;
	s5 =	sadd.s32 s21, s3  }
0x9d: {  	[timem:s7], [sflag:s22] =	dma.local [hbm:s5], s20  }
0x9e: {  	_ =	swait.ge [sflag:s22], s20  }
0x9f: {  	s4 =	ssub.s32 $0x0, s20;
	[sflag:s22] =	ssyncset.done $0x0  }
0xa0: {  	[sflag:s22] =	ssyncadd.s32 s4;
	_ =	sdelay $0x1  }
0xa1: {  	s23 =	simm.s32 $0x1B8B  }
0xa2: {  	_ =	swait.ge [sflag:s23], $0x1  }
0xa3: {  	[sflag:s23] =	ssyncset.done $0x0  }
0xa4: {  	s25 =	simm.s32 $0x1B8E;
	s24 =	sld [smem:$0x3FFE];
	[sflag:s23] =	ssyncadd.s32 $0xFFFFFFFF  }
0xa5: {  	s26 =	simm.s32 $execute0_lowered;
	[smem:$0x3FD2] =	sst s25  }
0xa6: {  	s5 =	sshll.u32 s26, $0x1;
	_ =	strace $0x8000005E;
	[dreg:$0x1] =	wrdreg $0xFFFFFFFF  }
0xa7: {  	s28 =	simm.s32 $_size_execute0_lowered;
	s3 =	sadd.s32 s3, s5;
	[dreg:$0x0] =	wrdreg $0x0  }
0xa8: {  	s5 =	sshll.u32 s28, $0x1;
	[dreg:$0x2] =	wrdreg s3  }
0xa9: {  	[dreg:$0x3] =	wrdreg s5  }
0xaa: {  	[dreg:$0x4] =	wrdreg $0xC0  }
0xab: {  	_ =	task [dreg:s7], $0x5FFFF  }
0xac: {  	[dreg:$0x1] =	wrdreg $0xFFFFFFFF  }
0xad: {  	[dreg:$0x0] =	wrdreg $0x60  }
0xae: {  	[dreg:$0x2] =	wrdreg s24  }
0xaf: {  	[dreg:$0x3] =	wrdreg s2  }
0xb0: {  	[dreg:$0x4] =	wrdreg $0xB7800  }
0xb1: {  	[dreg:$0x5] =	wrdreg $0x9  }
0xb2: {  	_ =	task.clear_ibuf [dreg:s7], $0x6FFFF;
	_ =	strace $0x9000005E  }
0xb3: {  	s29 =	simm.s32 $0x9;
	_ =	strace $0x80000060  }
0xb4: {  	_ =	swait.ge [sflag:s29], $0x1  }
0xb5: {  	[sflag:s29] =	ssyncadd.s32 $0xFFFFFFFF  }
0xb6: {  	_ =	strace $0x90000060  }
0xb7: {  	_ =	sfence  }
0xb8: {  	s30 =	sld [smem:$0x0];
	_ =	sdelay $0x2  }
0xb9: {  	s31 =	sshll.u32 s1, $0xD;
	s1 =	sshrl.u32 s1, $0x2  }
0xba: {  	s3 =	sand.u32 $0x4000, s31;
	s1 =	sadd.s32 s1, s30  }
0xbb: {  	s0 =	sor.u32 s3, s0;
	s1 =	sshll.u32 s1, $0x11  }
0xbc: {  	s0 =	sor.u32 s1, s0  }
0xbd: {  	s0 =	sadd.s32 $0x8F2B, s0  }
0xbe: {  	[sflag:s0] =	ssyncadd.remote.s32 $0x1  }
0xbf: {  	_ =	sfence.sel $0xFFFF  }
0xc0: {  	[dreg:$0x0] =	wrdreg $0xFFFFFFFF;
	(pc) =	sbr.abs _section_cstart, $3  }
0xc1: {  	[dreg:$0x1] =	wrdreg $0xFFFFFFFF  }
0xc2: {  	_ =	task.clear_ibuf [dreg:s7], $0x2FFFF;
	_ =	strace $0x9FFFFFFF  }
0xc3: {  	(tm) =	ssettm $0x7FFFFFFF  }
tec
execute0_lowered:
.L_overlay_start_1:
0x0: {  	(tag) =	ssettag $0x1  }
0x1: {  	s6 =	rddreg [dreg:$0x0]  }
0x2: {  	s7 =	rddreg [dreg:$0x1]  }
0x3: {  	s1 =	rddreg [dreg:$0x2]  }
0x4: {  	s2 =	srdreg.scid;
	s0 =	rddreg [dreg:$0x3]  }
0x5: {  	s3 =	simm.s32 $0x0;
	s14 =	simm.s32 $0x50;
	s15 =	simm.s32 $0x6780  }
0x6: {  	s16 =	simm.s32 $0x1;
	s17 =	simm.s32 $0x8F80;
	s18 =	simm.s32 $0x2  }
0x7: {  	s19 =	simm.s32 $0x2800;
	s20 =	simm.s32 $0x3;
	s21 =	simm.s32 $0xA0  }
0x8: {  	s22 =	simm.s32 $0x4;
	s8 =	sand.u32 $0x1, s2;
	s2 =	stileid.u32  }
0x9: {  	s23 =	simm.s32 $0x6580;
	s24 =	simm.s32 $0x0;
	s10 =	smul.u32 $0x2800, s2  }
0xa: {  	[smem:$0x7FF] =	sst s3;
	s4 =	sshll.u32 s8, $0x4;
	s12 =	smul.u32 $0x28000, s8  }
0xb: {  	_ =	strace $0x8000005F;
	s8 =	ssub.s32 $0x2, s8;
	s13 =	smul.u32 $0x50000, s2  }
0xc: {  	s31 =	sshll.u32 s2, $0x6;
	s9 =	sor.u32 s2, s4;
	s4 =	sadd.s32 $0x1A800, s6  }
0xd: {  	s29 =	sshrl.u32 s8, $0x1;
	s5 =	sshll.u32 s9, $0xB;
	s10 =	sadd.s32 s10, s12  }
0xe: {  	s9 =	smul.u32 $0x4E2, s9;
	s12 =	ssub.s32 s8, s29;
	s30 =	sshrl.u32 s13, $0x2  }
0xf: {  	s11 =	sadd.s32 s5, s6;
	s5 =	sadd.s32 $0x18000, s6;
	s10 =	sadd.s32 s10, s6  }
0x10: {  	s13 =	sadd.s32 s30, s1;
	s6 =	sadd.s32 s7, s9;
	s7 =	sadd.s32 $0x8000, s11  }
0x11: {  	s8 =	sadd.s32 $0x68C00, s10;
	s9 =	smax.u32 s12, $0x1;
	s10 =	simm.s32 $0x5  }
0x12: {  	s11 =	simm.s32 $0x2780;
	s12 =	sor.u32 $0x1C05, s31;
	s13 =	sshrl.u32 s13, $0x3  }
.LBB2_1:
0x13: {  	[tilespmem:s3], [sflag:$0x5] =	stream.linear.gather [hbm4b:s6+s3], $0x2710, $0x38;
	[tilespmem:$0x1F780] =	vst v63  }
0x14: {  	_ =	swait.ge [sflag:s10], $0x2710  }
0x15: {  	[sflag:s10] =	ssyncset.done $0x0  }
0x16: {  	[sflag:s10] =	ssyncadd.s32 $0xFFFFD8F0  }
0x17: {  	[tilespmem:s11], [sflag:$0x5] =	stream.linear.gather [hbm4b:s7+s3], $0x3E80, $0x38;
	[tilespmem:$0x1F780] =	vst v63  }
0x18: {  	_ =	swait.ge [sflag:s10], $0x3E80  }
0x19: {  	[sflag:s10] =	ssyncset.done $0x0  }
0x1a: {  	[sflag:s10] =	ssyncadd.s32 $0xFFFFC180  }
0x1b: {  	[spmem:s13], [sflag:s12] =	dma.local [hbm:s5], $0x2800  }
0x1c: {  	_ =	swait.ge [sflag:s10], $0x2800  }
0x1d: {  	[sflag:s10] =	ssyncset.done $0x0  }
0x1e: {  	[sflag:s10] =	ssyncadd.s32 $0xFFFFD800  }
0x1f: {  	[bflag:$0x0] =	sbarrier.arrive $0xFFFF  }
0x20: {  	[tilespmem:s15], [sflag:$0x1] =	stream.indirect.gather [hbm4b:s4+s14], $0x80, s3, s14, $0xb8;
	[tilespmem:$0x1F780] =	vst v63  }
0x21: {  	_ =	swait.ge [sflag:s16], $0x2800  }
0x22: {  	[sflag:s16] =	ssyncset.done $0x0  }
0x23: {  	[sflag:s16] =	ssyncadd.s32 $0xFFFFD800  }
0x24: {  	[spmem:s1] =	stream.indirect.scatter.add.f32 [tilespmem:s15], [sflag:$0x3], $0x80, s11, s14, $0xb8;
	[tilespmem:$0x1F780] =	vst v63  }
0x25: {  	_ = 	snop  }
0x26: {  	[tilespmem:s17], [sflag:$0x2] =	stream.indirect.gather [hbm4b:s4+s14], $0x80, s14, s14, $0xb8;
	[tilespmem:$0x1F780] =	vst v63  }
0x27: {  	_ =	swait.ge [sflag:s18], $0x2800  }
0x28: {  	[sflag:s18] =	ssyncset.done $0x0  }
0x29: {  	[sflag:s18] =	ssyncadd.s32 $0xFFFFD800  }
0x2a: {  	[spmem:s1] =	stream.indirect.scatter.add.f32 [tilespmem:s17], [sflag:$0x4], $0x80, s19, s14, $0xb8;
	[tilespmem:$0x1F780] =	vst v63  }
0x2b: {  	_ =	swait.ge [sflag:s20], $0x2800  }
0x2c: {  	[sflag:s20] =	ssyncset.done $0x0  }
0x2d: {  	[sflag:s20] =	ssyncadd.s32 $0xFFFFD800  }
0x2e: {  	[tilespmem:s15], [sflag:$0x1] =	stream.indirect.gather [hbm4b:s4+s14], $0x80, s21, s14, $0xb8;
	[tilespmem:$0x1F780] =	vst v63  }
0x2f: {  	_ =	swait.ge [sflag:s16], $0x2800  }
0x30: {  	[sflag:s16] =	ssyncset.done $0x0  }
0x31: {  	s25 =	simm.s32 $0x2880;
	[sflag:s16] =	ssyncadd.s32 $0xFFFFD800  }
0x32: {  	[spmem:s1] =	stream.indirect.scatter.add.f32 [tilespmem:s15], [sflag:$0x3], $0x80, s25, s14, $0xb8;
	[tilespmem:$0x1F780] =	vst v63  }
0x33: {  	_ =	swait.ge [sflag:s22], $0x2800  }
0x34: {  	[sflag:s22] =	ssyncset.done $0x0  }
0x35: {  	s30 =	simm.s32 $0xF0;
	[sflag:s22] =	ssyncadd.s32 $0xFFFFD800  }
0x36: {  	[tilespmem:s17], [sflag:$0x2] =	stream.indirect.gather [hbm4b:s4+s14], $0x80, s30, s14, $0xb8;
	[tilespmem:$0x1F780] =	vst v63  }
0x37: {  	_ =	swait.ge [sflag:s18], $0x2800  }
0x38: {  	[sflag:s18] =	ssyncset.done $0x0  }
0x39: {  	s31 =	simm.s32 $0x2900;
	[sflag:s18] =	ssyncadd.s32 $0xFFFFD800  }
0x3a: {  	[spmem:s1] =	stream.indirect.scatter.add.f32 [tilespmem:s17], [sflag:$0x4], $0x80, s31, s14, $0xb8;
	[tilespmem:$0x1F780] =	vst v63  }
0x3b: {  	_ =	swait.ge [sflag:s20], $0x2800  }
0x3c: {  	s28 =	simm.s32 $0x140;
	[sflag:s20] =	ssyncset.done $0x0  }
0x3d: {  	s26 =	simm.s32 $0x190;
	s25 =	simm.s32 $0xFFFF1000;
	[sflag:s20] =	ssyncadd.s32 $0xFFFFD800  }
.LBB2_2:
0x3e: {  	[tilespmem:s15], [sflag:$0x1] =	stream.indirect.gather [hbm4b:s4+s14], $0x80, s28, s14, $0xb8;
	[tilespmem:$0x1F780] =	vst v63  }
0x3f: {  	s28 =	smov.u32 s25  }
0x40: {  	p0 =	sne.s32 s25, $0xFFFFFC00;
	s25 =	sadd.s32 $0x400, s25;
	_ =	swait.ge [sflag:s16], $0x2800  }
0x41: {  	s28 =	sshra.s32 s28, $0x2;
	[sflag:s16] =	ssyncset.done $0x0  }
0x42: {  	s29 =	sadd.s32 $0x6580, s28;
	[sflag:s16] =	ssyncadd.s32 $0xFFFFD800  }
0x43: {  	[spmem:s1] =	stream.indirect.scatter.add.f32 [tilespmem:s15], [sflag:$0x3], $0x80, s29, s14, $0xb8;
	[tilespmem:$0x1F780] =	vst v63  }
0x44: {  	_ =	swait.ge [sflag:s22], $0x2800  }
0x45: {  	[sflag:s22] =	ssyncset.done $0x0  }
0x46: {  	[sflag:s22] =	ssyncadd.s32 $0xFFFFD800  }
0x47: {  	[tilespmem:s17], [sflag:$0x2] =	stream.indirect.gather [hbm4b:s4+s14], $0x80, s26, s14, $0xb8;
	[tilespmem:$0x1F780] =	vst v63  }
0x48: {  	_ =	swait.ge [sflag:s18], $0x2800  }
0x49: {  	[sflag:s18] =	ssyncset.done $0x0  }
.Ltmp0:
0x4a: {  	s28 =	sadd.s32 $0x6600, s28;
	[sflag:s18] =	ssyncadd.s32 $0xFFFFD800;
	(pc) =	sbr.rel @p0 .LBB2_2-.Ltmp0, $4  }
0x4b: {  	[spmem:s1] =	stream.indirect.scatter.add.f32 [tilespmem:s17], [sflag:$0x4], $0x80, s28, s14, $0xb8;
	[tilespmem:$0x1F780] =	vst v63  }
0x4c: {  	_ =	swait.ge [sflag:s20], $0x2800  }
0x4d: {  	[sflag:s20] =	ssyncset.done $0x0  }
0x4e: {  	s28 =	sadd.s32 $0x50, s26;
	s26 =	sadd.s32 $0xA0, s26;
	[sflag:s20] =	ssyncadd.s32 $0xFFFFD800  }
0x4f: {  	[tilespmem:s15], [sflag:$0x1] =	stream.indirect.gather [hbm4b:s4+s14], $0x80, s28, s14, $0xb8;
	[tilespmem:$0x1F780] =	vst v63  }
0x50: {  	_ =	swait.ge [sflag:s16], $0x2800  }
0x51: {  	[sflag:s16] =	ssyncset.done $0x0  }
0x52: {  	[sflag:s16] =	ssyncadd.s32 $0xFFFFD800  }
0x53: {  	[spmem:s1] =	stream.indirect.scatter.add.f32 [tilespmem:s15], [sflag:$0x3], $0x80, s23, s14, $0xb8;
	[tilespmem:$0x1F780] =	vst v63  }
0x54: {  	_ =	swait.ge [sflag:s20], $0x2800  }
0x55: {  	[sflag:s20] =	ssyncset.done $0x0  }
0x56: {  	[sflag:s20] =	ssyncadd.s32 $0xFFFFD800  }
0x57: {  	_ =	swait.ge [sflag:s22], $0x2800  }
0x58: {  	s24 =	sadd.s32 $0x1, s24;
	[sflag:s22] =	ssyncset.done $0x0  }
0x59: {  	p0 =	sne.s32 s24, s9;
	[sflag:s22] =	ssyncadd.s32 $0xFFFFD800  }
.Ltmp1:
0x5a: {  	[bflag:$0x0] =	sbarrier.arrive $0xFFFF;
	(pc) =	sbr.rel @p0 .LBB2_1-.Ltmp1, $4  }
0x5b: {  	[hbm:s8], [sflag:s12] =	dma.local [spmem:s13], $0x2800  }
0x5c: {  	_ =	swait.ge [sflag:s10], $0x2800  }
0x5d: {  	[sflag:s10] =	ssyncset.done $0x0  }
0x5e: {  	[sflag:s10] =	ssyncadd.s32 $0xFFFFD800  }
0x5f: {  	_ =	sfence.sel $0x180000  }
0x60: {  	[bflag:$0x0] =	sbarrier.arrive $0xFFFF  }
0x61: {  	p0 =	sne.s32 s2, $0x0;
	_ =	strace $0x9000005F  }
0x62: {  	s0 =	sadd.s32 @!p0 $0x100000, s0;
	[bflag:$0x2] =	sbarrier.arrive $0xFFFF  }
0x63: {  	[sflag:s0] =	ssyncadd.tile.s32 @!p0 $0x1;
	_ =	shalt  }
.Lfunc_end2:
_tile_overlayer_lowered:
.L_overlay_start_2:
0x64: {  	(tag) =	ssettag $0x2  }
0x65: {  	s0 =	rddreg [dreg:$0x0];
	s2 =	stileid.u32  }
0x66: {  	s1 =	rddreg [dreg:$0x1];
	p0 =	sne.s32 s2, $0x0  }
0x67: {  	s3 =	rddreg [dreg:$0x2];
	[bflag:$0x3] =	sbarrier.arrive $0xFFFF;
	s2 =	simm.s32 @!p0 $0x1C05  }
0x68: {  	[timem:s3], [sflag:s2] =	dma.local @!p0 [hbm:s0], s1  }
0x69: {  	s0 =	simm.s32 @!p0 $0x5  }
0x6a: {  	_ =	swait.ge @!p0 [sflag:s0], s1  }
0x6b: {  	s1 =	ssub.s32 @!p0 $0x0, s1;
	[sflag:s0] =	ssyncset.done @!p0 $0x0  }
0x6c: {  	[sflag:s0] =	ssyncadd.s32 @!p0 s1  }
0x6d: {  	[bflag:$0x3] =	sbarrier.arrive $0xFFFF  }
0x6e: {  	_ =	shalt  }

</sc_bundles>
